<compile_context>
chip_gen: v7x
topology: tpu7x:2x2x1
jax: 0.10.2.dev20260603
libtpu: 0.0.44.dev20260713+nightly
codegen_flags: <defaults>
</compile_context>

<pallas_src>
import functools

import jax
import jax.numpy as jnp
from jax import lax
from jax.experimental import pallas as pl
from jax.experimental.pallas import tpu as pltpu
from jax.experimental.pallas import tpu_sc as plsc

NUM_NODES = 1000000
EMBED_DIM = 32
BATCH = 16384

NC = 2
NS = 16
NW = NC * NS
RANGE = 32768
PIECE = 1024
PPW = RANGE // PIECE
TAIL_BASE = 999424
TRASH = BATCH
CAP = 18432
ECHUNKS = CAP // 128
B_PER_W = BATCH // NW
RING = 4

_i32 = jnp.int32


@functools.partial(
    pl.kernel,
    mesh=plsc.VectorSubcoreMesh(core_axis_name="c", subcore_axis_name="s"),
    out_type=(
        jax.ShapeDtypeStruct((NW, CAP, 128), jnp.float32),
        jax.ShapeDtypeStruct((NW, ECHUNKS, 128), _i32),
        jax.ShapeDtypeStruct((NW, 1, 128), _i32),
    ),
    scratch_types=[
        pltpu.VMEM((BATCH,), _i32),
        pltpu.VMEM((BATCH + 16,), _i32),
        pltpu.VMEM((BATCH + 16,), _i32),
        pltpu.VMEM((32, 2 * PIECE), jnp.float32),
        pltpu.VMEM((RING, 16, 128), jnp.float32),
        pltpu.VMEM((8, 128), _i32),
        pltpu.VMEM((1, 128), _i32),
        pltpu.SemaphoreType.DMA,
        pltpu.SemaphoreType.DMA,
    ],
    compiler_params=pltpu.CompilerParams(needs_layout_passes=False),
)
def _sc_extract(idx_hbm, tab_t_hbm, tail_hbm, rows_hbm, ent_hbm, cnt_hbm,
                ids_v, bucket_v, plist_v, sbuf_v, stage_v, pend_v, cstg_v,
                sem_s, sem_w):
    wid = lax.axis_index("s") * NC + lax.axis_index("c")
    node_base = wid * RANGE
    n_pieces = jnp.where(wid < 30, PPW, jnp.where(wid == 30, 17, 0))
    iota = lax.iota(_i32, 16)
    trash_vec = jnp.full((16,), TRASH << 15, _i32)

    def fire_piece(p):
        half = lax.bitwise_and(p, 1) * PIECE
        is_tail = lax.bitwise_and(wid == 30, p == 16)

        @pl.when(jnp.logical_not(is_tail))
        def _():
            src = node_base + p * PIECE
            pltpu.async_copy(
                tab_t_hbm.at[:, pl.ds(pl.multiple_of(src, PIECE), PIECE)],
                sbuf_v.at[:, pl.ds(pl.multiple_of(half, PIECE), PIECE)],
                sem_s)

        @pl.when(is_tail)
        def _():
            pltpu.async_copy(
                tab_t_hbm.at[:, pl.ds(pl.multiple_of(TAIL_BASE, 128), 512)],
                sbuf_v.at[:, pl.ds(0, 512)], sem_s)
            pltpu.async_copy(tail_hbm, sbuf_v.at[:, pl.ds(512, 128)], sem_s)

    def wait_piece(p):
        is_tail = lax.bitwise_and(wid == 30, p == 16)

        @pl.when(jnp.logical_not(is_tail))
        def _():
            pltpu.make_async_copy(
                tab_t_hbm.at[:, pl.ds(0, PIECE)],
                sbuf_v.at[:, pl.ds(0, PIECE)], sem_s).wait()

        @pl.when(is_tail)
        def _():
            pltpu.make_async_copy(
                tab_t_hbm.at[:, pl.ds(0, 512)],
                sbuf_v.at[:, pl.ds(0, 512)], sem_s).wait()
            pltpu.make_async_copy(
                tab_t_hbm.at[:, pl.ds(0, 128)],
                sbuf_v.at[:, pl.ds(0, 128)], sem_s).wait()

    @pl.when(n_pieces > 0)
    def _():
        fire_piece(jnp.int32(0))

    @pl.when(n_pieces > 1)
    def _():
        fire_piece(jnp.int32(1))

    pltpu.sync_copy(idx_hbm, ids_v)

    def scan1(u, cnt):
        for k in range(2):
            v = u * 2 + k
            n = ids_v[pl.ds(v * 16, 16)]
            mask = lax.shift_right_logical(n, 15) == wid
            b = v * 16 + iota
            packed = lax.bitwise_or(lax.bitwise_and(n, 32767),
                                    lax.shift_left(b, 15))
            mi = mask.astype(_i32)
            dst = cnt + plsc.cumsum(mi) - mi
            plsc.store_scatter(bucket_v, [dst], packed, mask=mask)
            cnt = cnt + jnp.sum(mi)
        return cnt

    bcnt = lax.fori_loop(0, BATCH // 32, scan1, jnp.int32(0))
    n_bvecs = lax.shift_right_logical(bcnt + 15, 4)

    def piece(p, carry):
        rowoff, fp, frow = carry

        @pl.when(jnp.logical_and(p >= 1, p + 1 < n_pieces))
        def _():
            fire_piece(p + 1)

        wait_piece(p)
        off = lax.bitwise_and(p, 1) * PIECE

        def scan2(v, pcnt):
            e = bucket_v[pl.ds(v * 16, 16)]
            nl = lax.bitwise_and(e, 32767)
            mask = lax.bitwise_and(
                lax.shift_right_logical(nl, 10) == p,
                v * 16 + iota < bcnt)
            mi = mask.astype(_i32)
            dst = pcnt + plsc.cumsum(mi) - mi
            plsc.store_scatter(plist_v, [dst], e, mask=mask)
            return pcnt + jnp.sum(mi)

        pcnt = lax.fori_loop(0, n_bvecs, scan2, jnp.int32(0))
        n_groups = lax.shift_right_logical(pcnt + 15, 4)

        def group(g, carry2):
            fp2, frow2 = carry2
            gg = lax.shift_right_logical(rowoff, 4) + g
            par = lax.bitwise_and(gg, RING - 1)

            @pl.when(gg >= RING)
            def _():
                pltpu.make_async_copy(
                    rows_hbm.at[0, pl.ds(0, 16)], stage_v.at[0], sem_w).wait()

            e = plist_v[pl.ds(g * 16, 16)]
            valid = g * 16 + iota < pcnt
            e = jnp.where(valid, e, trash_vec)
            l = lax.bitwise_and(e, 1023) + off
            for d in range(EMBED_DIM):
                dsplat = jnp.full((16,), d, _i32)
                vals = plsc.load_gather(sbuf_v, [dsplat, l])
                plsc.store_scatter(stage_v.at[par], [iota, dsplat], vals)
            dst0 = rowoff + g * 16
            pltpu.async_copy(
                stage_v.at[par],
                rows_hbm.at[wid, pl.ds(pl.multiple_of(dst0, 8), 16)], sem_w)
            pend_v[lax.shift_right_logical(fp2, 7),
                   pl.ds(lax.bitwise_and(fp2, 127), 16)] = e
            fp2 = fp2 + 16

            @pl.when(fp2 == 1024)
            def _():
                pltpu.sync_copy(
                    pend_v,
                    ent_hbm.at[wid, pl.ds(pl.multiple_of(frow2, 8), 8)])

            frow2 = jnp.where(fp2 == 1024, frow2 + 8, frow2)
            fp2 = jnp.where(fp2 == 1024, 0, fp2)
            return fp2, frow2

        fp, frow = lax.fori_loop(0, n_groups, group, (fp, frow))
        return rowoff + n_groups * 16, fp, frow

    rowoff, fp, frow = lax.fori_loop(
        0, n_pieces, piece,
        (jnp.int32(0), jnp.int32(0), jnp.int32(0)))

    def drain(i, c):
        pltpu.make_async_copy(
            rows_hbm.at[0, pl.ds(0, 16)], stage_v.at[0], sem_w).wait()
        return c

    lax.fori_loop(0, jnp.minimum(lax.shift_right_logical(rowoff, 4),
                                 jnp.int32(RING)), drain, jnp.int32(0))

    def pad(i, c):
        fpos = fp + i * 16
        pend_v[lax.shift_right_logical(fpos, 7),
               pl.ds(lax.bitwise_and(fpos, 127), 16)] = trash_vec
        return c

    lax.fori_loop(0, lax.shift_right_logical(1024 - fp, 4), pad, jnp.int32(0))
    pltpu.sync_copy(pend_v,
                    ent_hbm.at[wid, pl.ds(pl.multiple_of(frow, 8), 8)])
    cstg_v[0, pl.ds(0, 16)] = jnp.full((16,), 1, _i32) * rowoff
    pltpu.sync_copy(cstg_v, cnt_hbm.at[wid])


@functools.partial(
    pl.kernel,
    mesh=plsc.VectorSubcoreMesh(core_axis_name="c", subcore_axis_name="s"),
    out_type=jax.ShapeDtypeStruct((BATCH, 128), jnp.float32),
    scratch_types=[
        pltpu.VMEM((2, 8, 128), _i32),
        pltpu.VMEM((8, 128), _i32),
        pltpu.VMEM((NW, 128), _i32),
        pltpu.VMEM((4, 128), _i32),
        pltpu.VMEM((B_PER_W, 128), jnp.float32),
        pltpu.SemaphoreType.DMA,
    ],
    compiler_params=pltpu.CompilerParams(needs_layout_passes=False),
)
def _sc_permute(ent_hbm, cnt_hbm, rows2_hbm, out_hbm, echk_v, xchk_v, rcnt_v,
                inv_v, rows_v, sem):
    wid = lax.axis_index("s") * NC + lax.axis_index("c")
    base = wid * B_PER_W
    iota = lax.iota(_i32, 16)

    pltpu.sync_copy(cnt_hbm, rcnt_v)
    pltpu.async_copy(ent_hbm.at[0, pl.ds(0, 8)], echk_v.at[0], sem)

    def region(r, carry):
        cnt = rcnt_v[r, pl.ds(0, 16)][0]
        n_chunks = lax.shift_right_logical(cnt + 1023, 10)
        par = lax.bitwise_and(r, 1)
        pltpu.make_async_copy(
            ent_hbm.at[0, pl.ds(0, 8)], echk_v.at[0], sem).wait()

        @pl.when(r + 1 < NW)
        def _():
            pltpu.async_copy(ent_hbm.at[r + 1, pl.ds(0, 8)],
                             echk_v.at[lax.bitwise_and(r + 1, 1)], sem)

        def scan_chunk(c, cref):
            def vec(v, carry3):
                e = cref[lax.shift_right_logical(v, 3),
                         pl.ds(lax.bitwise_and(v, 7) * 16, 16)]
                b = lax.shift_right_logical(e, 15) - base
                mask = lax.bitwise_and(b >= 0, b < B_PER_W)
                bs = jnp.where(mask, b, 0)
                slot = r * CAP + c * 1024 + v * 16 + iota
                plsc.store_scatter(
                    inv_v, [lax.shift_right_logical(bs, 7),
                            lax.bitwise_and(bs, 127)], slot, mask=mask)
                return carry3

            nvec = jnp.minimum(
                jnp.int32(64),
                lax.shift_right_logical(cnt - c * 1024 + 15, 4))
            lax.fori_loop(0, nvec, vec, jnp.int32(0))

        @pl.when(n_chunks > 0)
        def _():
            scan_chunk(jnp.int32(0), echk_v.at[par])

        def extra(c, carry2):
            pltpu.sync_copy(
                ent_hbm.at[r, pl.ds(pl.multiple_of(c * 8, 8), 8)], xchk_v)
            scan_chunk(c, xchk_v)
            return carry2

        lax.fori_loop(1, n_chunks, extra, jnp.int32(0))
        return carry

    lax.fori_loop(0, NW, region, jnp.int32(0))

    copies = [
        pltpu.async_copy(rows2_hbm.at[inv_v.at[j]],
                         rows_v.at[pl.ds(j * 128, 128)], sem)
        for j in range(4)
    ]
    for c in copies:
        c.wait()
    pltpu.sync_copy(rows_v, out_hbm.at[pl.ds(base, B_PER_W)])


def kernel(node_ids, embedding_weight):
    idx = node_ids.astype(_i32)
    tail = jnp.pad(embedding_weight[TAIL_BASE + 512:].T, ((0, 0), (0, 64)))
    rows, ents, cnts = _sc_extract(idx, embedding_weight.T, tail)
    out_pad = _sc_permute(ents, cnts.reshape(NW, 128), rows.reshape(NW * CAP, 128))
    return out_pad[:, :EMBED_DIM]

# --- scband reference (transcript-rebuilt; emitter-appended) ---
"""Pipeline reference for scband-deep-walk-embedder-56573309223266 (READ-ONLY COPY).

The authoritative reference and input builder live on the scoring server;
editing this copy changes nothing except your own understanding.
"""

import jax, jax.numpy as jnp
import numpy as np

NUM_NODES = 1000000
EMBED_DIM = 32
BATCH = 16384

def setup_inputs(seed: int = 0) -> dict:
    key = jax.random.key(seed)
    k_idx, k_emb = jax.random.split(key)
    node_ids = jax.random.randint(k_idx, (BATCH,), 0, NUM_NODES, dtype=jnp.int64 if jax.config.jax_enable_x64 else jnp.int32)
    # nn.Embedding weight initialized uniform(-0.5, 0.5) per _init_weights
    embedding_weight = jax.random.uniform(k_emb, (NUM_NODES, EMBED_DIM), dtype=jnp.float32, minval=-0.5, maxval=0.5)
    return {"node_ids": node_ids, "embedding_weight": embedding_weight}

def reference(node_ids, embedding_weight):
    # forward: self.embedding(node_ids) -> gather rows from the table
    return jnp.take(embedding_weight, node_ids, axis=0)

if __name__ == "__main__":
    import jax
    _d = setup_inputs()
    print(jax.jit(kernel)(*tuple(_d.values())))

</pallas_src>

<mosaic_0001>
#map = affine_map<(d0, d1) -> (0, 0, 0)>
#map1 = affine_map<(d0, d1) -> (0, 0)>
module attributes {stable_mosaic.version = 14 : i64} {
  func.func @_sc_permute(%arg0: i32, %arg1: i32, %arg2: memref<32x144x128xi32, #tpu.memory_space<hbm>>, %arg3: memref<32x128xi32, #tpu.memory_space<hbm>>, %arg4: memref<589824x128xf32, #tpu.memory_space<hbm>>, %arg5: memref<16384x128xf32, #tpu.memory_space<hbm>>, %arg6: memref<2x8x128xi32, #tpu.memory_space<vmem>>, %arg7: memref<8x128xi32, #tpu.memory_space<vmem>>, %arg8: memref<32x128xi32, #tpu.memory_space<vmem>>, %arg9: memref<4x128xi32, #tpu.memory_space<vmem>>, %arg10: memref<512x128xf32, #tpu.memory_space<vmem>>, %arg11: memref<!tpu.dma_semaphore, #tpu.memory_space<semaphore_mem>>) attributes {dimension_semantics = [#tpu.dimension_semantics<core_parallel>, #tpu.dimension_semantics<subcore_parallel>], iteration_bounds = array<i64: 2, 16>, scalar_prefetch = 0 : i64, scratch_operands = 6 : i64, tpu.core_type = #tpu.core_type<sc_vector_subcore>, window_params = [{transform_indices = #map}, {transform_indices = #map1}, {transform_indices = #map1}, {transform_indices = #map1}]} {
    %mul3A = arith.constant 2 : i32
    %mul3A_0 = arith.muli %arg1, %mul3A : i32
    %add3A = arith.addi %mul3A_0, %arg0 : i32
    %mul3A_1 = arith.constant 512 : i32
    %mul3A_2 = arith.muli %add3A, %mul3A_1 : i32
    %iota3A = tpu.iota {dimensions = array<i32: 0>} : vector<16xi32>
    "tpu.region"() ({
      %run_scoped3A = tpu.sem_alloc : memref<!tpu.dma_semaphore, #tpu.memory_space<semaphore_mem>>
      tpu.enqueue_dma source(%arg3 : memref<32x128xi32, #tpu.memory_space<hbm>>) target(%arg8 : memref<32x128xi32, #tpu.memory_space<vmem>>) target_semaphore(%run_scoped3A : memref<!tpu.dma_semaphore, #tpu.memory_space<semaphore_mem>>)
      tpu.wait_dma2 semaphore(%run_scoped3A : memref<!tpu.dma_semaphore, #tpu.memory_space<semaphore_mem>>) src(%arg3 : memref<32x128xi32, #tpu.memory_space<hbm>>) dst(%arg8 : memref<32x128xi32, #tpu.memory_space<vmem>>)
      tpu.yield
    }) : () -> ()
    %dma_start3A = arith.constant 0 : i32
    %dma_start3A_3 = arith.constant 0 : i32
    %dma_start3A_4 = arith.constant 0 : i32
    %dma_start3A_5 = arith.constant 0 : i32
    %dma_start3A_6 = tpu.memref_slice %arg6[%dma_start3A_3, %dma_start3A_4, %dma_start3A_5] : memref<2x8x128xi32, #tpu.memory_space<vmem>> -> memref<1x8x128xi32, #tpu.memory_space<vmem>>
    %dma_start3A_7 = tpu.memref_squeeze %dma_start3A_6 : memref<1x8x128xi32, #tpu.memory_space<vmem>> -> memref<8x128xi32, #tpu.memory_space<vmem>>
    %dma_start3A_8 = arith.constant 0 : i32
    %dma_start3A_9 = arith.constant 0 : i32
    %dma_start3A_10 = tpu.memref_slice %arg2[%dma_start3A, %dma_start3A_8, %dma_start3A_9] : memref<32x144x128xi32, #tpu.memory_space<hbm>> -> memref<1x8x128xi32, #tpu.memory_space<hbm>>
    %dma_start3A_11 = tpu.memref_squeeze %dma_start3A_10 : memref<1x8x128xi32, #tpu.memory_space<hbm>> -> memref<8x128xi32, #tpu.memory_space<hbm>>
    %dma_start3A_12 = arith.constant 0 : i32
    %dma_start3A_13 = arith.constant 0 : i32
    %dma_start3A_14 = tpu.memref_slice %arg6[%dma_start3A_3, %dma_start3A_12, %dma_start3A_13] : memref<2x8x128xi32, #tpu.memory_space<vmem>> -> memref<1x8x128xi32, #tpu.memory_space<vmem>>
    %dma_start3A_15 = tpu.memref_squeeze %dma_start3A_14 : memref<1x8x128xi32, #tpu.memory_space<vmem>> -> memref<8x128xi32, #tpu.memory_space<vmem>>
    %dma_start3A_16 = arith.constant 0 : i32
    %dma_start3A_17 = arith.constant 0 : i32
    %dma_start3A_18 = tpu.memref_slice %arg2[%dma_start3A, %dma_start3A_16, %dma_start3A_17] : memref<32x144x128xi32, #tpu.memory_space<hbm>> -> memref<1x8x128xi32, #tpu.memory_space<hbm>>
    %dma_start3A_19 = tpu.memref_squeeze %dma_start3A_18 : memref<1x8x128xi32, #tpu.memory_space<hbm>> -> memref<8x128xi32, #tpu.memory_space<hbm>>
    tpu.enqueue_dma source(%dma_start3A_19 : memref<8x128xi32, #tpu.memory_space<hbm>>) target(%dma_start3A_15 : memref<8x128xi32, #tpu.memory_space<vmem>>) target_semaphore(%arg11 : memref<!tpu.dma_semaphore, #tpu.memory_space<semaphore_mem>>)
    %scan3A = arith.constant 0 : i32
    %scan3A_20 = arith.constant 0 : i32
    %scan3A_21 = arith.constant 32 : i32
    %scan3A_22 = arith.addi %scan3A_20, %scan3A_21 : i32
    %scan3A_23 = arith.constant 1 : i32
    scf.for %scan3A_104 = %scan3A_20 to %scan3A_22 step %scan3A_23  : i32 {
      %get3A = arith.index_cast %scan3A_104 : i32 to index
      %get3A_105 = arith.constant 0 : index
      %get3A_106 = tpu.vector_load %arg8[%get3A, %get3A_105] {strides = array<i32>} : memref<32x128xi32, #tpu.memory_space<vmem>>, vector<16xi32>,
      %slice3A = vector.extract_strided_slice %get3A_106 {offsets = [0], sizes = [1], strides = [1]} : vector<16xi32> to vector<1xi32>
      %squeeze3A = vector.extract %slice3A[0] : i32 from vector<1xi32>
      %add3A_107 = arith.constant 1023 : i32
      %add3A_108 = arith.addi %squeeze3A, %add3A_107 : i32
      %shift_right_logical3A = arith.constant 10 : i32
      %shift_right_logical3A_109 = arith.shrui %add3A_108, %shift_right_logical3A : i32
      %and3A = arith.constant 1 : i32
      %and3A_110 = arith.andi %scan3A_104, %and3A : i32
      %dma_wait3A_111 = arith.constant 0 : i32
      %dma_wait3A_112 = arith.constant 0 : i32
      %dma_wait3A_113 = arith.constant 0 : i32
      %dma_wait3A_114 = arith.constant 0 : i32
      %dma_wait3A_115 = tpu.memref_slice %arg6[%dma_wait3A_112, %dma_wait3A_113, %dma_wait3A_114] : memref<2x8x128xi32, #tpu.memory_space<vmem>> -> memref<1x8x128xi32, #tpu.memory_space<vmem>>
      %dma_wait3A_116 = tpu.memref_squeeze %dma_wait3A_115 : memref<1x8x128xi32, #tpu.memory_space<vmem>> -> memref<8x128xi32, #tpu.memory_space<vmem>>
      %dma_wait3A_117 = arith.constant 0 : i32
      %dma_wait3A_118 = arith.constant 0 : i32
      %dma_wait3A_119 = tpu.memref_slice %arg2[%dma_wait3A_111, %dma_wait3A_117, %dma_wait3A_118] : memref<32x144x128xi32, #tpu.memory_space<hbm>> -> memref<1x8x128xi32, #tpu.memory_space<hbm>>
      %dma_wait3A_120 = tpu.memref_squeeze %dma_wait3A_119 : memref<1x8x128xi32, #tpu.memory_space<hbm>> -> memref<8x128xi32, #tpu.memory_space<hbm>>
      %dma_wait3A_121 = arith.constant 0 : i32
      %dma_wait3A_122 = arith.constant 0 : i32
      %dma_wait3A_123 = tpu.memref_slice %arg6[%dma_wait3A_112, %dma_wait3A_121, %dma_wait3A_122] : memref<2x8x128xi32, #tpu.memory_space<vmem>> -> memref<1x8x128xi32, #tpu.memory_space<vmem>>
      %dma_wait3A_124 = tpu.memref_squeeze %dma_wait3A_123 : memref<1x8x128xi32, #tpu.memory_space<vmem>> -> memref<8x128xi32, #tpu.memory_space<vmem>>
      %dma_wait3A_125 = arith.constant 0 : i32
      %dma_wait3A_126 = arith.constant 0 : i32
      %dma_wait3A_127 = tpu.memref_slice %arg2[%dma_wait3A_111, %dma_wait3A_125, %dma_wait3A_126] : memref<32x144x128xi32, #tpu.memory_space<hbm>> -> memref<1x8x128xi32, #tpu.memory_space<hbm>>
      %dma_wait3A_128 = tpu.memref_squeeze %dma_wait3A_127 : memref<1x8x128xi32, #tpu.memory_space<hbm>> -> memref<8x128xi32, #tpu.memory_space<hbm>>
      tpu.wait_dma2 semaphore(%arg11 : memref<!tpu.dma_semaphore, #tpu.memory_space<semaphore_mem>>) src(%dma_wait3A_128 : memref<8x128xi32, #tpu.memory_space<hbm>>) dst(%dma_wait3A_124 : memref<8x128xi32, #tpu.memory_space<vmem>>)
      %add3A_129 = arith.constant 1 : i32
      %add3A_130 = arith.addi %scan3A_104, %add3A_129 : i32
      %lt3A = arith.constant 32 : i32
      %lt3A_131 = arith.cmpi slt, %add3A_130, %lt3A : i32
      %convert_element_type3A = arith.extui %lt3A_131 : i1 to i32
      %cond3A = arith.constant 0 : i32
      %cond3A_132 = arith.cmpi ne, %convert_element_type3A, %cond3A : i32
      scf.if %cond3A_132 {
        %add3A_146 = arith.constant 1 : i32
        %add3A_147 = arith.addi %scan3A_104, %add3A_146 : i32
        %add3A_148 = arith.constant 1 : i32
        %add3A_149 = arith.addi %scan3A_104, %add3A_148 : i32
        %and3A_150 = arith.constant 1 : i32
        %and3A_151 = arith.andi %add3A_149, %and3A_150 : i32
        %dma_start3A_152 = arith.constant 0 : i32
        %dma_start3A_153 = arith.constant 0 : i32
        %dma_start3A_154 = tpu.memref_slice %arg6[%and3A_151, %dma_start3A_152, %dma_start3A_153] : memref<2x8x128xi32, #tpu.memory_space<vmem>> -> memref<1x8x128xi32, #tpu.memory_space<vmem>>
        %dma_start3A_155 = tpu.memref_squeeze %dma_start3A_154 : memref<1x8x128xi32, #tpu.memory_space<vmem>> -> memref<8x128xi32, #tpu.memory_space<vmem>>
        %dma_start3A_156 = arith.constant 0 : i32
        %dma_start3A_157 = arith.constant 0 : i32
        %dma_start3A_158 = tpu.memref_slice %arg2[%add3A_147, %dma_start3A_156, %dma_start3A_157] : memref<32x144x128xi32, #tpu.memory_space<hbm>> -> memref<1x8x128xi32, #tpu.memory_space<hbm>>
        %dma_start3A_159 = tpu.memref_squeeze %dma_start3A_158 : memref<1x8x128xi32, #tpu.memory_space<hbm>> -> memref<8x128xi32, #tpu.memory_space<hbm>>
        %dma_start3A_160 = arith.constant 0 : i32
        %dma_start3A_161 = arith.constant 0 : i32
        %dma_start3A_162 = tpu.memref_slice %arg6[%and3A_151, %dma_start3A_160, %dma_start3A_161] : memref<2x8x128xi32, #tpu.memory_space<vmem>> -> memref<1x8x128xi32, #tpu.memory_space<vmem>>
        %dma_start3A_163 = tpu.memref_squeeze %dma_start3A_162 : memref<1x8x128xi32, #tpu.memory_space<vmem>> -> memref<8x128xi32, #tpu.memory_space<vmem>>
        %dma_start3A_164 = arith.constant 0 : i32
        %dma_start3A_165 = arith.constant 0 : i32
        %dma_start3A_166 = tpu.memref_slice %arg2[%add3A_147, %dma_start3A_164, %dma_start3A_165] : memref<32x144x128xi32, #tpu.memory_space<hbm>> -> memref<1x8x128xi32, #tpu.memory_space<hbm>>
        %dma_start3A_167 = tpu.memref_squeeze %dma_start3A_166 : memref<1x8x128xi32, #tpu.memory_space<hbm>> -> memref<8x128xi32, #tpu.memory_space<hbm>>
        tpu.enqueue_dma source(%dma_start3A_167 : memref<8x128xi32, #tpu.memory_space<hbm>>) target(%dma_start3A_163 : memref<8x128xi32, #tpu.memory_space<vmem>>) target_semaphore(%arg11 : memref<!tpu.dma_semaphore, #tpu.memory_space<semaphore_mem>>)
      } else {
      }
      %gt3A = arith.constant 0 : i32
      %gt3A_133 = arith.cmpi sgt, %shift_right_logical3A_109, %gt3A : i32
      %convert_element_type3A_134 = arith.extui %gt3A_133 : i1 to i32
      %cond3A_135 = arith.constant 0 : i32
      %cond3A_136 = arith.cmpi ne, %convert_element_type3A_134, %cond3A_135 : i32
      scf.if %cond3A_136 {
        %mul3A_146 = arith.constant 0 : i32
        %mul3A_147 = arith.constant 1024 : i32
        %mul3A_148 = arith.muli %mul3A_146, %mul3A_147 : i32
        %sub3A = arith.subi %squeeze3A, %mul3A_148 : i32
        %add3A_149 = arith.constant 15 : i32
        %add3A_150 = arith.addi %sub3A, %add3A_149 : i32
        %shift_right_logical3A_151 = arith.constant 4 : i32
        %shift_right_logical3A_152 = arith.shrui %add3A_150, %shift_right_logical3A_151 : i32
        %min3A = arith.constant 64 : i32
        %min3A_153 = arith.minsi %min3A, %shift_right_logical3A_152 : i32
        %while3A_154 = arith.constant 0 : i32
        %while3A_155 = arith.constant 0 : i32
        %while3A_156 = arith.constant 0 : i32
        %while3A_157 = arith.subi %min3A_153, %while3A_156 : i32
        %while3A_158 = arith.addi %while3A_156, %while3A_157 : i32
        %while3A_159 = arith.constant 1 : i32
        %while3A_160 = arith.divsi %while3A_157, %while3A_159 : i32
        %while3A_161 = arith.muli %while3A_160, %while3A_159 : i32
        %while3A_162 = arith.addi %while3A_156, %while3A_161 : i32
        %while3A_163 = arith.constant 1 : i32
        scf.for %while3A_165 = %while3A_156 to %while3A_162 step %while3A_163  : i32 {
          %shift_right_logical3A_166 = arith.constant 3 : i32
          %shift_right_logical3A_167 = arith.shrui %while3A_165, %shift_right_logical3A_166 : i32
          %and3A_168 = arith.constant 7 : i32
          %and3A_169 = arith.andi %while3A_165, %and3A_168 : i32
          %mul3A_170 = arith.constant 16 : i32
          %mul3A_171 = arith.muli %and3A_169, %mul3A_170 : i32
          %get3A_172 = arith.constant 0 : i32
          %get3A_173 = arith.constant 0 : i32
          %get3A_174 = tpu.memref_slice %arg6[%and3A_110, %get3A_172, %get3A_173] : memref<2x8x128xi32, #tpu.memory_space<vmem>> -> memref<1x8x128xi32, #tpu.memory_space<vmem>>
          %get3A_175 = tpu.memref_squeeze %get3A_174 : memref<1x8x128xi32, #tpu.memory_space<vmem>> -> memref<8x128xi32, #tpu.memory_space<vmem>>
          %get3A_176 = arith.index_cast %shift_right_logical3A_167 : i32 to index
          %get3A_177 = arith.index_cast %mul3A_171 : i32 to index
          %get3A_178 = tpu.vector_load %get3A_175[%get3A_176, %get3A_177] {strides = array<i32>} : memref<8x128xi32, #tpu.memory_space<vmem>>, vector<16xi32>,
          %shift_right_logical3A_179 = arith.constant 15 : i32
          %shift_right_logical3A_180 = vector.broadcast %shift_right_logical3A_179 : i32 to vector<16xi32>
          %shift_right_logical3A_181 = arith.shrui %get3A_178, %shift_right_logical3A_180 : vector<16xi32>
          %sub3A_182 = vector.broadcast %mul3A_2 : i32 to vector<16xi32>
          %sub3A_183 = arith.subi %shift_right_logical3A_181, %sub3A_182 : vector<16xi32>
          %ge3A = arith.constant 0 : i32
          %ge3A_184 = vector.broadcast %ge3A : i32 to vector<16xi32>
          %ge3A_185 = arith.cmpi sge, %sub3A_183, %ge3A_184 : vector<16xi32>
          %lt3A_186 = arith.constant 512 : i32
          %lt3A_187 = vector.broadcast %lt3A_186 : i32 to vector<16xi32>
          %lt3A_188 = arith.cmpi slt, %sub3A_183, %lt3A_187 : vector<16xi32>
          %and3A_189 = arith.andi %ge3A_185, %lt3A_188 : vector<16xi1>
          %jit3A = arith.constant 0 : i32
          %broadcast_in_dim3A = vector.broadcast %jit3A : i32 to vector<16xi32>
          %select_n3A = arith.select %and3A_189, %sub3A_183, %broadcast_in_dim3A : vector<16xi1>, vector<16xi32>
          %mul3A_190 = arith.constant 18432 : i32
          %mul3A_191 = arith.muli %scan3A_104, %mul3A_190 : i32
          %mul3A_192 = arith.constant 1024 : i32
          %mul3A_193 = arith.muli %while3A_155, %mul3A_192 : i32
          %add3A_194 = arith.addi %mul3A_191, %mul3A_193 : i32
          %mul3A_195 = arith.constant 16 : i32
          %mul3A_196 = arith.muli %while3A_165, %mul3A_195 : i32
          %add3A_197 = arith.addi %add3A_194, %mul3A_196 : i32
          %add3A_198 = vector.broadcast %add3A_197 : i32 to vector<16xi32>
          %add3A_199 = arith.addi %add3A_198, %iota3A : vector<16xi32>
          %shift_right_logical3A_200 = arith.constant 7 : i32
          %shift_right_logical3A_201 = vector.broadcast %shift_right_logical3A_200 : i32 to vector<16xi32>
          %shift_right_logical3A_202 = arith.shrui %select_n3A, %shift_right_logical3A_201 : vector<16xi32>
          %and3A_203 = arith.constant 127 : i32
          %and3A_204 = vector.broadcast %and3A_203 : i32 to vector<16xi32>
          %and3A_205 = arith.andi %select_n3A, %and3A_204 : vector<16xi32>
          tpu.vector_store_idx %arg9[%shift_right_logical3A_202, %and3A_205], %add3A_199 masked %and3A_189 : memref<4x128xi32, #tpu.memory_space<vmem>>[vector<16xi32>, vector<16xi32>], vector<16xi32>, vector<16xi1>
        }
        %while3A_164 = arith.constant 1 : i32
        scf.for %while3A_165 = %while3A_162 to %while3A_158 step %while3A_164  : i32 {
          %shift_right_logical3A_166 = arith.constant 3 : i32
          %shift_right_logical3A_167 = arith.shrui %while3A_165, %shift_right_logical3A_166 : i32
          %and3A_168 = arith.constant 7 : i32
          %and3A_169 = arith.andi %while3A_165, %and3A_168 : i32
          %mul3A_170 = arith.constant 16 : i32
          %mul3A_171 = arith.muli %and3A_169, %mul3A_170 : i32
          %get3A_172 = arith.constant 0 : i32
          %get3A_173 = arith.constant 0 : i32
          %get3A_174 = tpu.memref_slice %arg6[%and3A_110, %get3A_172, %get3A_173] : memref<2x8x128xi32, #tpu.memory_space<vmem>> -> memref<1x8x128xi32, #tpu.memory_space<vmem>>
          %get3A_175 = tpu.memref_squeeze %get3A_174 : memref<1x8x128xi32, #tpu.memory_space<vmem>> -> memref<8x128xi32, #tpu.memory_space<vmem>>
          %get3A_176 = arith.index_cast %shift_right_logical3A_167 : i32 to index
          %get3A_177 = arith.index_cast %mul3A_171 : i32 to index
          %get3A_178 = tpu.vector_load %get3A_175[%get3A_176, %get3A_177] {strides = array<i32>} : memref<8x128xi32, #tpu.memory_space<vmem>>, vector<16xi32>,
          %shift_right_logical3A_179 = arith.constant 15 : i32
          %shift_right_logical3A_180 = vector.broadcast %shift_right_logical3A_179 : i32 to vector<16xi32>
          %shift_right_logical3A_181 = arith.shrui %get3A_178, %shift_right_logical3A_180 : vector<16xi32>
          %sub3A_182 = vector.broadcast %mul3A_2 : i32 to vector<16xi32>
          %sub3A_183 = arith.subi %shift_right_logical3A_181, %sub3A_182 : vector<16xi32>
          %ge3A = arith.constant 0 : i32
          %ge3A_184 = vector.broadcast %ge3A : i32 to vector<16xi32>
          %ge3A_185 = arith.cmpi sge, %sub3A_183, %ge3A_184 : vector<16xi32>
          %lt3A_186 = arith.constant 512 : i32
          %lt3A_187 = vector.broadcast %lt3A_186 : i32 to vector<16xi32>
          %lt3A_188 = arith.cmpi slt, %sub3A_183, %lt3A_187 : vector<16xi32>
          %and3A_189 = arith.andi %ge3A_185, %lt3A_188 : vector<16xi1>
          %jit3A = arith.constant 0 : i32
          %broadcast_in_dim3A = vector.broadcast %jit3A : i32 to vector<16xi32>
          %select_n3A = arith.select %and3A_189, %sub3A_183, %broadcast_in_dim3A : vector<16xi1>, vector<16xi32>
          %mul3A_190 = arith.constant 18432 : i32
          %mul3A_191 = arith.muli %scan3A_104, %mul3A_190 : i32
          %mul3A_192 = arith.constant 1024 : i32
          %mul3A_193 = arith.muli %while3A_155, %mul3A_192 : i32
          %add3A_194 = arith.addi %mul3A_191, %mul3A_193 : i32
          %mul3A_195 = arith.constant 16 : i32
          %mul3A_196 = arith.muli %while3A_165, %mul3A_195 : i32
          %add3A_197 = arith.addi %add3A_194, %mul3A_196 : i32
          %add3A_198 = vector.broadcast %add3A_197 : i32 to vector<16xi32>
          %add3A_199 = arith.addi %add3A_198, %iota3A : vector<16xi32>
          %shift_right_logical3A_200 = arith.constant 7 : i32
          %shift_right_logical3A_201 = vector.broadcast %shift_right_logical3A_200 : i32 to vector<16xi32>
          %shift_right_logical3A_202 = arith.shrui %select_n3A, %shift_right_logical3A_201 : vector<16xi32>
          %and3A_203 = arith.constant 127 : i32
          %and3A_204 = vector.broadcast %and3A_203 : i32 to vector<16xi32>
          %and3A_205 = arith.andi %select_n3A, %and3A_204 : vector<16xi32>
          tpu.vector_store_idx %arg9[%shift_right_logical3A_202, %and3A_205], %add3A_199 masked %and3A_189 : memref<4x128xi32, #tpu.memory_space<vmem>>[vector<16xi32>, vector<16xi32>], vector<16xi32>, vector<16xi1>
        }
      } else {
      }
      %while3A = arith.constant 0 : i32
      %while3A_137 = arith.constant 1 : i32
      %while3A_138 = arith.subi %shift_right_logical3A_109, %while3A_137 : i32
      %while3A_139 = arith.addi %while3A_137, %while3A_138 : i32
      %while3A_140 = arith.constant 1 : i32
      %while3A_141 = arith.divsi %while3A_138, %while3A_140 : i32
      %while3A_142 = arith.muli %while3A_141, %while3A_140 : i32
      %while3A_143 = arith.addi %while3A_137, %while3A_142 : i32
      %while3A_144 = arith.constant 1 : i32
      scf.for %while3A_146 = %while3A_137 to %while3A_143 step %while3A_144  : i32 {
        %mul3A_147 = arith.constant 8 : i32
        %mul3A_148 = arith.muli %while3A_146, %mul3A_147 : i32
        %multiple_of3A = tpu.assume_multiple %mul3A_148, 8 : i32
        "tpu.region"() ({
          %run_scoped3A = tpu.sem_alloc : memref<!tpu.dma_semaphore, #tpu.memory_space<semaphore_mem>>
          %dma_start3A_166 = arith.constant 0 : i32
          %dma_start3A_167 = tpu.memref_slice %arg2[%scan3A_104, %multiple_of3A, %dma_start3A_166] : memref<32x144x128xi32, #tpu.memory_space<hbm>> -> memref<1x8x128xi32, #tpu.memory_space<hbm>>
          %dma_start3A_168 = tpu.memref_squeeze %dma_start3A_167 : memref<1x8x128xi32, #tpu.memory_space<hbm>> -> memref<8x128xi32, #tpu.memory_space<hbm>>
          %dma_start3A_169 = arith.constant 0 : i32
          %dma_start3A_170 = tpu.memref_slice %arg2[%scan3A_104, %multiple_of3A, %dma_start3A_169] : memref<32x144x128xi32, #tpu.memory_space<hbm>> -> memref<1x8x128xi32, #tpu.memory_space<hbm>>
          %dma_start3A_171 = tpu.memref_squeeze %dma_start3A_170 : memref<1x8x128xi32, #tpu.memory_space<hbm>> -> memref<8x128xi32, #tpu.memory_space<hbm>>
          tpu.enqueue_dma source(%dma_start3A_171 : memref<8x128xi32, #tpu.memory_space<hbm>>) target(%arg7 : memref<8x128xi32, #tpu.memory_space<vmem>>) target_semaphore(%run_scoped3A : memref<!tpu.dma_semaphore, #tpu.memory_space<semaphore_mem>>)
          %dma_wait3A_172 = arith.constant 0 : i32
          %dma_wait3A_173 = tpu.memref_slice %arg2[%scan3A_104, %multiple_of3A, %dma_wait3A_172] : memref<32x144x128xi32, #tpu.memory_space<hbm>> -> memref<1x8x128xi32, #tpu.memory_space<hbm>>
          %dma_wait3A_174 = tpu.memref_squeeze %dma_wait3A_173 : memref<1x8x128xi32, #tpu.memory_space<hbm>> -> memref<8x128xi32, #tpu.memory_space<hbm>>
          %dma_wait3A_175 = arith.constant 0 : i32
          %dma_wait3A_176 = tpu.memref_slice %arg2[%scan3A_104, %multiple_of3A, %dma_wait3A_175] : memref<32x144x128xi32, #tpu.memory_space<hbm>> -> memref<1x8x128xi32, #tpu.memory_space<hbm>>
          %dma_wait3A_177 = tpu.memref_squeeze %dma_wait3A_176 : memref<1x8x128xi32, #tpu.memory_space<hbm>> -> memref<8x128xi32, #tpu.memory_space<hbm>>
          tpu.wait_dma2 semaphore(%run_scoped3A : memref<!tpu.dma_semaphore, #tpu.memory_space<semaphore_mem>>) src(%dma_wait3A_177 : memref<8x128xi32, #tpu.memory_space<hbm>>) dst(%arg7 : memref<8x128xi32, #tpu.memory_space<vmem>>)
          tpu.yield
        }) : () -> ()
        %mul3A_149 = arith.constant 1024 : i32
        %mul3A_150 = arith.muli %while3A_146, %mul3A_149 : i32
        %sub3A = arith.subi %squeeze3A, %mul3A_150 : i32
        %add3A_151 = arith.constant 15 : i32
        %add3A_152 = arith.addi %sub3A, %add3A_151 : i32
        %shift_right_logical3A_153 = arith.constant 4 : i32
        %shift_right_logical3A_154 = arith.shrui %add3A_152, %shift_right_logical3A_153 : i32
        %min3A = arith.constant 64 : i32
        %min3A_155 = arith.minsi %min3A, %shift_right_logical3A_154 : i32
        %while3A_156 = arith.constant 0 : i32
        %while3A_157 = arith.constant 0 : i32
        %while3A_158 = arith.subi %min3A_155, %while3A_157 : i32
        %while3A_159 = arith.addi %while3A_157, %while3A_158 : i32
        %while3A_160 = arith.constant 1 : i32
        %while3A_161 = arith.divsi %while3A_158, %while3A_160 : i32
        %while3A_162 = arith.muli %while3A_161, %while3A_160 : i32
        %while3A_163 = arith.addi %while3A_157, %while3A_162 : i32
        %while3A_164 = arith.constant 1 : i32
        scf.for %while3A_166 = %while3A_157 to %while3A_163 step %while3A_164  : i32 {
          %shift_right_logical3A_167 = arith.constant 3 : i32
          %shift_right_logical3A_168 = arith.shrui %while3A_166, %shift_right_logical3A_167 : i32
          %and3A_169 = arith.constant 7 : i32
          %and3A_170 = arith.andi %while3A_166, %and3A_169 : i32
          %mul3A_171 = arith.constant 16 : i32
          %mul3A_172 = arith.muli %and3A_170, %mul3A_171 : i32
          %get3A_173 = arith.index_cast %shift_right_logical3A_168 : i32 to index
          %get3A_174 = arith.index_cast %mul3A_172 : i32 to index
          %get3A_175 = tpu.vector_load %arg7[%get3A_173, %get3A_174] {strides = array<i32>} : memref<8x128xi32, #tpu.memory_space<vmem>>, vector<16xi32>,
          %shift_right_logical3A_176 = arith.constant 15 : i32
          %shift_right_logical3A_177 = vector.broadcast %shift_right_logical3A_176 : i32 to vector<16xi32>
          %shift_right_logical3A_178 = arith.shrui %get3A_175, %shift_right_logical3A_177 : vector<16xi32>
          %sub3A_179 = vector.broadcast %mul3A_2 : i32 to vector<16xi32>
          %sub3A_180 = arith.subi %shift_right_logical3A_178, %sub3A_179 : vector<16xi32>
          %ge3A = arith.constant 0 : i32
          %ge3A_181 = vector.broadcast %ge3A : i32 to vector<16xi32>
          %ge3A_182 = arith.cmpi sge, %sub3A_180, %ge3A_181 : vector<16xi32>
          %lt3A_183 = arith.constant 512 : i32
          %lt3A_184 = vector.broadcast %lt3A_183 : i32 to vector<16xi32>
          %lt3A_185 = arith.cmpi slt, %sub3A_180, %lt3A_184 : vector<16xi32>
          %and3A_186 = arith.andi %ge3A_182, %lt3A_185 : vector<16xi1>
          %jit3A = arith.constant 0 : i32
          %broadcast_in_dim3A = vector.broadcast %jit3A : i32 to vector<16xi32>
          %select_n3A = arith.select %and3A_186, %sub3A_180, %broadcast_in_dim3A : vector<16xi1>, vector<16xi32>
          %mul3A_187 = arith.constant 18432 : i32
          %mul3A_188 = arith.muli %scan3A_104, %mul3A_187 : i32
          %mul3A_189 = arith.constant 1024 : i32
          %mul3A_190 = arith.muli %while3A_146, %mul3A_189 : i32
          %add3A_191 = arith.addi %mul3A_188, %mul3A_190 : i32
          %mul3A_192 = arith.constant 16 : i32
          %mul3A_193 = arith.muli %while3A_166, %mul3A_192 : i32
          %add3A_194 = arith.addi %add3A_191, %mul3A_193 : i32
          %add3A_195 = vector.broadcast %add3A_194 : i32 to vector<16xi32>
          %add3A_196 = arith.addi %add3A_195, %iota3A : vector<16xi32>
          %shift_right_logical3A_197 = arith.constant 7 : i32
          %shift_right_logical3A_198 = vector.broadcast %shift_right_logical3A_197 : i32 to vector<16xi32>
          %shift_right_logical3A_199 = arith.shrui %select_n3A, %shift_right_logical3A_198 : vector<16xi32>
          %and3A_200 = arith.constant 127 : i32
          %and3A_201 = vector.broadcast %and3A_200 : i32 to vector<16xi32>
          %and3A_202 = arith.andi %select_n3A, %and3A_201 : vector<16xi32>
          tpu.vector_store_idx %arg9[%shift_right_logical3A_199, %and3A_202], %add3A_196 masked %and3A_186 : memref<4x128xi32, #tpu.memory_space<vmem>>[vector<16xi32>, vector<16xi32>], vector<16xi32>, vector<16xi1>
        }
        %while3A_165 = arith.constant 1 : i32
        scf.for %while3A_166 = %while3A_163 to %while3A_159 step %while3A_165  : i32 {
          %shift_right_logical3A_167 = arith.constant 3 : i32
          %shift_right_logical3A_168 = arith.shrui %while3A_166, %shift_right_logical3A_167 : i32
          %and3A_169 = arith.constant 7 : i32
          %and3A_170 = arith.andi %while3A_166, %and3A_169 : i32
          %mul3A_171 = arith.constant 16 : i32
          %mul3A_172 = arith.muli %and3A_170, %mul3A_171 : i32
          %get3A_173 = arith.index_cast %shift_right_logical3A_168 : i32 to index
          %get3A_174 = arith.index_cast %mul3A_172 : i32 to index
          %get3A_175 = tpu.vector_load %arg7[%get3A_173, %get3A_174] {strides = array<i32>} : memref<8x128xi32, #tpu.memory_space<vmem>>, vector<16xi32>,
          %shift_right_logical3A_176 = arith.constant 15 : i32
          %shift_right_logical3A_177 = vector.broadcast %shift_right_logical3A_176 : i32 to vector<16xi32>
          %shift_right_logical3A_178 = arith.shrui %get3A_175, %shift_right_logical3A_177 : vector<16xi32>
          %sub3A_179 = vector.broadcast %mul3A_2 : i32 to vector<16xi32>
          %sub3A_180 = arith.subi %shift_right_logical3A_178, %sub3A_179 : vector<16xi32>
          %ge3A = arith.constant 0 : i32
          %ge3A_181 = vector.broadcast %ge3A : i32 to vector<16xi32>
          %ge3A_182 = arith.cmpi sge, %sub3A_180, %ge3A_181 : vector<16xi32>
          %lt3A_183 = arith.constant 512 : i32
          %lt3A_184 = vector.broadcast %lt3A_183 : i32 to vector<16xi32>
          %lt3A_185 = arith.cmpi slt, %sub3A_180, %lt3A_184 : vector<16xi32>
          %and3A_186 = arith.andi %ge3A_182, %lt3A_185 : vector<16xi1>
          %jit3A = arith.constant 0 : i32
          %broadcast_in_dim3A = vector.broadcast %jit3A : i32 to vector<16xi32>
          %select_n3A = arith.select %and3A_186, %sub3A_180, %broadcast_in_dim3A : vector<16xi1>, vector<16xi32>
          %mul3A_187 = arith.constant 18432 : i32
          %mul3A_188 = arith.muli %scan3A_104, %mul3A_187 : i32
          %mul3A_189 = arith.constant 1024 : i32
          %mul3A_190 = arith.muli %while3A_146, %mul3A_189 : i32
          %add3A_191 = arith.addi %mul3A_188, %mul3A_190 : i32
          %mul3A_192 = arith.constant 16 : i32
          %mul3A_193 = arith.muli %while3A_166, %mul3A_192 : i32
          %add3A_194 = arith.addi %add3A_191, %mul3A_193 : i32
          %add3A_195 = vector.broadcast %add3A_194 : i32 to vector<16xi32>
          %add3A_196 = arith.addi %add3A_195, %iota3A : vector<16xi32>
          %shift_right_logical3A_197 = arith.constant 7 : i32
          %shift_right_logical3A_198 = vector.broadcast %shift_right_logical3A_197 : i32 to vector<16xi32>
          %shift_right_logical3A_199 = arith.shrui %select_n3A, %shift_right_logical3A_198 : vector<16xi32>
          %and3A_200 = arith.constant 127 : i32
          %and3A_201 = vector.broadcast %and3A_200 : i32 to vector<16xi32>
          %and3A_202 = arith.andi %select_n3A, %and3A_201 : vector<16xi32>
          tpu.vector_store_idx %arg9[%shift_right_logical3A_199, %and3A_202], %add3A_196 masked %and3A_186 : memref<4x128xi32, #tpu.memory_space<vmem>>[vector<16xi32>, vector<16xi32>], vector<16xi32>, vector<16xi1>
        }
      }
      %while3A_145 = arith.constant 1 : i32
      scf.for %while3A_146 = %while3A_143 to %while3A_139 step %while3A_145  : i32 {
        %mul3A_147 = arith.constant 8 : i32
        %mul3A_148 = arith.muli %while3A_146, %mul3A_147 : i32
        %multiple_of3A = tpu.assume_multiple %mul3A_148, 8 : i32
        "tpu.region"() ({
          %run_scoped3A = tpu.sem_alloc : memref<!tpu.dma_semaphore, #tpu.memory_space<semaphore_mem>>
          %dma_start3A_166 = arith.constant 0 : i32
          %dma_start3A_167 = tpu.memref_slice %arg2[%scan3A_104, %multiple_of3A, %dma_start3A_166] : memref<32x144x128xi32, #tpu.memory_space<hbm>> -> memref<1x8x128xi32, #tpu.memory_space<hbm>>
          %dma_start3A_168 = tpu.memref_squeeze %dma_start3A_167 : memref<1x8x128xi32, #tpu.memory_space<hbm>> -> memref<8x128xi32, #tpu.memory_space<hbm>>
          %dma_start3A_169 = arith.constant 0 : i32
          %dma_start3A_170 = tpu.memref_slice %arg2[%scan3A_104, %multiple_of3A, %dma_start3A_169] : memref<32x144x128xi32, #tpu.memory_space<hbm>> -> memref<1x8x128xi32, #tpu.memory_space<hbm>>
          %dma_start3A_171 = tpu.memref_squeeze %dma_start3A_170 : memref<1x8x128xi32, #tpu.memory_space<hbm>> -> memref<8x128xi32, #tpu.memory_space<hbm>>
          tpu.enqueue_dma source(%dma_start3A_171 : memref<8x128xi32, #tpu.memory_space<hbm>>) target(%arg7 : memref<8x128xi32, #tpu.memory_space<vmem>>) target_semaphore(%run_scoped3A : memref<!tpu.dma_semaphore, #tpu.memory_space<semaphore_mem>>)
          %dma_wait3A_172 = arith.constant 0 : i32
          %dma_wait3A_173 = tpu.memref_slice %arg2[%scan3A_104, %multiple_of3A, %dma_wait3A_172] : memref<32x144x128xi32, #tpu.memory_space<hbm>> -> memref<1x8x128xi32, #tpu.memory_space<hbm>>
          %dma_wait3A_174 = tpu.memref_squeeze %dma_wait3A_173 : memref<1x8x128xi32, #tpu.memory_space<hbm>> -> memref<8x128xi32, #tpu.memory_space<hbm>>
          %dma_wait3A_175 = arith.constant 0 : i32
          %dma_wait3A_176 = tpu.memref_slice %arg2[%scan3A_104, %multiple_of3A, %dma_wait3A_175] : memref<32x144x128xi32, #tpu.memory_space<hbm>> -> memref<1x8x128xi32, #tpu.memory_space<hbm>>
          %dma_wait3A_177 = tpu.memref_squeeze %dma_wait3A_176 : memref<1x8x128xi32, #tpu.memory_space<hbm>> -> memref<8x128xi32, #tpu.memory_space<hbm>>
          tpu.wait_dma2 semaphore(%run_scoped3A : memref<!tpu.dma_semaphore, #tpu.memory_space<semaphore_mem>>) src(%dma_wait3A_177 : memref<8x128xi32, #tpu.memory_space<hbm>>) dst(%arg7 : memref<8x128xi32, #tpu.memory_space<vmem>>)
          tpu.yield
        }) : () -> ()
        %mul3A_149 = arith.constant 1024 : i32
        %mul3A_150 = arith.muli %while3A_146, %mul3A_149 : i32
        %sub3A = arith.subi %squeeze3A, %mul3A_150 : i32
        %add3A_151 = arith.constant 15 : i32
        %add3A_152 = arith.addi %sub3A, %add3A_151 : i32
        %shift_right_logical3A_153 = arith.constant 4 : i32
        %shift_right_logical3A_154 = arith.shrui %add3A_152, %shift_right_logical3A_153 : i32
        %min3A = arith.constant 64 : i32
        %min3A_155 = arith.minsi %min3A, %shift_right_logical3A_154 : i32
        %while3A_156 = arith.constant 0 : i32
        %while3A_157 = arith.constant 0 : i32
        %while3A_158 = arith.subi %min3A_155, %while3A_157 : i32
        %while3A_159 = arith.addi %while3A_157, %while3A_158 : i32
        %while3A_160 = arith.constant 1 : i32
        %while3A_161 = arith.divsi %while3A_158, %while3A_160 : i32
        %while3A_162 = arith.muli %while3A_161, %while3A_160 : i32
        %while3A_163 = arith.addi %while3A_157, %while3A_162 : i32
        %while3A_164 = arith.constant 1 : i32
        scf.for %while3A_166 = %while3A_157 to %while3A_163 step %while3A_164  : i32 {
          %shift_right_logical3A_167 = arith.constant 3 : i32
          %shift_right_logical3A_168 = arith.shrui %while3A_166, %shift_right_logical3A_167 : i32
          %and3A_169 = arith.constant 7 : i32
          %and3A_170 = arith.andi %while3A_166, %and3A_169 : i32
          %mul3A_171 = arith.constant 16 : i32
          %mul3A_172 = arith.muli %and3A_170, %mul3A_171 : i32
          %get3A_173 = arith.index_cast %shift_right_logical3A_168 : i32 to index
          %get3A_174 = arith.index_cast %mul3A_172 : i32 to index
          %get3A_175 = tpu.vector_load %arg7[%get3A_173, %get3A_174] {strides = array<i32>} : memref<8x128xi32, #tpu.memory_space<vmem>>, vector<16xi32>,
          %shift_right_logical3A_176 = arith.constant 15 : i32
          %shift_right_logical3A_177 = vector.broadcast %shift_right_logical3A_176 : i32 to vector<16xi32>
          %shift_right_logical3A_178 = arith.shrui %get3A_175, %shift_right_logical3A_177 : vector<16xi32>
          %sub3A_179 = vector.broadcast %mul3A_2 : i32 to vector<16xi32>
          %sub3A_180 = arith.subi %shift_right_logical3A_178, %sub3A_179 : vector<16xi32>
          %ge3A = arith.constant 0 : i32
          %ge3A_181 = vector.broadcast %ge3A : i32 to vector<16xi32>
          %ge3A_182 = arith.cmpi sge, %sub3A_180, %ge3A_181 : vector<16xi32>
          %lt3A_183 = arith.constant 512 : i32
          %lt3A_184 = vector.broadcast %lt3A_183 : i32 to vector<16xi32>
          %lt3A_185 = arith.cmpi slt, %sub3A_180, %lt3A_184 : vector<16xi32>
          %and3A_186 = arith.andi %ge3A_182, %lt3A_185 : vector<16xi1>
          %jit3A = arith.constant 0 : i32
          %broadcast_in_dim3A = vector.broadcast %jit3A : i32 to vector<16xi32>
          %select_n3A = arith.select %and3A_186, %sub3A_180, %broadcast_in_dim3A : vector<16xi1>, vector<16xi32>
          %mul3A_187 = arith.constant 18432 : i32
          %mul3A_188 = arith.muli %scan3A_104, %mul3A_187 : i32
          %mul3A_189 = arith.constant 1024 : i32
          %mul3A_190 = arith.muli %while3A_146, %mul3A_189 : i32
          %add3A_191 = arith.addi %mul3A_188, %mul3A_190 : i32
          %mul3A_192 = arith.constant 16 : i32
          %mul3A_193 = arith.muli %while3A_166, %mul3A_192 : i32
          %add3A_194 = arith.addi %add3A_191, %mul3A_193 : i32
          %add3A_195 = vector.broadcast %add3A_194 : i32 to vector<16xi32>
          %add3A_196 = arith.addi %add3A_195, %iota3A : vector<16xi32>
          %shift_right_logical3A_197 = arith.constant 7 : i32
          %shift_right_logical3A_198 = vector.broadcast %shift_right_logical3A_197 : i32 to vector<16xi32>
          %shift_right_logical3A_199 = arith.shrui %select_n3A, %shift_right_logical3A_198 : vector<16xi32>
          %and3A_200 = arith.constant 127 : i32
          %and3A_201 = vector.broadcast %and3A_200 : i32 to vector<16xi32>
          %and3A_202 = arith.andi %select_n3A, %and3A_201 : vector<16xi32>
          tpu.vector_store_idx %arg9[%shift_right_logical3A_199, %and3A_202], %add3A_196 masked %and3A_186 : memref<4x128xi32, #tpu.memory_space<vmem>>[vector<16xi32>, vector<16xi32>], vector<16xi32>, vector<16xi1>
        }
        %while3A_165 = arith.constant 1 : i32
        scf.for %while3A_166 = %while3A_163 to %while3A_159 step %while3A_165  : i32 {
          %shift_right_logical3A_167 = arith.constant 3 : i32
          %shift_right_logical3A_168 = arith.shrui %while3A_166, %shift_right_logical3A_167 : i32
          %and3A_169 = arith.constant 7 : i32
          %and3A_170 = arith.andi %while3A_166, %and3A_169 : i32
          %mul3A_171 = arith.constant 16 : i32
          %mul3A_172 = arith.muli %and3A_170, %mul3A_171 : i32
          %get3A_173 = arith.index_cast %shift_right_logical3A_168 : i32 to index
          %get3A_174 = arith.index_cast %mul3A_172 : i32 to index
          %get3A_175 = tpu.vector_load %arg7[%get3A_173, %get3A_174] {strides = array<i32>} : memref<8x128xi32, #tpu.memory_space<vmem>>, vector<16xi32>,
          %shift_right_logical3A_176 = arith.constant 15 : i32
          %shift_right_logical3A_177 = vector.broadcast %shift_right_logical3A_176 : i32 to vector<16xi32>
          %shift_right_logical3A_178 = arith.shrui %get3A_175, %shift_right_logical3A_177 : vector<16xi32>
          %sub3A_179 = vector.broadcast %mul3A_2 : i32 to vector<16xi32>
          %sub3A_180 = arith.subi %shift_right_logical3A_178, %sub3A_179 : vector<16xi32>
          %ge3A = arith.constant 0 : i32
          %ge3A_181 = vector.broadcast %ge3A : i32 to vector<16xi32>
          %ge3A_182 = arith.cmpi sge, %sub3A_180, %ge3A_181 : vector<16xi32>
          %lt3A_183 = arith.constant 512 : i32
          %lt3A_184 = vector.broadcast %lt3A_183 : i32 to vector<16xi32>
          %lt3A_185 = arith.cmpi slt, %sub3A_180, %lt3A_184 : vector<16xi32>
          %and3A_186 = arith.andi %ge3A_182, %lt3A_185 : vector<16xi1>
          %jit3A = arith.constant 0 : i32
          %broadcast_in_dim3A = vector.broadcast %jit3A : i32 to vector<16xi32>
          %select_n3A = arith.select %and3A_186, %sub3A_180, %broadcast_in_dim3A : vector<16xi1>, vector<16xi32>
          %mul3A_187 = arith.constant 18432 : i32
          %mul3A_188 = arith.muli %scan3A_104, %mul3A_187 : i32
          %mul3A_189 = arith.constant 1024 : i32
          %mul3A_190 = arith.muli %while3A_146, %mul3A_189 : i32
          %add3A_191 = arith.addi %mul3A_188, %mul3A_190 : i32
          %mul3A_192 = arith.constant 16 : i32
          %mul3A_193 = arith.muli %while3A_166, %mul3A_192 : i32
          %add3A_194 = arith.addi %add3A_191, %mul3A_193 : i32
          %add3A_195 = vector.broadcast %add3A_194 : i32 to vector<16xi32>
          %add3A_196 = arith.addi %add3A_195, %iota3A : vector<16xi32>
          %shift_right_logical3A_197 = arith.constant 7 : i32
          %shift_right_logical3A_198 = vector.broadcast %shift_right_logical3A_197 : i32 to vector<16xi32>
          %shift_right_logical3A_199 = arith.shrui %select_n3A, %shift_right_logical3A_198 : vector<16xi32>
          %and3A_200 = arith.constant 127 : i32
          %and3A_201 = vector.broadcast %and3A_200 : i32 to vector<16xi32>
          %and3A_202 = arith.andi %select_n3A, %and3A_201 : vector<16xi32>
          tpu.vector_store_idx %arg9[%shift_right_logical3A_199, %and3A_202], %add3A_196 masked %and3A_186 : memref<4x128xi32, #tpu.memory_space<vmem>>[vector<16xi32>, vector<16xi32>], vector<16xi32>, vector<16xi1>
        }
      }
    }
    %scan3A_24 = arith.constant 32 : i32
    %dma_start3A_25 = arith.constant 0 : i32
    %dma_start3A_26 = arith.constant 0 : i32
    %dma_start3A_27 = arith.constant 0 : i32
    %dma_start3A_28 = tpu.memref_slice %arg10[%dma_start3A_26, %dma_start3A_27] : memref<512x128xf32, #tpu.memory_space<vmem>> -> memref<128x128xf32, #tpu.memory_space<vmem>>
    %dma_start3A_29 = arith.constant 0 : i32
    %dma_start3A_30 = tpu.memref_slice %arg9[%dma_start3A_25, %dma_start3A_29] : memref<4x128xi32, #tpu.memory_space<vmem>> -> memref<1x128xi32, #tpu.memory_space<vmem>>
    %dma_start3A_31 = tpu.memref_squeeze %dma_start3A_30 : memref<1x128xi32, #tpu.memory_space<vmem>> -> memref<128xi32, #tpu.memory_space<vmem>>
    %dma_start3A_32 = arith.constant 0 : i32
    %dma_start3A_33 = arith.constant 0 : i32
    %dma_start3A_34 = tpu.memref_slice %arg4[%dma_start3A_32, %dma_start3A_33] : memref<589824x128xf32, #tpu.memory_space<hbm>> -> memref<589824x128xf32, #tpu.memory_space<hbm>>
    tpu.enqueue_indirect_dma source(%dma_start3A_34 : memref<589824x128xf32, #tpu.memory_space<hbm>>) target(%dma_start3A_28 : memref<128x128xf32, #tpu.memory_space<vmem>>) offsets(%dma_start3A_31 : memref<128xi32, #tpu.memory_space<vmem>>) semaphore(%arg11 : memref<!tpu.dma_semaphore, #tpu.memory_space<semaphore_mem>>)
    %dma_start3A_35 = arith.constant 1 : i32
    %dma_start3A_36 = arith.constant 128 : i32
    %dma_start3A_37 = arith.constant 0 : i32
    %dma_start3A_38 = tpu.memref_slice %arg10[%dma_start3A_36, %dma_start3A_37] : memref<512x128xf32, #tpu.memory_space<vmem>> -> memref<128x128xf32, #tpu.memory_space<vmem>>
    %dma_start3A_39 = arith.constant 0 : i32
    %dma_start3A_40 = tpu.memref_slice %arg9[%dma_start3A_35, %dma_start3A_39] : memref<4x128xi32, #tpu.memory_space<vmem>> -> memref<1x128xi32, #tpu.memory_space<vmem>>
    %dma_start3A_41 = tpu.memref_squeeze %dma_start3A_40 : memref<1x128xi32, #tpu.memory_space<vmem>> -> memref<128xi32, #tpu.memory_space<vmem>>
    %dma_start3A_42 = arith.constant 0 : i32
    %dma_start3A_43 = arith.constant 0 : i32
    %dma_start3A_44 = tpu.memref_slice %arg4[%dma_start3A_42, %dma_start3A_43] : memref<589824x128xf32, #tpu.memory_space<hbm>> -> memref<589824x128xf32, #tpu.memory_space<hbm>>
    tpu.enqueue_indirect_dma source(%dma_start3A_44 : memref<589824x128xf32, #tpu.memory_space<hbm>>) target(%dma_start3A_38 : memref<128x128xf32, #tpu.memory_space<vmem>>) offsets(%dma_start3A_41 : memref<128xi32, #tpu.memory_space<vmem>>) semaphore(%arg11 : memref<!tpu.dma_semaphore, #tpu.memory_space<semaphore_mem>>)
    %dma_start3A_45 = arith.constant 2 : i32
    %dma_start3A_46 = arith.constant 256 : i32
    %dma_start3A_47 = arith.constant 0 : i32
    %dma_start3A_48 = tpu.memref_slice %arg10[%dma_start3A_46, %dma_start3A_47] : memref<512x128xf32, #tpu.memory_space<vmem>> -> memref<128x128xf32, #tpu.memory_space<vmem>>
    %dma_start3A_49 = arith.constant 0 : i32
    %dma_start3A_50 = tpu.memref_slice %arg9[%dma_start3A_45, %dma_start3A_49] : memref<4x128xi32, #tpu.memory_space<vmem>> -> memref<1x128xi32, #tpu.memory_space<vmem>>
    %dma_start3A_51 = tpu.memref_squeeze %dma_start3A_50 : memref<1x128xi32, #tpu.memory_space<vmem>> -> memref<128xi32, #tpu.memory_space<vmem>>
    %dma_start3A_52 = arith.constant 0 : i32
    %dma_start3A_53 = arith.constant 0 : i32
    %dma_start3A_54 = tpu.memref_slice %arg4[%dma_start3A_52, %dma_start3A_53] : memref<589824x128xf32, #tpu.memory_space<hbm>> -> memref<589824x128xf32, #tpu.memory_space<hbm>>
    tpu.enqueue_indirect_dma source(%dma_start3A_54 : memref<589824x128xf32, #tpu.memory_space<hbm>>) target(%dma_start3A_48 : memref<128x128xf32, #tpu.memory_space<vmem>>) offsets(%dma_start3A_51 : memref<128xi32, #tpu.memory_space<vmem>>) semaphore(%arg11 : memref<!tpu.dma_semaphore, #tpu.memory_space<semaphore_mem>>)
    %dma_start3A_55 = arith.constant 3 : i32
    %dma_start3A_56 = arith.constant 384 : i32
    %dma_start3A_57 = arith.constant 0 : i32
    %dma_start3A_58 = tpu.memref_slice %arg10[%dma_start3A_56, %dma_start3A_57] : memref<512x128xf32, #tpu.memory_space<vmem>> -> memref<128x128xf32, #tpu.memory_space<vmem>>
    %dma_start3A_59 = arith.constant 0 : i32
    %dma_start3A_60 = tpu.memref_slice %arg9[%dma_start3A_55, %dma_start3A_59] : memref<4x128xi32, #tpu.memory_space<vmem>> -> memref<1x128xi32, #tpu.memory_space<vmem>>
    %dma_start3A_61 = tpu.memref_squeeze %dma_start3A_60 : memref<1x128xi32, #tpu.memory_space<vmem>> -> memref<128xi32, #tpu.memory_space<vmem>>
    %dma_start3A_62 = arith.constant 0 : i32
    %dma_start3A_63 = arith.constant 0 : i32
    %dma_start3A_64 = tpu.memref_slice %arg4[%dma_start3A_62, %dma_start3A_63] : memref<589824x128xf32, #tpu.memory_space<hbm>> -> memref<589824x128xf32, #tpu.memory_space<hbm>>
    tpu.enqueue_indirect_dma source(%dma_start3A_64 : memref<589824x128xf32, #tpu.memory_space<hbm>>) target(%dma_start3A_58 : memref<128x128xf32, #tpu.memory_space<vmem>>) offsets(%dma_start3A_61 : memref<128xi32, #tpu.memory_space<vmem>>) semaphore(%arg11 : memref<!tpu.dma_semaphore, #tpu.memory_space<semaphore_mem>>)
    %dma_wait3A = arith.constant 0 : i32
    %dma_wait3A_65 = arith.constant 0 : i32
    %dma_wait3A_66 = arith.constant 0 : i32
    %dma_wait3A_67 = tpu.memref_slice %arg10[%dma_wait3A_65, %dma_wait3A_66] : memref<512x128xf32, #tpu.memory_space<vmem>> -> memref<128x128xf32, #tpu.memory_space<vmem>>
    %dma_wait3A_68 = arith.constant 0 : i32
    %dma_wait3A_69 = tpu.memref_slice %arg9[%dma_wait3A, %dma_wait3A_68] : memref<4x128xi32, #tpu.memory_space<vmem>> -> memref<1x128xi32, #tpu.memory_space<vmem>>
    %dma_wait3A_70 = tpu.memref_squeeze %dma_wait3A_69 : memref<1x128xi32, #tpu.memory_space<vmem>> -> memref<128xi32, #tpu.memory_space<vmem>>
    %dma_wait3A_71 = arith.constant 0 : i32
    %dma_wait3A_72 = arith.constant 0 : i32
    %dma_wait3A_73 = tpu.memref_slice %arg4[%dma_wait3A_71, %dma_wait3A_72] : memref<589824x128xf32, #tpu.memory_space<hbm>> -> memref<589824x128xf32, #tpu.memory_space<hbm>>
    tpu.wait_indirect_dma semaphore(%arg11 : memref<!tpu.dma_semaphore, #tpu.memory_space<semaphore_mem>>) src(%dma_wait3A_73 : memref<589824x128xf32, #tpu.memory_space<hbm>>) dst(%dma_wait3A_67 : memref<128x128xf32, #tpu.memory_space<vmem>>)
    %dma_wait3A_74 = arith.constant 1 : i32
    %dma_wait3A_75 = arith.constant 128 : i32
    %dma_wait3A_76 = arith.constant 0 : i32
    %dma_wait3A_77 = tpu.memref_slice %arg10[%dma_wait3A_75, %dma_wait3A_76] : memref<512x128xf32, #tpu.memory_space<vmem>> -> memref<128x128xf32, #tpu.memory_space<vmem>>
    %dma_wait3A_78 = arith.constant 0 : i32
    %dma_wait3A_79 = tpu.memref_slice %arg9[%dma_wait3A_74, %dma_wait3A_78] : memref<4x128xi32, #tpu.memory_space<vmem>> -> memref<1x128xi32, #tpu.memory_space<vmem>>
    %dma_wait3A_80 = tpu.memref_squeeze %dma_wait3A_79 : memref<1x128xi32, #tpu.memory_space<vmem>> -> memref<128xi32, #tpu.memory_space<vmem>>
    %dma_wait3A_81 = arith.constant 0 : i32
    %dma_wait3A_82 = arith.constant 0 : i32
    %dma_wait3A_83 = tpu.memref_slice %arg4[%dma_wait3A_81, %dma_wait3A_82] : memref<589824x128xf32, #tpu.memory_space<hbm>> -> memref<589824x128xf32, #tpu.memory_space<hbm>>
    tpu.wait_indirect_dma semaphore(%arg11 : memref<!tpu.dma_semaphore, #tpu.memory_space<semaphore_mem>>) src(%dma_wait3A_83 : memref<589824x128xf32, #tpu.memory_space<hbm>>) dst(%dma_wait3A_77 : memref<128x128xf32, #tpu.memory_space<vmem>>)
    %dma_wait3A_84 = arith.constant 2 : i32
    %dma_wait3A_85 = arith.constant 256 : i32
    %dma_wait3A_86 = arith.constant 0 : i32
    %dma_wait3A_87 = tpu.memref_slice %arg10[%dma_wait3A_85, %dma_wait3A_86] : memref<512x128xf32, #tpu.memory_space<vmem>> -> memref<128x128xf32, #tpu.memory_space<vmem>>
    %dma_wait3A_88 = arith.constant 0 : i32
    %dma_wait3A_89 = tpu.memref_slice %arg9[%dma_wait3A_84, %dma_wait3A_88] : memref<4x128xi32, #tpu.memory_space<vmem>> -> memref<1x128xi32, #tpu.memory_space<vmem>>
    %dma_wait3A_90 = tpu.memref_squeeze %dma_wait3A_89 : memref<1x128xi32, #tpu.memory_space<vmem>> -> memref<128xi32, #tpu.memory_space<vmem>>
    %dma_wait3A_91 = arith.constant 0 : i32
    %dma_wait3A_92 = arith.constant 0 : i32
    %dma_wait3A_93 = tpu.memref_slice %arg4[%dma_wait3A_91, %dma_wait3A_92] : memref<589824x128xf32, #tpu.memory_space<hbm>> -> memref<589824x128xf32, #tpu.memory_space<hbm>>
    tpu.wait_indirect_dma semaphore(%arg11 : memref<!tpu.dma_semaphore, #tpu.memory_space<semaphore_mem>>) src(%dma_wait3A_93 : memref<589824x128xf32, #tpu.memory_space<hbm>>) dst(%dma_wait3A_87 : memref<128x128xf32, #tpu.memory_space<vmem>>)
    %dma_wait3A_94 = arith.constant 3 : i32
    %dma_wait3A_95 = arith.constant 384 : i32
    %dma_wait3A_96 = arith.constant 0 : i32
    %dma_wait3A_97 = tpu.memref_slice %arg10[%dma_wait3A_95, %dma_wait3A_96] : memref<512x128xf32, #tpu.memory_space<vmem>> -> memref<128x128xf32, #tpu.memory_space<vmem>>
    %dma_wait3A_98 = arith.constant 0 : i32
    %dma_wait3A_99 = tpu.memref_slice %arg9[%dma_wait3A_94, %dma_wait3A_98] : memref<4x128xi32, #tpu.memory_space<vmem>> -> memref<1x128xi32, #tpu.memory_space<vmem>>
    %dma_wait3A_100 = tpu.memref_squeeze %dma_wait3A_99 : memref<1x128xi32, #tpu.memory_space<vmem>> -> memref<128xi32, #tpu.memory_space<vmem>>
    %dma_wait3A_101 = arith.constant 0 : i32
    %dma_wait3A_102 = arith.constant 0 : i32
    %dma_wait3A_103 = tpu.memref_slice %arg4[%dma_wait3A_101, %dma_wait3A_102] : memref<589824x128xf32, #tpu.memory_space<hbm>> -> memref<589824x128xf32, #tpu.memory_space<hbm>>
    tpu.wait_indirect_dma semaphore(%arg11 : memref<!tpu.dma_semaphore, #tpu.memory_space<semaphore_mem>>) src(%dma_wait3A_103 : memref<589824x128xf32, #tpu.memory_space<hbm>>) dst(%dma_wait3A_97 : memref<128x128xf32, #tpu.memory_space<vmem>>)
    "tpu.region"() ({
      %run_scoped3A = tpu.sem_alloc : memref<!tpu.dma_semaphore, #tpu.memory_space<semaphore_mem>>
      %dma_start3A_104 = arith.constant 0 : i32
      %dma_start3A_105 = tpu.memref_slice %arg5[%mul3A_2, %dma_start3A_104] : memref<16384x128xf32, #tpu.memory_space<hbm>> -> memref<512x128xf32, #tpu.memory_space<hbm>>
      %dma_start3A_106 = arith.constant 0 : i32
      %dma_start3A_107 = tpu.memref_slice %arg5[%mul3A_2, %dma_start3A_106] : memref<16384x128xf32, #tpu.memory_space<hbm>> -> memref<512x128xf32, #tpu.memory_space<hbm>>
      tpu.enqueue_dma source(%arg10 : memref<512x128xf32, #tpu.memory_space<vmem>>) target(%dma_start3A_107 : memref<512x128xf32, #tpu.memory_space<hbm>>) target_semaphore(%run_scoped3A : memref<!tpu.dma_semaphore, #tpu.memory_space<semaphore_mem>>)
      %dma_wait3A_108 = arith.constant 0 : i32
      %dma_wait3A_109 = tpu.memref_slice %arg5[%mul3A_2, %dma_wait3A_108] : memref<16384x128xf32, #tpu.memory_space<hbm>> -> memref<512x128xf32, #tpu.memory_space<hbm>>
      %dma_wait3A_110 = arith.constant 0 : i32
      %dma_wait3A_111 = tpu.memref_slice %arg5[%mul3A_2, %dma_wait3A_110] : memref<16384x128xf32, #tpu.memory_space<hbm>> -> memref<512x128xf32, #tpu.memory_space<hbm>>
      tpu.wait_dma2 semaphore(%run_scoped3A : memref<!tpu.dma_semaphore, #tpu.memory_space<semaphore_mem>>) src(%arg10 : memref<512x128xf32, #tpu.memory_space<vmem>>) dst(%dma_wait3A_111 : memref<512x128xf32, #tpu.memory_space<hbm>>)
      tpu.yield
    }) : () -> ()
    return
  }
}

#map = affine_map<(d0, d1) -> (0)>
#map1 = affine_map<(d0, d1) -> (0, 0)>
#map2 = affine_map<(d0, d1) -> (0, 0, 0)>
module attributes {stable_mosaic.version = 14 : i64} {
  func.func @_sc_extract(%arg0: i32, %arg1: i32, %arg2: memref<16384xi32, #tpu.memory_space<hbm>>, %arg3: memref<32x1000000xf32, #tpu.memory_space<hbm>>, %arg4: memref<32x128xf32, #tpu.memory_space<hbm>>, %arg5: memref<32x18432x128xf32, #tpu.memory_space<hbm>>, %arg6: memref<32x144x128xi32, #tpu.memory_space<hbm>>, %arg7: memref<32x1x128xi32, #tpu.memory_space<hbm>>, %arg8: memref<16384xi32, #tpu.memory_space<vmem>>, %arg9: memref<16400xi32, #tpu.memory_space<vmem>>, %arg10: memref<16400xi32, #tpu.memory_space<vmem>>, %arg11: memref<32x2048xf32, #tpu.memory_space<vmem>>, %arg12: memref<4x16x128xf32, #tpu.memory_space<vmem>>, %arg13: memref<8x128xi32, #tpu.memory_space<vmem>>, %arg14: memref<1x128xi32, #tpu.memory_space<vmem>>, %arg15: memref<!tpu.dma_semaphore, #tpu.memory_space<semaphore_mem>>, %arg16: memref<!tpu.dma_semaphore, #tpu.memory_space<semaphore_mem>>) attributes {dimension_semantics = [#tpu.dimension_semantics<core_parallel>, #tpu.dimension_semantics<subcore_parallel>], iteration_bounds = array<i64: 2, 16>, scalar_prefetch = 0 : i64, scratch_operands = 9 : i64, tpu.core_type = #tpu.core_type<sc_vector_subcore>, window_params = [{transform_indices = #map}, {transform_indices = #map1}, {transform_indices = #map1}, {transform_indices = #map2}, {transform_indices = #map2}, {transform_indices = #map2}]} {
    %mul3A = arith.constant 2 : i32
    %mul3A_0 = arith.muli %arg1, %mul3A : i32
    %add3A = arith.addi %mul3A_0, %arg0 : i32
    %mul3A_1 = arith.constant 32768 : i32
    %mul3A_2 = arith.muli %add3A, %mul3A_1 : i32
    %lt3A = arith.constant 30 : i32
    %lt3A_3 = arith.cmpi slt, %add3A, %lt3A : i32
    %eq3A = arith.constant 30 : i32
    %eq3A_4 = arith.cmpi eq, %add3A, %eq3A : i32
    %jit3A = arith.constant 17 : i32
    %jit3A_5 = arith.constant 0 : i32
    %select_n3A = arith.select %eq3A_4, %jit3A, %jit3A_5 : i32
    %jit3A_6 = arith.constant 32 : i32
    %select_n3A_7 = arith.select %lt3A_3, %jit3A_6, %select_n3A : i32
    %iota3A = tpu.iota {dimensions = array<i32: 0>} : vector<16xi32>
    %broadcast_in_dim3A = arith.constant 536870912 : i32
    %broadcast_in_dim3A_8 = vector.broadcast %broadcast_in_dim3A : i32 to vector<16xi32>
    %gt3A = arith.constant 0 : i32
    %gt3A_9 = arith.cmpi sgt, %select_n3A_7, %gt3A : i32
    %convert_element_type3A = arith.extui %gt3A_9 : i1 to i32
    %cond3A = arith.constant 0 : i32
    %cond3A_10 = arith.cmpi ne, %convert_element_type3A, %cond3A : i32
    scf.if %cond3A_10 {
      %and3A = arith.constant 0 : i32
      %and3A_71 = arith.constant 1 : i32
      %and3A_72 = arith.andi %and3A, %and3A_71 : i32
      %mul3A_73 = arith.constant 1024 : i32
      %mul3A_74 = arith.muli %and3A_72, %mul3A_73 : i32
      %eq3A_75 = arith.constant 30 : i32
      %eq3A_76 = arith.cmpi eq, %add3A, %eq3A_75 : i32
      %eq3A_77 = arith.constant 0 : i32
      %eq3A_78 = arith.constant 16 : i32
      %eq3A_79 = arith.cmpi eq, %eq3A_77, %eq3A_78 : i32
      %and3A_80 = arith.andi %eq3A_76, %eq3A_79 : i1
      %not3A = arith.constant true
      %not3A_81 = arith.xori %and3A_80, %not3A : i1
      %convert_element_type3A_82 = arith.extui %not3A_81 : i1 to i32
      %cond3A_83 = arith.constant 0 : i32
      %cond3A_84 = arith.constant 0 : i32
      %cond3A_85 = arith.cmpi ne, %convert_element_type3A_82, %cond3A_84 : i32
      scf.if %cond3A_85 {
        %mul3A_89 = arith.constant 1024 : i32
        %mul3A_90 = arith.muli %cond3A_83, %mul3A_89 : i32
        %add3A_91 = arith.addi %mul3A_2, %mul3A_90 : i32
        %multiple_of3A_92 = tpu.assume_multiple %add3A_91, 1024 : i32
        %multiple_of3A_93 = tpu.assume_multiple %mul3A_74, 1024 : i32
        %dma_start3A = arith.constant 0 : i32
        %dma_start3A_94 = tpu.memref_slice %arg11[%dma_start3A, %multiple_of3A_93] : memref<32x2048xf32, #tpu.memory_space<vmem>> -> memref<32x1024xf32, #tpu.memory_space<vmem>>
        %dma_start3A_95 = arith.constant 0 : i32
        %dma_start3A_96 = tpu.memref_slice %arg3[%dma_start3A_95, %multiple_of3A_92] : memref<32x1000000xf32, #tpu.memory_space<hbm>> -> memref<32x1024xf32, #tpu.memory_space<hbm>>
        %dma_start3A_97 = arith.constant 0 : i32
        %dma_start3A_98 = tpu.memref_slice %arg11[%dma_start3A_97, %multiple_of3A_93] : memref<32x2048xf32, #tpu.memory_space<vmem>> -> memref<32x1024xf32, #tpu.memory_space<vmem>>
        %dma_start3A_99 = arith.constant 0 : i32
        %dma_start3A_100 = tpu.memref_slice %arg3[%dma_start3A_99, %multiple_of3A_92] : memref<32x1000000xf32, #tpu.memory_space<hbm>> -> memref<32x1024xf32, #tpu.memory_space<hbm>>
        tpu.enqueue_dma source(%dma_start3A_100 : memref<32x1024xf32, #tpu.memory_space<hbm>>) target(%dma_start3A_98 : memref<32x1024xf32, #tpu.memory_space<vmem>>) target_semaphore(%arg15 : memref<!tpu.dma_semaphore, #tpu.memory_space<semaphore_mem>>)
      } else {
      }
      %convert_element_type3A_86 = arith.extui %and3A_80 : i1 to i32
      %cond3A_87 = arith.constant 0 : i32
      %cond3A_88 = arith.cmpi ne, %convert_element_type3A_86, %cond3A_87 : i32
      scf.if %cond3A_88 {
        %multiple_of3A_89 = arith.constant 999424 : i32
        %multiple_of3A_90 = tpu.assume_multiple %multiple_of3A_89, 128 : i32
        %dma_start3A = arith.constant 0 : i32
        %dma_start3A_91 = arith.constant 0 : i32
        %dma_start3A_92 = tpu.memref_slice %arg11[%dma_start3A, %dma_start3A_91] : memref<32x2048xf32, #tpu.memory_space<vmem>> -> memref<32x512xf32, #tpu.memory_space<vmem>>
        %dma_start3A_93 = arith.constant 0 : i32
        %dma_start3A_94 = tpu.memref_slice %arg3[%dma_start3A_93, %multiple_of3A_90] : memref<32x1000000xf32, #tpu.memory_space<hbm>> -> memref<32x512xf32, #tpu.memory_space<hbm>>
        %dma_start3A_95 = arith.constant 0 : i32
        %dma_start3A_96 = arith.constant 0 : i32
        %dma_start3A_97 = tpu.memref_slice %arg11[%dma_start3A_95, %dma_start3A_96] : memref<32x2048xf32, #tpu.memory_space<vmem>> -> memref<32x512xf32, #tpu.memory_space<vmem>>
        %dma_start3A_98 = arith.constant 0 : i32
        %dma_start3A_99 = tpu.memref_slice %arg3[%dma_start3A_98, %multiple_of3A_90] : memref<32x1000000xf32, #tpu.memory_space<hbm>> -> memref<32x512xf32, #tpu.memory_space<hbm>>
        tpu.enqueue_dma source(%dma_start3A_99 : memref<32x512xf32, #tpu.memory_space<hbm>>) target(%dma_start3A_97 : memref<32x512xf32, #tpu.memory_space<vmem>>) target_semaphore(%arg15 : memref<!tpu.dma_semaphore, #tpu.memory_space<semaphore_mem>>)
        %dma_start3A_100 = arith.constant 0 : i32
        %dma_start3A_101 = arith.constant 512 : i32
        %dma_start3A_102 = tpu.memref_slice %arg11[%dma_start3A_100, %dma_start3A_101] : memref<32x2048xf32, #tpu.memory_space<vmem>> -> memref<32x128xf32, #tpu.memory_space<vmem>>
        %dma_start3A_103 = arith.constant 0 : i32
        %dma_start3A_104 = arith.constant 512 : i32
        %dma_start3A_105 = tpu.memref_slice %arg11[%dma_start3A_103, %dma_start3A_104] : memref<32x2048xf32, #tpu.memory_space<vmem>> -> memref<32x128xf32, #tpu.memory_space<vmem>>
        tpu.enqueue_dma source(%arg4 : memref<32x128xf32, #tpu.memory_space<hbm>>) target(%dma_start3A_105 : memref<32x128xf32, #tpu.memory_space<vmem>>) target_semaphore(%arg15 : memref<!tpu.dma_semaphore, #tpu.memory_space<semaphore_mem>>)
      } else {
      }
    } else {
    }
    %gt3A_11 = arith.constant 1 : i32
    %gt3A_12 = arith.cmpi sgt, %select_n3A_7, %gt3A_11 : i32
    %convert_element_type3A_13 = arith.extui %gt3A_12 : i1 to i32
    %cond3A_14 = arith.constant 0 : i32
    %cond3A_15 = arith.cmpi ne, %convert_element_type3A_13, %cond3A_14 : i32
    scf.if %cond3A_15 {
      %and3A = arith.constant 1 : i32
      %and3A_71 = arith.constant 1 : i32
      %and3A_72 = arith.andi %and3A, %and3A_71 : i32
      %mul3A_73 = arith.constant 1024 : i32
      %mul3A_74 = arith.muli %and3A_72, %mul3A_73 : i32
      %eq3A_75 = arith.constant 30 : i32
      %eq3A_76 = arith.cmpi eq, %add3A, %eq3A_75 : i32
      %eq3A_77 = arith.constant 1 : i32
      %eq3A_78 = arith.constant 16 : i32
      %eq3A_79 = arith.cmpi eq, %eq3A_77, %eq3A_78 : i32
      %and3A_80 = arith.andi %eq3A_76, %eq3A_79 : i1
      %not3A = arith.constant true
      %not3A_81 = arith.xori %and3A_80, %not3A : i1
      %convert_element_type3A_82 = arith.extui %not3A_81 : i1 to i32
      %cond3A_83 = arith.constant 1 : i32
      %cond3A_84 = arith.constant 0 : i32
      %cond3A_85 = arith.cmpi ne, %convert_element_type3A_82, %cond3A_84 : i32
      scf.if %cond3A_85 {
        %mul3A_89 = arith.constant 1024 : i32
        %mul3A_90 = arith.muli %cond3A_83, %mul3A_89 : i32
        %add3A_91 = arith.addi %mul3A_2, %mul3A_90 : i32
        %multiple_of3A_92 = tpu.assume_multiple %add3A_91, 1024 : i32
        %multiple_of3A_93 = tpu.assume_multiple %mul3A_74, 1024 : i32
        %dma_start3A = arith.constant 0 : i32
        %dma_start3A_94 = tpu.memref_slice %arg11[%dma_start3A, %multiple_of3A_93] : memref<32x2048xf32, #tpu.memory_space<vmem>> -> memref<32x1024xf32, #tpu.memory_space<vmem>>
        %dma_start3A_95 = arith.constant 0 : i32
        %dma_start3A_96 = tpu.memref_slice %arg3[%dma_start3A_95, %multiple_of3A_92] : memref<32x1000000xf32, #tpu.memory_space<hbm>> -> memref<32x1024xf32, #tpu.memory_space<hbm>>
        %dma_start3A_97 = arith.constant 0 : i32
        %dma_start3A_98 = tpu.memref_slice %arg11[%dma_start3A_97, %multiple_of3A_93] : memref<32x2048xf32, #tpu.memory_space<vmem>> -> memref<32x1024xf32, #tpu.memory_space<vmem>>
        %dma_start3A_99 = arith.constant 0 : i32
        %dma_start3A_100 = tpu.memref_slice %arg3[%dma_start3A_99, %multiple_of3A_92] : memref<32x1000000xf32, #tpu.memory_space<hbm>> -> memref<32x1024xf32, #tpu.memory_space<hbm>>
        tpu.enqueue_dma source(%dma_start3A_100 : memref<32x1024xf32, #tpu.memory_space<hbm>>) target(%dma_start3A_98 : memref<32x1024xf32, #tpu.memory_space<vmem>>) target_semaphore(%arg15 : memref<!tpu.dma_semaphore, #tpu.memory_space<semaphore_mem>>)
      } else {
      }
      %convert_element_type3A_86 = arith.extui %and3A_80 : i1 to i32
      %cond3A_87 = arith.constant 0 : i32
      %cond3A_88 = arith.cmpi ne, %convert_element_type3A_86, %cond3A_87 : i32
      scf.if %cond3A_88 {
        %multiple_of3A_89 = arith.constant 999424 : i32
        %multiple_of3A_90 = tpu.assume_multiple %multiple_of3A_89, 128 : i32
        %dma_start3A = arith.constant 0 : i32
        %dma_start3A_91 = arith.constant 0 : i32
        %dma_start3A_92 = tpu.memref_slice %arg11[%dma_start3A, %dma_start3A_91] : memref<32x2048xf32, #tpu.memory_space<vmem>> -> memref<32x512xf32, #tpu.memory_space<vmem>>
        %dma_start3A_93 = arith.constant 0 : i32
        %dma_start3A_94 = tpu.memref_slice %arg3[%dma_start3A_93, %multiple_of3A_90] : memref<32x1000000xf32, #tpu.memory_space<hbm>> -> memref<32x512xf32, #tpu.memory_space<hbm>>
        %dma_start3A_95 = arith.constant 0 : i32
        %dma_start3A_96 = arith.constant 0 : i32
        %dma_start3A_97 = tpu.memref_slice %arg11[%dma_start3A_95, %dma_start3A_96] : memref<32x2048xf32, #tpu.memory_space<vmem>> -> memref<32x512xf32, #tpu.memory_space<vmem>>
        %dma_start3A_98 = arith.constant 0 : i32
        %dma_start3A_99 = tpu.memref_slice %arg3[%dma_start3A_98, %multiple_of3A_90] : memref<32x1000000xf32, #tpu.memory_space<hbm>> -> memref<32x512xf32, #tpu.memory_space<hbm>>
        tpu.enqueue_dma source(%dma_start3A_99 : memref<32x512xf32, #tpu.memory_space<hbm>>) target(%dma_start3A_97 : memref<32x512xf32, #tpu.memory_space<vmem>>) target_semaphore(%arg15 : memref<!tpu.dma_semaphore, #tpu.memory_space<semaphore_mem>>)
        %dma_start3A_100 = arith.constant 0 : i32
        %dma_start3A_101 = arith.constant 512 : i32
        %dma_start3A_102 = tpu.memref_slice %arg11[%dma_start3A_100, %dma_start3A_101] : memref<32x2048xf32, #tpu.memory_space<vmem>> -> memref<32x128xf32, #tpu.memory_space<vmem>>
        %dma_start3A_103 = arith.constant 0 : i32
        %dma_start3A_104 = arith.constant 512 : i32
        %dma_start3A_105 = tpu.memref_slice %arg11[%dma_start3A_103, %dma_start3A_104] : memref<32x2048xf32, #tpu.memory_space<vmem>> -> memref<32x128xf32, #tpu.memory_space<vmem>>
        tpu.enqueue_dma source(%arg4 : memref<32x128xf32, #tpu.memory_space<hbm>>) target(%dma_start3A_105 : memref<32x128xf32, #tpu.memory_space<vmem>>) target_semaphore(%arg15 : memref<!tpu.dma_semaphore, #tpu.memory_space<semaphore_mem>>)
      } else {
      }
    } else {
    }
    "tpu.region"() ({
      %run_scoped3A = tpu.sem_alloc : memref<!tpu.dma_semaphore, #tpu.memory_space<semaphore_mem>>
      tpu.enqueue_dma source(%arg2 : memref<16384xi32, #tpu.memory_space<hbm>>) target(%arg8 : memref<16384xi32, #tpu.memory_space<vmem>>) target_semaphore(%run_scoped3A : memref<!tpu.dma_semaphore, #tpu.memory_space<semaphore_mem>>)
      tpu.wait_dma2 semaphore(%run_scoped3A : memref<!tpu.dma_semaphore, #tpu.memory_space<semaphore_mem>>) src(%arg2 : memref<16384xi32, #tpu.memory_space<hbm>>) dst(%arg8 : memref<16384xi32, #tpu.memory_space<vmem>>)
      tpu.yield
    }) : () -> ()
    %scan3A = arith.constant 0 : i32
    %scan3A_16 = arith.constant 0 : i32
    %scan3A_17 = arith.constant 512 : i32
    %scan3A_18 = arith.addi %scan3A_16, %scan3A_17 : i32
    %scan3A_19 = arith.constant 1 : i32
    %scan3A_20 = scf.for %scan3A_71 = %scan3A_16 to %scan3A_18 step %scan3A_19 iter_args(%scan3A_72 = %scan3A) -> (i32)  : i32 {
      %mul3A_73 = arith.constant 2 : i32
      %mul3A_74 = arith.muli %scan3A_71, %mul3A_73 : i32
      %add3A_75 = arith.constant 0 : i32
      %add3A_76 = arith.addi %mul3A_74, %add3A_75 : i32
      %mul3A_77 = arith.constant 16 : i32
      %mul3A_78 = arith.muli %add3A_76, %mul3A_77 : i32
      %get3A = arith.index_cast %mul3A_78 : i32 to index
      %get3A_79 = tpu.vector_load %arg8[%get3A] {strides = array<i32>} : memref<16384xi32, #tpu.memory_space<vmem>>, vector<16xi32>,
      %shift_right_logical3A_80 = arith.constant 15 : i32
      %shift_right_logical3A_81 = vector.broadcast %shift_right_logical3A_80 : i32 to vector<16xi32>
      %shift_right_logical3A_82 = arith.shrui %get3A_79, %shift_right_logical3A_81 : vector<16xi32>
      %eq3A_83 = vector.broadcast %add3A : i32 to vector<16xi32>
      %eq3A_84 = arith.cmpi eq, %shift_right_logical3A_82, %eq3A_83 : vector<16xi32>
      %mul3A_85 = arith.constant 16 : i32
      %mul3A_86 = arith.muli %add3A_76, %mul3A_85 : i32
      %add3A_87 = vector.broadcast %mul3A_86 : i32 to vector<16xi32>
      %add3A_88 = arith.addi %add3A_87, %iota3A : vector<16xi32>
      %and3A = arith.constant 32767 : i32
      %and3A_89 = vector.broadcast %and3A : i32 to vector<16xi32>
      %and3A_90 = arith.andi %get3A_79, %and3A_89 : vector<16xi32>
      %shift_left3A = arith.constant 15 : i32
      %shift_left3A_91 = vector.broadcast %shift_left3A : i32 to vector<16xi32>
      %shift_left3A_92 = arith.shli %add3A_88, %shift_left3A_91 : vector<16xi32>
      %or3A = arith.ori %and3A_90, %shift_left3A_92 : vector<16xi32>
      %convert_element_type3A_93 = arith.extui %eq3A_84 : vector<16xi1> to vector<16xi32>
      %broadcast_in_dim3A_94 = arith.constant true
      %broadcast_in_dim3A_95 = vector.broadcast %broadcast_in_dim3A_94 : i1 to vector<16xi1>
      %masked_cumsum3A = tpu.scan <sum>, %convert_element_type3A_93 masked %broadcast_in_dim3A_95 : vector<16xi32>, vector<16xi1> -> vector<16xi32>
      %add3A_96 = vector.broadcast %scan3A_72 : i32 to vector<16xi32>
      %add3A_97 = arith.addi %add3A_96, %masked_cumsum3A : vector<16xi32>
      %sub3A_98 = arith.subi %add3A_97, %convert_element_type3A_93 : vector<16xi32>
      tpu.vector_store_idx %arg9[%sub3A_98], %or3A masked %eq3A_84 : memref<16400xi32, #tpu.memory_space<vmem>>[vector<16xi32>], vector<16xi32>, vector<16xi1>
      %reduce_sum3A = arith.constant true
      %reduce_sum3A_99 = vector.broadcast %reduce_sum3A : i1 to vector<16xi1>
      %reduce_sum3A_100 = tpu.scan <sum>, %convert_element_type3A_93 masked %reduce_sum3A_99 : vector<16xi32>, vector<16xi1> -> vector<16xi32>
      %reduce_sum3A_101 = vector.extract %reduce_sum3A_100[15] : i32 from vector<16xi32>
      %add3A_102 = arith.addi %scan3A_72, %reduce_sum3A_101 : i32
      %mul3A_103 = arith.constant 2 : i32
      %mul3A_104 = arith.muli %scan3A_71, %mul3A_103 : i32
      %add3A_105 = arith.constant 1 : i32
      %add3A_106 = arith.addi %mul3A_104, %add3A_105 : i32
      %mul3A_107 = arith.constant 16 : i32
      %mul3A_108 = arith.muli %add3A_106, %mul3A_107 : i32
      %get3A_109 = arith.index_cast %mul3A_108 : i32 to index
      %get3A_110 = tpu.vector_load %arg8[%get3A_109] {strides = array<i32>} : memref<16384xi32, #tpu.memory_space<vmem>>, vector<16xi32>,
      %shift_right_logical3A_111 = arith.constant 15 : i32
      %shift_right_logical3A_112 = vector.broadcast %shift_right_logical3A_111 : i32 to vector<16xi32>
      %shift_right_logical3A_113 = arith.shrui %get3A_110, %shift_right_logical3A_112 : vector<16xi32>
      %eq3A_114 = vector.broadcast %add3A : i32 to vector<16xi32>
      %eq3A_115 = arith.cmpi eq, %shift_right_logical3A_113, %eq3A_114 : vector<16xi32>
      %mul3A_116 = arith.constant 16 : i32
      %mul3A_117 = arith.muli %add3A_106, %mul3A_116 : i32
      %add3A_118 = vector.broadcast %mul3A_117 : i32 to vector<16xi32>
      %add3A_119 = arith.addi %add3A_118, %iota3A : vector<16xi32>
      %and3A_120 = arith.constant 32767 : i32
      %and3A_121 = vector.broadcast %and3A_120 : i32 to vector<16xi32>
      %and3A_122 = arith.andi %get3A_110, %and3A_121 : vector<16xi32>
      %shift_left3A_123 = arith.constant 15 : i32
      %shift_left3A_124 = vector.broadcast %shift_left3A_123 : i32 to vector<16xi32>
      %shift_left3A_125 = arith.shli %add3A_119, %shift_left3A_124 : vector<16xi32>
      %or3A_126 = arith.ori %and3A_122, %shift_left3A_125 : vector<16xi32>
      %convert_element_type3A_127 = arith.extui %eq3A_115 : vector<16xi1> to vector<16xi32>
      %broadcast_in_dim3A_128 = arith.constant true
      %broadcast_in_dim3A_129 = vector.broadcast %broadcast_in_dim3A_128 : i1 to vector<16xi1>
      %masked_cumsum3A_130 = tpu.scan <sum>, %convert_element_type3A_127 masked %broadcast_in_dim3A_129 : vector<16xi32>, vector<16xi1> -> vector<16xi32>
      %add3A_131 = vector.broadcast %add3A_102 : i32 to vector<16xi32>
      %add3A_132 = arith.addi %add3A_131, %masked_cumsum3A_130 : vector<16xi32>
      %sub3A_133 = arith.subi %add3A_132, %convert_element_type3A_127 : vector<16xi32>
      tpu.vector_store_idx %arg9[%sub3A_133], %or3A_126 masked %eq3A_115 : memref<16400xi32, #tpu.memory_space<vmem>>[vector<16xi32>], vector<16xi32>, vector<16xi1>
      %reduce_sum3A_134 = arith.constant true
      %reduce_sum3A_135 = vector.broadcast %reduce_sum3A_134 : i1 to vector<16xi1>
      %reduce_sum3A_136 = tpu.scan <sum>, %convert_element_type3A_127 masked %reduce_sum3A_135 : vector<16xi32>, vector<16xi1> -> vector<16xi32>
      %reduce_sum3A_137 = vector.extract %reduce_sum3A_136[15] : i32 from vector<16xi32>
      %add3A_138 = arith.addi %add3A_102, %reduce_sum3A_137 : i32
      scf.yield %add3A_138 : i32
    }
    %scan3A_21 = arith.constant 512 : i32
    %add3A_22 = arith.constant 15 : i32
    %add3A_23 = arith.addi %scan3A_20, %add3A_22 : i32
    %shift_right_logical3A = arith.constant 4 : i32
    %shift_right_logical3A_24 = arith.shrui %add3A_23, %shift_right_logical3A : i32
    %while3A = arith.constant 0 : i32
    %while3A_25 = arith.constant 0 : i32
    %while3A_26 = arith.constant 0 : i32
    %while3A_27 = arith.constant 0 : i32
    %while3A_28 = arith.subi %select_n3A_7, %while3A : i32
    %while3A_29 = arith.addi %while3A, %while3A_28 : i32
    %while3A_30 = arith.constant 1 : i32
    %while3A_31 = arith.divsi %while3A_28, %while3A_30 : i32
    %while3A_32 = arith.muli %while3A_31, %while3A_30 : i32
    %while3A_33 = arith.addi %while3A, %while3A_32 : i32
    %while3A_34 = arith.constant 1 : i32
    %while3A_35:3 = scf.for %while3A_71 = %while3A to %while3A_33 step %while3A_34 iter_args(%while3A_72 = %while3A_25, %while3A_73 = %while3A_26, %while3A_74 = %while3A_27) -> (i32, i32, i32)  : i32 {
      %ge3A = arith.constant 1 : i32
      %ge3A_75 = arith.cmpi sge, %while3A_71, %ge3A : i32
      %add3A_76 = arith.constant 1 : i32
      %add3A_77 = arith.addi %while3A_71, %add3A_76 : i32
      %lt3A_78 = arith.cmpi slt, %add3A_77, %select_n3A_7 : i32
      %and3A = arith.andi %ge3A_75, %lt3A_78 : i1
      %convert_element_type3A_79 = arith.extui %and3A : i1 to i32
      %cond3A_80 = arith.constant 0 : i32
      %cond3A_81 = arith.cmpi ne, %convert_element_type3A_79, %cond3A_80 : i32
      scf.if %cond3A_81 {
        %add3A_128 = arith.constant 1 : i32
        %add3A_129 = arith.addi %while3A_71, %add3A_128 : i32
        %and3A_130 = arith.constant 1 : i32
        %and3A_131 = arith.andi %add3A_129, %and3A_130 : i32
        %mul3A_132 = arith.constant 1024 : i32
        %mul3A_133 = arith.muli %and3A_131, %mul3A_132 : i32
        %eq3A_134 = arith.constant 30 : i32
        %eq3A_135 = arith.cmpi eq, %add3A, %eq3A_134 : i32
        %eq3A_136 = arith.constant 16 : i32
        %eq3A_137 = arith.cmpi eq, %add3A_129, %eq3A_136 : i32
        %and3A_138 = arith.andi %eq3A_135, %eq3A_137 : i1
        %not3A_139 = arith.constant true
        %not3A_140 = arith.xori %and3A_138, %not3A_139 : i1
        %convert_element_type3A_141 = arith.extui %not3A_140 : i1 to i32
        %cond3A_142 = arith.constant 0 : i32
        %cond3A_143 = arith.cmpi ne, %convert_element_type3A_141, %cond3A_142 : i32
        scf.if %cond3A_143 {
          %mul3A_147 = arith.constant 1024 : i32
          %mul3A_148 = arith.muli %add3A_129, %mul3A_147 : i32
          %add3A_149 = arith.addi %mul3A_2, %mul3A_148 : i32
          %multiple_of3A_150 = tpu.assume_multiple %add3A_149, 1024 : i32
          %multiple_of3A_151 = tpu.assume_multiple %mul3A_133, 1024 : i32
          %dma_start3A = arith.constant 0 : i32
          %dma_start3A_152 = tpu.memref_slice %arg11[%dma_start3A, %multiple_of3A_151] : memref<32x2048xf32, #tpu.memory_space<vmem>> -> memref<32x1024xf32, #tpu.memory_space<vmem>>
          %dma_start3A_153 = arith.constant 0 : i32
          %dma_start3A_154 = tpu.memref_slice %arg3[%dma_start3A_153, %multiple_of3A_150] : memref<32x1000000xf32, #tpu.memory_space<hbm>> -> memref<32x1024xf32, #tpu.memory_space<hbm>>
          %dma_start3A_155 = arith.constant 0 : i32
          %dma_start3A_156 = tpu.memref_slice %arg11[%dma_start3A_155, %multiple_of3A_151] : memref<32x2048xf32, #tpu.memory_space<vmem>> -> memref<32x1024xf32, #tpu.memory_space<vmem>>
          %dma_start3A_157 = arith.constant 0 : i32
          %dma_start3A_158 = tpu.memref_slice %arg3[%dma_start3A_157, %multiple_of3A_150] : memref<32x1000000xf32, #tpu.memory_space<hbm>> -> memref<32x1024xf32, #tpu.memory_space<hbm>>
          tpu.enqueue_dma source(%dma_start3A_158 : memref<32x1024xf32, #tpu.memory_space<hbm>>) target(%dma_start3A_156 : memref<32x1024xf32, #tpu.memory_space<vmem>>) target_semaphore(%arg15 : memref<!tpu.dma_semaphore, #tpu.memory_space<semaphore_mem>>)
        } else {
        }
        %convert_element_type3A_144 = arith.extui %and3A_138 : i1 to i32
        %cond3A_145 = arith.constant 0 : i32
        %cond3A_146 = arith.cmpi ne, %convert_element_type3A_144, %cond3A_145 : i32
        scf.if %cond3A_146 {
          %multiple_of3A_147 = arith.constant 999424 : i32
          %multiple_of3A_148 = tpu.assume_multiple %multiple_of3A_147, 128 : i32
          %dma_start3A = arith.constant 0 : i32
          %dma_start3A_149 = arith.constant 0 : i32
          %dma_start3A_150 = tpu.memref_slice %arg11[%dma_start3A, %dma_start3A_149] : memref<32x2048xf32, #tpu.memory_space<vmem>> -> memref<32x512xf32, #tpu.memory_space<vmem>>
          %dma_start3A_151 = arith.constant 0 : i32
          %dma_start3A_152 = tpu.memref_slice %arg3[%dma_start3A_151, %multiple_of3A_148] : memref<32x1000000xf32, #tpu.memory_space<hbm>> -> memref<32x512xf32, #tpu.memory_space<hbm>>
          %dma_start3A_153 = arith.constant 0 : i32
          %dma_start3A_154 = arith.constant 0 : i32
          %dma_start3A_155 = tpu.memref_slice %arg11[%dma_start3A_153, %dma_start3A_154] : memref<32x2048xf32, #tpu.memory_space<vmem>> -> memref<32x512xf32, #tpu.memory_space<vmem>>
          %dma_start3A_156 = arith.constant 0 : i32
          %dma_start3A_157 = tpu.memref_slice %arg3[%dma_start3A_156, %multiple_of3A_148] : memref<32x1000000xf32, #tpu.memory_space<hbm>> -> memref<32x512xf32, #tpu.memory_space<hbm>>
          tpu.enqueue_dma source(%dma_start3A_157 : memref<32x512xf32, #tpu.memory_space<hbm>>) target(%dma_start3A_155 : memref<32x512xf32, #tpu.memory_space<vmem>>) target_semaphore(%arg15 : memref<!tpu.dma_semaphore, #tpu.memory_space<semaphore_mem>>)
          %dma_start3A_158 = arith.constant 0 : i32
          %dma_start3A_159 = arith.constant 512 : i32
          %dma_start3A_160 = tpu.memref_slice %arg11[%dma_start3A_158, %dma_start3A_159] : memref<32x2048xf32, #tpu.memory_space<vmem>> -> memref<32x128xf32, #tpu.memory_space<vmem>>
          %dma_start3A_161 = arith.constant 0 : i32
          %dma_start3A_162 = arith.constant 512 : i32
          %dma_start3A_163 = tpu.memref_slice %arg11[%dma_start3A_161, %dma_start3A_162] : memref<32x2048xf32, #tpu.memory_space<vmem>> -> memref<32x128xf32, #tpu.memory_space<vmem>>
          tpu.enqueue_dma source(%arg4 : memref<32x128xf32, #tpu.memory_space<hbm>>) target(%dma_start3A_163 : memref<32x128xf32, #tpu.memory_space<vmem>>) target_semaphore(%arg15 : memref<!tpu.dma_semaphore, #tpu.memory_space<semaphore_mem>>)
        } else {
        }
      } else {
      }
      %eq3A_82 = arith.constant 30 : i32
      %eq3A_83 = arith.cmpi eq, %add3A, %eq3A_82 : i32
      %eq3A_84 = arith.constant 16 : i32
      %eq3A_85 = arith.cmpi eq, %while3A_71, %eq3A_84 : i32
      %and3A_86 = arith.andi %eq3A_83, %eq3A_85 : i1
      %not3A = arith.constant true
      %not3A_87 = arith.xori %and3A_86, %not3A : i1
      %convert_element_type3A_88 = arith.extui %not3A_87 : i1 to i32
      %cond3A_89 = arith.constant 0 : i32
      %cond3A_90 = arith.cmpi ne, %convert_element_type3A_88, %cond3A_89 : i32
      scf.if %cond3A_90 {
        %dma_wait3A = arith.constant 0 : i32
        %dma_wait3A_128 = arith.constant 0 : i32
        %dma_wait3A_129 = tpu.memref_slice %arg11[%dma_wait3A, %dma_wait3A_128] : memref<32x2048xf32, #tpu.memory_space<vmem>> -> memref<32x1024xf32, #tpu.memory_space<vmem>>
        %dma_wait3A_130 = arith.constant 0 : i32
        %dma_wait3A_131 = arith.constant 0 : i32
        %dma_wait3A_132 = tpu.memref_slice %arg3[%dma_wait3A_130, %dma_wait3A_131] : memref<32x1000000xf32, #tpu.memory_space<hbm>> -> memref<32x1024xf32, #tpu.memory_space<hbm>>
        %dma_wait3A_133 = arith.constant 0 : i32
        %dma_wait3A_134 = arith.constant 0 : i32
        %dma_wait3A_135 = tpu.memref_slice %arg11[%dma_wait3A_133, %dma_wait3A_134] : memref<32x2048xf32, #tpu.memory_space<vmem>> -> memref<32x1024xf32, #tpu.memory_space<vmem>>
        %dma_wait3A_136 = arith.constant 0 : i32
        %dma_wait3A_137 = arith.constant 0 : i32
        %dma_wait3A_138 = tpu.memref_slice %arg3[%dma_wait3A_136, %dma_wait3A_137] : memref<32x1000000xf32, #tpu.memory_space<hbm>> -> memref<32x1024xf32, #tpu.memory_space<hbm>>
        tpu.wait_dma2 semaphore(%arg15 : memref<!tpu.dma_semaphore, #tpu.memory_space<semaphore_mem>>) src(%dma_wait3A_138 : memref<32x1024xf32, #tpu.memory_space<hbm>>) dst(%dma_wait3A_135 : memref<32x1024xf32, #tpu.memory_space<vmem>>)
      } else {
      }
      %convert_element_type3A_91 = arith.extui %and3A_86 : i1 to i32
      %cond3A_92 = arith.constant 0 : i32
      %cond3A_93 = arith.cmpi ne, %convert_element_type3A_91, %cond3A_92 : i32
      scf.if %cond3A_93 {
        %dma_wait3A = arith.constant 0 : i32
        %dma_wait3A_128 = arith.constant 0 : i32
        %dma_wait3A_129 = tpu.memref_slice %arg11[%dma_wait3A, %dma_wait3A_128] : memref<32x2048xf32, #tpu.memory_space<vmem>> -> memref<32x512xf32, #tpu.memory_space<vmem>>
        %dma_wait3A_130 = arith.constant 0 : i32
        %dma_wait3A_131 = arith.constant 0 : i32
        %dma_wait3A_132 = tpu.memref_slice %arg3[%dma_wait3A_130, %dma_wait3A_131] : memref<32x1000000xf32, #tpu.memory_space<hbm>> -> memref<32x512xf32, #tpu.memory_space<hbm>>
        %dma_wait3A_133 = arith.constant 0 : i32
        %dma_wait3A_134 = arith.constant 0 : i32
        %dma_wait3A_135 = tpu.memref_slice %arg11[%dma_wait3A_133, %dma_wait3A_134] : memref<32x2048xf32, #tpu.memory_space<vmem>> -> memref<32x512xf32, #tpu.memory_space<vmem>>
        %dma_wait3A_136 = arith.constant 0 : i32
        %dma_wait3A_137 = arith.constant 0 : i32
        %dma_wait3A_138 = tpu.memref_slice %arg3[%dma_wait3A_136, %dma_wait3A_137] : memref<32x1000000xf32, #tpu.memory_space<hbm>> -> memref<32x512xf32, #tpu.memory_space<hbm>>
        tpu.wait_dma2 semaphore(%arg15 : memref<!tpu.dma_semaphore, #tpu.memory_space<semaphore_mem>>) src(%dma_wait3A_138 : memref<32x512xf32, #tpu.memory_space<hbm>>) dst(%dma_wait3A_135 : memref<32x512xf32, #tpu.memory_space<vmem>>)
        %dma_wait3A_139 = arith.constant 0 : i32
        %dma_wait3A_140 = arith.constant 0 : i32
        %dma_wait3A_141 = tpu.memref_slice %arg11[%dma_wait3A_139, %dma_wait3A_140] : memref<32x2048xf32, #tpu.memory_space<vmem>> -> memref<32x128xf32, #tpu.memory_space<vmem>>
        %dma_wait3A_142 = arith.constant 0 : i32
        %dma_wait3A_143 = arith.constant 0 : i32
        %dma_wait3A_144 = tpu.memref_slice %arg3[%dma_wait3A_142, %dma_wait3A_143] : memref<32x1000000xf32, #tpu.memory_space<hbm>> -> memref<32x128xf32, #tpu.memory_space<hbm>>
        %dma_wait3A_145 = arith.constant 0 : i32
        %dma_wait3A_146 = arith.constant 0 : i32
        %dma_wait3A_147 = tpu.memref_slice %arg11[%dma_wait3A_145, %dma_wait3A_146] : memref<32x2048xf32, #tpu.memory_space<vmem>> -> memref<32x128xf32, #tpu.memory_space<vmem>>
        %dma_wait3A_148 = arith.constant 0 : i32
        %dma_wait3A_149 = arith.constant 0 : i32
        %dma_wait3A_150 = tpu.memref_slice %arg3[%dma_wait3A_148, %dma_wait3A_149] : memref<32x1000000xf32, #tpu.memory_space<hbm>> -> memref<32x128xf32, #tpu.memory_space<hbm>>
        tpu.wait_dma2 semaphore(%arg15 : memref<!tpu.dma_semaphore, #tpu.memory_space<semaphore_mem>>) src(%dma_wait3A_150 : memref<32x128xf32, #tpu.memory_space<hbm>>) dst(%dma_wait3A_147 : memref<32x128xf32, #tpu.memory_space<vmem>>)
      } else {
      }
      %and3A_94 = arith.constant 1 : i32
      %and3A_95 = arith.andi %while3A_71, %and3A_94 : i32
      %mul3A_96 = arith.constant 1024 : i32
      %mul3A_97 = arith.muli %and3A_95, %mul3A_96 : i32
      %while3A_98 = arith.constant 0 : i32
      %while3A_99 = arith.constant 0 : i32
      %while3A_100 = arith.subi %shift_right_logical3A_24, %while3A_98 : i32
      %while3A_101 = arith.addi %while3A_98, %while3A_100 : i32
      %while3A_102 = arith.constant 1 : i32
      %while3A_103 = arith.divsi %while3A_100, %while3A_102 : i32
      %while3A_104 = arith.muli %while3A_103, %while3A_102 : i32
      %while3A_105 = arith.addi %while3A_98, %while3A_104 : i32
      %while3A_106 = arith.constant 1 : i32
      %while3A_107 = scf.for %while3A_128 = %while3A_98 to %while3A_105 step %while3A_106 iter_args(%while3A_129 = %while3A_99) -> (i32)  : i32 {
        %mul3A_130 = arith.constant 16 : i32
        %mul3A_131 = arith.muli %while3A_128, %mul3A_130 : i32
        %get3A = arith.index_cast %mul3A_131 : i32 to index
        %get3A_132 = tpu.vector_load %arg9[%get3A] {strides = array<i32>} : memref<16400xi32, #tpu.memory_space<vmem>>, vector<16xi32>,
        %and3A_133 = arith.constant 32767 : i32
        %and3A_134 = vector.broadcast %and3A_133 : i32 to vector<16xi32>
        %and3A_135 = arith.andi %get3A_132, %and3A_134 : vector<16xi32>
        %shift_right_logical3A_136 = arith.constant 10 : i32
        %shift_right_logical3A_137 = vector.broadcast %shift_right_logical3A_136 : i32 to vector<16xi32>
        %shift_right_logical3A_138 = arith.shrui %and3A_135, %shift_right_logical3A_137 : vector<16xi32>
        %eq3A_139 = vector.broadcast %while3A_71 : i32 to vector<16xi32>
        %eq3A_140 = arith.cmpi eq, %shift_right_logical3A_138, %eq3A_139 : vector<16xi32>
        %mul3A_141 = arith.constant 16 : i32
        %mul3A_142 = arith.muli %while3A_128, %mul3A_141 : i32
        %add3A_143 = vector.broadcast %mul3A_142 : i32 to vector<16xi32>
        %add3A_144 = arith.addi %add3A_143, %iota3A : vector<16xi32>
        %lt3A_145 = vector.broadcast %scan3A_20 : i32 to vector<16xi32>
        %lt3A_146 = arith.cmpi slt, %add3A_144, %lt3A_145 : vector<16xi32>
        %and3A_147 = arith.andi %eq3A_140, %lt3A_146 : vector<16xi1>
        %convert_element_type3A_148 = arith.extui %and3A_147 : vector<16xi1> to vector<16xi32>
        %broadcast_in_dim3A_149 = arith.constant true
        %broadcast_in_dim3A_150 = vector.broadcast %broadcast_in_dim3A_149 : i1 to vector<16xi1>
        %masked_cumsum3A = tpu.scan <sum>, %convert_element_type3A_148 masked %broadcast_in_dim3A_150 : vector<16xi32>, vector<16xi1> -> vector<16xi32>
        %add3A_151 = vector.broadcast %while3A_129 : i32 to vector<16xi32>
        %add3A_152 = arith.addi %add3A_151, %masked_cumsum3A : vector<16xi32>
        %sub3A_153 = arith.subi %add3A_152, %convert_element_type3A_148 : vector<16xi32>
        tpu.vector_store_idx %arg10[%sub3A_153], %get3A_132 masked %and3A_147 : memref<16400xi32, #tpu.memory_space<vmem>>[vector<16xi32>], vector<16xi32>, vector<16xi1>
        %reduce_sum3A = arith.constant true
        %reduce_sum3A_154 = vector.broadcast %reduce_sum3A : i1 to vector<16xi1>
        %reduce_sum3A_155 = tpu.scan <sum>, %convert_element_type3A_148 masked %reduce_sum3A_154 : vector<16xi32>, vector<16xi1> -> vector<16xi32>
        %reduce_sum3A_156 = vector.extract %reduce_sum3A_155[15] : i32 from vector<16xi32>
        %add3A_157 = arith.addi %while3A_129, %reduce_sum3A_156 : i32
        scf.yield %add3A_157 : i32
      }
      %while3A_108 = arith.constant 1 : i32
      %while3A_109 = scf.for %while3A_128 = %while3A_105 to %while3A_101 step %while3A_108 iter_args(%while3A_129 = %while3A_107) -> (i32)  : i32 {
        %mul3A_130 = arith.constant 16 : i32
        %mul3A_131 = arith.muli %while3A_128, %mul3A_130 : i32
        %get3A = arith.index_cast %mul3A_131 : i32 to index
        %get3A_132 = tpu.vector_load %arg9[%get3A] {strides = array<i32>} : memref<16400xi32, #tpu.memory_space<vmem>>, vector<16xi32>,
        %and3A_133 = arith.constant 32767 : i32
        %and3A_134 = vector.broadcast %and3A_133 : i32 to vector<16xi32>
        %and3A_135 = arith.andi %get3A_132, %and3A_134 : vector<16xi32>
        %shift_right_logical3A_136 = arith.constant 10 : i32
        %shift_right_logical3A_137 = vector.broadcast %shift_right_logical3A_136 : i32 to vector<16xi32>
        %shift_right_logical3A_138 = arith.shrui %and3A_135, %shift_right_logical3A_137 : vector<16xi32>
        %eq3A_139 = vector.broadcast %while3A_71 : i32 to vector<16xi32>
        %eq3A_140 = arith.cmpi eq, %shift_right_logical3A_138, %eq3A_139 : vector<16xi32>
        %mul3A_141 = arith.constant 16 : i32
        %mul3A_142 = arith.muli %while3A_128, %mul3A_141 : i32
        %add3A_143 = vector.broadcast %mul3A_142 : i32 to vector<16xi32>
        %add3A_144 = arith.addi %add3A_143, %iota3A : vector<16xi32>
        %lt3A_145 = vector.broadcast %scan3A_20 : i32 to vector<16xi32>
        %lt3A_146 = arith.cmpi slt, %add3A_144, %lt3A_145 : vector<16xi32>
        %and3A_147 = arith.andi %eq3A_140, %lt3A_146 : vector<16xi1>
        %convert_element_type3A_148 = arith.extui %and3A_147 : vector<16xi1> to vector<16xi32>
        %broadcast_in_dim3A_149 = arith.constant true
        %broadcast_in_dim3A_150 = vector.broadcast %broadcast_in_dim3A_149 : i1 to vector<16xi1>
        %masked_cumsum3A = tpu.scan <sum>, %convert_element_type3A_148 masked %broadcast_in_dim3A_150 : vector<16xi32>, vector<16xi1> -> vector<16xi32>
        %add3A_151 = vector.broadcast %while3A_129 : i32 to vector<16xi32>
        %add3A_152 = arith.addi %add3A_151, %masked_cumsum3A : vector<16xi32>
        %sub3A_153 = arith.subi %add3A_152, %convert_element_type3A_148 : vector<16xi32>
        tpu.vector_store_idx %arg10[%sub3A_153], %get3A_132 masked %and3A_147 : memref<16400xi32, #tpu.memory_space<vmem>>[vector<16xi32>], vector<16xi32>, vector<16xi1>
        %reduce_sum3A = arith.constant true
        %reduce_sum3A_154 = vector.broadcast %reduce_sum3A : i1 to vector<16xi1>
        %reduce_sum3A_155 = tpu.scan <sum>, %convert_element_type3A_148 masked %reduce_sum3A_154 : vector<16xi32>, vector<16xi1> -> vector<16xi32>
        %reduce_sum3A_156 = vector.extract %reduce_sum3A_155[15] : i32 from vector<16xi32>
        %add3A_157 = arith.addi %while3A_129, %reduce_sum3A_156 : i32
        scf.yield %add3A_157 : i32
      }
      %add3A_110 = arith.constant 15 : i32
      %add3A_111 = arith.addi %while3A_109, %add3A_110 : i32
      %shift_right_logical3A_112 = arith.constant 4 : i32
      %shift_right_logical3A_113 = arith.shrui %add3A_111, %shift_right_logical3A_112 : i32
      %while3A_114 = arith.constant 0 : i32
      %while3A_115 = arith.subi %shift_right_logical3A_113, %while3A_114 : i32
      %while3A_116 = arith.addi %while3A_114, %while3A_115 : i32
      %while3A_117 = arith.constant 1 : i32
      %while3A_118 = arith.divsi %while3A_115, %while3A_117 : i32
      %while3A_119 = arith.muli %while3A_118, %while3A_117 : i32
      %while3A_120 = arith.addi %while3A_114, %while3A_119 : i32
      %while3A_121 = arith.constant 1 : i32
      %while3A_122:2 = scf.for %while3A_128 = %while3A_114 to %while3A_120 step %while3A_121 iter_args(%while3A_129 = %while3A_73, %while3A_130 = %while3A_74) -> (i32, i32)  : i32 {
        %shift_right_logical3A_131 = arith.constant 4 : i32
        %shift_right_logical3A_132 = arith.shrui %while3A_72, %shift_right_logical3A_131 : i32
        %add3A_133 = arith.addi %shift_right_logical3A_132, %while3A_128 : i32
        %and3A_134 = arith.constant 3 : i32
        %and3A_135 = arith.andi %add3A_133, %and3A_134 : i32
        %ge3A_136 = arith.constant 4 : i32
        %ge3A_137 = arith.cmpi sge, %add3A_133, %ge3A_136 : i32
        %convert_element_type3A_138 = arith.extui %ge3A_137 : i1 to i32
        %cond3A_139 = arith.constant 0 : i32
        %cond3A_140 = arith.cmpi ne, %convert_element_type3A_138, %cond3A_139 : i32
        scf.if %cond3A_140 {
          %dma_wait3A = arith.constant 0 : i32
          %dma_wait3A_418 = arith.constant 0 : i32
          %dma_wait3A_419 = arith.constant 0 : i32
          %dma_wait3A_420 = arith.constant 0 : i32
          %dma_wait3A_421 = tpu.memref_slice %arg12[%dma_wait3A_418, %dma_wait3A_419, %dma_wait3A_420] : memref<4x16x128xf32, #tpu.memory_space<vmem>> -> memref<1x16x128xf32, #tpu.memory_space<vmem>>
          %dma_wait3A_422 = tpu.memref_squeeze %dma_wait3A_421 : memref<1x16x128xf32, #tpu.memory_space<vmem>> -> memref<16x128xf32, #tpu.memory_space<vmem>>
          %dma_wait3A_423 = arith.constant 0 : i32
          %dma_wait3A_424 = arith.constant 0 : i32
          %dma_wait3A_425 = tpu.memref_slice %arg5[%dma_wait3A, %dma_wait3A_423, %dma_wait3A_424] : memref<32x18432x128xf32, #tpu.memory_space<hbm>> -> memref<1x16x128xf32, #tpu.memory_space<hbm>>
          %dma_wait3A_426 = tpu.memref_squeeze %dma_wait3A_425 : memref<1x16x128xf32, #tpu.memory_space<hbm>> -> memref<16x128xf32, #tpu.memory_space<hbm>>
          %dma_wait3A_427 = arith.constant 0 : i32
          %dma_wait3A_428 = arith.constant 0 : i32
          %dma_wait3A_429 = tpu.memref_slice %arg12[%dma_wait3A_418, %dma_wait3A_427, %dma_wait3A_428] : memref<4x16x128xf32, #tpu.memory_space<vmem>> -> memref<1x16x128xf32, #tpu.memory_space<vmem>>
          %dma_wait3A_430 = tpu.memref_squeeze %dma_wait3A_429 : memref<1x16x128xf32, #tpu.memory_space<vmem>> -> memref<16x128xf32, #tpu.memory_space<vmem>>
          %dma_wait3A_431 = arith.constant 0 : i32
          %dma_wait3A_432 = arith.constant 0 : i32
          %dma_wait3A_433 = tpu.memref_slice %arg5[%dma_wait3A, %dma_wait3A_431, %dma_wait3A_432] : memref<32x18432x128xf32, #tpu.memory_space<hbm>> -> memref<1x16x128xf32, #tpu.memory_space<hbm>>
          %dma_wait3A_434 = tpu.memref_squeeze %dma_wait3A_433 : memref<1x16x128xf32, #tpu.memory_space<hbm>> -> memref<16x128xf32, #tpu.memory_space<hbm>>
          tpu.wait_dma2 semaphore(%arg16 : memref<!tpu.dma_semaphore, #tpu.memory_space<semaphore_mem>>) src(%dma_wait3A_434 : memref<16x128xf32, #tpu.memory_space<hbm>>) dst(%dma_wait3A_430 : memref<16x128xf32, #tpu.memory_space<vmem>>)
        } else {
        }
        %mul3A_141 = arith.constant 16 : i32
        %mul3A_142 = arith.muli %while3A_128, %mul3A_141 : i32
        %get3A = arith.index_cast %mul3A_142 : i32 to index
        %get3A_143 = tpu.vector_load %arg10[%get3A] {strides = array<i32>} : memref<16400xi32, #tpu.memory_space<vmem>>, vector<16xi32>,
        %mul3A_144 = arith.constant 16 : i32
        %mul3A_145 = arith.muli %while3A_128, %mul3A_144 : i32
        %add3A_146 = vector.broadcast %mul3A_145 : i32 to vector<16xi32>
        %add3A_147 = arith.addi %add3A_146, %iota3A : vector<16xi32>
        %lt3A_148 = vector.broadcast %while3A_109 : i32 to vector<16xi32>
        %lt3A_149 = arith.cmpi slt, %add3A_147, %lt3A_148 : vector<16xi32>
        %select_n3A_150 = arith.select %lt3A_149, %get3A_143, %broadcast_in_dim3A_8 : vector<16xi1>, vector<16xi32>
        %and3A_151 = arith.constant 1023 : i32
        %and3A_152 = vector.broadcast %and3A_151 : i32 to vector<16xi32>
        %and3A_153 = arith.andi %select_n3A_150, %and3A_152 : vector<16xi32>
        %add3A_154 = vector.broadcast %mul3A_97 : i32 to vector<16xi32>
        %add3A_155 = arith.addi %and3A_153, %add3A_154 : vector<16xi32>
        %broadcast_in_dim3A_156 = arith.constant 0 : i32
        %broadcast_in_dim3A_157 = vector.broadcast %broadcast_in_dim3A_156 : i32 to vector<16xi32>
        %gather3A = tpu.vector_load_idx %arg11[%broadcast_in_dim3A_157, %add3A_155] : memref<32x2048xf32, #tpu.memory_space<vmem>>[vector<16xi32>, vector<16xi32>], vector<16xf32>,
        %scatter3A = arith.constant 0 : i32
        %scatter3A_158 = arith.constant 0 : i32
        %scatter3A_159 = tpu.memref_slice %arg12[%and3A_135, %scatter3A, %scatter3A_158] : memref<4x16x128xf32, #tpu.memory_space<vmem>> -> memref<1x16x128xf32, #tpu.memory_space<vmem>>
        %scatter3A_160 = tpu.memref_squeeze %scatter3A_159 : memref<1x16x128xf32, #tpu.memory_space<vmem>> -> memref<16x128xf32, #tpu.memory_space<vmem>>
        tpu.vector_store_idx %scatter3A_160[%iota3A, %broadcast_in_dim3A_157], %gather3A : memref<16x128xf32, #tpu.memory_space<vmem>>[vector<16xi32>, vector<16xi32>], vector<16xf32>,
        %broadcast_in_dim3A_161 = arith.constant 1 : i32
        %broadcast_in_dim3A_162 = vector.broadcast %broadcast_in_dim3A_161 : i32 to vector<16xi32>
        %gather3A_163 = tpu.vector_load_idx %arg11[%broadcast_in_dim3A_162, %add3A_155] : memref<32x2048xf32, #tpu.memory_space<vmem>>[vector<16xi32>, vector<16xi32>], vector<16xf32>,
        %scatter3A_164 = arith.constant 0 : i32
        %scatter3A_165 = arith.constant 0 : i32
        %scatter3A_166 = tpu.memref_slice %arg12[%and3A_135, %scatter3A_164, %scatter3A_165] : memref<4x16x128xf32, #tpu.memory_space<vmem>> -> memref<1x16x128xf32, #tpu.memory_space<vmem>>
        %scatter3A_167 = tpu.memref_squeeze %scatter3A_166 : memref<1x16x128xf32, #tpu.memory_space<vmem>> -> memref<16x128xf32, #tpu.memory_space<vmem>>
        tpu.vector_store_idx %scatter3A_167[%iota3A, %broadcast_in_dim3A_162], %gather3A_163 : memref<16x128xf32, #tpu.memory_space<vmem>>[vector<16xi32>, vector<16xi32>], vector<16xf32>,
        %broadcast_in_dim3A_168 = arith.constant 2 : i32
        %broadcast_in_dim3A_169 = vector.broadcast %broadcast_in_dim3A_168 : i32 to vector<16xi32>
        %gather3A_170 = tpu.vector_load_idx %arg11[%broadcast_in_dim3A_169, %add3A_155] : memref<32x2048xf32, #tpu.memory_space<vmem>>[vector<16xi32>, vector<16xi32>], vector<16xf32>,
        %scatter3A_171 = arith.constant 0 : i32
        %scatter3A_172 = arith.constant 0 : i32
        %scatter3A_173 = tpu.memref_slice %arg12[%and3A_135, %scatter3A_171, %scatter3A_172] : memref<4x16x128xf32, #tpu.memory_space<vmem>> -> memref<1x16x128xf32, #tpu.memory_space<vmem>>
        %scatter3A_174 = tpu.memref_squeeze %scatter3A_173 : memref<1x16x128xf32, #tpu.memory_space<vmem>> -> memref<16x128xf32, #tpu.memory_space<vmem>>
        tpu.vector_store_idx %scatter3A_174[%iota3A, %broadcast_in_dim3A_169], %gather3A_170 : memref<16x128xf32, #tpu.memory_space<vmem>>[vector<16xi32>, vector<16xi32>], vector<16xf32>,
        %broadcast_in_dim3A_175 = arith.constant 3 : i32
        %broadcast_in_dim3A_176 = vector.broadcast %broadcast_in_dim3A_175 : i32 to vector<16xi32>
        %gather3A_177 = tpu.vector_load_idx %arg11[%broadcast_in_dim3A_176, %add3A_155] : memref<32x2048xf32, #tpu.memory_space<vmem>>[vector<16xi32>, vector<16xi32>], vector<16xf32>,
        %scatter3A_178 = arith.constant 0 : i32
        %scatter3A_179 = arith.constant 0 : i32
        %scatter3A_180 = tpu.memref_slice %arg12[%and3A_135, %scatter3A_178, %scatter3A_179] : memref<4x16x128xf32, #tpu.memory_space<vmem>> -> memref<1x16x128xf32, #tpu.memory_space<vmem>>
        %scatter3A_181 = tpu.memref_squeeze %scatter3A_180 : memref<1x16x128xf32, #tpu.memory_space<vmem>> -> memref<16x128xf32, #tpu.memory_space<vmem>>
        tpu.vector_store_idx %scatter3A_181[%iota3A, %broadcast_in_dim3A_176], %gather3A_177 : memref<16x128xf32, #tpu.memory_space<vmem>>[vector<16xi32>, vector<16xi32>], vector<16xf32>,
        %broadcast_in_dim3A_182 = arith.constant 4 : i32
        %broadcast_in_dim3A_183 = vector.broadcast %broadcast_in_dim3A_182 : i32 to vector<16xi32>
        %gather3A_184 = tpu.vector_load_idx %arg11[%broadcast_in_dim3A_183, %add3A_155] : memref<32x2048xf32, #tpu.memory_space<vmem>>[vector<16xi32>, vector<16xi32>], vector<16xf32>,
        %scatter3A_185 = arith.constant 0 : i32
        %scatter3A_186 = arith.constant 0 : i32
        %scatter3A_187 = tpu.memref_slice %arg12[%and3A_135, %scatter3A_185, %scatter3A_186] : memref<4x16x128xf32, #tpu.memory_space<vmem>> -> memref<1x16x128xf32, #tpu.memory_space<vmem>>
        %scatter3A_188 = tpu.memref_squeeze %scatter3A_187 : memref<1x16x128xf32, #tpu.memory_space<vmem>> -> memref<16x128xf32, #tpu.memory_space<vmem>>
        tpu.vector_store_idx %scatter3A_188[%iota3A, %broadcast_in_dim3A_183], %gather3A_184 : memref<16x128xf32, #tpu.memory_space<vmem>>[vector<16xi32>, vector<16xi32>], vector<16xf32>,
        %broadcast_in_dim3A_189 = arith.constant 5 : i32
        %broadcast_in_dim3A_190 = vector.broadcast %broadcast_in_dim3A_189 : i32 to vector<16xi32>
        %gather3A_191 = tpu.vector_load_idx %arg11[%broadcast_in_dim3A_190, %add3A_155] : memref<32x2048xf32, #tpu.memory_space<vmem>>[vector<16xi32>, vector<16xi32>], vector<16xf32>,
        %scatter3A_192 = arith.constant 0 : i32
        %scatter3A_193 = arith.constant 0 : i32
        %scatter3A_194 = tpu.memref_slice %arg12[%and3A_135, %scatter3A_192, %scatter3A_193] : memref<4x16x128xf32, #tpu.memory_space<vmem>> -> memref<1x16x128xf32, #tpu.memory_space<vmem>>
        %scatter3A_195 = tpu.memref_squeeze %scatter3A_194 : memref<1x16x128xf32, #tpu.memory_space<vmem>> -> memref<16x128xf32, #tpu.memory_space<vmem>>
        tpu.vector_store_idx %scatter3A_195[%iota3A, %broadcast_in_dim3A_190], %gather3A_191 : memref<16x128xf32, #tpu.memory_space<vmem>>[vector<16xi32>, vector<16xi32>], vector<16xf32>,
        %broadcast_in_dim3A_196 = arith.constant 6 : i32
        %broadcast_in_dim3A_197 = vector.broadcast %broadcast_in_dim3A_196 : i32 to vector<16xi32>
        %gather3A_198 = tpu.vector_load_idx %arg11[%broadcast_in_dim3A_197, %add3A_155] : memref<32x2048xf32, #tpu.memory_space<vmem>>[vector<16xi32>, vector<16xi32>], vector<16xf32>,
        %scatter3A_199 = arith.constant 0 : i32
        %scatter3A_200 = arith.constant 0 : i32
        %scatter3A_201 = tpu.memref_slice %arg12[%and3A_135, %scatter3A_199, %scatter3A_200] : memref<4x16x128xf32, #tpu.memory_space<vmem>> -> memref<1x16x128xf32, #tpu.memory_space<vmem>>
        %scatter3A_202 = tpu.memref_squeeze %scatter3A_201 : memref<1x16x128xf32, #tpu.memory_space<vmem>> -> memref<16x128xf32, #tpu.memory_space<vmem>>
        tpu.vector_store_idx %scatter3A_202[%iota3A, %broadcast_in_dim3A_197], %gather3A_198 : memref<16x128xf32, #tpu.memory_space<vmem>>[vector<16xi32>, vector<16xi32>], vector<16xf32>,
        %broadcast_in_dim3A_203 = arith.constant 7 : i32
        %broadcast_in_dim3A_204 = vector.broadcast %broadcast_in_dim3A_203 : i32 to vector<16xi32>
        %gather3A_205 = tpu.vector_load_idx %arg11[%broadcast_in_dim3A_204, %add3A_155] : memref<32x2048xf32, #tpu.memory_space<vmem>>[vector<16xi32>, vector<16xi32>], vector<16xf32>,
        %scatter3A_206 = arith.constant 0 : i32
        %scatter3A_207 = arith.constant 0 : i32
        %scatter3A_208 = tpu.memref_slice %arg12[%and3A_135, %scatter3A_206, %scatter3A_207] : memref<4x16x128xf32, #tpu.memory_space<vmem>> -> memref<1x16x128xf32, #tpu.memory_space<vmem>>
        %scatter3A_209 = tpu.memref_squeeze %scatter3A_208 : memref<1x16x128xf32, #tpu.memory_space<vmem>> -> memref<16x128xf32, #tpu.memory_space<vmem>>
        tpu.vector_store_idx %scatter3A_209[%iota3A, %broadcast_in_dim3A_204], %gather3A_205 : memref<16x128xf32, #tpu.memory_space<vmem>>[vector<16xi32>, vector<16xi32>], vector<16xf32>,
        %broadcast_in_dim3A_210 = arith.constant 8 : i32
        %broadcast_in_dim3A_211 = vector.broadcast %broadcast_in_dim3A_210 : i32 to vector<16xi32>
        %gather3A_212 = tpu.vector_load_idx %arg11[%broadcast_in_dim3A_211, %add3A_155] : memref<32x2048xf32, #tpu.memory_space<vmem>>[vector<16xi32>, vector<16xi32>], vector<16xf32>,
        %scatter3A_213 = arith.constant 0 : i32
        %scatter3A_214 = arith.constant 0 : i32
        %scatter3A_215 = tpu.memref_slice %arg12[%and3A_135, %scatter3A_213, %scatter3A_214] : memref<4x16x128xf32, #tpu.memory_space<vmem>> -> memref<1x16x128xf32, #tpu.memory_space<vmem>>
        %scatter3A_216 = tpu.memref_squeeze %scatter3A_215 : memref<1x16x128xf32, #tpu.memory_space<vmem>> -> memref<16x128xf32, #tpu.memory_space<vmem>>
        tpu.vector_store_idx %scatter3A_216[%iota3A, %broadcast_in_dim3A_211], %gather3A_212 : memref<16x128xf32, #tpu.memory_space<vmem>>[vector<16xi32>, vector<16xi32>], vector<16xf32>,
        %broadcast_in_dim3A_217 = arith.constant 9 : i32
        %broadcast_in_dim3A_218 = vector.broadcast %broadcast_in_dim3A_217 : i32 to vector<16xi32>
        %gather3A_219 = tpu.vector_load_idx %arg11[%broadcast_in_dim3A_218, %add3A_155] : memref<32x2048xf32, #tpu.memory_space<vmem>>[vector<16xi32>, vector<16xi32>], vector<16xf32>,
        %scatter3A_220 = arith.constant 0 : i32
        %scatter3A_221 = arith.constant 0 : i32
        %scatter3A_222 = tpu.memref_slice %arg12[%and3A_135, %scatter3A_220, %scatter3A_221] : memref<4x16x128xf32, #tpu.memory_space<vmem>> -> memref<1x16x128xf32, #tpu.memory_space<vmem>>
        %scatter3A_223 = tpu.memref_squeeze %scatter3A_222 : memref<1x16x128xf32, #tpu.memory_space<vmem>> -> memref<16x128xf32, #tpu.memory_space<vmem>>
        tpu.vector_store_idx %scatter3A_223[%iota3A, %broadcast_in_dim3A_218], %gather3A_219 : memref<16x128xf32, #tpu.memory_space<vmem>>[vector<16xi32>, vector<16xi32>], vector<16xf32>,
        %broadcast_in_dim3A_224 = arith.constant 10 : i32
        %broadcast_in_dim3A_225 = vector.broadcast %broadcast_in_dim3A_224 : i32 to vector<16xi32>
        %gather3A_226 = tpu.vector_load_idx %arg11[%broadcast_in_dim3A_225, %add3A_155] : memref<32x2048xf32, #tpu.memory_space<vmem>>[vector<16xi32>, vector<16xi32>], vector<16xf32>,
        %scatter3A_227 = arith.constant 0 : i32
        %scatter3A_228 = arith.constant 0 : i32
        %scatter3A_229 = tpu.memref_slice %arg12[%and3A_135, %scatter3A_227, %scatter3A_228] : memref<4x16x128xf32, #tpu.memory_space<vmem>> -> memref<1x16x128xf32, #tpu.memory_space<vmem>>
        %scatter3A_230 = tpu.memref_squeeze %scatter3A_229 : memref<1x16x128xf32, #tpu.memory_space<vmem>> -> memref<16x128xf32, #tpu.memory_space<vmem>>
        tpu.vector_store_idx %scatter3A_230[%iota3A, %broadcast_in_dim3A_225], %gather3A_226 : memref<16x128xf32, #tpu.memory_space<vmem>>[vector<16xi32>, vector<16xi32>], vector<16xf32>,
        %broadcast_in_dim3A_231 = arith.constant 11 : i32
        %broadcast_in_dim3A_232 = vector.broadcast %broadcast_in_dim3A_231 : i32 to vector<16xi32>
        %gather3A_233 = tpu.vector_load_idx %arg11[%broadcast_in_dim3A_232, %add3A_155] : memref<32x2048xf32, #tpu.memory_space<vmem>>[vector<16xi32>, vector<16xi32>], vector<16xf32>,
        %scatter3A_234 = arith.constant 0 : i32
        %scatter3A_235 = arith.constant 0 : i32
        %scatter3A_236 = tpu.memref_slice %arg12[%and3A_135, %scatter3A_234, %scatter3A_235] : memref<4x16x128xf32, #tpu.memory_space<vmem>> -> memref<1x16x128xf32, #tpu.memory_space<vmem>>
        %scatter3A_237 = tpu.memref_squeeze %scatter3A_236 : memref<1x16x128xf32, #tpu.memory_space<vmem>> -> memref<16x128xf32, #tpu.memory_space<vmem>>
        tpu.vector_store_idx %scatter3A_237[%iota3A, %broadcast_in_dim3A_232], %gather3A_233 : memref<16x128xf32, #tpu.memory_space<vmem>>[vector<16xi32>, vector<16xi32>], vector<16xf32>,
        %broadcast_in_dim3A_238 = arith.constant 12 : i32
        %broadcast_in_dim3A_239 = vector.broadcast %broadcast_in_dim3A_238 : i32 to vector<16xi32>
        %gather3A_240 = tpu.vector_load_idx %arg11[%broadcast_in_dim3A_239, %add3A_155] : memref<32x2048xf32, #tpu.memory_space<vmem>>[vector<16xi32>, vector<16xi32>], vector<16xf32>,
        %scatter3A_241 = arith.constant 0 : i32
        %scatter3A_242 = arith.constant 0 : i32
        %scatter3A_243 = tpu.memref_slice %arg12[%and3A_135, %scatter3A_241, %scatter3A_242] : memref<4x16x128xf32, #tpu.memory_space<vmem>> -> memref<1x16x128xf32, #tpu.memory_space<vmem>>
        %scatter3A_244 = tpu.memref_squeeze %scatter3A_243 : memref<1x16x128xf32, #tpu.memory_space<vmem>> -> memref<16x128xf32, #tpu.memory_space<vmem>>
        tpu.vector_store_idx %scatter3A_244[%iota3A, %broadcast_in_dim3A_239], %gather3A_240 : memref<16x128xf32, #tpu.memory_space<vmem>>[vector<16xi32>, vector<16xi32>], vector<16xf32>,
        %broadcast_in_dim3A_245 = arith.constant 13 : i32
        %broadcast_in_dim3A_246 = vector.broadcast %broadcast_in_dim3A_245 : i32 to vector<16xi32>
        %gather3A_247 = tpu.vector_load_idx %arg11[%broadcast_in_dim3A_246, %add3A_155] : memref<32x2048xf32, #tpu.memory_space<vmem>>[vector<16xi32>, vector<16xi32>], vector<16xf32>,
        %scatter3A_248 = arith.constant 0 : i32
        %scatter3A_249 = arith.constant 0 : i32
        %scatter3A_250 = tpu.memref_slice %arg12[%and3A_135, %scatter3A_248, %scatter3A_249] : memref<4x16x128xf32, #tpu.memory_space<vmem>> -> memref<1x16x128xf32, #tpu.memory_space<vmem>>
        %scatter3A_251 = tpu.memref_squeeze %scatter3A_250 : memref<1x16x128xf32, #tpu.memory_space<vmem>> -> memref<16x128xf32, #tpu.memory_space<vmem>>
        tpu.vector_store_idx %scatter3A_251[%iota3A, %broadcast_in_dim3A_246], %gather3A_247 : memref<16x128xf32, #tpu.memory_space<vmem>>[vector<16xi32>, vector<16xi32>], vector<16xf32>,
        %broadcast_in_dim3A_252 = arith.constant 14 : i32
        %broadcast_in_dim3A_253 = vector.broadcast %broadcast_in_dim3A_252 : i32 to vector<16xi32>
        %gather3A_254 = tpu.vector_load_idx %arg11[%broadcast_in_dim3A_253, %add3A_155] : memref<32x2048xf32, #tpu.memory_space<vmem>>[vector<16xi32>, vector<16xi32>], vector<16xf32>,
        %scatter3A_255 = arith.constant 0 : i32
        %scatter3A_256 = arith.constant 0 : i32
        %scatter3A_257 = tpu.memref_slice %arg12[%and3A_135, %scatter3A_255, %scatter3A_256] : memref<4x16x128xf32, #tpu.memory_space<vmem>> -> memref<1x16x128xf32, #tpu.memory_space<vmem>>
        %scatter3A_258 = tpu.memref_squeeze %scatter3A_257 : memref<1x16x128xf32, #tpu.memory_space<vmem>> -> memref<16x128xf32, #tpu.memory_space<vmem>>
        tpu.vector_store_idx %scatter3A_258[%iota3A, %broadcast_in_dim3A_253], %gather3A_254 : memref<16x128xf32, #tpu.memory_space<vmem>>[vector<16xi32>, vector<16xi32>], vector<16xf32>,
        %broadcast_in_dim3A_259 = arith.constant 15 : i32
        %broadcast_in_dim3A_260 = vector.broadcast %broadcast_in_dim3A_259 : i32 to vector<16xi32>
        %gather3A_261 = tpu.vector_load_idx %arg11[%broadcast_in_dim3A_260, %add3A_155] : memref<32x2048xf32, #tpu.memory_space<vmem>>[vector<16xi32>, vector<16xi32>], vector<16xf32>,
        %scatter3A_262 = arith.constant 0 : i32
        %scatter3A_263 = arith.constant 0 : i32
        %scatter3A_264 = tpu.memref_slice %arg12[%and3A_135, %scatter3A_262, %scatter3A_263] : memref<4x16x128xf32, #tpu.memory_space<vmem>> -> memref<1x16x128xf32, #tpu.memory_space<vmem>>
        %scatter3A_265 = tpu.memref_squeeze %scatter3A_264 : memref<1x16x128xf32, #tpu.memory_space<vmem>> -> memref<16x128xf32, #tpu.memory_space<vmem>>
        tpu.vector_store_idx %scatter3A_265[%iota3A, %broadcast_in_dim3A_260], %gather3A_261 : memref<16x128xf32, #tpu.memory_space<vmem>>[vector<16xi32>, vector<16xi32>], vector<16xf32>,
        %broadcast_in_dim3A_266 = arith.constant 16 : i32
        %broadcast_in_dim3A_267 = vector.broadcast %broadcast_in_dim3A_266 : i32 to vector<16xi32>
        %gather3A_268 = tpu.vector_load_idx %arg11[%broadcast_in_dim3A_267, %add3A_155] : memref<32x2048xf32, #tpu.memory_space<vmem>>[vector<16xi32>, vector<16xi32>], vector<16xf32>,
        %scatter3A_269 = arith.constant 0 : i32
        %scatter3A_270 = arith.constant 0 : i32
        %scatter3A_271 = tpu.memref_slice %arg12[%and3A_135, %scatter3A_269, %scatter3A_270] : memref<4x16x128xf32, #tpu.memory_space<vmem>> -> memref<1x16x128xf32, #tpu.memory_space<vmem>>
        %scatter3A_272 = tpu.memref_squeeze %scatter3A_271 : memref<1x16x128xf32, #tpu.memory_space<vmem>> -> memref<16x128xf32, #tpu.memory_space<vmem>>
        tpu.vector_store_idx %scatter3A_272[%iota3A, %broadcast_in_dim3A_267], %gather3A_268 : memref<16x128xf32, #tpu.memory_space<vmem>>[vector<16xi32>, vector<16xi32>], vector<16xf32>,
        %broadcast_in_dim3A_273 = arith.constant 17 : i32
        %broadcast_in_dim3A_274 = vector.broadcast %broadcast_in_dim3A_273 : i32 to vector<16xi32>
        %gather3A_275 = tpu.vector_load_idx %arg11[%broadcast_in_dim3A_274, %add3A_155] : memref<32x2048xf32, #tpu.memory_space<vmem>>[vector<16xi32>, vector<16xi32>], vector<16xf32>,
        %scatter3A_276 = arith.constant 0 : i32
        %scatter3A_277 = arith.constant 0 : i32
        %scatter3A_278 = tpu.memref_slice %arg12[%and3A_135, %scatter3A_276, %scatter3A_277] : memref<4x16x128xf32, #tpu.memory_space<vmem>> -> memref<1x16x128xf32, #tpu.memory_space<vmem>>
        %scatter3A_279 = tpu.memref_squeeze %scatter3A_278 : memref<1x16x128xf32, #tpu.memory_space<vmem>> -> memref<16x128xf32, #tpu.memory_space<vmem>>
        tpu.vector_store_idx %scatter3A_279[%iota3A, %broadcast_in_dim3A_274], %gather3A_275 : memref<16x128xf32, #tpu.memory_space<vmem>>[vector<16xi32>, vector<16xi32>], vector<16xf32>,
        %broadcast_in_dim3A_280 = arith.constant 18 : i32
        %broadcast_in_dim3A_281 = vector.broadcast %broadcast_in_dim3A_280 : i32 to vector<16xi32>
        %gather3A_282 = tpu.vector_load_idx %arg11[%broadcast_in_dim3A_281, %add3A_155] : memref<32x2048xf32, #tpu.memory_space<vmem>>[vector<16xi32>, vector<16xi32>], vector<16xf32>,
        %scatter3A_283 = arith.constant 0 : i32
        %scatter3A_284 = arith.constant 0 : i32
        %scatter3A_285 = tpu.memref_slice %arg12[%and3A_135, %scatter3A_283, %scatter3A_284] : memref<4x16x128xf32, #tpu.memory_space<vmem>> -> memref<1x16x128xf32, #tpu.memory_space<vmem>>
        %scatter3A_286 = tpu.memref_squeeze %scatter3A_285 : memref<1x16x128xf32, #tpu.memory_space<vmem>> -> memref<16x128xf32, #tpu.memory_space<vmem>>
        tpu.vector_store_idx %scatter3A_286[%iota3A, %broadcast_in_dim3A_281], %gather3A_282 : memref<16x128xf32, #tpu.memory_space<vmem>>[vector<16xi32>, vector<16xi32>], vector<16xf32>,
        %broadcast_in_dim3A_287 = arith.constant 19 : i32
        %broadcast_in_dim3A_288 = vector.broadcast %broadcast_in_dim3A_287 : i32 to vector<16xi32>
        %gather3A_289 = tpu.vector_load_idx %arg11[%broadcast_in_dim3A_288, %add3A_155] : memref<32x2048xf32, #tpu.memory_space<vmem>>[vector<16xi32>, vector<16xi32>], vector<16xf32>,
        %scatter3A_290 = arith.constant 0 : i32
        %scatter3A_291 = arith.constant 0 : i32
        %scatter3A_292 = tpu.memref_slice %arg12[%and3A_135, %scatter3A_290, %scatter3A_291] : memref<4x16x128xf32, #tpu.memory_space<vmem>> -> memref<1x16x128xf32, #tpu.memory_space<vmem>>
        %scatter3A_293 = tpu.memref_squeeze %scatter3A_292 : memref<1x16x128xf32, #tpu.memory_space<vmem>> -> memref<16x128xf32, #tpu.memory_space<vmem>>
        tpu.vector_store_idx %scatter3A_293[%iota3A, %broadcast_in_dim3A_288], %gather3A_289 : memref<16x128xf32, #tpu.memory_space<vmem>>[vector<16xi32>, vector<16xi32>], vector<16xf32>,
        %broadcast_in_dim3A_294 = arith.constant 20 : i32
        %broadcast_in_dim3A_295 = vector.broadcast %broadcast_in_dim3A_294 : i32 to vector<16xi32>
        %gather3A_296 = tpu.vector_load_idx %arg11[%broadcast_in_dim3A_295, %add3A_155] : memref<32x2048xf32, #tpu.memory_space<vmem>>[vector<16xi32>, vector<16xi32>], vector<16xf32>,
        %scatter3A_297 = arith.constant 0 : i32
        %scatter3A_298 = arith.constant 0 : i32
        %scatter3A_299 = tpu.memref_slice %arg12[%and3A_135, %scatter3A_297, %scatter3A_298] : memref<4x16x128xf32, #tpu.memory_space<vmem>> -> memref<1x16x128xf32, #tpu.memory_space<vmem>>
        %scatter3A_300 = tpu.memref_squeeze %scatter3A_299 : memref<1x16x128xf32, #tpu.memory_space<vmem>> -> memref<16x128xf32, #tpu.memory_space<vmem>>
        tpu.vector_store_idx %scatter3A_300[%iota3A, %broadcast_in_dim3A_295], %gather3A_296 : memref<16x128xf32, #tpu.memory_space<vmem>>[vector<16xi32>, vector<16xi32>], vector<16xf32>,
        %broadcast_in_dim3A_301 = arith.constant 21 : i32
        %broadcast_in_dim3A_302 = vector.broadcast %broadcast_in_dim3A_301 : i32 to vector<16xi32>
        %gather3A_303 = tpu.vector_load_idx %arg11[%broadcast_in_dim3A_302, %add3A_155] : memref<32x2048xf32, #tpu.memory_space<vmem>>[vector<16xi32>, vector<16xi32>], vector<16xf32>,
        %scatter3A_304 = arith.constant 0 : i32
        %scatter3A_305 = arith.constant 0 : i32
        %scatter3A_306 = tpu.memref_slice %arg12[%and3A_135, %scatter3A_304, %scatter3A_305] : memref<4x16x128xf32, #tpu.memory_space<vmem>> -> memref<1x16x128xf32, #tpu.memory_space<vmem>>
        %scatter3A_307 = tpu.memref_squeeze %scatter3A_306 : memref<1x16x128xf32, #tpu.memory_space<vmem>> -> memref<16x128xf32, #tpu.memory_space<vmem>>
        tpu.vector_store_idx %scatter3A_307[%iota3A, %broadcast_in_dim3A_302], %gather3A_303 : memref<16x128xf32, #tpu.memory_space<vmem>>[vector<16xi32>, vector<16xi32>], vector<16xf32>,
        %broadcast_in_dim3A_308 = arith.constant 22 : i32
        %broadcast_in_dim3A_309 = vector.broadcast %broadcast_in_dim3A_308 : i32 to vector<16xi32>
        %gather3A_310 = tpu.vector_load_idx %arg11[%broadcast_in_dim3A_309, %add3A_155] : memref<32x2048xf32, #tpu.memory_space<vmem>>[vector<16xi32>, vector<16xi32>], vector<16xf32>,
        %scatter3A_311 = arith.constant 0 : i32
        %scatter3A_312 = arith.constant 0 : i32
        %scatter3A_313 = tpu.memref_slice %arg12[%and3A_135, %scatter3A_311, %scatter3A_312] : memref<4x16x128xf32, #tpu.memory_space<vmem>> -> memref<1x16x128xf32, #tpu.memory_space<vmem>>
        %scatter3A_314 = tpu.memref_squeeze %scatter3A_313 : memref<1x16x128xf32, #tpu.memory_space<vmem>> -> memref<16x128xf32, #tpu.memory_space<vmem>>
        tpu.vector_store_idx %scatter3A_314[%iota3A, %broadcast_in_dim3A_309], %gather3A_310 : memref<16x128xf32, #tpu.memory_space<vmem>>[vector<16xi32>, vector<16xi32>], vector<16xf32>,
        %broadcast_in_dim3A_315 = arith.constant 23 : i32
        %broadcast_in_dim3A_316 = vector.broadcast %broadcast_in_dim3A_315 : i32 to vector<16xi32>
        %gather3A_317 = tpu.vector_load_idx %arg11[%broadcast_in_dim3A_316, %add3A_155] : memref<32x2048xf32, #tpu.memory_space<vmem>>[vector<16xi32>, vector<16xi32>], vector<16xf32>,
        %scatter3A_318 = arith.constant 0 : i32
        %scatter3A_319 = arith.constant 0 : i32
        %scatter3A_320 = tpu.memref_slice %arg12[%and3A_135, %scatter3A_318, %scatter3A_319] : memref<4x16x128xf32, #tpu.memory_space<vmem>> -> memref<1x16x128xf32, #tpu.memory_space<vmem>>
        %scatter3A_321 = tpu.memref_squeeze %scatter3A_320 : memref<1x16x128xf32, #tpu.memory_space<vmem>> -> memref<16x128xf32, #tpu.memory_space<vmem>>
        tpu.vector_store_idx %scatter3A_321[%iota3A, %broadcast_in_dim3A_316], %gather3A_317 : memref<16x128xf32, #tpu.memory_space<vmem>>[vector<16xi32>, vector<16xi32>], vector<16xf32>,
        %broadcast_in_dim3A_322 = arith.constant 24 : i32
        %broadcast_in_dim3A_323 = vector.broadcast %broadcast_in_dim3A_322 : i32 to vector<16xi32>
        %gather3A_324 = tpu.vector_load_idx %arg11[%broadcast_in_dim3A_323, %add3A_155] : memref<32x2048xf32, #tpu.memory_space<vmem>>[vector<16xi32>, vector<16xi32>], vector<16xf32>,
        %scatter3A_325 = arith.constant 0 : i32
        %scatter3A_326 = arith.constant 0 : i32
        %scatter3A_327 = tpu.memref_slice %arg12[%and3A_135, %scatter3A_325, %scatter3A_326] : memref<4x16x128xf32, #tpu.memory_space<vmem>> -> memref<1x16x128xf32, #tpu.memory_space<vmem>>
        %scatter3A_328 = tpu.memref_squeeze %scatter3A_327 : memref<1x16x128xf32, #tpu.memory_space<vmem>> -> memref<16x128xf32, #tpu.memory_space<vmem>>
        tpu.vector_store_idx %scatter3A_328[%iota3A, %broadcast_in_dim3A_323], %gather3A_324 : memref<16x128xf32, #tpu.memory_space<vmem>>[vector<16xi32>, vector<16xi32>], vector<16xf32>,
        %broadcast_in_dim3A_329 = arith.constant 25 : i32
        %broadcast_in_dim3A_330 = vector.broadcast %broadcast_in_dim3A_329 : i32 to vector<16xi32>
        %gather3A_331 = tpu.vector_load_idx %arg11[%broadcast_in_dim3A_330, %add3A_155] : memref<32x2048xf32, #tpu.memory_space<vmem>>[vector<16xi32>, vector<16xi32>], vector<16xf32>,
        %scatter3A_332 = arith.constant 0 : i32
        %scatter3A_333 = arith.constant 0 : i32
        %scatter3A_334 = tpu.memref_slice %arg12[%and3A_135, %scatter3A_332, %scatter3A_333] : memref<4x16x128xf32, #tpu.memory_space<vmem>> -> memref<1x16x128xf32, #tpu.memory_space<vmem>>
        %scatter3A_335 = tpu.memref_squeeze %scatter3A_334 : memref<1x16x128xf32, #tpu.memory_space<vmem>> -> memref<16x128xf32, #tpu.memory_space<vmem>>
        tpu.vector_store_idx %scatter3A_335[%iota3A, %broadcast_in_dim3A_330], %gather3A_331 : memref<16x128xf32, #tpu.memory_space<vmem>>[vector<16xi32>, vector<16xi32>], vector<16xf32>,
        %broadcast_in_dim3A_336 = arith.constant 26 : i32
        %broadcast_in_dim3A_337 = vector.broadcast %broadcast_in_dim3A_336 : i32 to vector<16xi32>
        %gather3A_338 = tpu.vector_load_idx %arg11[%broadcast_in_dim3A_337, %add3A_155] : memref<32x2048xf32, #tpu.memory_space<vmem>>[vector<16xi32>, vector<16xi32>], vector<16xf32>,
        %scatter3A_339 = arith.constant 0 : i32
        %scatter3A_340 = arith.constant 0 : i32
        %scatter3A_341 = tpu.memref_slice %arg12[%and3A_135, %scatter3A_339, %scatter3A_340] : memref<4x16x128xf32, #tpu.memory_space<vmem>> -> memref<1x16x128xf32, #tpu.memory_space<vmem>>
        %scatter3A_342 = tpu.memref_squeeze %scatter3A_341 : memref<1x16x128xf32, #tpu.memory_space<vmem>> -> memref<16x128xf32, #tpu.memory_space<vmem>>
        tpu.vector_store_idx %scatter3A_342[%iota3A, %broadcast_in_dim3A_337], %gather3A_338 : memref<16x128xf32, #tpu.memory_space<vmem>>[vector<16xi32>, vector<16xi32>], vector<16xf32>,
        %broadcast_in_dim3A_343 = arith.constant 27 : i32
        %broadcast_in_dim3A_344 = vector.broadcast %broadcast_in_dim3A_343 : i32 to vector<16xi32>
        %gather3A_345 = tpu.vector_load_idx %arg11[%broadcast_in_dim3A_344, %add3A_155] : memref<32x2048xf32, #tpu.memory_space<vmem>>[vector<16xi32>, vector<16xi32>], vector<16xf32>,
        %scatter3A_346 = arith.constant 0 : i32
        %scatter3A_347 = arith.constant 0 : i32
        %scatter3A_348 = tpu.memref_slice %arg12[%and3A_135, %scatter3A_346, %scatter3A_347] : memref<4x16x128xf32, #tpu.memory_space<vmem>> -> memref<1x16x128xf32, #tpu.memory_space<vmem>>
        %scatter3A_349 = tpu.memref_squeeze %scatter3A_348 : memref<1x16x128xf32, #tpu.memory_space<vmem>> -> memref<16x128xf32, #tpu.memory_space<vmem>>
        tpu.vector_store_idx %scatter3A_349[%iota3A, %broadcast_in_dim3A_344], %gather3A_345 : memref<16x128xf32, #tpu.memory_space<vmem>>[vector<16xi32>, vector<16xi32>], vector<16xf32>,
        %broadcast_in_dim3A_350 = arith.constant 28 : i32
        %broadcast_in_dim3A_351 = vector.broadcast %broadcast_in_dim3A_350 : i32 to vector<16xi32>
        %gather3A_352 = tpu.vector_load_idx %arg11[%broadcast_in_dim3A_351, %add3A_155] : memref<32x2048xf32, #tpu.memory_space<vmem>>[vector<16xi32>, vector<16xi32>], vector<16xf32>,
        %scatter3A_353 = arith.constant 0 : i32
        %scatter3A_354 = arith.constant 0 : i32
        %scatter3A_355 = tpu.memref_slice %arg12[%and3A_135, %scatter3A_353, %scatter3A_354] : memref<4x16x128xf32, #tpu.memory_space<vmem>> -> memref<1x16x128xf32, #tpu.memory_space<vmem>>
        %scatter3A_356 = tpu.memref_squeeze %scatter3A_355 : memref<1x16x128xf32, #tpu.memory_space<vmem>> -> memref<16x128xf32, #tpu.memory_space<vmem>>
        tpu.vector_store_idx %scatter3A_356[%iota3A, %broadcast_in_dim3A_351], %gather3A_352 : memref<16x128xf32, #tpu.memory_space<vmem>>[vector<16xi32>, vector<16xi32>], vector<16xf32>,
        %broadcast_in_dim3A_357 = arith.constant 29 : i32
        %broadcast_in_dim3A_358 = vector.broadcast %broadcast_in_dim3A_357 : i32 to vector<16xi32>
        %gather3A_359 = tpu.vector_load_idx %arg11[%broadcast_in_dim3A_358, %add3A_155] : memref<32x2048xf32, #tpu.memory_space<vmem>>[vector<16xi32>, vector<16xi32>], vector<16xf32>,
        %scatter3A_360 = arith.constant 0 : i32
        %scatter3A_361 = arith.constant 0 : i32
        %scatter3A_362 = tpu.memref_slice %arg12[%and3A_135, %scatter3A_360, %scatter3A_361] : memref<4x16x128xf32, #tpu.memory_space<vmem>> -> memref<1x16x128xf32, #tpu.memory_space<vmem>>
        %scatter3A_363 = tpu.memref_squeeze %scatter3A_362 : memref<1x16x128xf32, #tpu.memory_space<vmem>> -> memref<16x128xf32, #tpu.memory_space<vmem>>
        tpu.vector_store_idx %scatter3A_363[%iota3A, %broadcast_in_dim3A_358], %gather3A_359 : memref<16x128xf32, #tpu.memory_space<vmem>>[vector<16xi32>, vector<16xi32>], vector<16xf32>,
        %broadcast_in_dim3A_364 = arith.constant 30 : i32
        %broadcast_in_dim3A_365 = vector.broadcast %broadcast_in_dim3A_364 : i32 to vector<16xi32>
        %gather3A_366 = tpu.vector_load_idx %arg11[%broadcast_in_dim3A_365, %add3A_155] : memref<32x2048xf32, #tpu.memory_space<vmem>>[vector<16xi32>, vector<16xi32>], vector<16xf32>,
        %scatter3A_367 = arith.constant 0 : i32
        %scatter3A_368 = arith.constant 0 : i32
        %scatter3A_369 = tpu.memref_slice %arg12[%and3A_135, %scatter3A_367, %scatter3A_368] : memref<4x16x128xf32, #tpu.memory_space<vmem>> -> memref<1x16x128xf32, #tpu.memory_space<vmem>>
        %scatter3A_370 = tpu.memref_squeeze %scatter3A_369 : memref<1x16x128xf32, #tpu.memory_space<vmem>> -> memref<16x128xf32, #tpu.memory_space<vmem>>
        tpu.vector_store_idx %scatter3A_370[%iota3A, %broadcast_in_dim3A_365], %gather3A_366 : memref<16x128xf32, #tpu.memory_space<vmem>>[vector<16xi32>, vector<16xi32>], vector<16xf32>,
        %broadcast_in_dim3A_371 = arith.constant 31 : i32
        %broadcast_in_dim3A_372 = vector.broadcast %broadcast_in_dim3A_371 : i32 to vector<16xi32>
        %gather3A_373 = tpu.vector_load_idx %arg11[%broadcast_in_dim3A_372, %add3A_155] : memref<32x2048xf32, #tpu.memory_space<vmem>>[vector<16xi32>, vector<16xi32>], vector<16xf32>,
        %scatter3A_374 = arith.constant 0 : i32
        %scatter3A_375 = arith.constant 0 : i32
        %scatter3A_376 = tpu.memref_slice %arg12[%and3A_135, %scatter3A_374, %scatter3A_375] : memref<4x16x128xf32, #tpu.memory_space<vmem>> -> memref<1x16x128xf32, #tpu.memory_space<vmem>>
        %scatter3A_377 = tpu.memref_squeeze %scatter3A_376 : memref<1x16x128xf32, #tpu.memory_space<vmem>> -> memref<16x128xf32, #tpu.memory_space<vmem>>
        tpu.vector_store_idx %scatter3A_377[%iota3A, %broadcast_in_dim3A_372], %gather3A_373 : memref<16x128xf32, #tpu.memory_space<vmem>>[vector<16xi32>, vector<16xi32>], vector<16xf32>,
        %mul3A_378 = arith.constant 16 : i32
        %mul3A_379 = arith.muli %while3A_128, %mul3A_378 : i32
        %add3A_380 = arith.addi %while3A_72, %mul3A_379 : i32
        %multiple_of3A_381 = tpu.assume_multiple %add3A_380, 8 : i32
        %dma_start3A = arith.constant 0 : i32
        %dma_start3A_382 = arith.constant 0 : i32
        %dma_start3A_383 = tpu.memref_slice %arg12[%and3A_135, %dma_start3A, %dma_start3A_382] : memref<4x16x128xf32, #tpu.memory_space<vmem>> -> memref<1x16x128xf32, #tpu.memory_space<vmem>>
        %dma_start3A_384 = tpu.memref_squeeze %dma_start3A_383 : memref<1x16x128xf32, #tpu.memory_space<vmem>> -> memref<16x128xf32, #tpu.memory_space<vmem>>
        %dma_start3A_385 = arith.constant 0 : i32
        %dma_start3A_386 = tpu.memref_slice %arg5[%add3A, %multiple_of3A_381, %dma_start3A_385] : memref<32x18432x128xf32, #tpu.memory_space<hbm>> -> memref<1x16x128xf32, #tpu.memory_space<hbm>>
        %dma_start3A_387 = tpu.memref_squeeze %dma_start3A_386 : memref<1x16x128xf32, #tpu.memory_space<hbm>> -> memref<16x128xf32, #tpu.memory_space<hbm>>
        %dma_start3A_388 = arith.constant 0 : i32
        %dma_start3A_389 = tpu.memref_slice %arg5[%add3A, %multiple_of3A_381, %dma_start3A_388] : memref<32x18432x128xf32, #tpu.memory_space<hbm>> -> memref<1x16x128xf32, #tpu.memory_space<hbm>>
        %dma_start3A_390 = tpu.memref_squeeze %dma_start3A_389 : memref<1x16x128xf32, #tpu.memory_space<hbm>> -> memref<16x128xf32, #tpu.memory_space<hbm>>
        %dma_start3A_391 = arith.constant 0 : i32
        %dma_start3A_392 = arith.constant 0 : i32
        %dma_start3A_393 = tpu.memref_slice %arg12[%and3A_135, %dma_start3A_391, %dma_start3A_392] : memref<4x16x128xf32, #tpu.memory_space<vmem>> -> memref<1x16x128xf32, #tpu.memory_space<vmem>>
        %dma_start3A_394 = tpu.memref_squeeze %dma_start3A_393 : memref<1x16x128xf32, #tpu.memory_space<vmem>> -> memref<16x128xf32, #tpu.memory_space<vmem>>
        tpu.enqueue_dma source(%dma_start3A_394 : memref<16x128xf32, #tpu.memory_space<vmem>>) target(%dma_start3A_390 : memref<16x128xf32, #tpu.memory_space<hbm>>) target_semaphore(%arg16 : memref<!tpu.dma_semaphore, #tpu.memory_space<semaphore_mem>>)
        %shift_right_logical3A_395 = arith.constant 7 : i32
        %shift_right_logical3A_396 = arith.shrui %while3A_129, %shift_right_logical3A_395 : i32
        %and3A_397 = arith.constant 127 : i32
        %and3A_398 = arith.andi %while3A_129, %and3A_397 : i32
        %swap3A_399 = arith.index_cast %shift_right_logical3A_396 : i32 to index
        %swap3A_400 = arith.index_cast %and3A_398 : i32 to index
        %swap3A_401 = tpu.vector_load %arg13[%swap3A_399, %swap3A_400] {strides = array<i32>} : memref<8x128xi32, #tpu.memory_space<vmem>>, vector<16xi32>,
        tpu.vector_store %arg13[%swap3A_399, %swap3A_400], %select_n3A_150 {strides = array<i32>} : memref<8x128xi32, #tpu.memory_space<vmem>>, vector<16xi32>,
        %add3A_402 = arith.constant 16 : i32
        %add3A_403 = arith.addi %while3A_129, %add3A_402 : i32
        %eq3A_404 = arith.constant 1024 : i32
        %eq3A_405 = arith.cmpi eq, %add3A_403, %eq3A_404 : i32
        %convert_element_type3A_406 = arith.extui %eq3A_405 : i1 to i32
        %cond3A_407 = arith.constant 0 : i32
        %cond3A_408 = arith.cmpi ne, %convert_element_type3A_406, %cond3A_407 : i32
        scf.if %cond3A_408 {
          %multiple_of3A_418 = tpu.assume_multiple %while3A_130, 8 : i32
          "tpu.region"() ({
            %run_scoped3A = tpu.sem_alloc : memref<!tpu.dma_semaphore, #tpu.memory_space<semaphore_mem>>
            %dma_start3A_419 = arith.constant 0 : i32
            %dma_start3A_420 = tpu.memref_slice %arg6[%add3A, %multiple_of3A_418, %dma_start3A_419] : memref<32x144x128xi32, #tpu.memory_space<hbm>> -> memref<1x8x128xi32, #tpu.memory_space<hbm>>
            %dma_start3A_421 = tpu.memref_squeeze %dma_start3A_420 : memref<1x8x128xi32, #tpu.memory_space<hbm>> -> memref<8x128xi32, #tpu.memory_space<hbm>>
            %dma_start3A_422 = arith.constant 0 : i32
            %dma_start3A_423 = tpu.memref_slice %arg6[%add3A, %multiple_of3A_418, %dma_start3A_422] : memref<32x144x128xi32, #tpu.memory_space<hbm>> -> memref<1x8x128xi32, #tpu.memory_space<hbm>>
            %dma_start3A_424 = tpu.memref_squeeze %dma_start3A_423 : memref<1x8x128xi32, #tpu.memory_space<hbm>> -> memref<8x128xi32, #tpu.memory_space<hbm>>
            tpu.enqueue_dma source(%arg13 : memref<8x128xi32, #tpu.memory_space<vmem>>) target(%dma_start3A_424 : memref<8x128xi32, #tpu.memory_space<hbm>>) target_semaphore(%run_scoped3A : memref<!tpu.dma_semaphore, #tpu.memory_space<semaphore_mem>>)
            %dma_wait3A = arith.constant 0 : i32
            %dma_wait3A_425 = tpu.memref_slice %arg6[%add3A, %multiple_of3A_418, %dma_wait3A] : memref<32x144x128xi32, #tpu.memory_space<hbm>> -> memref<1x8x128xi32, #tpu.memory_space<hbm>>
            %dma_wait3A_426 = tpu.memref_squeeze %dma_wait3A_425 : memref<1x8x128xi32, #tpu.memory_space<hbm>> -> memref<8x128xi32, #tpu.memory_space<hbm>>
            %dma_wait3A_427 = arith.constant 0 : i32
            %dma_wait3A_428 = tpu.memref_slice %arg6[%add3A, %multiple_of3A_418, %dma_wait3A_427] : memref<32x144x128xi32, #tpu.memory_space<hbm>> -> memref<1x8x128xi32, #tpu.memory_space<hbm>>
            %dma_wait3A_429 = tpu.memref_squeeze %dma_wait3A_428 : memref<1x8x128xi32, #tpu.memory_space<hbm>> -> memref<8x128xi32, #tpu.memory_space<hbm>>
            tpu.wait_dma2 semaphore(%run_scoped3A : memref<!tpu.dma_semaphore, #tpu.memory_space<semaphore_mem>>) src(%arg13 : memref<8x128xi32, #tpu.memory_space<vmem>>) dst(%dma_wait3A_429 : memref<8x128xi32, #tpu.memory_space<hbm>>)
            tpu.yield
          }) : () -> ()
        } else {
        }
        %eq3A_409 = arith.constant 1024 : i32
        %eq3A_410 = arith.cmpi eq, %add3A_403, %eq3A_409 : i32
        %add3A_411 = arith.constant 8 : i32
        %add3A_412 = arith.addi %while3A_130, %add3A_411 : i32
        %select_n3A_413 = arith.select %eq3A_410, %add3A_412, %while3A_130 : i32
        %eq3A_414 = arith.constant 1024 : i32
        %eq3A_415 = arith.cmpi eq, %add3A_403, %eq3A_414 : i32
        %jit3A_416 = arith.constant 0 : i32
        %select_n3A_417 = arith.select %eq3A_415, %jit3A_416, %add3A_403 : i32
        scf.yield %select_n3A_417, %select_n3A_413 : i32, i32
      }
      %while3A_123 = arith.constant 1 : i32
      %while3A_124:2 = scf.for %while3A_128 = %while3A_120 to %while3A_116 step %while3A_123 iter_args(%while3A_129 = %while3A_122#0, %while3A_130 = %while3A_122#1) -> (i32, i32)  : i32 {
        %shift_right_logical3A_131 = arith.constant 4 : i32
        %shift_right_logical3A_132 = arith.shrui %while3A_72, %shift_right_logical3A_131 : i32
        %add3A_133 = arith.addi %shift_right_logical3A_132, %while3A_128 : i32
        %and3A_134 = arith.constant 3 : i32
        %and3A_135 = arith.andi %add3A_133, %and3A_134 : i32
        %ge3A_136 = arith.constant 4 : i32
        %ge3A_137 = arith.cmpi sge, %add3A_133, %ge3A_136 : i32
        %convert_element_type3A_138 = arith.extui %ge3A_137 : i1 to i32
        %cond3A_139 = arith.constant 0 : i32
        %cond3A_140 = arith.cmpi ne, %convert_element_type3A_138, %cond3A_139 : i32
        scf.if %cond3A_140 {
          %dma_wait3A = arith.constant 0 : i32
          %dma_wait3A_418 = arith.constant 0 : i32
          %dma_wait3A_419 = arith.constant 0 : i32
          %dma_wait3A_420 = arith.constant 0 : i32
          %dma_wait3A_421 = tpu.memref_slice %arg12[%dma_wait3A_418, %dma_wait3A_419, %dma_wait3A_420] : memref<4x16x128xf32, #tpu.memory_space<vmem>> -> memref<1x16x128xf32, #tpu.memory_space<vmem>>
          %dma_wait3A_422 = tpu.memref_squeeze %dma_wait3A_421 : memref<1x16x128xf32, #tpu.memory_space<vmem>> -> memref<16x128xf32, #tpu.memory_space<vmem>>
          %dma_wait3A_423 = arith.constant 0 : i32
          %dma_wait3A_424 = arith.constant 0 : i32
          %dma_wait3A_425 = tpu.memref_slice %arg5[%dma_wait3A, %dma_wait3A_423, %dma_wait3A_424] : memref<32x18432x128xf32, #tpu.memory_space<hbm>> -> memref<1x16x128xf32, #tpu.memory_space<hbm>>
          %dma_wait3A_426 = tpu.memref_squeeze %dma_wait3A_425 : memref<1x16x128xf32, #tpu.memory_space<hbm>> -> memref<16x128xf32, #tpu.memory_space<hbm>>
          %dma_wait3A_427 = arith.constant 0 : i32
          %dma_wait3A_428 = arith.constant 0 : i32
          %dma_wait3A_429 = tpu.memref_slice %arg12[%dma_wait3A_418, %dma_wait3A_427, %dma_wait3A_428] : memref<4x16x128xf32, #tpu.memory_space<vmem>> -> memref<1x16x128xf32, #tpu.memory_space<vmem>>
          %dma_wait3A_430 = tpu.memref_squeeze %dma_wait3A_429 : memref<1x16x128xf32, #tpu.memory_space<vmem>> -> memref<16x128xf32, #tpu.memory_space<vmem>>
          %dma_wait3A_431 = arith.constant 0 : i32
          %dma_wait3A_432 = arith.constant 0 : i32
          %dma_wait3A_433 = tpu.memref_slice %arg5[%dma_wait3A, %dma_wait3A_431, %dma_wait3A_432] : memref<32x18432x128xf32, #tpu.memory_space<hbm>> -> memref<1x16x128xf32, #tpu.memory_space<hbm>>
          %dma_wait3A_434 = tpu.memref_squeeze %dma_wait3A_433 : memref<1x16x128xf32, #tpu.memory_space<hbm>> -> memref<16x128xf32, #tpu.memory_space<hbm>>
          tpu.wait_dma2 semaphore(%arg16 : memref<!tpu.dma_semaphore, #tpu.memory_space<semaphore_mem>>) src(%dma_wait3A_434 : memref<16x128xf32, #tpu.memory_space<hbm>>) dst(%dma_wait3A_430 : memref<16x128xf32, #tpu.memory_space<vmem>>)
        } else {
        }
        %mul3A_141 = arith.constant 16 : i32
        %mul3A_142 = arith.muli %while3A_128, %mul3A_141 : i32
        %get3A = arith.index_cast %mul3A_142 : i32 to index
        %get3A_143 = tpu.vector_load %arg10[%get3A] {strides = array<i32>} : memref<16400xi32, #tpu.memory_space<vmem>>, vector<16xi32>,
        %mul3A_144 = arith.constant 16 : i32
        %mul3A_145 = arith.muli %while3A_128, %mul3A_144 : i32
        %add3A_146 = vector.broadcast %mul3A_145 : i32 to vector<16xi32>
        %add3A_147 = arith.addi %add3A_146, %iota3A : vector<16xi32>
        %lt3A_148 = vector.broadcast %while3A_109 : i32 to vector<16xi32>
        %lt3A_149 = arith.cmpi slt, %add3A_147, %lt3A_148 : vector<16xi32>
        %select_n3A_150 = arith.select %lt3A_149, %get3A_143, %broadcast_in_dim3A_8 : vector<16xi1>, vector<16xi32>
        %and3A_151 = arith.constant 1023 : i32
        %and3A_152 = vector.broadcast %and3A_151 : i32 to vector<16xi32>
        %and3A_153 = arith.andi %select_n3A_150, %and3A_152 : vector<16xi32>
        %add3A_154 = vector.broadcast %mul3A_97 : i32 to vector<16xi32>
        %add3A_155 = arith.addi %and3A_153, %add3A_154 : vector<16xi32>
        %broadcast_in_dim3A_156 = arith.constant 0 : i32
        %broadcast_in_dim3A_157 = vector.broadcast %broadcast_in_dim3A_156 : i32 to vector<16xi32>
        %gather3A = tpu.vector_load_idx %arg11[%broadcast_in_dim3A_157, %add3A_155] : memref<32x2048xf32, #tpu.memory_space<vmem>>[vector<16xi32>, vector<16xi32>], vector<16xf32>,
        %scatter3A = arith.constant 0 : i32
        %scatter3A_158 = arith.constant 0 : i32
        %scatter3A_159 = tpu.memref_slice %arg12[%and3A_135, %scatter3A, %scatter3A_158] : memref<4x16x128xf32, #tpu.memory_space<vmem>> -> memref<1x16x128xf32, #tpu.memory_space<vmem>>
        %scatter3A_160 = tpu.memref_squeeze %scatter3A_159 : memref<1x16x128xf32, #tpu.memory_space<vmem>> -> memref<16x128xf32, #tpu.memory_space<vmem>>
        tpu.vector_store_idx %scatter3A_160[%iota3A, %broadcast_in_dim3A_157], %gather3A : memref<16x128xf32, #tpu.memory_space<vmem>>[vector<16xi32>, vector<16xi32>], vector<16xf32>,
        %broadcast_in_dim3A_161 = arith.constant 1 : i32
        %broadcast_in_dim3A_162 = vector.broadcast %broadcast_in_dim3A_161 : i32 to vector<16xi32>
        %gather3A_163 = tpu.vector_load_idx %arg11[%broadcast_in_dim3A_162, %add3A_155] : memref<32x2048xf32, #tpu.memory_space<vmem>>[vector<16xi32>, vector<16xi32>], vector<16xf32>,
        %scatter3A_164 = arith.constant 0 : i32
        %scatter3A_165 = arith.constant 0 : i32
        %scatter3A_166 = tpu.memref_slice %arg12[%and3A_135, %scatter3A_164, %scatter3A_165] : memref<4x16x128xf32, #tpu.memory_space<vmem>> -> memref<1x16x128xf32, #tpu.memory_space<vmem>>
        %scatter3A_167 = tpu.memref_squeeze %scatter3A_166 : memref<1x16x128xf32, #tpu.memory_space<vmem>> -> memref<16x128xf32, #tpu.memory_space<vmem>>
        tpu.vector_store_idx %scatter3A_167[%iota3A, %broadcast_in_dim3A_162], %gather3A_163 : memref<16x128xf32, #tpu.memory_space<vmem>>[vector<16xi32>, vector<16xi32>], vector<16xf32>,
        %broadcast_in_dim3A_168 = arith.constant 2 : i32
        %broadcast_in_dim3A_169 = vector.broadcast %broadcast_in_dim3A_168 : i32 to vector<16xi32>
        %gather3A_170 = tpu.vector_load_idx %arg11[%broadcast_in_dim3A_169, %add3A_155] : memref<32x2048xf32, #tpu.memory_space<vmem>>[vector<16xi32>, vector<16xi32>], vector<16xf32>,
        %scatter3A_171 = arith.constant 0 : i32
        %scatter3A_172 = arith.constant 0 : i32
        %scatter3A_173 = tpu.memref_slice %arg12[%and3A_135, %scatter3A_171, %scatter3A_172] : memref<4x16x128xf32, #tpu.memory_space<vmem>> -> memref<1x16x128xf32, #tpu.memory_space<vmem>>
        %scatter3A_174 = tpu.memref_squeeze %scatter3A_173 : memref<1x16x128xf32, #tpu.memory_space<vmem>> -> memref<16x128xf32, #tpu.memory_space<vmem>>
        tpu.vector_store_idx %scatter3A_174[%iota3A, %broadcast_in_dim3A_169], %gather3A_170 : memref<16x128xf32, #tpu.memory_space<vmem>>[vector<16xi32>, vector<16xi32>], vector<16xf32>,
        %broadcast_in_dim3A_175 = arith.constant 3 : i32
        %broadcast_in_dim3A_176 = vector.broadcast %broadcast_in_dim3A_175 : i32 to vector<16xi32>
        %gather3A_177 = tpu.vector_load_idx %arg11[%broadcast_in_dim3A_176, %add3A_155] : memref<32x2048xf32, #tpu.memory_space<vmem>>[vector<16xi32>, vector<16xi32>], vector<16xf32>,
        %scatter3A_178 = arith.constant 0 : i32
        %scatter3A_179 = arith.constant 0 : i32
        %scatter3A_180 = tpu.memref_slice %arg12[%and3A_135, %scatter3A_178, %scatter3A_179] : memref<4x16x128xf32, #tpu.memory_space<vmem>> -> memref<1x16x128xf32, #tpu.memory_space<vmem>>
        %scatter3A_181 = tpu.memref_squeeze %scatter3A_180 : memref<1x16x128xf32, #tpu.memory_space<vmem>> -> memref<16x128xf32, #tpu.memory_space<vmem>>
        tpu.vector_store_idx %scatter3A_181[%iota3A, %broadcast_in_dim3A_176], %gather3A_177 : memref<16x128xf32, #tpu.memory_space<vmem>>[vector<16xi32>, vector<16xi32>], vector<16xf32>,
        %broadcast_in_dim3A_182 = arith.constant 4 : i32
        %broadcast_in_dim3A_183 = vector.broadcast %broadcast_in_dim3A_182 : i32 to vector<16xi32>
        %gather3A_184 = tpu.vector_load_idx %arg11[%broadcast_in_dim3A_183, %add3A_155] : memref<32x2048xf32, #tpu.memory_space<vmem>>[vector<16xi32>, vector<16xi32>], vector<16xf32>,
        %scatter3A_185 = arith.constant 0 : i32
        %scatter3A_186 = arith.constant 0 : i32
        %scatter3A_187 = tpu.memref_slice %arg12[%and3A_135, %scatter3A_185, %scatter3A_186] : memref<4x16x128xf32, #tpu.memory_space<vmem>> -> memref<1x16x128xf32, #tpu.memory_space<vmem>>
        %scatter3A_188 = tpu.memref_squeeze %scatter3A_187 : memref<1x16x128xf32, #tpu.memory_space<vmem>> -> memref<16x128xf32, #tpu.memory_space<vmem>>
        tpu.vector_store_idx %scatter3A_188[%iota3A, %broadcast_in_dim3A_183], %gather3A_184 : memref<16x128xf32, #tpu.memory_space<vmem>>[vector<16xi32>, vector<16xi32>], vector<16xf32>,
        %broadcast_in_dim3A_189 = arith.constant 5 : i32
        %broadcast_in_dim3A_190 = vector.broadcast %broadcast_in_dim3A_189 : i32 to vector<16xi32>
        %gather3A_191 = tpu.vector_load_idx %arg11[%broadcast_in_dim3A_190, %add3A_155] : memref<32x2048xf32, #tpu.memory_space<vmem>>[vector<16xi32>, vector<16xi32>], vector<16xf32>,
        %scatter3A_192 = arith.constant 0 : i32
        %scatter3A_193 = arith.constant 0 : i32
        %scatter3A_194 = tpu.memref_slice %arg12[%and3A_135, %scatter3A_192, %scatter3A_193] : memref<4x16x128xf32, #tpu.memory_space<vmem>> -> memref<1x16x128xf32, #tpu.memory_space<vmem>>
        %scatter3A_195 = tpu.memref_squeeze %scatter3A_194 : memref<1x16x128xf32, #tpu.memory_space<vmem>> -> memref<16x128xf32, #tpu.memory_space<vmem>>
        tpu.vector_store_idx %scatter3A_195[%iota3A, %broadcast_in_dim3A_190], %gather3A_191 : memref<16x128xf32, #tpu.memory_space<vmem>>[vector<16xi32>, vector<16xi32>], vector<16xf32>,
        %broadcast_in_dim3A_196 = arith.constant 6 : i32
        %broadcast_in_dim3A_197 = vector.broadcast %broadcast_in_dim3A_196 : i32 to vector<16xi32>
        %gather3A_198 = tpu.vector_load_idx %arg11[%broadcast_in_dim3A_197, %add3A_155] : memref<32x2048xf32, #tpu.memory_space<vmem>>[vector<16xi32>, vector<16xi32>], vector<16xf32>,
        %scatter3A_199 = arith.constant 0 : i32
        %scatter3A_200 = arith.constant 0 : i32
        %scatter3A_201 = tpu.memref_slice %arg12[%and3A_135, %scatter3A_199, %scatter3A_200] : memref<4x16x128xf32, #tpu.memory_space<vmem>> -> memref<1x16x128xf32, #tpu.memory_space<vmem>>
        %scatter3A_202 = tpu.memref_squeeze %scatter3A_201 : memref<1x16x128xf32, #tpu.memory_space<vmem>> -> memref<16x128xf32, #tpu.memory_space<vmem>>
        tpu.vector_store_idx %scatter3A_202[%iota3A, %broadcast_in_dim3A_197], %gather3A_198 : memref<16x128xf32, #tpu.memory_space<vmem>>[vector<16xi32>, vector<16xi32>], vector<16xf32>,
        %broadcast_in_dim3A_203 = arith.constant 7 : i32
        %broadcast_in_dim3A_204 = vector.broadcast %broadcast_in_dim3A_203 : i32 to vector<16xi32>
        %gather3A_205 = tpu.vector_load_idx %arg11[%broadcast_in_dim3A_204, %add3A_155] : memref<32x2048xf32, #tpu.memory_space<vmem>>[vector<16xi32>, vector<16xi32>], vector<16xf32>,
        %scatter3A_206 = arith.constant 0 : i32
        %scatter3A_207 = arith.constant 0 : i32
        %scatter3A_208 = tpu.memref_slice %arg12[%and3A_135, %scatter3A_206, %scatter3A_207] : memref<4x16x128xf32, #tpu.memory_space<vmem>> -> memref<1x16x128xf32, #tpu.memory_space<vmem>>
        %scatter3A_209 = tpu.memref_squeeze %scatter3A_208 : memref<1x16x128xf32, #tpu.memory_space<vmem>> -> memref<16x128xf32, #tpu.memory_space<vmem>>
        tpu.vector_store_idx %scatter3A_209[%iota3A, %broadcast_in_dim3A_204], %gather3A_205 : memref<16x128xf32, #tpu.memory_space<vmem>>[vector<16xi32>, vector<16xi32>], vector<16xf32>,
        %broadcast_in_dim3A_210 = arith.constant 8 : i32
        %broadcast_in_dim3A_211 = vector.broadcast %broadcast_in_dim3A_210 : i32 to vector<16xi32>
        %gather3A_212 = tpu.vector_load_idx %arg11[%broadcast_in_dim3A_211, %add3A_155] : memref<32x2048xf32, #tpu.memory_space<vmem>>[vector<16xi32>, vector<16xi32>], vector<16xf32>,
        %scatter3A_213 = arith.constant 0 : i32
        %scatter3A_214 = arith.constant 0 : i32
        %scatter3A_215 = tpu.memref_slice %arg12[%and3A_135, %scatter3A_213, %scatter3A_214] : memref<4x16x128xf32, #tpu.memory_space<vmem>> -> memref<1x16x128xf32, #tpu.memory_space<vmem>>
        %scatter3A_216 = tpu.memref_squeeze %scatter3A_215 : memref<1x16x128xf32, #tpu.memory_space<vmem>> -> memref<16x128xf32, #tpu.memory_space<vmem>>
        tpu.vector_store_idx %scatter3A_216[%iota3A, %broadcast_in_dim3A_211], %gather3A_212 : memref<16x128xf32, #tpu.memory_space<vmem>>[vector<16xi32>, vector<16xi32>], vector<16xf32>,
        %broadcast_in_dim3A_217 = arith.constant 9 : i32
        %broadcast_in_dim3A_218 = vector.broadcast %broadcast_in_dim3A_217 : i32 to vector<16xi32>
        %gather3A_219 = tpu.vector_load_idx %arg11[%broadcast_in_dim3A_218, %add3A_155] : memref<32x2048xf32, #tpu.memory_space<vmem>>[vector<16xi32>, vector<16xi32>], vector<16xf32>,
        %scatter3A_220 = arith.constant 0 : i32
        %scatter3A_221 = arith.constant 0 : i32
        %scatter3A_222 = tpu.memref_slice %arg12[%and3A_135, %scatter3A_220, %scatter3A_221] : memref<4x16x128xf32, #tpu.memory_space<vmem>> -> memref<1x16x128xf32, #tpu.memory_space<vmem>>
        %scatter3A_223 = tpu.memref_squeeze %scatter3A_222 : memref<1x16x128xf32, #tpu.memory_space<vmem>> -> memref<16x128xf32, #tpu.memory_space<vmem>>
        tpu.vector_store_idx %scatter3A_223[%iota3A, %broadcast_in_dim3A_218], %gather3A_219 : memref<16x128xf32, #tpu.memory_space<vmem>>[vector<16xi32>, vector<16xi32>], vector<16xf32>,
        %broadcast_in_dim3A_224 = arith.constant 10 : i32
        %broadcast_in_dim3A_225 = vector.broadcast %broadcast_in_dim3A_224 : i32 to vector<16xi32>
        %gather3A_226 = tpu.vector_load_idx %arg11[%broadcast_in_dim3A_225, %add3A_155] : memref<32x2048xf32, #tpu.memory_space<vmem>>[vector<16xi32>, vector<16xi32>], vector<16xf32>,
        %scatter3A_227 = arith.constant 0 : i32
        %scatter3A_228 = arith.constant 0 : i32
        %scatter3A_229 = tpu.memref_slice %arg12[%and3A_135, %scatter3A_227, %scatter3A_228] : memref<4x16x128xf32, #tpu.memory_space<vmem>> -> memref<1x16x128xf32, #tpu.memory_space<vmem>>
        %scatter3A_230 = tpu.memref_squeeze %scatter3A_229 : memref<1x16x128xf32, #tpu.memory_space<vmem>> -> memref<16x128xf32, #tpu.memory_space<vmem>>
        tpu.vector_store_idx %scatter3A_230[%iota3A, %broadcast_in_dim3A_225], %gather3A_226 : memref<16x128xf32, #tpu.memory_space<vmem>>[vector<16xi32>, vector<16xi32>], vector<16xf32>,
        %broadcast_in_dim3A_231 = arith.constant 11 : i32
        %broadcast_in_dim3A_232 = vector.broadcast %broadcast_in_dim3A_231 : i32 to vector<16xi32>
        %gather3A_233 = tpu.vector_load_idx %arg11[%broadcast_in_dim3A_232, %add3A_155] : memref<32x2048xf32, #tpu.memory_space<vmem>>[vector<16xi32>, vector<16xi32>], vector<16xf32>,
        %scatter3A_234 = arith.constant 0 : i32
        %scatter3A_235 = arith.constant 0 : i32
        %scatter3A_236 = tpu.memref_slice %arg12[%and3A_135, %scatter3A_234, %scatter3A_235] : memref<4x16x128xf32, #tpu.memory_space<vmem>> -> memref<1x16x128xf32, #tpu.memory_space<vmem>>
        %scatter3A_237 = tpu.memref_squeeze %scatter3A_236 : memref<1x16x128xf32, #tpu.memory_space<vmem>> -> memref<16x128xf32, #tpu.memory_space<vmem>>
        tpu.vector_store_idx %scatter3A_237[%iota3A, %broadcast_in_dim3A_232], %gather3A_233 : memref<16x128xf32, #tpu.memory_space<vmem>>[vector<16xi32>, vector<16xi32>], vector<16xf32>,
        %broadcast_in_dim3A_238 = arith.constant 12 : i32
        %broadcast_in_dim3A_239 = vector.broadcast %broadcast_in_dim3A_238 : i32 to vector<16xi32>
        %gather3A_240 = tpu.vector_load_idx %arg11[%broadcast_in_dim3A_239, %add3A_155] : memref<32x2048xf32, #tpu.memory_space<vmem>>[vector<16xi32>, vector<16xi32>], vector<16xf32>,
        %scatter3A_241 = arith.constant 0 : i32
        %scatter3A_242 = arith.constant 0 : i32
        %scatter3A_243 = tpu.memref_slice %arg12[%and3A_135, %scatter3A_241, %scatter3A_242] : memref<4x16x128xf32, #tpu.memory_space<vmem>> -> memref<1x16x128xf32, #tpu.memory_space<vmem>>
        %scatter3A_244 = tpu.memref_squeeze %scatter3A_243 : memref<1x16x128xf32, #tpu.memory_space<vmem>> -> memref<16x128xf32, #tpu.memory_space<vmem>>
        tpu.vector_store_idx %scatter3A_244[%iota3A, %broadcast_in_dim3A_239], %gather3A_240 : memref<16x128xf32, #tpu.memory_space<vmem>>[vector<16xi32>, vector<16xi32>], vector<16xf32>,
        %broadcast_in_dim3A_245 = arith.constant 13 : i32
        %broadcast_in_dim3A_246 = vector.broadcast %broadcast_in_dim3A_245 : i32 to vector<16xi32>
        %gather3A_247 = tpu.vector_load_idx %arg11[%broadcast_in_dim3A_246, %add3A_155] : memref<32x2048xf32, #tpu.memory_space<vmem>>[vector<16xi32>, vector<16xi32>], vector<16xf32>,
        %scatter3A_248 = arith.constant 0 : i32
        %scatter3A_249 = arith.constant 0 : i32
        %scatter3A_250 = tpu.memref_slice %arg12[%and3A_135, %scatter3A_248, %scatter3A_249] : memref<4x16x128xf32, #tpu.memory_space<vmem>> -> memref<1x16x128xf32, #tpu.memory_space<vmem>>
        %scatter3A_251 = tpu.memref_squeeze %scatter3A_250 : memref<1x16x128xf32, #tpu.memory_space<vmem>> -> memref<16x128xf32, #tpu.memory_space<vmem>>
        tpu.vector_store_idx %scatter3A_251[%iota3A, %broadcast_in_dim3A_246], %gather3A_247 : memref<16x128xf32, #tpu.memory_space<vmem>>[vector<16xi32>, vector<16xi32>], vector<16xf32>,
        %broadcast_in_dim3A_252 = arith.constant 14 : i32
        %broadcast_in_dim3A_253 = vector.broadcast %broadcast_in_dim3A_252 : i32 to vector<16xi32>
        %gather3A_254 = tpu.vector_load_idx %arg11[%broadcast_in_dim3A_253, %add3A_155] : memref<32x2048xf32, #tpu.memory_space<vmem>>[vector<16xi32>, vector<16xi32>], vector<16xf32>,
        %scatter3A_255 = arith.constant 0 : i32
        %scatter3A_256 = arith.constant 0 : i32
        %scatter3A_257 = tpu.memref_slice %arg12[%and3A_135, %scatter3A_255, %scatter3A_256] : memref<4x16x128xf32, #tpu.memory_space<vmem>> -> memref<1x16x128xf32, #tpu.memory_space<vmem>>
        %scatter3A_258 = tpu.memref_squeeze %scatter3A_257 : memref<1x16x128xf32, #tpu.memory_space<vmem>> -> memref<16x128xf32, #tpu.memory_space<vmem>>
        tpu.vector_store_idx %scatter3A_258[%iota3A, %broadcast_in_dim3A_253], %gather3A_254 : memref<16x128xf32, #tpu.memory_space<vmem>>[vector<16xi32>, vector<16xi32>], vector<16xf32>,
        %broadcast_in_dim3A_259 = arith.constant 15 : i32
        %broadcast_in_dim3A_260 = vector.broadcast %broadcast_in_dim3A_259 : i32 to vector<16xi32>
        %gather3A_261 = tpu.vector_load_idx %arg11[%broadcast_in_dim3A_260, %add3A_155] : memref<32x2048xf32, #tpu.memory_space<vmem>>[vector<16xi32>, vector<16xi32>], vector<16xf32>,
        %scatter3A_262 = arith.constant 0 : i32
        %scatter3A_263 = arith.constant 0 : i32
        %scatter3A_264 = tpu.memref_slice %arg12[%and3A_135, %scatter3A_262, %scatter3A_263] : memref<4x16x128xf32, #tpu.memory_space<vmem>> -> memref<1x16x128xf32, #tpu.memory_space<vmem>>
        %scatter3A_265 = tpu.memref_squeeze %scatter3A_264 : memref<1x16x128xf32, #tpu.memory_space<vmem>> -> memref<16x128xf32, #tpu.memory_space<vmem>>
        tpu.vector_store_idx %scatter3A_265[%iota3A, %broadcast_in_dim3A_260], %gather3A_261 : memref<16x128xf32, #tpu.memory_space<vmem>>[vector<16xi32>, vector<16xi32>], vector<16xf32>,
        %broadcast_in_dim3A_266 = arith.constant 16 : i32
        %broadcast_in_dim3A_267 = vector.broadcast %broadcast_in_dim3A_266 : i32 to vector<16xi32>
        %gather3A_268 = tpu.vector_load_idx %arg11[%broadcast_in_dim3A_267, %add3A_155] : memref<32x2048xf32, #tpu.memory_space<vmem>>[vector<16xi32>, vector<16xi32>], vector<16xf32>,
        %scatter3A_269 = arith.constant 0 : i32
        %scatter3A_270 = arith.constant 0 : i32
        %scatter3A_271 = tpu.memref_slice %arg12[%and3A_135, %scatter3A_269, %scatter3A_270] : memref<4x16x128xf32, #tpu.memory_space<vmem>> -> memref<1x16x128xf32, #tpu.memory_space<vmem>>
        %scatter3A_272 = tpu.memref_squeeze %scatter3A_271 : memref<1x16x128xf32, #tpu.memory_space<vmem>> -> memref<16x128xf32, #tpu.memory_space<vmem>>
        tpu.vector_store_idx %scatter3A_272[%iota3A, %broadcast_in_dim3A_267], %gather3A_268 : memref<16x128xf32, #tpu.memory_space<vmem>>[vector<16xi32>, vector<16xi32>], vector<16xf32>,
        %broadcast_in_dim3A_273 = arith.constant 17 : i32
        %broadcast_in_dim3A_274 = vector.broadcast %broadcast_in_dim3A_273 : i32 to vector<16xi32>
        %gather3A_275 = tpu.vector_load_idx %arg11[%broadcast_in_dim3A_274, %add3A_155] : memref<32x2048xf32, #tpu.memory_space<vmem>>[vector<16xi32>, vector<16xi32>], vector<16xf32>,
        %scatter3A_276 = arith.constant 0 : i32
        %scatter3A_277 = arith.constant 0 : i32
        %scatter3A_278 = tpu.memref_slice %arg12[%and3A_135, %scatter3A_276, %scatter3A_277] : memref<4x16x128xf32, #tpu.memory_space<vmem>> -> memref<1x16x128xf32, #tpu.memory_space<vmem>>
        %scatter3A_279 = tpu.memref_squeeze %scatter3A_278 : memref<1x16x128xf32, #tpu.memory_space<vmem>> -> memref<16x128xf32, #tpu.memory_space<vmem>>
        tpu.vector_store_idx %scatter3A_279[%iota3A, %broadcast_in_dim3A_274], %gather3A_275 : memref<16x128xf32, #tpu.memory_space<vmem>>[vector<16xi32>, vector<16xi32>], vector<16xf32>,
        %broadcast_in_dim3A_280 = arith.constant 18 : i32
        %broadcast_in_dim3A_281 = vector.broadcast %broadcast_in_dim3A_280 : i32 to vector<16xi32>
        %gather3A_282 = tpu.vector_load_idx %arg11[%broadcast_in_dim3A_281, %add3A_155] : memref<32x2048xf32, #tpu.memory_space<vmem>>[vector<16xi32>, vector<16xi32>], vector<16xf32>,
        %scatter3A_283 = arith.constant 0 : i32
        %scatter3A_284 = arith.constant 0 : i32
        %scatter3A_285 = tpu.memref_slice %arg12[%and3A_135, %scatter3A_283, %scatter3A_284] : memref<4x16x128xf32, #tpu.memory_space<vmem>> -> memref<1x16x128xf32, #tpu.memory_space<vmem>>
        %scatter3A_286 = tpu.memref_squeeze %scatter3A_285 : memref<1x16x128xf32, #tpu.memory_space<vmem>> -> memref<16x128xf32, #tpu.memory_space<vmem>>
        tpu.vector_store_idx %scatter3A_286[%iota3A, %broadcast_in_dim3A_281], %gather3A_282 : memref<16x128xf32, #tpu.memory_space<vmem>>[vector<16xi32>, vector<16xi32>], vector<16xf32>,
        %broadcast_in_dim3A_287 = arith.constant 19 : i32
        %broadcast_in_dim3A_288 = vector.broadcast %broadcast_in_dim3A_287 : i32 to vector<16xi32>
        %gather3A_289 = tpu.vector_load_idx %arg11[%broadcast_in_dim3A_288, %add3A_155] : memref<32x2048xf32, #tpu.memory_space<vmem>>[vector<16xi32>, vector<16xi32>], vector<16xf32>,
        %scatter3A_290 = arith.constant 0 : i32
        %scatter3A_291 = arith.constant 0 : i32
        %scatter3A_292 = tpu.memref_slice %arg12[%and3A_135, %scatter3A_290, %scatter3A_291] : memref<4x16x128xf32, #tpu.memory_space<vmem>> -> memref<1x16x128xf32, #tpu.memory_space<vmem>>
        %scatter3A_293 = tpu.memref_squeeze %scatter3A_292 : memref<1x16x128xf32, #tpu.memory_space<vmem>> -> memref<16x128xf32, #tpu.memory_space<vmem>>
        tpu.vector_store_idx %scatter3A_293[%iota3A, %broadcast_in_dim3A_288], %gather3A_289 : memref<16x128xf32, #tpu.memory_space<vmem>>[vector<16xi32>, vector<16xi32>], vector<16xf32>,
        %broadcast_in_dim3A_294 = arith.constant 20 : i32
        %broadcast_in_dim3A_295 = vector.broadcast %broadcast_in_dim3A_294 : i32 to vector<16xi32>
        %gather3A_296 = tpu.vector_load_idx %arg11[%broadcast_in_dim3A_295, %add3A_155] : memref<32x2048xf32, #tpu.memory_space<vmem>>[vector<16xi32>, vector<16xi32>], vector<16xf32>,
        %scatter3A_297 = arith.constant 0 : i32
        %scatter3A_298 = arith.constant 0 : i32
        %scatter3A_299 = tpu.memref_slice %arg12[%and3A_135, %scatter3A_297, %scatter3A_298] : memref<4x16x128xf32, #tpu.memory_space<vmem>> -> memref<1x16x128xf32, #tpu.memory_space<vmem>>
        %scatter3A_300 = tpu.memref_squeeze %scatter3A_299 : memref<1x16x128xf32, #tpu.memory_space<vmem>> -> memref<16x128xf32, #tpu.memory_space<vmem>>
        tpu.vector_store_idx %scatter3A_300[%iota3A, %broadcast_in_dim3A_295], %gather3A_296 : memref<16x128xf32, #tpu.memory_space<vmem>>[vector<16xi32>, vector<16xi32>], vector<16xf32>,
        %broadcast_in_dim3A_301 = arith.constant 21 : i32
        %broadcast_in_dim3A_302 = vector.broadcast %broadcast_in_dim3A_301 : i32 to vector<16xi32>
        %gather3A_303 = tpu.vector_load_idx %arg11[%broadcast_in_dim3A_302, %add3A_155] : memref<32x2048xf32, #tpu.memory_space<vmem>>[vector<16xi32>, vector<16xi32>], vector<16xf32>,
        %scatter3A_304 = arith.constant 0 : i32
        %scatter3A_305 = arith.constant 0 : i32
        %scatter3A_306 = tpu.memref_slice %arg12[%and3A_135, %scatter3A_304, %scatter3A_305] : memref<4x16x128xf32, #tpu.memory_space<vmem>> -> memref<1x16x128xf32, #tpu.memory_space<vmem>>
        %scatter3A_307 = tpu.memref_squeeze %scatter3A_306 : memref<1x16x128xf32, #tpu.memory_space<vmem>> -> memref<16x128xf32, #tpu.memory_space<vmem>>
        tpu.vector_store_idx %scatter3A_307[%iota3A, %broadcast_in_dim3A_302], %gather3A_303 : memref<16x128xf32, #tpu.memory_space<vmem>>[vector<16xi32>, vector<16xi32>], vector<16xf32>,
        %broadcast_in_dim3A_308 = arith.constant 22 : i32
        %broadcast_in_dim3A_309 = vector.broadcast %broadcast_in_dim3A_308 : i32 to vector<16xi32>
        %gather3A_310 = tpu.vector_load_idx %arg11[%broadcast_in_dim3A_309, %add3A_155] : memref<32x2048xf32, #tpu.memory_space<vmem>>[vector<16xi32>, vector<16xi32>], vector<16xf32>,
        %scatter3A_311 = arith.constant 0 : i32
        %scatter3A_312 = arith.constant 0 : i32
        %scatter3A_313 = tpu.memref_slice %arg12[%and3A_135, %scatter3A_311, %scatter3A_312] : memref<4x16x128xf32, #tpu.memory_space<vmem>> -> memref<1x16x128xf32, #tpu.memory_space<vmem>>
        %scatter3A_314 = tpu.memref_squeeze %scatter3A_313 : memref<1x16x128xf32, #tpu.memory_space<vmem>> -> memref<16x128xf32, #tpu.memory_space<vmem>>
        tpu.vector_store_idx %scatter3A_314[%iota3A, %broadcast_in_dim3A_309], %gather3A_310 : memref<16x128xf32, #tpu.memory_space<vmem>>[vector<16xi32>, vector<16xi32>], vector<16xf32>,
        %broadcast_in_dim3A_315 = arith.constant 23 : i32
        %broadcast_in_dim3A_316 = vector.broadcast %broadcast_in_dim3A_315 : i32 to vector<16xi32>
        %gather3A_317 = tpu.vector_load_idx %arg11[%broadcast_in_dim3A_316, %add3A_155] : memref<32x2048xf32, #tpu.memory_space<vmem>>[vector<16xi32>, vector<16xi32>], vector<16xf32>,
        %scatter3A_318 = arith.constant 0 : i32
        %scatter3A_319 = arith.constant 0 : i32
        %scatter3A_320 = tpu.memref_slice %arg12[%and3A_135, %scatter3A_318, %scatter3A_319] : memref<4x16x128xf32, #tpu.memory_space<vmem>> -> memref<1x16x128xf32, #tpu.memory_space<vmem>>
        %scatter3A_321 = tpu.memref_squeeze %scatter3A_320 : memref<1x16x128xf32, #tpu.memory_space<vmem>> -> memref<16x128xf32, #tpu.memory_space<vmem>>
        tpu.vector_store_idx %scatter3A_321[%iota3A, %broadcast_in_dim3A_316], %gather3A_317 : memref<16x128xf32, #tpu.memory_space<vmem>>[vector<16xi32>, vector<16xi32>], vector<16xf32>,
        %broadcast_in_dim3A_322 = arith.constant 24 : i32
        %broadcast_in_dim3A_323 = vector.broadcast %broadcast_in_dim3A_322 : i32 to vector<16xi32>
        %gather3A_324 = tpu.vector_load_idx %arg11[%broadcast_in_dim3A_323, %add3A_155] : memref<32x2048xf32, #tpu.memory_space<vmem>>[vector<16xi32>, vector<16xi32>], vector<16xf32>,
        %scatter3A_325 = arith.constant 0 : i32
        %scatter3A_326 = arith.constant 0 : i32
        %scatter3A_327 = tpu.memref_slice %arg12[%and3A_135, %scatter3A_325, %scatter3A_326] : memref<4x16x128xf32, #tpu.memory_space<vmem>> -> memref<1x16x128xf32, #tpu.memory_space<vmem>>
        %scatter3A_328 = tpu.memref_squeeze %scatter3A_327 : memref<1x16x128xf32, #tpu.memory_space<vmem>> -> memref<16x128xf32, #tpu.memory_space<vmem>>
        tpu.vector_store_idx %scatter3A_328[%iota3A, %broadcast_in_dim3A_323], %gather3A_324 : memref<16x128xf32, #tpu.memory_space<vmem>>[vector<16xi32>, vector<16xi32>], vector<16xf32>,
        %broadcast_in_dim3A_329 = arith.constant 25 : i32
        %broadcast_in_dim3A_330 = vector.broadcast %broadcast_in_dim3A_329 : i32 to vector<16xi32>
        %gather3A_331 = tpu.vector_load_idx %arg11[%broadcast_in_dim3A_330, %add3A_155] : memref<32x2048xf32, #tpu.memory_space<vmem>>[vector<16xi32>, vector<16xi32>], vector<16xf32>,
        %scatter3A_332 = arith.constant 0 : i32
        %scatter3A_333 = arith.constant 0 : i32
        %scatter3A_334 = tpu.memref_slice %arg12[%and3A_135, %scatter3A_332, %scatter3A_333] : memref<4x16x128xf32, #tpu.memory_space<vmem>> -> memref<1x16x128xf32, #tpu.memory_space<vmem>>
        %scatter3A_335 = tpu.memref_squeeze %scatter3A_334 : memref<1x16x128xf32, #tpu.memory_space<vmem>> -> memref<16x128xf32, #tpu.memory_space<vmem>>
        tpu.vector_store_idx %scatter3A_335[%iota3A, %broadcast_in_dim3A_330], %gather3A_331 : memref<16x128xf32, #tpu.memory_space<vmem>>[vector<16xi32>, vector<16xi32>], vector<16xf32>,
        %broadcast_in_dim3A_336 = arith.constant 26 : i32
        %broadcast_in_dim3A_337 = vector.broadcast %broadcast_in_dim3A_336 : i32 to vector<16xi32>
        %gather3A_338 = tpu.vector_load_idx %arg11[%broadcast_in_dim3A_337, %add3A_155] : memref<32x2048xf32, #tpu.memory_space<vmem>>[vector<16xi32>, vector<16xi32>], vector<16xf32>,
        %scatter3A_339 = arith.constant 0 : i32
        %scatter3A_340 = arith.constant 0 : i32
        %scatter3A_341 = tpu.memref_slice %arg12[%and3A_135, %scatter3A_339, %scatter3A_340] : memref<4x16x128xf32, #tpu.memory_space<vmem>> -> memref<1x16x128xf32, #tpu.memory_space<vmem>>
        %scatter3A_342 = tpu.memref_squeeze %scatter3A_341 : memref<1x16x128xf32, #tpu.memory_space<vmem>> -> memref<16x128xf32, #tpu.memory_space<vmem>>
        tpu.vector_store_idx %scatter3A_342[%iota3A, %broadcast_in_dim3A_337], %gather3A_338 : memref<16x128xf32, #tpu.memory_space<vmem>>[vector<16xi32>, vector<16xi32>], vector<16xf32>,
        %broadcast_in_dim3A_343 = arith.constant 27 : i32
        %broadcast_in_dim3A_344 = vector.broadcast %broadcast_in_dim3A_343 : i32 to vector<16xi32>
        %gather3A_345 = tpu.vector_load_idx %arg11[%broadcast_in_dim3A_344, %add3A_155] : memref<32x2048xf32, #tpu.memory_space<vmem>>[vector<16xi32>, vector<16xi32>], vector<16xf32>,
        %scatter3A_346 = arith.constant 0 : i32
        %scatter3A_347 = arith.constant 0 : i32
        %scatter3A_348 = tpu.memref_slice %arg12[%and3A_135, %scatter3A_346, %scatter3A_347] : memref<4x16x128xf32, #tpu.memory_space<vmem>> -> memref<1x16x128xf32, #tpu.memory_space<vmem>>
        %scatter3A_349 = tpu.memref_squeeze %scatter3A_348 : memref<1x16x128xf32, #tpu.memory_space<vmem>> -> memref<16x128xf32, #tpu.memory_space<vmem>>
        tpu.vector_store_idx %scatter3A_349[%iota3A, %broadcast_in_dim3A_344], %gather3A_345 : memref<16x128xf32, #tpu.memory_space<vmem>>[vector<16xi32>, vector<16xi32>], vector<16xf32>,
        %broadcast_in_dim3A_350 = arith.constant 28 : i32
        %broadcast_in_dim3A_351 = vector.broadcast %broadcast_in_dim3A_350 : i32 to vector<16xi32>
        %gather3A_352 = tpu.vector_load_idx %arg11[%broadcast_in_dim3A_351, %add3A_155] : memref<32x2048xf32, #tpu.memory_space<vmem>>[vector<16xi32>, vector<16xi32>], vector<16xf32>,
        %scatter3A_353 = arith.constant 0 : i32
        %scatter3A_354 = arith.constant 0 : i32
        %scatter3A_355 = tpu.memref_slice %arg12[%and3A_135, %scatter3A_353, %scatter3A_354] : memref<4x16x128xf32, #tpu.memory_space<vmem>> -> memref<1x16x128xf32, #tpu.memory_space<vmem>>
        %scatter3A_356 = tpu.memref_squeeze %scatter3A_355 : memref<1x16x128xf32, #tpu.memory_space<vmem>> -> memref<16x128xf32, #tpu.memory_space<vmem>>
        tpu.vector_store_idx %scatter3A_356[%iota3A, %broadcast_in_dim3A_351], %gather3A_352 : memref<16x128xf32, #tpu.memory_space<vmem>>[vector<16xi32>, vector<16xi32>], vector<16xf32>,
        %broadcast_in_dim3A_357 = arith.constant 29 : i32
        %broadcast_in_dim3A_358 = vector.broadcast %broadcast_in_dim3A_357 : i32 to vector<16xi32>
        %gather3A_359 = tpu.vector_load_idx %arg11[%broadcast_in_dim3A_358, %add3A_155] : memref<32x2048xf32, #tpu.memory_space<vmem>>[vector<16xi32>, vector<16xi32>], vector<16xf32>,
        %scatter3A_360 = arith.constant 0 : i32
        %scatter3A_361 = arith.constant 0 : i32
        %scatter3A_362 = tpu.memref_slice %arg12[%and3A_135, %scatter3A_360, %scatter3A_361] : memref<4x16x128xf32, #tpu.memory_space<vmem>> -> memref<1x16x128xf32, #tpu.memory_space<vmem>>
        %scatter3A_363 = tpu.memref_squeeze %scatter3A_362 : memref<1x16x128xf32, #tpu.memory_space<vmem>> -> memref<16x128xf32, #tpu.memory_space<vmem>>
        tpu.vector_store_idx %scatter3A_363[%iota3A, %broadcast_in_dim3A_358], %gather3A_359 : memref<16x128xf32, #tpu.memory_space<vmem>>[vector<16xi32>, vector<16xi32>], vector<16xf32>,
        %broadcast_in_dim3A_364 = arith.constant 30 : i32
        %broadcast_in_dim3A_365 = vector.broadcast %broadcast_in_dim3A_364 : i32 to vector<16xi32>
        %gather3A_366 = tpu.vector_load_idx %arg11[%broadcast_in_dim3A_365, %add3A_155] : memref<32x2048xf32, #tpu.memory_space<vmem>>[vector<16xi32>, vector<16xi32>], vector<16xf32>,
        %scatter3A_367 = arith.constant 0 : i32
        %scatter3A_368 = arith.constant 0 : i32
        %scatter3A_369 = tpu.memref_slice %arg12[%and3A_135, %scatter3A_367, %scatter3A_368] : memref<4x16x128xf32, #tpu.memory_space<vmem>> -> memref<1x16x128xf32, #tpu.memory_space<vmem>>
        %scatter3A_370 = tpu.memref_squeeze %scatter3A_369 : memref<1x16x128xf32, #tpu.memory_space<vmem>> -> memref<16x128xf32, #tpu.memory_space<vmem>>
        tpu.vector_store_idx %scatter3A_370[%iota3A, %broadcast_in_dim3A_365], %gather3A_366 : memref<16x128xf32, #tpu.memory_space<vmem>>[vector<16xi32>, vector<16xi32>], vector<16xf32>,
        %broadcast_in_dim3A_371 = arith.constant 31 : i32
        %broadcast_in_dim3A_372 = vector.broadcast %broadcast_in_dim3A_371 : i32 to vector<16xi32>
        %gather3A_373 = tpu.vector_load_idx %arg11[%broadcast_in_dim3A_372, %add3A_155] : memref<32x2048xf32, #tpu.memory_space<vmem>>[vector<16xi32>, vector<16xi32>], vector<16xf32>,
        %scatter3A_374 = arith.constant 0 : i32
        %scatter3A_375 = arith.constant 0 : i32
        %scatter3A_376 = tpu.memref_slice %arg12[%and3A_135, %scatter3A_374, %scatter3A_375] : memref<4x16x128xf32, #tpu.memory_space<vmem>> -> memref<1x16x128xf32, #tpu.memory_space<vmem>>
        %scatter3A_377 = tpu.memref_squeeze %scatter3A_376 : memref<1x16x128xf32, #tpu.memory_space<vmem>> -> memref<16x128xf32, #tpu.memory_space<vmem>>
        tpu.vector_store_idx %scatter3A_377[%iota3A, %broadcast_in_dim3A_372], %gather3A_373 : memref<16x128xf32, #tpu.memory_space<vmem>>[vector<16xi32>, vector<16xi32>], vector<16xf32>,
        %mul3A_378 = arith.constant 16 : i32
        %mul3A_379 = arith.muli %while3A_128, %mul3A_378 : i32
        %add3A_380 = arith.addi %while3A_72, %mul3A_379 : i32
        %multiple_of3A_381 = tpu.assume_multiple %add3A_380, 8 : i32
        %dma_start3A = arith.constant 0 : i32
        %dma_start3A_382 = arith.constant 0 : i32
        %dma_start3A_383 = tpu.memref_slice %arg12[%and3A_135, %dma_start3A, %dma_start3A_382] : memref<4x16x128xf32, #tpu.memory_space<vmem>> -> memref<1x16x128xf32, #tpu.memory_space<vmem>>
        %dma_start3A_384 = tpu.memref_squeeze %dma_start3A_383 : memref<1x16x128xf32, #tpu.memory_space<vmem>> -> memref<16x128xf32, #tpu.memory_space<vmem>>
        %dma_start3A_385 = arith.constant 0 : i32
        %dma_start3A_386 = tpu.memref_slice %arg5[%add3A, %multiple_of3A_381, %dma_start3A_385] : memref<32x18432x128xf32, #tpu.memory_space<hbm>> -> memref<1x16x128xf32, #tpu.memory_space<hbm>>
        %dma_start3A_387 = tpu.memref_squeeze %dma_start3A_386 : memref<1x16x128xf32, #tpu.memory_space<hbm>> -> memref<16x128xf32, #tpu.memory_space<hbm>>
        %dma_start3A_388 = arith.constant 0 : i32
        %dma_start3A_389 = tpu.memref_slice %arg5[%add3A, %multiple_of3A_381, %dma_start3A_388] : memref<32x18432x128xf32, #tpu.memory_space<hbm>> -> memref<1x16x128xf32, #tpu.memory_space<hbm>>
        %dma_start3A_390 = tpu.memref_squeeze %dma_start3A_389 : memref<1x16x128xf32, #tpu.memory_space<hbm>> -> memref<16x128xf32, #tpu.memory_space<hbm>>
        %dma_start3A_391 = arith.constant 0 : i32
        %dma_start3A_392 = arith.constant 0 : i32
        %dma_start3A_393 = tpu.memref_slice %arg12[%and3A_135, %dma_start3A_391, %dma_start3A_392] : memref<4x16x128xf32, #tpu.memory_space<vmem>> -> memref<1x16x128xf32, #tpu.memory_space<vmem>>
        %dma_start3A_394 = tpu.memref_squeeze %dma_start3A_393 : memref<1x16x128xf32, #tpu.memory_space<vmem>> -> memref<16x128xf32, #tpu.memory_space<vmem>>
        tpu.enqueue_dma source(%dma_start3A_394 : memref<16x128xf32, #tpu.memory_space<vmem>>) target(%dma_start3A_390 : memref<16x128xf32, #tpu.memory_space<hbm>>) target_semaphore(%arg16 : memref<!tpu.dma_semaphore, #tpu.memory_space<semaphore_mem>>)
        %shift_right_logical3A_395 = arith.constant 7 : i32
        %shift_right_logical3A_396 = arith.shrui %while3A_129, %shift_right_logical3A_395 : i32
        %and3A_397 = arith.constant 127 : i32
        %and3A_398 = arith.andi %while3A_129, %and3A_397 : i32
        %swap3A_399 = arith.index_cast %shift_right_logical3A_396 : i32 to index
        %swap3A_400 = arith.index_cast %and3A_398 : i32 to index
        %swap3A_401 = tpu.vector_load %arg13[%swap3A_399, %swap3A_400] {strides = array<i32>} : memref<8x128xi32, #tpu.memory_space<vmem>>, vector<16xi32>,
        tpu.vector_store %arg13[%swap3A_399, %swap3A_400], %select_n3A_150 {strides = array<i32>} : memref<8x128xi32, #tpu.memory_space<vmem>>, vector<16xi32>,
        %add3A_402 = arith.constant 16 : i32
        %add3A_403 = arith.addi %while3A_129, %add3A_402 : i32
        %eq3A_404 = arith.constant 1024 : i32
        %eq3A_405 = arith.cmpi eq, %add3A_403, %eq3A_404 : i32
        %convert_element_type3A_406 = arith.extui %eq3A_405 : i1 to i32
        %cond3A_407 = arith.constant 0 : i32
        %cond3A_408 = arith.cmpi ne, %convert_element_type3A_406, %cond3A_407 : i32
        scf.if %cond3A_408 {
          %multiple_of3A_418 = tpu.assume_multiple %while3A_130, 8 : i32
          "tpu.region"() ({
            %run_scoped3A = tpu.sem_alloc : memref<!tpu.dma_semaphore, #tpu.memory_space<semaphore_mem>>
            %dma_start3A_419 = arith.constant 0 : i32
            %dma_start3A_420 = tpu.memref_slice %arg6[%add3A, %multiple_of3A_418, %dma_start3A_419] : memref<32x144x128xi32, #tpu.memory_space<hbm>> -> memref<1x8x128xi32, #tpu.memory_space<hbm>>
            %dma_start3A_421 = tpu.memref_squeeze %dma_start3A_420 : memref<1x8x128xi32, #tpu.memory_space<hbm>> -> memref<8x128xi32, #tpu.memory_space<hbm>>
            %dma_start3A_422 = arith.constant 0 : i32
            %dma_start3A_423 = tpu.memref_slice %arg6[%add3A, %multiple_of3A_418, %dma_start3A_422] : memref<32x144x128xi32, #tpu.memory_space<hbm>> -> memref<1x8x128xi32, #tpu.memory_space<hbm>>
            %dma_start3A_424 = tpu.memref_squeeze %dma_start3A_423 : memref<1x8x128xi32, #tpu.memory_space<hbm>> -> memref<8x128xi32, #tpu.memory_space<hbm>>
            tpu.enqueue_dma source(%arg13 : memref<8x128xi32, #tpu.memory_space<vmem>>) target(%dma_start3A_424 : memref<8x128xi32, #tpu.memory_space<hbm>>) target_semaphore(%run_scoped3A : memref<!tpu.dma_semaphore, #tpu.memory_space<semaphore_mem>>)
            %dma_wait3A = arith.constant 0 : i32
            %dma_wait3A_425 = tpu.memref_slice %arg6[%add3A, %multiple_of3A_418, %dma_wait3A] : memref<32x144x128xi32, #tpu.memory_space<hbm>> -> memref<1x8x128xi32, #tpu.memory_space<hbm>>
            %dma_wait3A_426 = tpu.memref_squeeze %dma_wait3A_425 : memref<1x8x128xi32, #tpu.memory_space<hbm>> -> memref<8x128xi32, #tpu.memory_space<hbm>>
            %dma_wait3A_427 = arith.constant 0 : i32
            %dma_wait3A_428 = tpu.memref_slice %arg6[%add3A, %multiple_of3A_418, %dma_wait3A_427] : memref<32x144x128xi32, #tpu.memory_space<hbm>> -> memref<1x8x128xi32, #tpu.memory_space<hbm>>
            %dma_wait3A_429 = tpu.memref_squeeze %dma_wait3A_428 : memref<1x8x128xi32, #tpu.memory_space<hbm>> -> memref<8x128xi32, #tpu.memory_space<hbm>>
            tpu.wait_dma2 semaphore(%run_scoped3A : memref<!tpu.dma_semaphore, #tpu.memory_space<semaphore_mem>>) src(%arg13 : memref<8x128xi32, #tpu.memory_space<vmem>>) dst(%dma_wait3A_429 : memref<8x128xi32, #tpu.memory_space<hbm>>)
            tpu.yield
          }) : () -> ()
        } else {
        }
        %eq3A_409 = arith.constant 1024 : i32
        %eq3A_410 = arith.cmpi eq, %add3A_403, %eq3A_409 : i32
        %add3A_411 = arith.constant 8 : i32
        %add3A_412 = arith.addi %while3A_130, %add3A_411 : i32
        %select_n3A_413 = arith.select %eq3A_410, %add3A_412, %while3A_130 : i32
        %eq3A_414 = arith.constant 1024 : i32
        %eq3A_415 = arith.cmpi eq, %add3A_403, %eq3A_414 : i32
        %jit3A_416 = arith.constant 0 : i32
        %select_n3A_417 = arith.select %eq3A_415, %jit3A_416, %add3A_403 : i32
        scf.yield %select_n3A_417, %select_n3A_413 : i32, i32
      }
      %mul3A_125 = arith.constant 16 : i32
      %mul3A_126 = arith.muli %shift_right_logical3A_113, %mul3A_125 : i32
      %add3A_127 = arith.addi %while3A_72, %mul3A_126 : i32
      scf.yield %add3A_127, %while3A_124#0, %while3A_124#1 : i32, i32, i32
    }
    %while3A_36 = arith.constant 1 : i32
    %while3A_37:3 = scf.for %while3A_71 = %while3A_33 to %while3A_29 step %while3A_36 iter_args(%while3A_72 = %while3A_35#0, %while3A_73 = %while3A_35#1, %while3A_74 = %while3A_35#2) -> (i32, i32, i32)  : i32 {
      %ge3A = arith.constant 1 : i32
      %ge3A_75 = arith.cmpi sge, %while3A_71, %ge3A : i32
      %add3A_76 = arith.constant 1 : i32
      %add3A_77 = arith.addi %while3A_71, %add3A_76 : i32
      %lt3A_78 = arith.cmpi slt, %add3A_77, %select_n3A_7 : i32
      %and3A = arith.andi %ge3A_75, %lt3A_78 : i1
      %convert_element_type3A_79 = arith.extui %and3A : i1 to i32
      %cond3A_80 = arith.constant 0 : i32
      %cond3A_81 = arith.cmpi ne, %convert_element_type3A_79, %cond3A_80 : i32
      scf.if %cond3A_81 {
        %add3A_128 = arith.constant 1 : i32
        %add3A_129 = arith.addi %while3A_71, %add3A_128 : i32
        %and3A_130 = arith.constant 1 : i32
        %and3A_131 = arith.andi %add3A_129, %and3A_130 : i32
        %mul3A_132 = arith.constant 1024 : i32
        %mul3A_133 = arith.muli %and3A_131, %mul3A_132 : i32
        %eq3A_134 = arith.constant 30 : i32
        %eq3A_135 = arith.cmpi eq, %add3A, %eq3A_134 : i32
        %eq3A_136 = arith.constant 16 : i32
        %eq3A_137 = arith.cmpi eq, %add3A_129, %eq3A_136 : i32
        %and3A_138 = arith.andi %eq3A_135, %eq3A_137 : i1
        %not3A_139 = arith.constant true
        %not3A_140 = arith.xori %and3A_138, %not3A_139 : i1
        %convert_element_type3A_141 = arith.extui %not3A_140 : i1 to i32
        %cond3A_142 = arith.constant 0 : i32
        %cond3A_143 = arith.cmpi ne, %convert_element_type3A_141, %cond3A_142 : i32
        scf.if %cond3A_143 {
          %mul3A_147 = arith.constant 1024 : i32
          %mul3A_148 = arith.muli %add3A_129, %mul3A_147 : i32
          %add3A_149 = arith.addi %mul3A_2, %mul3A_148 : i32
          %multiple_of3A_150 = tpu.assume_multiple %add3A_149, 1024 : i32
          %multiple_of3A_151 = tpu.assume_multiple %mul3A_133, 1024 : i32
          %dma_start3A = arith.constant 0 : i32
          %dma_start3A_152 = tpu.memref_slice %arg11[%dma_start3A, %multiple_of3A_151] : memref<32x2048xf32, #tpu.memory_space<vmem>> -> memref<32x1024xf32, #tpu.memory_space<vmem>>
          %dma_start3A_153 = arith.constant 0 : i32
          %dma_start3A_154 = tpu.memref_slice %arg3[%dma_start3A_153, %multiple_of3A_150] : memref<32x1000000xf32, #tpu.memory_space<hbm>> -> memref<32x1024xf32, #tpu.memory_space<hbm>>
          %dma_start3A_155 = arith.constant 0 : i32
          %dma_start3A_156 = tpu.memref_slice %arg11[%dma_start3A_155, %multiple_of3A_151] : memref<32x2048xf32, #tpu.memory_space<vmem>> -> memref<32x1024xf32, #tpu.memory_space<vmem>>
          %dma_start3A_157 = arith.constant 0 : i32
          %dma_start3A_158 = tpu.memref_slice %arg3[%dma_start3A_157, %multiple_of3A_150] : memref<32x1000000xf32, #tpu.memory_space<hbm>> -> memref<32x1024xf32, #tpu.memory_space<hbm>>
          tpu.enqueue_dma source(%dma_start3A_158 : memref<32x1024xf32, #tpu.memory_space<hbm>>) target(%dma_start3A_156 : memref<32x1024xf32, #tpu.memory_space<vmem>>) target_semaphore(%arg15 : memref<!tpu.dma_semaphore, #tpu.memory_space<semaphore_mem>>)
        } else {
        }
        %convert_element_type3A_144 = arith.extui %and3A_138 : i1 to i32
        %cond3A_145 = arith.constant 0 : i32
        %cond3A_146 = arith.cmpi ne, %convert_element_type3A_144, %cond3A_145 : i32
        scf.if %cond3A_146 {
          %multiple_of3A_147 = arith.constant 999424 : i32
          %multiple_of3A_148 = tpu.assume_multiple %multiple_of3A_147, 128 : i32
          %dma_start3A = arith.constant 0 : i32
          %dma_start3A_149 = arith.constant 0 : i32
          %dma_start3A_150 = tpu.memref_slice %arg11[%dma_start3A, %dma_start3A_149] : memref<32x2048xf32, #tpu.memory_space<vmem>> -> memref<32x512xf32, #tpu.memory_space<vmem>>
          %dma_start3A_151 = arith.constant 0 : i32
          %dma_start3A_152 = tpu.memref_slice %arg3[%dma_start3A_151, %multiple_of3A_148] : memref<32x1000000xf32, #tpu.memory_space<hbm>> -> memref<32x512xf32, #tpu.memory_space<hbm>>
          %dma_start3A_153 = arith.constant 0 : i32
          %dma_start3A_154 = arith.constant 0 : i32
          %dma_start3A_155 = tpu.memref_slice %arg11[%dma_start3A_153, %dma_start3A_154] : memref<32x2048xf32, #tpu.memory_space<vmem>> -> memref<32x512xf32, #tpu.memory_space<vmem>>
          %dma_start3A_156 = arith.constant 0 : i32
          %dma_start3A_157 = tpu.memref_slice %arg3[%dma_start3A_156, %multiple_of3A_148] : memref<32x1000000xf32, #tpu.memory_space<hbm>> -> memref<32x512xf32, #tpu.memory_space<hbm>>
          tpu.enqueue_dma source(%dma_start3A_157 : memref<32x512xf32, #tpu.memory_space<hbm>>) target(%dma_start3A_155 : memref<32x512xf32, #tpu.memory_space<vmem>>) target_semaphore(%arg15 : memref<!tpu.dma_semaphore, #tpu.memory_space<semaphore_mem>>)
          %dma_start3A_158 = arith.constant 0 : i32
          %dma_start3A_159 = arith.constant 512 : i32
          %dma_start3A_160 = tpu.memref_slice %arg11[%dma_start3A_158, %dma_start3A_159] : memref<32x2048xf32, #tpu.memory_space<vmem>> -> memref<32x128xf32, #tpu.memory_space<vmem>>
          %dma_start3A_161 = arith.constant 0 : i32
          %dma_start3A_162 = arith.constant 512 : i32
          %dma_start3A_163 = tpu.memref_slice %arg11[%dma_start3A_161, %dma_start3A_162] : memref<32x2048xf32, #tpu.memory_space<vmem>> -> memref<32x128xf32, #tpu.memory_space<vmem>>
          tpu.enqueue_dma source(%arg4 : memref<32x128xf32, #tpu.memory_space<hbm>>) target(%dma_start3A_163 : memref<32x128xf32, #tpu.memory_space<vmem>>) target_semaphore(%arg15 : memref<!tpu.dma_semaphore, #tpu.memory_space<semaphore_mem>>)
        } else {
        }
      } else {
      }
      %eq3A_82 = arith.constant 30 : i32
      %eq3A_83 = arith.cmpi eq, %add3A, %eq3A_82 : i32
      %eq3A_84 = arith.constant 16 : i32
      %eq3A_85 = arith.cmpi eq, %while3A_71, %eq3A_84 : i32
      %and3A_86 = arith.andi %eq3A_83, %eq3A_85 : i1
      %not3A = arith.constant true
      %not3A_87 = arith.xori %and3A_86, %not3A : i1
      %convert_element_type3A_88 = arith.extui %not3A_87 : i1 to i32
      %cond3A_89 = arith.constant 0 : i32
      %cond3A_90 = arith.cmpi ne, %convert_element_type3A_88, %cond3A_89 : i32
      scf.if %cond3A_90 {
        %dma_wait3A = arith.constant 0 : i32
        %dma_wait3A_128 = arith.constant 0 : i32
        %dma_wait3A_129 = tpu.memref_slice %arg11[%dma_wait3A, %dma_wait3A_128] : memref<32x2048xf32, #tpu.memory_space<vmem>> -> memref<32x1024xf32, #tpu.memory_space<vmem>>
        %dma_wait3A_130 = arith.constant 0 : i32
        %dma_wait3A_131 = arith.constant 0 : i32
        %dma_wait3A_132 = tpu.memref_slice %arg3[%dma_wait3A_130, %dma_wait3A_131] : memref<32x1000000xf32, #tpu.memory_space<hbm>> -> memref<32x1024xf32, #tpu.memory_space<hbm>>
        %dma_wait3A_133 = arith.constant 0 : i32
        %dma_wait3A_134 = arith.constant 0 : i32
        %dma_wait3A_135 = tpu.memref_slice %arg11[%dma_wait3A_133, %dma_wait3A_134] : memref<32x2048xf32, #tpu.memory_space<vmem>> -> memref<32x1024xf32, #tpu.memory_space<vmem>>
        %dma_wait3A_136 = arith.constant 0 : i32
        %dma_wait3A_137 = arith.constant 0 : i32
        %dma_wait3A_138 = tpu.memref_slice %arg3[%dma_wait3A_136, %dma_wait3A_137] : memref<32x1000000xf32, #tpu.memory_space<hbm>> -> memref<32x1024xf32, #tpu.memory_space<hbm>>
        tpu.wait_dma2 semaphore(%arg15 : memref<!tpu.dma_semaphore, #tpu.memory_space<semaphore_mem>>) src(%dma_wait3A_138 : memref<32x1024xf32, #tpu.memory_space<hbm>>) dst(%dma_wait3A_135 : memref<32x1024xf32, #tpu.memory_space<vmem>>)
      } else {
      }
      %convert_element_type3A_91 = arith.extui %and3A_86 : i1 to i32
      %cond3A_92 = arith.constant 0 : i32
      %cond3A_93 = arith.cmpi ne, %convert_element_type3A_91, %cond3A_92 : i32
      scf.if %cond3A_93 {
        %dma_wait3A = arith.constant 0 : i32
        %dma_wait3A_128 = arith.constant 0 : i32
        %dma_wait3A_129 = tpu.memref_slice %arg11[%dma_wait3A, %dma_wait3A_128] : memref<32x2048xf32, #tpu.memory_space<vmem>> -> memref<32x512xf32, #tpu.memory_space<vmem>>
        %dma_wait3A_130 = arith.constant 0 : i32
        %dma_wait3A_131 = arith.constant 0 : i32
        %dma_wait3A_132 = tpu.memref_slice %arg3[%dma_wait3A_130, %dma_wait3A_131] : memref<32x1000000xf32, #tpu.memory_space<hbm>> -> memref<32x512xf32, #tpu.memory_space<hbm>>
        %dma_wait3A_133 = arith.constant 0 : i32
        %dma_wait3A_134 = arith.constant 0 : i32
        %dma_wait3A_135 = tpu.memref_slice %arg11[%dma_wait3A_133, %dma_wait3A_134] : memref<32x2048xf32, #tpu.memory_space<vmem>> -> memref<32x512xf32, #tpu.memory_space<vmem>>
        %dma_wait3A_136 = arith.constant 0 : i32
        %dma_wait3A_137 = arith.constant 0 : i32
        %dma_wait3A_138 = tpu.memref_slice %arg3[%dma_wait3A_136, %dma_wait3A_137] : memref<32x1000000xf32, #tpu.memory_space<hbm>> -> memref<32x512xf32, #tpu.memory_space<hbm>>
        tpu.wait_dma2 semaphore(%arg15 : memref<!tpu.dma_semaphore, #tpu.memory_space<semaphore_mem>>) src(%dma_wait3A_138 : memref<32x512xf32, #tpu.memory_space<hbm>>) dst(%dma_wait3A_135 : memref<32x512xf32, #tpu.memory_space<vmem>>)
        %dma_wait3A_139 = arith.constant 0 : i32
        %dma_wait3A_140 = arith.constant 0 : i32
        %dma_wait3A_141 = tpu.memref_slice %arg11[%dma_wait3A_139, %dma_wait3A_140] : memref<32x2048xf32, #tpu.memory_space<vmem>> -> memref<32x128xf32, #tpu.memory_space<vmem>>
        %dma_wait3A_142 = arith.constant 0 : i32
        %dma_wait3A_143 = arith.constant 0 : i32
        %dma_wait3A_144 = tpu.memref_slice %arg3[%dma_wait3A_142, %dma_wait3A_143] : memref<32x1000000xf32, #tpu.memory_space<hbm>> -> memref<32x128xf32, #tpu.memory_space<hbm>>
        %dma_wait3A_145 = arith.constant 0 : i32
        %dma_wait3A_146 = arith.constant 0 : i32
        %dma_wait3A_147 = tpu.memref_slice %arg11[%dma_wait3A_145, %dma_wait3A_146] : memref<32x2048xf32, #tpu.memory_space<vmem>> -> memref<32x128xf32, #tpu.memory_space<vmem>>
        %dma_wait3A_148 = arith.constant 0 : i32
        %dma_wait3A_149 = arith.constant 0 : i32
        %dma_wait3A_150 = tpu.memref_slice %arg3[%dma_wait3A_148, %dma_wait3A_149] : memref<32x1000000xf32, #tpu.memory_space<hbm>> -> memref<32x128xf32, #tpu.memory_space<hbm>>
        tpu.wait_dma2 semaphore(%arg15 : memref<!tpu.dma_semaphore, #tpu.memory_space<semaphore_mem>>) src(%dma_wait3A_150 : memref<32x128xf32, #tpu.memory_space<hbm>>) dst(%dma_wait3A_147 : memref<32x128xf32, #tpu.memory_space<vmem>>)
      } else {
      }
      %and3A_94 = arith.constant 1 : i32
      %and3A_95 = arith.andi %while3A_71, %and3A_94 : i32
      %mul3A_96 = arith.constant 1024 : i32
      %mul3A_97 = arith.muli %and3A_95, %mul3A_96 : i32
      %while3A_98 = arith.constant 0 : i32
      %while3A_99 = arith.constant 0 : i32
      %while3A_100 = arith.subi %shift_right_logical3A_24, %while3A_98 : i32
      %while3A_101 = arith.addi %while3A_98, %while3A_100 : i32
      %while3A_102 = arith.constant 1 : i32
      %while3A_103 = arith.divsi %while3A_100, %while3A_102 : i32
      %while3A_104 = arith.muli %while3A_103, %while3A_102 : i32
      %while3A_105 = arith.addi %while3A_98, %while3A_104 : i32
      %while3A_106 = arith.constant 1 : i32
      %while3A_107 = scf.for %while3A_128 = %while3A_98 to %while3A_105 step %while3A_106 iter_args(%while3A_129 = %while3A_99) -> (i32)  : i32 {
        %mul3A_130 = arith.constant 16 : i32
        %mul3A_131 = arith.muli %while3A_128, %mul3A_130 : i32
        %get3A = arith.index_cast %mul3A_131 : i32 to index
        %get3A_132 = tpu.vector_load %arg9[%get3A] {strides = array<i32>} : memref<16400xi32, #tpu.memory_space<vmem>>, vector<16xi32>,
        %and3A_133 = arith.constant 32767 : i32
        %and3A_134 = vector.broadcast %and3A_133 : i32 to vector<16xi32>
        %and3A_135 = arith.andi %get3A_132, %and3A_134 : vector<16xi32>
        %shift_right_logical3A_136 = arith.constant 10 : i32
        %shift_right_logical3A_137 = vector.broadcast %shift_right_logical3A_136 : i32 to vector<16xi32>
        %shift_right_logical3A_138 = arith.shrui %and3A_135, %shift_right_logical3A_137 : vector<16xi32>
        %eq3A_139 = vector.broadcast %while3A_71 : i32 to vector<16xi32>
        %eq3A_140 = arith.cmpi eq, %shift_right_logical3A_138, %eq3A_139 : vector<16xi32>
        %mul3A_141 = arith.constant 16 : i32
        %mul3A_142 = arith.muli %while3A_128, %mul3A_141 : i32
        %add3A_143 = vector.broadcast %mul3A_142 : i32 to vector<16xi32>
        %add3A_144 = arith.addi %add3A_143, %iota3A : vector<16xi32>
        %lt3A_145 = vector.broadcast %scan3A_20 : i32 to vector<16xi32>
        %lt3A_146 = arith.cmpi slt, %add3A_144, %lt3A_145 : vector<16xi32>
        %and3A_147 = arith.andi %eq3A_140, %lt3A_146 : vector<16xi1>
        %convert_element_type3A_148 = arith.extui %and3A_147 : vector<16xi1> to vector<16xi32>
        %broadcast_in_dim3A_149 = arith.constant true
        %broadcast_in_dim3A_150 = vector.broadcast %broadcast_in_dim3A_149 : i1 to vector<16xi1>
        %masked_cumsum3A = tpu.scan <sum>, %convert_element_type3A_148 masked %broadcast_in_dim3A_150 : vector<16xi32>, vector<16xi1> -> vector<16xi32>
        %add3A_151 = vector.broadcast %while3A_129 : i32 to vector<16xi32>
        %add3A_152 = arith.addi %add3A_151, %masked_cumsum3A : vector<16xi32>
        %sub3A_153 = arith.subi %add3A_152, %convert_element_type3A_148 : vector<16xi32>
        tpu.vector_store_idx %arg10[%sub3A_153], %get3A_132 masked %and3A_147 : memref<16400xi32, #tpu.memory_space<vmem>>[vector<16xi32>], vector<16xi32>, vector<16xi1>
        %reduce_sum3A = arith.constant true
        %reduce_sum3A_154 = vector.broadcast %reduce_sum3A : i1 to vector<16xi1>
        %reduce_sum3A_155 = tpu.scan <sum>, %convert_element_type3A_148 masked %reduce_sum3A_154 : vector<16xi32>, vector<16xi1> -> vector<16xi32>
        %reduce_sum3A_156 = vector.extract %reduce_sum3A_155[15] : i32 from vector<16xi32>
        %add3A_157 = arith.addi %while3A_129, %reduce_sum3A_156 : i32
        scf.yield %add3A_157 : i32
      }
      %while3A_108 = arith.constant 1 : i32
      %while3A_109 = scf.for %while3A_128 = %while3A_105 to %while3A_101 step %while3A_108 iter_args(%while3A_129 = %while3A_107) -> (i32)  : i32 {
        %mul3A_130 = arith.constant 16 : i32
        %mul3A_131 = arith.muli %while3A_128, %mul3A_130 : i32
        %get3A = arith.index_cast %mul3A_131 : i32 to index
        %get3A_132 = tpu.vector_load %arg9[%get3A] {strides = array<i32>} : memref<16400xi32, #tpu.memory_space<vmem>>, vector<16xi32>,
        %and3A_133 = arith.constant 32767 : i32
        %and3A_134 = vector.broadcast %and3A_133 : i32 to vector<16xi32>
        %and3A_135 = arith.andi %get3A_132, %and3A_134 : vector<16xi32>
        %shift_right_logical3A_136 = arith.constant 10 : i32
        %shift_right_logical3A_137 = vector.broadcast %shift_right_logical3A_136 : i32 to vector<16xi32>
        %shift_right_logical3A_138 = arith.shrui %and3A_135, %shift_right_logical3A_137 : vector<16xi32>
        %eq3A_139 = vector.broadcast %while3A_71 : i32 to vector<16xi32>
        %eq3A_140 = arith.cmpi eq, %shift_right_logical3A_138, %eq3A_139 : vector<16xi32>
        %mul3A_141 = arith.constant 16 : i32
        %mul3A_142 = arith.muli %while3A_128, %mul3A_141 : i32
        %add3A_143 = vector.broadcast %mul3A_142 : i32 to vector<16xi32>
        %add3A_144 = arith.addi %add3A_143, %iota3A : vector<16xi32>
        %lt3A_145 = vector.broadcast %scan3A_20 : i32 to vector<16xi32>
        %lt3A_146 = arith.cmpi slt, %add3A_144, %lt3A_145 : vector<16xi32>
        %and3A_147 = arith.andi %eq3A_140, %lt3A_146 : vector<16xi1>
        %convert_element_type3A_148 = arith.extui %and3A_147 : vector<16xi1> to vector<16xi32>
        %broadcast_in_dim3A_149 = arith.constant true
        %broadcast_in_dim3A_150 = vector.broadcast %broadcast_in_dim3A_149 : i1 to vector<16xi1>
        %masked_cumsum3A = tpu.scan <sum>, %convert_element_type3A_148 masked %broadcast_in_dim3A_150 : vector<16xi32>, vector<16xi1> -> vector<16xi32>
        %add3A_151 = vector.broadcast %while3A_129 : i32 to vector<16xi32>
        %add3A_152 = arith.addi %add3A_151, %masked_cumsum3A : vector<16xi32>
        %sub3A_153 = arith.subi %add3A_152, %convert_element_type3A_148 : vector<16xi32>
        tpu.vector_store_idx %arg10[%sub3A_153], %get3A_132 masked %and3A_147 : memref<16400xi32, #tpu.memory_space<vmem>>[vector<16xi32>], vector<16xi32>, vector<16xi1>
        %reduce_sum3A = arith.constant true
        %reduce_sum3A_154 = vector.broadcast %reduce_sum3A : i1 to vector<16xi1>
        %reduce_sum3A_155 = tpu.scan <sum>, %convert_element_type3A_148 masked %reduce_sum3A_154 : vector<16xi32>, vector<16xi1> -> vector<16xi32>
        %reduce_sum3A_156 = vector.extract %reduce_sum3A_155[15] : i32 from vector<16xi32>
        %add3A_157 = arith.addi %while3A_129, %reduce_sum3A_156 : i32
        scf.yield %add3A_157 : i32
      }
      %add3A_110 = arith.constant 15 : i32
      %add3A_111 = arith.addi %while3A_109, %add3A_110 : i32
      %shift_right_logical3A_112 = arith.constant 4 : i32
      %shift_right_logical3A_113 = arith.shrui %add3A_111, %shift_right_logical3A_112 : i32
      %while3A_114 = arith.constant 0 : i32
      %while3A_115 = arith.subi %shift_right_logical3A_113, %while3A_114 : i32
      %while3A_116 = arith.addi %while3A_114, %while3A_115 : i32
      %while3A_117 = arith.constant 1 : i32
      %while3A_118 = arith.divsi %while3A_115, %while3A_117 : i32
      %while3A_119 = arith.muli %while3A_118, %while3A_117 : i32
      %while3A_120 = arith.addi %while3A_114, %while3A_119 : i32
      %while3A_121 = arith.constant 1 : i32
      %while3A_122:2 = scf.for %while3A_128 = %while3A_114 to %while3A_120 step %while3A_121 iter_args(%while3A_129 = %while3A_73, %while3A_130 = %while3A_74) -> (i32, i32)  : i32 {
        %shift_right_logical3A_131 = arith.constant 4 : i32
        %shift_right_logical3A_132 = arith.shrui %while3A_72, %shift_right_logical3A_131 : i32
        %add3A_133 = arith.addi %shift_right_logical3A_132, %while3A_128 : i32
        %and3A_134 = arith.constant 3 : i32
        %and3A_135 = arith.andi %add3A_133, %and3A_134 : i32
        %ge3A_136 = arith.constant 4 : i32
        %ge3A_137 = arith.cmpi sge, %add3A_133, %ge3A_136 : i32
        %convert_element_type3A_138 = arith.extui %ge3A_137 : i1 to i32
        %cond3A_139 = arith.constant 0 : i32
        %cond3A_140 = arith.cmpi ne, %convert_element_type3A_138, %cond3A_139 : i32
        scf.if %cond3A_140 {
          %dma_wait3A = arith.constant 0 : i32
          %dma_wait3A_418 = arith.constant 0 : i32
          %dma_wait3A_419 = arith.constant 0 : i32
          %dma_wait3A_420 = arith.constant 0 : i32
          %dma_wait3A_421 = tpu.memref_slice %arg12[%dma_wait3A_418, %dma_wait3A_419, %dma_wait3A_420] : memref<4x16x128xf32, #tpu.memory_space<vmem>> -> memref<1x16x128xf32, #tpu.memory_space<vmem>>
          %dma_wait3A_422 = tpu.memref_squeeze %dma_wait3A_421 : memref<1x16x128xf32, #tpu.memory_space<vmem>> -> memref<16x128xf32, #tpu.memory_space<vmem>>
          %dma_wait3A_423 = arith.constant 0 : i32
          %dma_wait3A_424 = arith.constant 0 : i32
          %dma_wait3A_425 = tpu.memref_slice %arg5[%dma_wait3A, %dma_wait3A_423, %dma_wait3A_424] : memref<32x18432x128xf32, #tpu.memory_space<hbm>> -> memref<1x16x128xf32, #tpu.memory_space<hbm>>
          %dma_wait3A_426 = tpu.memref_squeeze %dma_wait3A_425 : memref<1x16x128xf32, #tpu.memory_space<hbm>> -> memref<16x128xf32, #tpu.memory_space<hbm>>
          %dma_wait3A_427 = arith.constant 0 : i32
          %dma_wait3A_428 = arith.constant 0 : i32
          %dma_wait3A_429 = tpu.memref_slice %arg12[%dma_wait3A_418, %dma_wait3A_427, %dma_wait3A_428] : memref<4x16x128xf32, #tpu.memory_space<vmem>> -> memref<1x16x128xf32, #tpu.memory_space<vmem>>
          %dma_wait3A_430 = tpu.memref_squeeze %dma_wait3A_429 : memref<1x16x128xf32, #tpu.memory_space<vmem>> -> memref<16x128xf32, #tpu.memory_space<vmem>>
          %dma_wait3A_431 = arith.constant 0 : i32
          %dma_wait3A_432 = arith.constant 0 : i32
          %dma_wait3A_433 = tpu.memref_slice %arg5[%dma_wait3A, %dma_wait3A_431, %dma_wait3A_432] : memref<32x18432x128xf32, #tpu.memory_space<hbm>> -> memref<1x16x128xf32, #tpu.memory_space<hbm>>
          %dma_wait3A_434 = tpu.memref_squeeze %dma_wait3A_433 : memref<1x16x128xf32, #tpu.memory_space<hbm>> -> memref<16x128xf32, #tpu.memory_space<hbm>>
          tpu.wait_dma2 semaphore(%arg16 : memref<!tpu.dma_semaphore, #tpu.memory_space<semaphore_mem>>) src(%dma_wait3A_434 : memref<16x128xf32, #tpu.memory_space<hbm>>) dst(%dma_wait3A_430 : memref<16x128xf32, #tpu.memory_space<vmem>>)
        } else {
        }
        %mul3A_141 = arith.constant 16 : i32
        %mul3A_142 = arith.muli %while3A_128, %mul3A_141 : i32
        %get3A = arith.index_cast %mul3A_142 : i32 to index
        %get3A_143 = tpu.vector_load %arg10[%get3A] {strides = array<i32>} : memref<16400xi32, #tpu.memory_space<vmem>>, vector<16xi32>,
        %mul3A_144 = arith.constant 16 : i32
        %mul3A_145 = arith.muli %while3A_128, %mul3A_144 : i32
        %add3A_146 = vector.broadcast %mul3A_145 : i32 to vector<16xi32>
        %add3A_147 = arith.addi %add3A_146, %iota3A : vector<16xi32>
        %lt3A_148 = vector.broadcast %while3A_109 : i32 to vector<16xi32>
        %lt3A_149 = arith.cmpi slt, %add3A_147, %lt3A_148 : vector<16xi32>
        %select_n3A_150 = arith.select %lt3A_149, %get3A_143, %broadcast_in_dim3A_8 : vector<16xi1>, vector<16xi32>
        %and3A_151 = arith.constant 1023 : i32
        %and3A_152 = vector.broadcast %and3A_151 : i32 to vector<16xi32>
        %and3A_153 = arith.andi %select_n3A_150, %and3A_152 : vector<16xi32>
        %add3A_154 = vector.broadcast %mul3A_97 : i32 to vector<16xi32>
        %add3A_155 = arith.addi %and3A_153, %add3A_154 : vector<16xi32>
        %broadcast_in_dim3A_156 = arith.constant 0 : i32
        %broadcast_in_dim3A_157 = vector.broadcast %broadcast_in_dim3A_156 : i32 to vector<16xi32>
        %gather3A = tpu.vector_load_idx %arg11[%broadcast_in_dim3A_157, %add3A_155] : memref<32x2048xf32, #tpu.memory_space<vmem>>[vector<16xi32>, vector<16xi32>], vector<16xf32>,
        %scatter3A = arith.constant 0 : i32
        %scatter3A_158 = arith.constant 0 : i32
        %scatter3A_159 = tpu.memref_slice %arg12[%and3A_135, %scatter3A, %scatter3A_158] : memref<4x16x128xf32, #tpu.memory_space<vmem>> -> memref<1x16x128xf32, #tpu.memory_space<vmem>>
        %scatter3A_160 = tpu.memref_squeeze %scatter3A_159 : memref<1x16x128xf32, #tpu.memory_space<vmem>> -> memref<16x128xf32, #tpu.memory_space<vmem>>
        tpu.vector_store_idx %scatter3A_160[%iota3A, %broadcast_in_dim3A_157], %gather3A : memref<16x128xf32, #tpu.memory_space<vmem>>[vector<16xi32>, vector<16xi32>], vector<16xf32>,
        %broadcast_in_dim3A_161 = arith.constant 1 : i32
        %broadcast_in_dim3A_162 = vector.broadcast %broadcast_in_dim3A_161 : i32 to vector<16xi32>
        %gather3A_163 = tpu.vector_load_idx %arg11[%broadcast_in_dim3A_162, %add3A_155] : memref<32x2048xf32, #tpu.memory_space<vmem>>[vector<16xi32>, vector<16xi32>], vector<16xf32>,
        %scatter3A_164 = arith.constant 0 : i32
        %scatter3A_165 = arith.constant 0 : i32
        %scatter3A_166 = tpu.memref_slice %arg12[%and3A_135, %scatter3A_164, %scatter3A_165] : memref<4x16x128xf32, #tpu.memory_space<vmem>> -> memref<1x16x128xf32, #tpu.memory_space<vmem>>
        %scatter3A_167 = tpu.memref_squeeze %scatter3A_166 : memref<1x16x128xf32, #tpu.memory_space<vmem>> -> memref<16x128xf32, #tpu.memory_space<vmem>>
        tpu.vector_store_idx %scatter3A_167[%iota3A, %broadcast_in_dim3A_162], %gather3A_163 : memref<16x128xf32, #tpu.memory_space<vmem>>[vector<16xi32>, vector<16xi32>], vector<16xf32>,
        %broadcast_in_dim3A_168 = arith.constant 2 : i32
        %broadcast_in_dim3A_169 = vector.broadcast %broadcast_in_dim3A_168 : i32 to vector<16xi32>
        %gather3A_170 = tpu.vector_load_idx %arg11[%broadcast_in_dim3A_169, %add3A_155] : memref<32x2048xf32, #tpu.memory_space<vmem>>[vector<16xi32>, vector<16xi32>], vector<16xf32>,
        %scatter3A_171 = arith.constant 0 : i32
        %scatter3A_172 = arith.constant 0 : i32
        %scatter3A_173 = tpu.memref_slice %arg12[%and3A_135, %scatter3A_171, %scatter3A_172] : memref<4x16x128xf32, #tpu.memory_space<vmem>> -> memref<1x16x128xf32, #tpu.memory_space<vmem>>
        %scatter3A_174 = tpu.memref_squeeze %scatter3A_173 : memref<1x16x128xf32, #tpu.memory_space<vmem>> -> memref<16x128xf32, #tpu.memory_space<vmem>>
        tpu.vector_store_idx %scatter3A_174[%iota3A, %broadcast_in_dim3A_169], %gather3A_170 : memref<16x128xf32, #tpu.memory_space<vmem>>[vector<16xi32>, vector<16xi32>], vector<16xf32>,
        %broadcast_in_dim3A_175 = arith.constant 3 : i32
        %broadcast_in_dim3A_176 = vector.broadcast %broadcast_in_dim3A_175 : i32 to vector<16xi32>
        %gather3A_177 = tpu.vector_load_idx %arg11[%broadcast_in_dim3A_176, %add3A_155] : memref<32x2048xf32, #tpu.memory_space<vmem>>[vector<16xi32>, vector<16xi32>], vector<16xf32>,
        %scatter3A_178 = arith.constant 0 : i32
        %scatter3A_179 = arith.constant 0 : i32
        %scatter3A_180 = tpu.memref_slice %arg12[%and3A_135, %scatter3A_178, %scatter3A_179] : memref<4x16x128xf32, #tpu.memory_space<vmem>> -> memref<1x16x128xf32, #tpu.memory_space<vmem>>
        %scatter3A_181 = tpu.memref_squeeze %scatter3A_180 : memref<1x16x128xf32, #tpu.memory_space<vmem>> -> memref<16x128xf32, #tpu.memory_space<vmem>>
        tpu.vector_store_idx %scatter3A_181[%iota3A, %broadcast_in_dim3A_176], %gather3A_177 : memref<16x128xf32, #tpu.memory_space<vmem>>[vector<16xi32>, vector<16xi32>], vector<16xf32>,
        %broadcast_in_dim3A_182 = arith.constant 4 : i32
        %broadcast_in_dim3A_183 = vector.broadcast %broadcast_in_dim3A_182 : i32 to vector<16xi32>
        %gather3A_184 = tpu.vector_load_idx %arg11[%broadcast_in_dim3A_183, %add3A_155] : memref<32x2048xf32, #tpu.memory_space<vmem>>[vector<16xi32>, vector<16xi32>], vector<16xf32>,
        %scatter3A_185 = arith.constant 0 : i32
        %scatter3A_186 = arith.constant 0 : i32
        %scatter3A_187 = tpu.memref_slice %arg12[%and3A_135, %scatter3A_185, %scatter3A_186] : memref<4x16x128xf32, #tpu.memory_space<vmem>> -> memref<1x16x128xf32, #tpu.memory_space<vmem>>
        %scatter3A_188 = tpu.memref_squeeze %scatter3A_187 : memref<1x16x128xf32, #tpu.memory_space<vmem>> -> memref<16x128xf32, #tpu.memory_space<vmem>>
        tpu.vector_store_idx %scatter3A_188[%iota3A, %broadcast_in_dim3A_183], %gather3A_184 : memref<16x128xf32, #tpu.memory_space<vmem>>[vector<16xi32>, vector<16xi32>], vector<16xf32>,
        %broadcast_in_dim3A_189 = arith.constant 5 : i32
        %broadcast_in_dim3A_190 = vector.broadcast %broadcast_in_dim3A_189 : i32 to vector<16xi32>
        %gather3A_191 = tpu.vector_load_idx %arg11[%broadcast_in_dim3A_190, %add3A_155] : memref<32x2048xf32, #tpu.memory_space<vmem>>[vector<16xi32>, vector<16xi32>], vector<16xf32>,
        %scatter3A_192 = arith.constant 0 : i32
        %scatter3A_193 = arith.constant 0 : i32
        %scatter3A_194 = tpu.memref_slice %arg12[%and3A_135, %scatter3A_192, %scatter3A_193] : memref<4x16x128xf32, #tpu.memory_space<vmem>> -> memref<1x16x128xf32, #tpu.memory_space<vmem>>
        %scatter3A_195 = tpu.memref_squeeze %scatter3A_194 : memref<1x16x128xf32, #tpu.memory_space<vmem>> -> memref<16x128xf32, #tpu.memory_space<vmem>>
        tpu.vector_store_idx %scatter3A_195[%iota3A, %broadcast_in_dim3A_190], %gather3A_191 : memref<16x128xf32, #tpu.memory_space<vmem>>[vector<16xi32>, vector<16xi32>], vector<16xf32>,
        %broadcast_in_dim3A_196 = arith.constant 6 : i32
        %broadcast_in_dim3A_197 = vector.broadcast %broadcast_in_dim3A_196 : i32 to vector<16xi32>
        %gather3A_198 = tpu.vector_load_idx %arg11[%broadcast_in_dim3A_197, %add3A_155] : memref<32x2048xf32, #tpu.memory_space<vmem>>[vector<16xi32>, vector<16xi32>], vector<16xf32>,
        %scatter3A_199 = arith.constant 0 : i32
        %scatter3A_200 = arith.constant 0 : i32
        %scatter3A_201 = tpu.memref_slice %arg12[%and3A_135, %scatter3A_199, %scatter3A_200] : memref<4x16x128xf32, #tpu.memory_space<vmem>> -> memref<1x16x128xf32, #tpu.memory_space<vmem>>
        %scatter3A_202 = tpu.memref_squeeze %scatter3A_201 : memref<1x16x128xf32, #tpu.memory_space<vmem>> -> memref<16x128xf32, #tpu.memory_space<vmem>>
        tpu.vector_store_idx %scatter3A_202[%iota3A, %broadcast_in_dim3A_197], %gather3A_198 : memref<16x128xf32, #tpu.memory_space<vmem>>[vector<16xi32>, vector<16xi32>], vector<16xf32>,
        %broadcast_in_dim3A_203 = arith.constant 7 : i32
        %broadcast_in_dim3A_204 = vector.broadcast %broadcast_in_dim3A_203 : i32 to vector<16xi32>
        %gather3A_205 = tpu.vector_load_idx %arg11[%broadcast_in_dim3A_204, %add3A_155] : memref<32x2048xf32, #tpu.memory_space<vmem>>[vector<16xi32>, vector<16xi32>], vector<16xf32>,
        %scatter3A_206 = arith.constant 0 : i32
        %scatter3A_207 = arith.constant 0 : i32
        %scatter3A_208 = tpu.memref_slice %arg12[%and3A_135, %scatter3A_206, %scatter3A_207] : memref<4x16x128xf32, #tpu.memory_space<vmem>> -> memref<1x16x128xf32, #tpu.memory_space<vmem>>
        %scatter3A_209 = tpu.memref_squeeze %scatter3A_208 : memref<1x16x128xf32, #tpu.memory_space<vmem>> -> memref<16x128xf32, #tpu.memory_space<vmem>>
        tpu.vector_store_idx %scatter3A_209[%iota3A, %broadcast_in_dim3A_204], %gather3A_205 : memref<16x128xf32, #tpu.memory_space<vmem>>[vector<16xi32>, vector<16xi32>], vector<16xf32>,
        %broadcast_in_dim3A_210 = arith.constant 8 : i32
        %broadcast_in_dim3A_211 = vector.broadcast %broadcast_in_dim3A_210 : i32 to vector<16xi32>
        %gather3A_212 = tpu.vector_load_idx %arg11[%broadcast_in_dim3A_211, %add3A_155] : memref<32x2048xf32, #tpu.memory_space<vmem>>[vector<16xi32>, vector<16xi32>], vector<16xf32>,
        %scatter3A_213 = arith.constant 0 : i32
        %scatter3A_214 = arith.constant 0 : i32
        %scatter3A_215 = tpu.memref_slice %arg12[%and3A_135, %scatter3A_213, %scatter3A_214] : memref<4x16x128xf32, #tpu.memory_space<vmem>> -> memref<1x16x128xf32, #tpu.memory_space<vmem>>
        %scatter3A_216 = tpu.memref_squeeze %scatter3A_215 : memref<1x16x128xf32, #tpu.memory_space<vmem>> -> memref<16x128xf32, #tpu.memory_space<vmem>>
        tpu.vector_store_idx %scatter3A_216[%iota3A, %broadcast_in_dim3A_211], %gather3A_212 : memref<16x128xf32, #tpu.memory_space<vmem>>[vector<16xi32>, vector<16xi32>], vector<16xf32>,
        %broadcast_in_dim3A_217 = arith.constant 9 : i32
        %broadcast_in_dim3A_218 = vector.broadcast %broadcast_in_dim3A_217 : i32 to vector<16xi32>
        %gather3A_219 = tpu.vector_load_idx %arg11[%broadcast_in_dim3A_218, %add3A_155] : memref<32x2048xf32, #tpu.memory_space<vmem>>[vector<16xi32>, vector<16xi32>], vector<16xf32>,
        %scatter3A_220 = arith.constant 0 : i32
        %scatter3A_221 = arith.constant 0 : i32
        %scatter3A_222 = tpu.memref_slice %arg12[%and3A_135, %scatter3A_220, %scatter3A_221] : memref<4x16x128xf32, #tpu.memory_space<vmem>> -> memref<1x16x128xf32, #tpu.memory_space<vmem>>
        %scatter3A_223 = tpu.memref_squeeze %scatter3A_222 : memref<1x16x128xf32, #tpu.memory_space<vmem>> -> memref<16x128xf32, #tpu.memory_space<vmem>>
        tpu.vector_store_idx %scatter3A_223[%iota3A, %broadcast_in_dim3A_218], %gather3A_219 : memref<16x128xf32, #tpu.memory_space<vmem>>[vector<16xi32>, vector<16xi32>], vector<16xf32>,
        %broadcast_in_dim3A_224 = arith.constant 10 : i32
        %broadcast_in_dim3A_225 = vector.broadcast %broadcast_in_dim3A_224 : i32 to vector<16xi32>
        %gather3A_226 = tpu.vector_load_idx %arg11[%broadcast_in_dim3A_225, %add3A_155] : memref<32x2048xf32, #tpu.memory_space<vmem>>[vector<16xi32>, vector<16xi32>], vector<16xf32>,
        %scatter3A_227 = arith.constant 0 : i32
        %scatter3A_228 = arith.constant 0 : i32
        %scatter3A_229 = tpu.memref_slice %arg12[%and3A_135, %scatter3A_227, %scatter3A_228] : memref<4x16x128xf32, #tpu.memory_space<vmem>> -> memref<1x16x128xf32, #tpu.memory_space<vmem>>
        %scatter3A_230 = tpu.memref_squeeze %scatter3A_229 : memref<1x16x128xf32, #tpu.memory_space<vmem>> -> memref<16x128xf32, #tpu.memory_space<vmem>>
        tpu.vector_store_idx %scatter3A_230[%iota3A, %broadcast_in_dim3A_225], %gather3A_226 : memref<16x128xf32, #tpu.memory_space<vmem>>[vector<16xi32>, vector<16xi32>], vector<16xf32>,
        %broadcast_in_dim3A_231 = arith.constant 11 : i32
        %broadcast_in_dim3A_232 = vector.broadcast %broadcast_in_dim3A_231 : i32 to vector<16xi32>
        %gather3A_233 = tpu.vector_load_idx %arg11[%broadcast_in_dim3A_232, %add3A_155] : memref<32x2048xf32, #tpu.memory_space<vmem>>[vector<16xi32>, vector<16xi32>], vector<16xf32>,
        %scatter3A_234 = arith.constant 0 : i32
        %scatter3A_235 = arith.constant 0 : i32
        %scatter3A_236 = tpu.memref_slice %arg12[%and3A_135, %scatter3A_234, %scatter3A_235] : memref<4x16x128xf32, #tpu.memory_space<vmem>> -> memref<1x16x128xf32, #tpu.memory_space<vmem>>
        %scatter3A_237 = tpu.memref_squeeze %scatter3A_236 : memref<1x16x128xf32, #tpu.memory_space<vmem>> -> memref<16x128xf32, #tpu.memory_space<vmem>>
        tpu.vector_store_idx %scatter3A_237[%iota3A, %broadcast_in_dim3A_232], %gather3A_233 : memref<16x128xf32, #tpu.memory_space<vmem>>[vector<16xi32>, vector<16xi32>], vector<16xf32>,
        %broadcast_in_dim3A_238 = arith.constant 12 : i32
        %broadcast_in_dim3A_239 = vector.broadcast %broadcast_in_dim3A_238 : i32 to vector<16xi32>
        %gather3A_240 = tpu.vector_load_idx %arg11[%broadcast_in_dim3A_239, %add3A_155] : memref<32x2048xf32, #tpu.memory_space<vmem>>[vector<16xi32>, vector<16xi32>], vector<16xf32>,
        %scatter3A_241 = arith.constant 0 : i32
        %scatter3A_242 = arith.constant 0 : i32
        %scatter3A_243 = tpu.memref_slice %arg12[%and3A_135, %scatter3A_241, %scatter3A_242] : memref<4x16x128xf32, #tpu.memory_space<vmem>> -> memref<1x16x128xf32, #tpu.memory_space<vmem>>
        %scatter3A_244 = tpu.memref_squeeze %scatter3A_243 : memref<1x16x128xf32, #tpu.memory_space<vmem>> -> memref<16x128xf32, #tpu.memory_space<vmem>>
        tpu.vector_store_idx %scatter3A_244[%iota3A, %broadcast_in_dim3A_239], %gather3A_240 : memref<16x128xf32, #tpu.memory_space<vmem>>[vector<16xi32>, vector<16xi32>], vector<16xf32>,
        %broadcast_in_dim3A_245 = arith.constant 13 : i32
        %broadcast_in_dim3A_246 = vector.broadcast %broadcast_in_dim3A_245 : i32 to vector<16xi32>
        %gather3A_247 = tpu.vector_load_idx %arg11[%broadcast_in_dim3A_246, %add3A_155] : memref<32x2048xf32, #tpu.memory_space<vmem>>[vector<16xi32>, vector<16xi32>], vector<16xf32>,
        %scatter3A_248 = arith.constant 0 : i32
        %scatter3A_249 = arith.constant 0 : i32
        %scatter3A_250 = tpu.memref_slice %arg12[%and3A_135, %scatter3A_248, %scatter3A_249] : memref<4x16x128xf32, #tpu.memory_space<vmem>> -> memref<1x16x128xf32, #tpu.memory_space<vmem>>
        %scatter3A_251 = tpu.memref_squeeze %scatter3A_250 : memref<1x16x128xf32, #tpu.memory_space<vmem>> -> memref<16x128xf32, #tpu.memory_space<vmem>>
        tpu.vector_store_idx %scatter3A_251[%iota3A, %broadcast_in_dim3A_246], %gather3A_247 : memref<16x128xf32, #tpu.memory_space<vmem>>[vector<16xi32>, vector<16xi32>], vector<16xf32>,
        %broadcast_in_dim3A_252 = arith.constant 14 : i32
        %broadcast_in_dim3A_253 = vector.broadcast %broadcast_in_dim3A_252 : i32 to vector<16xi32>
        %gather3A_254 = tpu.vector_load_idx %arg11[%broadcast_in_dim3A_253, %add3A_155] : memref<32x2048xf32, #tpu.memory_space<vmem>>[vector<16xi32>, vector<16xi32>], vector<16xf32>,
        %scatter3A_255 = arith.constant 0 : i32
        %scatter3A_256 = arith.constant 0 : i32
        %scatter3A_257 = tpu.memref_slice %arg12[%and3A_135, %scatter3A_255, %scatter3A_256] : memref<4x16x128xf32, #tpu.memory_space<vmem>> -> memref<1x16x128xf32, #tpu.memory_space<vmem>>
        %scatter3A_258 = tpu.memref_squeeze %scatter3A_257 : memref<1x16x128xf32, #tpu.memory_space<vmem>> -> memref<16x128xf32, #tpu.memory_space<vmem>>
        tpu.vector_store_idx %scatter3A_258[%iota3A, %broadcast_in_dim3A_253], %gather3A_254 : memref<16x128xf32, #tpu.memory_space<vmem>>[vector<16xi32>, vector<16xi32>], vector<16xf32>,
        %broadcast_in_dim3A_259 = arith.constant 15 : i32
        %broadcast_in_dim3A_260 = vector.broadcast %broadcast_in_dim3A_259 : i32 to vector<16xi32>
        %gather3A_261 = tpu.vector_load_idx %arg11[%broadcast_in_dim3A_260, %add3A_155] : memref<32x2048xf32, #tpu.memory_space<vmem>>[vector<16xi32>, vector<16xi32>], vector<16xf32>,
        %scatter3A_262 = arith.constant 0 : i32
        %scatter3A_263 = arith.constant 0 : i32
        %scatter3A_264 = tpu.memref_slice %arg12[%and3A_135, %scatter3A_262, %scatter3A_263] : memref<4x16x128xf32, #tpu.memory_space<vmem>> -> memref<1x16x128xf32, #tpu.memory_space<vmem>>
        %scatter3A_265 = tpu.memref_squeeze %scatter3A_264 : memref<1x16x128xf32, #tpu.memory_space<vmem>> -> memref<16x128xf32, #tpu.memory_space<vmem>>
        tpu.vector_store_idx %scatter3A_265[%iota3A, %broadcast_in_dim3A_260], %gather3A_261 : memref<16x128xf32, #tpu.memory_space<vmem>>[vector<16xi32>, vector<16xi32>], vector<16xf32>,
        %broadcast_in_dim3A_266 = arith.constant 16 : i32
        %broadcast_in_dim3A_267 = vector.broadcast %broadcast_in_dim3A_266 : i32 to vector<16xi32>
        %gather3A_268 = tpu.vector_load_idx %arg11[%broadcast_in_dim3A_267, %add3A_155] : memref<32x2048xf32, #tpu.memory_space<vmem>>[vector<16xi32>, vector<16xi32>], vector<16xf32>,
        %scatter3A_269 = arith.constant 0 : i32
        %scatter3A_270 = arith.constant 0 : i32
        %scatter3A_271 = tpu.memref_slice %arg12[%and3A_135, %scatter3A_269, %scatter3A_270] : memref<4x16x128xf32, #tpu.memory_space<vmem>> -> memref<1x16x128xf32, #tpu.memory_space<vmem>>
        %scatter3A_272 = tpu.memref_squeeze %scatter3A_271 : memref<1x16x128xf32, #tpu.memory_space<vmem>> -> memref<16x128xf32, #tpu.memory_space<vmem>>
        tpu.vector_store_idx %scatter3A_272[%iota3A, %broadcast_in_dim3A_267], %gather3A_268 : memref<16x128xf32, #tpu.memory_space<vmem>>[vector<16xi32>, vector<16xi32>], vector<16xf32>,
        %broadcast_in_dim3A_273 = arith.constant 17 : i32
        %broadcast_in_dim3A_274 = vector.broadcast %broadcast_in_dim3A_273 : i32 to vector<16xi32>
        %gather3A_275 = tpu.vector_load_idx %arg11[%broadcast_in_dim3A_274, %add3A_155] : memref<32x2048xf32, #tpu.memory_space<vmem>>[vector<16xi32>, vector<16xi32>], vector<16xf32>,
        %scatter3A_276 = arith.constant 0 : i32
        %scatter3A_277 = arith.constant 0 : i32
        %scatter3A_278 = tpu.memref_slice %arg12[%and3A_135, %scatter3A_276, %scatter3A_277] : memref<4x16x128xf32, #tpu.memory_space<vmem>> -> memref<1x16x128xf32, #tpu.memory_space<vmem>>
        %scatter3A_279 = tpu.memref_squeeze %scatter3A_278 : memref<1x16x128xf32, #tpu.memory_space<vmem>> -> memref<16x128xf32, #tpu.memory_space<vmem>>
        tpu.vector_store_idx %scatter3A_279[%iota3A, %broadcast_in_dim3A_274], %gather3A_275 : memref<16x128xf32, #tpu.memory_space<vmem>>[vector<16xi32>, vector<16xi32>], vector<16xf32>,
        %broadcast_in_dim3A_280 = arith.constant 18 : i32
        %broadcast_in_dim3A_281 = vector.broadcast %broadcast_in_dim3A_280 : i32 to vector<16xi32>
        %gather3A_282 = tpu.vector_load_idx %arg11[%broadcast_in_dim3A_281, %add3A_155] : memref<32x2048xf32, #tpu.memory_space<vmem>>[vector<16xi32>, vector<16xi32>], vector<16xf32>,
        %scatter3A_283 = arith.constant 0 : i32
        %scatter3A_284 = arith.constant 0 : i32
        %scatter3A_285 = tpu.memref_slice %arg12[%and3A_135, %scatter3A_283, %scatter3A_284] : memref<4x16x128xf32, #tpu.memory_space<vmem>> -> memref<1x16x128xf32, #tpu.memory_space<vmem>>
        %scatter3A_286 = tpu.memref_squeeze %scatter3A_285 : memref<1x16x128xf32, #tpu.memory_space<vmem>> -> memref<16x128xf32, #tpu.memory_space<vmem>>
        tpu.vector_store_idx %scatter3A_286[%iota3A, %broadcast_in_dim3A_281], %gather3A_282 : memref<16x128xf32, #tpu.memory_space<vmem>>[vector<16xi32>, vector<16xi32>], vector<16xf32>,
        %broadcast_in_dim3A_287 = arith.constant 19 : i32
        %broadcast_in_dim3A_288 = vector.broadcast %broadcast_in_dim3A_287 : i32 to vector<16xi32>
        %gather3A_289 = tpu.vector_load_idx %arg11[%broadcast_in_dim3A_288, %add3A_155] : memref<32x2048xf32, #tpu.memory_space<vmem>>[vector<16xi32>, vector<16xi32>], vector<16xf32>,
        %scatter3A_290 = arith.constant 0 : i32
        %scatter3A_291 = arith.constant 0 : i32
        %scatter3A_292 = tpu.memref_slice %arg12[%and3A_135, %scatter3A_290, %scatter3A_291] : memref<4x16x128xf32, #tpu.memory_space<vmem>> -> memref<1x16x128xf32, #tpu.memory_space<vmem>>
        %scatter3A_293 = tpu.memref_squeeze %scatter3A_292 : memref<1x16x128xf32, #tpu.memory_space<vmem>> -> memref<16x128xf32, #tpu.memory_space<vmem>>
        tpu.vector_store_idx %scatter3A_293[%iota3A, %broadcast_in_dim3A_288], %gather3A_289 : memref<16x128xf32, #tpu.memory_space<vmem>>[vector<16xi32>, vector<16xi32>], vector<16xf32>,
        %broadcast_in_dim3A_294 = arith.constant 20 : i32
        %broadcast_in_dim3A_295 = vector.broadcast %broadcast_in_dim3A_294 : i32 to vector<16xi32>
        %gather3A_296 = tpu.vector_load_idx %arg11[%broadcast_in_dim3A_295, %add3A_155] : memref<32x2048xf32, #tpu.memory_space<vmem>>[vector<16xi32>, vector<16xi32>], vector<16xf32>,
        %scatter3A_297 = arith.constant 0 : i32
        %scatter3A_298 = arith.constant 0 : i32
        %scatter3A_299 = tpu.memref_slice %arg12[%and3A_135, %scatter3A_297, %scatter3A_298] : memref<4x16x128xf32, #tpu.memory_space<vmem>> -> memref<1x16x128xf32, #tpu.memory_space<vmem>>
        %scatter3A_300 = tpu.memref_squeeze %scatter3A_299 : memref<1x16x128xf32, #tpu.memory_space<vmem>> -> memref<16x128xf32, #tpu.memory_space<vmem>>
        tpu.vector_store_idx %scatter3A_300[%iota3A, %broadcast_in_dim3A_295], %gather3A_296 : memref<16x128xf32, #tpu.memory_space<vmem>>[vector<16xi32>, vector<16xi32>], vector<16xf32>,
        %broadcast_in_dim3A_301 = arith.constant 21 : i32
        %broadcast_in_dim3A_302 = vector.broadcast %broadcast_in_dim3A_301 : i32 to vector<16xi32>
        %gather3A_303 = tpu.vector_load_idx %arg11[%broadcast_in_dim3A_302, %add3A_155] : memref<32x2048xf32, #tpu.memory_space<vmem>>[vector<16xi32>, vector<16xi32>], vector<16xf32>,
        %scatter3A_304 = arith.constant 0 : i32
        %scatter3A_305 = arith.constant 0 : i32
        %scatter3A_306 = tpu.memref_slice %arg12[%and3A_135, %scatter3A_304, %scatter3A_305] : memref<4x16x128xf32, #tpu.memory_space<vmem>> -> memref<1x16x128xf32, #tpu.memory_space<vmem>>
        %scatter3A_307 = tpu.memref_squeeze %scatter3A_306 : memref<1x16x128xf32, #tpu.memory_space<vmem>> -> memref<16x128xf32, #tpu.memory_space<vmem>>
        tpu.vector_store_idx %scatter3A_307[%iota3A, %broadcast_in_dim3A_302], %gather3A_303 : memref<16x128xf32, #tpu.memory_space<vmem>>[vector<16xi32>, vector<16xi32>], vector<16xf32>,
        %broadcast_in_dim3A_308 = arith.constant 22 : i32
        %broadcast_in_dim3A_309 = vector.broadcast %broadcast_in_dim3A_308 : i32 to vector<16xi32>
        %gather3A_310 = tpu.vector_load_idx %arg11[%broadcast_in_dim3A_309, %add3A_155] : memref<32x2048xf32, #tpu.memory_space<vmem>>[vector<16xi32>, vector<16xi32>], vector<16xf32>,
        %scatter3A_311 = arith.constant 0 : i32
        %scatter3A_312 = arith.constant 0 : i32
        %scatter3A_313 = tpu.memref_slice %arg12[%and3A_135, %scatter3A_311, %scatter3A_312] : memref<4x16x128xf32, #tpu.memory_space<vmem>> -> memref<1x16x128xf32, #tpu.memory_space<vmem>>
        %scatter3A_314 = tpu.memref_squeeze %scatter3A_313 : memref<1x16x128xf32, #tpu.memory_space<vmem>> -> memref<16x128xf32, #tpu.memory_space<vmem>>
        tpu.vector_store_idx %scatter3A_314[%iota3A, %broadcast_in_dim3A_309], %gather3A_310 : memref<16x128xf32, #tpu.memory_space<vmem>>[vector<16xi32>, vector<16xi32>], vector<16xf32>,
        %broadcast_in_dim3A_315 = arith.constant 23 : i32
        %broadcast_in_dim3A_316 = vector.broadcast %broadcast_in_dim3A_315 : i32 to vector<16xi32>
        %gather3A_317 = tpu.vector_load_idx %arg11[%broadcast_in_dim3A_316, %add3A_155] : memref<32x2048xf32, #tpu.memory_space<vmem>>[vector<16xi32>, vector<16xi32>], vector<16xf32>,
        %scatter3A_318 = arith.constant 0 : i32
        %scatter3A_319 = arith.constant 0 : i32
        %scatter3A_320 = tpu.memref_slice %arg12[%and3A_135, %scatter3A_318, %scatter3A_319] : memref<4x16x128xf32, #tpu.memory_space<vmem>> -> memref<1x16x128xf32, #tpu.memory_space<vmem>>
        %scatter3A_321 = tpu.memref_squeeze %scatter3A_320 : memref<1x16x128xf32, #tpu.memory_space<vmem>> -> memref<16x128xf32, #tpu.memory_space<vmem>>
        tpu.vector_store_idx %scatter3A_321[%iota3A, %broadcast_in_dim3A_316], %gather3A_317 : memref<16x128xf32, #tpu.memory_space<vmem>>[vector<16xi32>, vector<16xi32>], vector<16xf32>,
        %broadcast_in_dim3A_322 = arith.constant 24 : i32
        %broadcast_in_dim3A_323 = vector.broadcast %broadcast_in_dim3A_322 : i32 to vector<16xi32>
        %gather3A_324 = tpu.vector_load_idx %arg11[%broadcast_in_dim3A_323, %add3A_155] : memref<32x2048xf32, #tpu.memory_space<vmem>>[vector<16xi32>, vector<16xi32>], vector<16xf32>,
        %scatter3A_325 = arith.constant 0 : i32
        %scatter3A_326 = arith.constant 0 : i32
        %scatter3A_327 = tpu.memref_slice %arg12[%and3A_135, %scatter3A_325, %scatter3A_326] : memref<4x16x128xf32, #tpu.memory_space<vmem>> -> memref<1x16x128xf32, #tpu.memory_space<vmem>>
        %scatter3A_328 = tpu.memref_squeeze %scatter3A_327 : memref<1x16x128xf32, #tpu.memory_space<vmem>> -> memref<16x128xf32, #tpu.memory_space<vmem>>
        tpu.vector_store_idx %scatter3A_328[%iota3A, %broadcast_in_dim3A_323], %gather3A_324 : memref<16x128xf32, #tpu.memory_space<vmem>>[vector<16xi32>, vector<16xi32>], vector<16xf32>,
        %broadcast_in_dim3A_329 = arith.constant 25 : i32
        %broadcast_in_dim3A_330 = vector.broadcast %broadcast_in_dim3A_329 : i32 to vector<16xi32>
        %gather3A_331 = tpu.vector_load_idx %arg11[%broadcast_in_dim3A_330, %add3A_155] : memref<32x2048xf32, #tpu.memory_space<vmem>>[vector<16xi32>, vector<16xi32>], vector<16xf32>,
        %scatter3A_332 = arith.constant 0 : i32
        %scatter3A_333 = arith.constant 0 : i32
        %scatter3A_334 = tpu.memref_slice %arg12[%and3A_135, %scatter3A_332, %scatter3A_333] : memref<4x16x128xf32, #tpu.memory_space<vmem>> -> memref<1x16x128xf32, #tpu.memory_space<vmem>>
        %scatter3A_335 = tpu.memref_squeeze %scatter3A_334 : memref<1x16x128xf32, #tpu.memory_space<vmem>> -> memref<16x128xf32, #tpu.memory_space<vmem>>
        tpu.vector_store_idx %scatter3A_335[%iota3A, %broadcast_in_dim3A_330], %gather3A_331 : memref<16x128xf32, #tpu.memory_space<vmem>>[vector<16xi32>, vector<16xi32>], vector<16xf32>,
        %broadcast_in_dim3A_336 = arith.constant 26 : i32
        %broadcast_in_dim3A_337 = vector.broadcast %broadcast_in_dim3A_336 : i32 to vector<16xi32>
        %gather3A_338 = tpu.vector_load_idx %arg11[%broadcast_in_dim3A_337, %add3A_155] : memref<32x2048xf32, #tpu.memory_space<vmem>>[vector<16xi32>, vector<16xi32>], vector<16xf32>,
        %scatter3A_339 = arith.constant 0 : i32
        %scatter3A_340 = arith.constant 0 : i32
        %scatter3A_341 = tpu.memref_slice %arg12[%and3A_135, %scatter3A_339, %scatter3A_340] : memref<4x16x128xf32, #tpu.memory_space<vmem>> -> memref<1x16x128xf32, #tpu.memory_space<vmem>>
        %scatter3A_342 = tpu.memref_squeeze %scatter3A_341 : memref<1x16x128xf32, #tpu.memory_space<vmem>> -> memref<16x128xf32, #tpu.memory_space<vmem>>
        tpu.vector_store_idx %scatter3A_342[%iota3A, %broadcast_in_dim3A_337], %gather3A_338 : memref<16x128xf32, #tpu.memory_space<vmem>>[vector<16xi32>, vector<16xi32>], vector<16xf32>,
        %broadcast_in_dim3A_343 = arith.constant 27 : i32
        %broadcast_in_dim3A_344 = vector.broadcast %broadcast_in_dim3A_343 : i32 to vector<16xi32>
        %gather3A_345 = tpu.vector_load_idx %arg11[%broadcast_in_dim3A_344, %add3A_155] : memref<32x2048xf32, #tpu.memory_space<vmem>>[vector<16xi32>, vector<16xi32>], vector<16xf32>,
        %scatter3A_346 = arith.constant 0 : i32
        %scatter3A_347 = arith.constant 0 : i32
        %scatter3A_348 = tpu.memref_slice %arg12[%and3A_135, %scatter3A_346, %scatter3A_347] : memref<4x16x128xf32, #tpu.memory_space<vmem>> -> memref<1x16x128xf32, #tpu.memory_space<vmem>>
        %scatter3A_349 = tpu.memref_squeeze %scatter3A_348 : memref<1x16x128xf32, #tpu.memory_space<vmem>> -> memref<16x128xf32, #tpu.memory_space<vmem>>
        tpu.vector_store_idx %scatter3A_349[%iota3A, %broadcast_in_dim3A_344], %gather3A_345 : memref<16x128xf32, #tpu.memory_space<vmem>>[vector<16xi32>, vector<16xi32>], vector<16xf32>,
        %broadcast_in_dim3A_350 = arith.constant 28 : i32
        %broadcast_in_dim3A_351 = vector.broadcast %broadcast_in_dim3A_350 : i32 to vector<16xi32>
        %gather3A_352 = tpu.vector_load_idx %arg11[%broadcast_in_dim3A_351, %add3A_155] : memref<32x2048xf32, #tpu.memory_space<vmem>>[vector<16xi32>, vector<16xi32>], vector<16xf32>,
        %scatter3A_353 = arith.constant 0 : i32
        %scatter3A_354 = arith.constant 0 : i32
        %scatter3A_355 = tpu.memref_slice %arg12[%and3A_135, %scatter3A_353, %scatter3A_354] : memref<4x16x128xf32, #tpu.memory_space<vmem>> -> memref<1x16x128xf32, #tpu.memory_space<vmem>>
        %scatter3A_356 = tpu.memref_squeeze %scatter3A_355 : memref<1x16x128xf32, #tpu.memory_space<vmem>> -> memref<16x128xf32, #tpu.memory_space<vmem>>
        tpu.vector_store_idx %scatter3A_356[%iota3A, %broadcast_in_dim3A_351], %gather3A_352 : memref<16x128xf32, #tpu.memory_space<vmem>>[vector<16xi32>, vector<16xi32>], vector<16xf32>,
        %broadcast_in_dim3A_357 = arith.constant 29 : i32
        %broadcast_in_dim3A_358 = vector.broadcast %broadcast_in_dim3A_357 : i32 to vector<16xi32>
        %gather3A_359 = tpu.vector_load_idx %arg11[%broadcast_in_dim3A_358, %add3A_155] : memref<32x2048xf32, #tpu.memory_space<vmem>>[vector<16xi32>, vector<16xi32>], vector<16xf32>,
        %scatter3A_360 = arith.constant 0 : i32
        %scatter3A_361 = arith.constant 0 : i32
        %scatter3A_362 = tpu.memref_slice %arg12[%and3A_135, %scatter3A_360, %scatter3A_361] : memref<4x16x128xf32, #tpu.memory_space<vmem>> -> memref<1x16x128xf32, #tpu.memory_space<vmem>>
        %scatter3A_363 = tpu.memref_squeeze %scatter3A_362 : memref<1x16x128xf32, #tpu.memory_space<vmem>> -> memref<16x128xf32, #tpu.memory_space<vmem>>
        tpu.vector_store_idx %scatter3A_363[%iota3A, %broadcast_in_dim3A_358], %gather3A_359 : memref<16x128xf32, #tpu.memory_space<vmem>>[vector<16xi32>, vector<16xi32>], vector<16xf32>,
        %broadcast_in_dim3A_364 = arith.constant 30 : i32
        %broadcast_in_dim3A_365 = vector.broadcast %broadcast_in_dim3A_364 : i32 to vector<16xi32>
        %gather3A_366 = tpu.vector_load_idx %arg11[%broadcast_in_dim3A_365, %add3A_155] : memref<32x2048xf32, #tpu.memory_space<vmem>>[vector<16xi32>, vector<16xi32>], vector<16xf32>,
        %scatter3A_367 = arith.constant 0 : i32
        %scatter3A_368 = arith.constant 0 : i32
        %scatter3A_369 = tpu.memref_slice %arg12[%and3A_135, %scatter3A_367, %scatter3A_368] : memref<4x16x128xf32, #tpu.memory_space<vmem>> -> memref<1x16x128xf32, #tpu.memory_space<vmem>>
        %scatter3A_370 = tpu.memref_squeeze %scatter3A_369 : memref<1x16x128xf32, #tpu.memory_space<vmem>> -> memref<16x128xf32, #tpu.memory_space<vmem>>
        tpu.vector_store_idx %scatter3A_370[%iota3A, %broadcast_in_dim3A_365], %gather3A_366 : memref<16x128xf32, #tpu.memory_space<vmem>>[vector<16xi32>, vector<16xi32>], vector<16xf32>,
        %broadcast_in_dim3A_371 = arith.constant 31 : i32
        %broadcast_in_dim3A_372 = vector.broadcast %broadcast_in_dim3A_371 : i32 to vector<16xi32>
        %gather3A_373 = tpu.vector_load_idx %arg11[%broadcast_in_dim3A_372, %add3A_155] : memref<32x2048xf32, #tpu.memory_space<vmem>>[vector<16xi32>, vector<16xi32>], vector<16xf32>,
        %scatter3A_374 = arith.constant 0 : i32
        %scatter3A_375 = arith.constant 0 : i32
        %scatter3A_376 = tpu.memref_slice %arg12[%and3A_135, %scatter3A_374, %scatter3A_375] : memref<4x16x128xf32, #tpu.memory_space<vmem>> -> memref<1x16x128xf32, #tpu.memory_space<vmem>>
        %scatter3A_377 = tpu.memref_squeeze %scatter3A_376 : memref<1x16x128xf32, #tpu.memory_space<vmem>> -> memref<16x128xf32, #tpu.memory_space<vmem>>
        tpu.vector_store_idx %scatter3A_377[%iota3A, %broadcast_in_dim3A_372], %gather3A_373 : memref<16x128xf32, #tpu.memory_space<vmem>>[vector<16xi32>, vector<16xi32>], vector<16xf32>,
        %mul3A_378 = arith.constant 16 : i32
        %mul3A_379 = arith.muli %while3A_128, %mul3A_378 : i32
        %add3A_380 = arith.addi %while3A_72, %mul3A_379 : i32
        %multiple_of3A_381 = tpu.assume_multiple %add3A_380, 8 : i32
        %dma_start3A = arith.constant 0 : i32
        %dma_start3A_382 = arith.constant 0 : i32
        %dma_start3A_383 = tpu.memref_slice %arg12[%and3A_135, %dma_start3A, %dma_start3A_382] : memref<4x16x128xf32, #tpu.memory_space<vmem>> -> memref<1x16x128xf32, #tpu.memory_space<vmem>>
        %dma_start3A_384 = tpu.memref_squeeze %dma_start3A_383 : memref<1x16x128xf32, #tpu.memory_space<vmem>> -> memref<16x128xf32, #tpu.memory_space<vmem>>
        %dma_start3A_385 = arith.constant 0 : i32
        %dma_start3A_386 = tpu.memref_slice %arg5[%add3A, %multiple_of3A_381, %dma_start3A_385] : memref<32x18432x128xf32, #tpu.memory_space<hbm>> -> memref<1x16x128xf32, #tpu.memory_space<hbm>>
        %dma_start3A_387 = tpu.memref_squeeze %dma_start3A_386 : memref<1x16x128xf32, #tpu.memory_space<hbm>> -> memref<16x128xf32, #tpu.memory_space<hbm>>
        %dma_start3A_388 = arith.constant 0 : i32
        %dma_start3A_389 = tpu.memref_slice %arg5[%add3A, %multiple_of3A_381, %dma_start3A_388] : memref<32x18432x128xf32, #tpu.memory_space<hbm>> -> memref<1x16x128xf32, #tpu.memory_space<hbm>>
        %dma_start3A_390 = tpu.memref_squeeze %dma_start3A_389 : memref<1x16x128xf32, #tpu.memory_space<hbm>> -> memref<16x128xf32, #tpu.memory_space<hbm>>
        %dma_start3A_391 = arith.constant 0 : i32
        %dma_start3A_392 = arith.constant 0 : i32
        %dma_start3A_393 = tpu.memref_slice %arg12[%and3A_135, %dma_start3A_391, %dma_start3A_392] : memref<4x16x128xf32, #tpu.memory_space<vmem>> -> memref<1x16x128xf32, #tpu.memory_space<vmem>>
        %dma_start3A_394 = tpu.memref_squeeze %dma_start3A_393 : memref<1x16x128xf32, #tpu.memory_space<vmem>> -> memref<16x128xf32, #tpu.memory_space<vmem>>
        tpu.enqueue_dma source(%dma_start3A_394 : memref<16x128xf32, #tpu.memory_space<vmem>>) target(%dma_start3A_390 : memref<16x128xf32, #tpu.memory_space<hbm>>) target_semaphore(%arg16 : memref<!tpu.dma_semaphore, #tpu.memory_space<semaphore_mem>>)
        %shift_right_logical3A_395 = arith.constant 7 : i32
        %shift_right_logical3A_396 = arith.shrui %while3A_129, %shift_right_logical3A_395 : i32
        %and3A_397 = arith.constant 127 : i32
        %and3A_398 = arith.andi %while3A_129, %and3A_397 : i32
        %swap3A_399 = arith.index_cast %shift_right_logical3A_396 : i32 to index
        %swap3A_400 = arith.index_cast %and3A_398 : i32 to index
        %swap3A_401 = tpu.vector_load %arg13[%swap3A_399, %swap3A_400] {strides = array<i32>} : memref<8x128xi32, #tpu.memory_space<vmem>>, vector<16xi32>,
        tpu.vector_store %arg13[%swap3A_399, %swap3A_400], %select_n3A_150 {strides = array<i32>} : memref<8x128xi32, #tpu.memory_space<vmem>>, vector<16xi32>,
        %add3A_402 = arith.constant 16 : i32
        %add3A_403 = arith.addi %while3A_129, %add3A_402 : i32
        %eq3A_404 = arith.constant 1024 : i32
        %eq3A_405 = arith.cmpi eq, %add3A_403, %eq3A_404 : i32
        %convert_element_type3A_406 = arith.extui %eq3A_405 : i1 to i32
        %cond3A_407 = arith.constant 0 : i32
        %cond3A_408 = arith.cmpi ne, %convert_element_type3A_406, %cond3A_407 : i32
        scf.if %cond3A_408 {
          %multiple_of3A_418 = tpu.assume_multiple %while3A_130, 8 : i32
          "tpu.region"() ({
            %run_scoped3A = tpu.sem_alloc : memref<!tpu.dma_semaphore, #tpu.memory_space<semaphore_mem>>
            %dma_start3A_419 = arith.constant 0 : i32
            %dma_start3A_420 = tpu.memref_slice %arg6[%add3A, %multiple_of3A_418, %dma_start3A_419] : memref<32x144x128xi32, #tpu.memory_space<hbm>> -> memref<1x8x128xi32, #tpu.memory_space<hbm>>
            %dma_start3A_421 = tpu.memref_squeeze %dma_start3A_420 : memref<1x8x128xi32, #tpu.memory_space<hbm>> -> memref<8x128xi32, #tpu.memory_space<hbm>>
            %dma_start3A_422 = arith.constant 0 : i32
            %dma_start3A_423 = tpu.memref_slice %arg6[%add3A, %multiple_of3A_418, %dma_start3A_422] : memref<32x144x128xi32, #tpu.memory_space<hbm>> -> memref<1x8x128xi32, #tpu.memory_space<hbm>>
            %dma_start3A_424 = tpu.memref_squeeze %dma_start3A_423 : memref<1x8x128xi32, #tpu.memory_space<hbm>> -> memref<8x128xi32, #tpu.memory_space<hbm>>
            tpu.enqueue_dma source(%arg13 : memref<8x128xi32, #tpu.memory_space<vmem>>) target(%dma_start3A_424 : memref<8x128xi32, #tpu.memory_space<hbm>>) target_semaphore(%run_scoped3A : memref<!tpu.dma_semaphore, #tpu.memory_space<semaphore_mem>>)
            %dma_wait3A = arith.constant 0 : i32
            %dma_wait3A_425 = tpu.memref_slice %arg6[%add3A, %multiple_of3A_418, %dma_wait3A] : memref<32x144x128xi32, #tpu.memory_space<hbm>> -> memref<1x8x128xi32, #tpu.memory_space<hbm>>
            %dma_wait3A_426 = tpu.memref_squeeze %dma_wait3A_425 : memref<1x8x128xi32, #tpu.memory_space<hbm>> -> memref<8x128xi32, #tpu.memory_space<hbm>>
            %dma_wait3A_427 = arith.constant 0 : i32
            %dma_wait3A_428 = tpu.memref_slice %arg6[%add3A, %multiple_of3A_418, %dma_wait3A_427] : memref<32x144x128xi32, #tpu.memory_space<hbm>> -> memref<1x8x128xi32, #tpu.memory_space<hbm>>
            %dma_wait3A_429 = tpu.memref_squeeze %dma_wait3A_428 : memref<1x8x128xi32, #tpu.memory_space<hbm>> -> memref<8x128xi32, #tpu.memory_space<hbm>>
            tpu.wait_dma2 semaphore(%run_scoped3A : memref<!tpu.dma_semaphore, #tpu.memory_space<semaphore_mem>>) src(%arg13 : memref<8x128xi32, #tpu.memory_space<vmem>>) dst(%dma_wait3A_429 : memref<8x128xi32, #tpu.memory_space<hbm>>)
            tpu.yield
          }) : () -> ()
        } else {
        }
        %eq3A_409 = arith.constant 1024 : i32
        %eq3A_410 = arith.cmpi eq, %add3A_403, %eq3A_409 : i32
        %add3A_411 = arith.constant 8 : i32
        %add3A_412 = arith.addi %while3A_130, %add3A_411 : i32
        %select_n3A_413 = arith.select %eq3A_410, %add3A_412, %while3A_130 : i32
        %eq3A_414 = arith.constant 1024 : i32
        %eq3A_415 = arith.cmpi eq, %add3A_403, %eq3A_414 : i32
        %jit3A_416 = arith.constant 0 : i32
        %select_n3A_417 = arith.select %eq3A_415, %jit3A_416, %add3A_403 : i32
        scf.yield %select_n3A_417, %select_n3A_413 : i32, i32
      }
      %while3A_123 = arith.constant 1 : i32
      %while3A_124:2 = scf.for %while3A_128 = %while3A_120 to %while3A_116 step %while3A_123 iter_args(%while3A_129 = %while3A_122#0, %while3A_130 = %while3A_122#1) -> (i32, i32)  : i32 {
        %shift_right_logical3A_131 = arith.constant 4 : i32
        %shift_right_logical3A_132 = arith.shrui %while3A_72, %shift_right_logical3A_131 : i32
        %add3A_133 = arith.addi %shift_right_logical3A_132, %while3A_128 : i32
        %and3A_134 = arith.constant 3 : i32
        %and3A_135 = arith.andi %add3A_133, %and3A_134 : i32
        %ge3A_136 = arith.constant 4 : i32
        %ge3A_137 = arith.cmpi sge, %add3A_133, %ge3A_136 : i32
        %convert_element_type3A_138 = arith.extui %ge3A_137 : i1 to i32
        %cond3A_139 = arith.constant 0 : i32
        %cond3A_140 = arith.cmpi ne, %convert_element_type3A_138, %cond3A_139 : i32
        scf.if %cond3A_140 {
          %dma_wait3A = arith.constant 0 : i32
          %dma_wait3A_418 = arith.constant 0 : i32
          %dma_wait3A_419 = arith.constant 0 : i32
          %dma_wait3A_420 = arith.constant 0 : i32
          %dma_wait3A_421 = tpu.memref_slice %arg12[%dma_wait3A_418, %dma_wait3A_419, %dma_wait3A_420] : memref<4x16x128xf32, #tpu.memory_space<vmem>> -> memref<1x16x128xf32, #tpu.memory_space<vmem>>
          %dma_wait3A_422 = tpu.memref_squeeze %dma_wait3A_421 : memref<1x16x128xf32, #tpu.memory_space<vmem>> -> memref<16x128xf32, #tpu.memory_space<vmem>>
          %dma_wait3A_423 = arith.constant 0 : i32
          %dma_wait3A_424 = arith.constant 0 : i32
          %dma_wait3A_425 = tpu.memref_slice %arg5[%dma_wait3A, %dma_wait3A_423, %dma_wait3A_424] : memref<32x18432x128xf32, #tpu.memory_space<hbm>> -> memref<1x16x128xf32, #tpu.memory_space<hbm>>
          %dma_wait3A_426 = tpu.memref_squeeze %dma_wait3A_425 : memref<1x16x128xf32, #tpu.memory_space<hbm>> -> memref<16x128xf32, #tpu.memory_space<hbm>>
          %dma_wait3A_427 = arith.constant 0 : i32
          %dma_wait3A_428 = arith.constant 0 : i32
          %dma_wait3A_429 = tpu.memref_slice %arg12[%dma_wait3A_418, %dma_wait3A_427, %dma_wait3A_428] : memref<4x16x128xf32, #tpu.memory_space<vmem>> -> memref<1x16x128xf32, #tpu.memory_space<vmem>>
          %dma_wait3A_430 = tpu.memref_squeeze %dma_wait3A_429 : memref<1x16x128xf32, #tpu.memory_space<vmem>> -> memref<16x128xf32, #tpu.memory_space<vmem>>
          %dma_wait3A_431 = arith.constant 0 : i32
          %dma_wait3A_432 = arith.constant 0 : i32
          %dma_wait3A_433 = tpu.memref_slice %arg5[%dma_wait3A, %dma_wait3A_431, %dma_wait3A_432] : memref<32x18432x128xf32, #tpu.memory_space<hbm>> -> memref<1x16x128xf32, #tpu.memory_space<hbm>>
          %dma_wait3A_434 = tpu.memref_squeeze %dma_wait3A_433 : memref<1x16x128xf32, #tpu.memory_space<hbm>> -> memref<16x128xf32, #tpu.memory_space<hbm>>
          tpu.wait_dma2 semaphore(%arg16 : memref<!tpu.dma_semaphore, #tpu.memory_space<semaphore_mem>>) src(%dma_wait3A_434 : memref<16x128xf32, #tpu.memory_space<hbm>>) dst(%dma_wait3A_430 : memref<16x128xf32, #tpu.memory_space<vmem>>)
        } else {
        }
        %mul3A_141 = arith.constant 16 : i32
        %mul3A_142 = arith.muli %while3A_128, %mul3A_141 : i32
        %get3A = arith.index_cast %mul3A_142 : i32 to index
        %get3A_143 = tpu.vector_load %arg10[%get3A] {strides = array<i32>} : memref<16400xi32, #tpu.memory_space<vmem>>, vector<16xi32>,
        %mul3A_144 = arith.constant 16 : i32
        %mul3A_145 = arith.muli %while3A_128, %mul3A_144 : i32
        %add3A_146 = vector.broadcast %mul3A_145 : i32 to vector<16xi32>
        %add3A_147 = arith.addi %add3A_146, %iota3A : vector<16xi32>
        %lt3A_148 = vector.broadcast %while3A_109 : i32 to vector<16xi32>
        %lt3A_149 = arith.cmpi slt, %add3A_147, %lt3A_148 : vector<16xi32>
        %select_n3A_150 = arith.select %lt3A_149, %get3A_143, %broadcast_in_dim3A_8 : vector<16xi1>, vector<16xi32>
        %and3A_151 = arith.constant 1023 : i32
        %and3A_152 = vector.broadcast %and3A_151 : i32 to vector<16xi32>
        %and3A_153 = arith.andi %select_n3A_150, %and3A_152 : vector<16xi32>
        %add3A_154 = vector.broadcast %mul3A_97 : i32 to vector<16xi32>
        %add3A_155 = arith.addi %and3A_153, %add3A_154 : vector<16xi32>
        %broadcast_in_dim3A_156 = arith.constant 0 : i32
        %broadcast_in_dim3A_157 = vector.broadcast %broadcast_in_dim3A_156 : i32 to vector<16xi32>
        %gather3A = tpu.vector_load_idx %arg11[%broadcast_in_dim3A_157, %add3A_155] : memref<32x2048xf32, #tpu.memory_space<vmem>>[vector<16xi32>, vector<16xi32>], vector<16xf32>,
        %scatter3A = arith.constant 0 : i32
        %scatter3A_158 = arith.constant 0 : i32
        %scatter3A_159 = tpu.memref_slice %arg12[%and3A_135, %scatter3A, %scatter3A_158] : memref<4x16x128xf32, #tpu.memory_space<vmem>> -> memref<1x16x128xf32, #tpu.memory_space<vmem>>
        %scatter3A_160 = tpu.memref_squeeze %scatter3A_159 : memref<1x16x128xf32, #tpu.memory_space<vmem>> -> memref<16x128xf32, #tpu.memory_space<vmem>>
        tpu.vector_store_idx %scatter3A_160[%iota3A, %broadcast_in_dim3A_157], %gather3A : memref<16x128xf32, #tpu.memory_space<vmem>>[vector<16xi32>, vector<16xi32>], vector<16xf32>,
        %broadcast_in_dim3A_161 = arith.constant 1 : i32
        %broadcast_in_dim3A_162 = vector.broadcast %broadcast_in_dim3A_161 : i32 to vector<16xi32>
        %gather3A_163 = tpu.vector_load_idx %arg11[%broadcast_in_dim3A_162, %add3A_155] : memref<32x2048xf32, #tpu.memory_space<vmem>>[vector<16xi32>, vector<16xi32>], vector<16xf32>,
        %scatter3A_164 = arith.constant 0 : i32
        %scatter3A_165 = arith.constant 0 : i32
        %scatter3A_166 = tpu.memref_slice %arg12[%and3A_135, %scatter3A_164, %scatter3A_165] : memref<4x16x128xf32, #tpu.memory_space<vmem>> -> memref<1x16x128xf32, #tpu.memory_space<vmem>>
        %scatter3A_167 = tpu.memref_squeeze %scatter3A_166 : memref<1x16x128xf32, #tpu.memory_space<vmem>> -> memref<16x128xf32, #tpu.memory_space<vmem>>
        tpu.vector_store_idx %scatter3A_167[%iota3A, %broadcast_in_dim3A_162], %gather3A_163 : memref<16x128xf32, #tpu.memory_space<vmem>>[vector<16xi32>, vector<16xi32>], vector<16xf32>,
        %broadcast_in_dim3A_168 = arith.constant 2 : i32
        %broadcast_in_dim3A_169 = vector.broadcast %broadcast_in_dim3A_168 : i32 to vector<16xi32>
        %gather3A_170 = tpu.vector_load_idx %arg11[%broadcast_in_dim3A_169, %add3A_155] : memref<32x2048xf32, #tpu.memory_space<vmem>>[vector<16xi32>, vector<16xi32>], vector<16xf32>,
        %scatter3A_171 = arith.constant 0 : i32
        %scatter3A_172 = arith.constant 0 : i32
        %scatter3A_173 = tpu.memref_slice %arg12[%and3A_135, %scatter3A_171, %scatter3A_172] : memref<4x16x128xf32, #tpu.memory_space<vmem>> -> memref<1x16x128xf32, #tpu.memory_space<vmem>>
        %scatter3A_174 = tpu.memref_squeeze %scatter3A_173 : memref<1x16x128xf32, #tpu.memory_space<vmem>> -> memref<16x128xf32, #tpu.memory_space<vmem>>
        tpu.vector_store_idx %scatter3A_174[%iota3A, %broadcast_in_dim3A_169], %gather3A_170 : memref<16x128xf32, #tpu.memory_space<vmem>>[vector<16xi32>, vector<16xi32>], vector<16xf32>,
        %broadcast_in_dim3A_175 = arith.constant 3 : i32
        %broadcast_in_dim3A_176 = vector.broadcast %broadcast_in_dim3A_175 : i32 to vector<16xi32>
        %gather3A_177 = tpu.vector_load_idx %arg11[%broadcast_in_dim3A_176, %add3A_155] : memref<32x2048xf32, #tpu.memory_space<vmem>>[vector<16xi32>, vector<16xi32>], vector<16xf32>,
        %scatter3A_178 = arith.constant 0 : i32
        %scatter3A_179 = arith.constant 0 : i32
        %scatter3A_180 = tpu.memref_slice %arg12[%and3A_135, %scatter3A_178, %scatter3A_179] : memref<4x16x128xf32, #tpu.memory_space<vmem>> -> memref<1x16x128xf32, #tpu.memory_space<vmem>>
        %scatter3A_181 = tpu.memref_squeeze %scatter3A_180 : memref<1x16x128xf32, #tpu.memory_space<vmem>> -> memref<16x128xf32, #tpu.memory_space<vmem>>
        tpu.vector_store_idx %scatter3A_181[%iota3A, %broadcast_in_dim3A_176], %gather3A_177 : memref<16x128xf32, #tpu.memory_space<vmem>>[vector<16xi32>, vector<16xi32>], vector<16xf32>,
        %broadcast_in_dim3A_182 = arith.constant 4 : i32
        %broadcast_in_dim3A_183 = vector.broadcast %broadcast_in_dim3A_182 : i32 to vector<16xi32>
        %gather3A_184 = tpu.vector_load_idx %arg11[%broadcast_in_dim3A_183, %add3A_155] : memref<32x2048xf32, #tpu.memory_space<vmem>>[vector<16xi32>, vector<16xi32>], vector<16xf32>,
        %scatter3A_185 = arith.constant 0 : i32
        %scatter3A_186 = arith.constant 0 : i32
        %scatter3A_187 = tpu.memref_slice %arg12[%and3A_135, %scatter3A_185, %scatter3A_186] : memref<4x16x128xf32, #tpu.memory_space<vmem>> -> memref<1x16x128xf32, #tpu.memory_space<vmem>>
        %scatter3A_188 = tpu.memref_squeeze %scatter3A_187 : memref<1x16x128xf32, #tpu.memory_space<vmem>> -> memref<16x128xf32, #tpu.memory_space<vmem>>
        tpu.vector_store_idx %scatter3A_188[%iota3A, %broadcast_in_dim3A_183], %gather3A_184 : memref<16x128xf32, #tpu.memory_space<vmem>>[vector<16xi32>, vector<16xi32>], vector<16xf32>,
        %broadcast_in_dim3A_189 = arith.constant 5 : i32
        %broadcast_in_dim3A_190 = vector.broadcast %broadcast_in_dim3A_189 : i32 to vector<16xi32>
        %gather3A_191 = tpu.vector_load_idx %arg11[%broadcast_in_dim3A_190, %add3A_155] : memref<32x2048xf32, #tpu.memory_space<vmem>>[vector<16xi32>, vector<16xi32>], vector<16xf32>,
        %scatter3A_192 = arith.constant 0 : i32
        %scatter3A_193 = arith.constant 0 : i32
        %scatter3A_194 = tpu.memref_slice %arg12[%and3A_135, %scatter3A_192, %scatter3A_193] : memref<4x16x128xf32, #tpu.memory_space<vmem>> -> memref<1x16x128xf32, #tpu.memory_space<vmem>>
        %scatter3A_195 = tpu.memref_squeeze %scatter3A_194 : memref<1x16x128xf32, #tpu.memory_space<vmem>> -> memref<16x128xf32, #tpu.memory_space<vmem>>
        tpu.vector_store_idx %scatter3A_195[%iota3A, %broadcast_in_dim3A_190], %gather3A_191 : memref<16x128xf32, #tpu.memory_space<vmem>>[vector<16xi32>, vector<16xi32>], vector<16xf32>,
        %broadcast_in_dim3A_196 = arith.constant 6 : i32
        %broadcast_in_dim3A_197 = vector.broadcast %broadcast_in_dim3A_196 : i32 to vector<16xi32>
        %gather3A_198 = tpu.vector_load_idx %arg11[%broadcast_in_dim3A_197, %add3A_155] : memref<32x2048xf32, #tpu.memory_space<vmem>>[vector<16xi32>, vector<16xi32>], vector<16xf32>,
        %scatter3A_199 = arith.constant 0 : i32
        %scatter3A_200 = arith.constant 0 : i32
        %scatter3A_201 = tpu.memref_slice %arg12[%and3A_135, %scatter3A_199, %scatter3A_200] : memref<4x16x128xf32, #tpu.memory_space<vmem>> -> memref<1x16x128xf32, #tpu.memory_space<vmem>>
        %scatter3A_202 = tpu.memref_squeeze %scatter3A_201 : memref<1x16x128xf32, #tpu.memory_space<vmem>> -> memref<16x128xf32, #tpu.memory_space<vmem>>
        tpu.vector_store_idx %scatter3A_202[%iota3A, %broadcast_in_dim3A_197], %gather3A_198 : memref<16x128xf32, #tpu.memory_space<vmem>>[vector<16xi32>, vector<16xi32>], vector<16xf32>,
        %broadcast_in_dim3A_203 = arith.constant 7 : i32
        %broadcast_in_dim3A_204 = vector.broadcast %broadcast_in_dim3A_203 : i32 to vector<16xi32>
        %gather3A_205 = tpu.vector_load_idx %arg11[%broadcast_in_dim3A_204, %add3A_155] : memref<32x2048xf32, #tpu.memory_space<vmem>>[vector<16xi32>, vector<16xi32>], vector<16xf32>,
        %scatter3A_206 = arith.constant 0 : i32
        %scatter3A_207 = arith.constant 0 : i32
        %scatter3A_208 = tpu.memref_slice %arg12[%and3A_135, %scatter3A_206, %scatter3A_207] : memref<4x16x128xf32, #tpu.memory_space<vmem>> -> memref<1x16x128xf32, #tpu.memory_space<vmem>>
        %scatter3A_209 = tpu.memref_squeeze %scatter3A_208 : memref<1x16x128xf32, #tpu.memory_space<vmem>> -> memref<16x128xf32, #tpu.memory_space<vmem>>
        tpu.vector_store_idx %scatter3A_209[%iota3A, %broadcast_in_dim3A_204], %gather3A_205 : memref<16x128xf32, #tpu.memory_space<vmem>>[vector<16xi32>, vector<16xi32>], vector<16xf32>,
        %broadcast_in_dim3A_210 = arith.constant 8 : i32
        %broadcast_in_dim3A_211 = vector.broadcast %broadcast_in_dim3A_210 : i32 to vector<16xi32>
        %gather3A_212 = tpu.vector_load_idx %arg11[%broadcast_in_dim3A_211, %add3A_155] : memref<32x2048xf32, #tpu.memory_space<vmem>>[vector<16xi32>, vector<16xi32>], vector<16xf32>,
        %scatter3A_213 = arith.constant 0 : i32
        %scatter3A_214 = arith.constant 0 : i32
        %scatter3A_215 = tpu.memref_slice %arg12[%and3A_135, %scatter3A_213, %scatter3A_214] : memref<4x16x128xf32, #tpu.memory_space<vmem>> -> memref<1x16x128xf32, #tpu.memory_space<vmem>>
        %scatter3A_216 = tpu.memref_squeeze %scatter3A_215 : memref<1x16x128xf32, #tpu.memory_space<vmem>> -> memref<16x128xf32, #tpu.memory_space<vmem>>
        tpu.vector_store_idx %scatter3A_216[%iota3A, %broadcast_in_dim3A_211], %gather3A_212 : memref<16x128xf32, #tpu.memory_space<vmem>>[vector<16xi32>, vector<16xi32>], vector<16xf32>,
        %broadcast_in_dim3A_217 = arith.constant 9 : i32
        %broadcast_in_dim3A_218 = vector.broadcast %broadcast_in_dim3A_217 : i32 to vector<16xi32>
        %gather3A_219 = tpu.vector_load_idx %arg11[%broadcast_in_dim3A_218, %add3A_155] : memref<32x2048xf32, #tpu.memory_space<vmem>>[vector<16xi32>, vector<16xi32>], vector<16xf32>,
        %scatter3A_220 = arith.constant 0 : i32
        %scatter3A_221 = arith.constant 0 : i32
        %scatter3A_222 = tpu.memref_slice %arg12[%and3A_135, %scatter3A_220, %scatter3A_221] : memref<4x16x128xf32, #tpu.memory_space<vmem>> -> memref<1x16x128xf32, #tpu.memory_space<vmem>>
        %scatter3A_223 = tpu.memref_squeeze %scatter3A_222 : memref<1x16x128xf32, #tpu.memory_space<vmem>> -> memref<16x128xf32, #tpu.memory_space<vmem>>
        tpu.vector_store_idx %scatter3A_223[%iota3A, %broadcast_in_dim3A_218], %gather3A_219 : memref<16x128xf32, #tpu.memory_space<vmem>>[vector<16xi32>, vector<16xi32>], vector<16xf32>,
        %broadcast_in_dim3A_224 = arith.constant 10 : i32
        %broadcast_in_dim3A_225 = vector.broadcast %broadcast_in_dim3A_224 : i32 to vector<16xi32>
        %gather3A_226 = tpu.vector_load_idx %arg11[%broadcast_in_dim3A_225, %add3A_155] : memref<32x2048xf32, #tpu.memory_space<vmem>>[vector<16xi32>, vector<16xi32>], vector<16xf32>,
        %scatter3A_227 = arith.constant 0 : i32
        %scatter3A_228 = arith.constant 0 : i32
        %scatter3A_229 = tpu.memref_slice %arg12[%and3A_135, %scatter3A_227, %scatter3A_228] : memref<4x16x128xf32, #tpu.memory_space<vmem>> -> memref<1x16x128xf32, #tpu.memory_space<vmem>>
        %scatter3A_230 = tpu.memref_squeeze %scatter3A_229 : memref<1x16x128xf32, #tpu.memory_space<vmem>> -> memref<16x128xf32, #tpu.memory_space<vmem>>
        tpu.vector_store_idx %scatter3A_230[%iota3A, %broadcast_in_dim3A_225], %gather3A_226 : memref<16x128xf32, #tpu.memory_space<vmem>>[vector<16xi32>, vector<16xi32>], vector<16xf32>,
        %broadcast_in_dim3A_231 = arith.constant 11 : i32
        %broadcast_in_dim3A_232 = vector.broadcast %broadcast_in_dim3A_231 : i32 to vector<16xi32>
        %gather3A_233 = tpu.vector_load_idx %arg11[%broadcast_in_dim3A_232, %add3A_155] : memref<32x2048xf32, #tpu.memory_space<vmem>>[vector<16xi32>, vector<16xi32>], vector<16xf32>,
        %scatter3A_234 = arith.constant 0 : i32
        %scatter3A_235 = arith.constant 0 : i32
        %scatter3A_236 = tpu.memref_slice %arg12[%and3A_135, %scatter3A_234, %scatter3A_235] : memref<4x16x128xf32, #tpu.memory_space<vmem>> -> memref<1x16x128xf32, #tpu.memory_space<vmem>>
        %scatter3A_237 = tpu.memref_squeeze %scatter3A_236 : memref<1x16x128xf32, #tpu.memory_space<vmem>> -> memref<16x128xf32, #tpu.memory_space<vmem>>
        tpu.vector_store_idx %scatter3A_237[%iota3A, %broadcast_in_dim3A_232], %gather3A_233 : memref<16x128xf32, #tpu.memory_space<vmem>>[vector<16xi32>, vector<16xi32>], vector<16xf32>,
        %broadcast_in_dim3A_238 = arith.constant 12 : i32
        %broadcast_in_dim3A_239 = vector.broadcast %broadcast_in_dim3A_238 : i32 to vector<16xi32>
        %gather3A_240 = tpu.vector_load_idx %arg11[%broadcast_in_dim3A_239, %add3A_155] : memref<32x2048xf32, #tpu.memory_space<vmem>>[vector<16xi32>, vector<16xi32>], vector<16xf32>,
        %scatter3A_241 = arith.constant 0 : i32
        %scatter3A_242 = arith.constant 0 : i32
        %scatter3A_243 = tpu.memref_slice %arg12[%and3A_135, %scatter3A_241, %scatter3A_242] : memref<4x16x128xf32, #tpu.memory_space<vmem>> -> memref<1x16x128xf32, #tpu.memory_space<vmem>>
        %scatter3A_244 = tpu.memref_squeeze %scatter3A_243 : memref<1x16x128xf32, #tpu.memory_space<vmem>> -> memref<16x128xf32, #tpu.memory_space<vmem>>
        tpu.vector_store_idx %scatter3A_244[%iota3A, %broadcast_in_dim3A_239], %gather3A_240 : memref<16x128xf32, #tpu.memory_space<vmem>>[vector<16xi32>, vector<16xi32>], vector<16xf32>,
        %broadcast_in_dim3A_245 = arith.constant 13 : i32
        %broadcast_in_dim3A_246 = vector.broadcast %broadcast_in_dim3A_245 : i32 to vector<16xi32>
        %gather3A_247 = tpu.vector_load_idx %arg11[%broadcast_in_dim3A_246, %add3A_155] : memref<32x2048xf32, #tpu.memory_space<vmem>>[vector<16xi32>, vector<16xi32>], vector<16xf32>,
        %scatter3A_248 = arith.constant 0 : i32
        %scatter3A_249 = arith.constant 0 : i32
        %scatter3A_250 = tpu.memref_slice %arg12[%and3A_135, %scatter3A_248, %scatter3A_249] : memref<4x16x128xf32, #tpu.memory_space<vmem>> -> memref<1x16x128xf32, #tpu.memory_space<vmem>>
        %scatter3A_251 = tpu.memref_squeeze %scatter3A_250 : memref<1x16x128xf32, #tpu.memory_space<vmem>> -> memref<16x128xf32, #tpu.memory_space<vmem>>
        tpu.vector_store_idx %scatter3A_251[%iota3A, %broadcast_in_dim3A_246], %gather3A_247 : memref<16x128xf32, #tpu.memory_space<vmem>>[vector<16xi32>, vector<16xi32>], vector<16xf32>,
        %broadcast_in_dim3A_252 = arith.constant 14 : i32
        %broadcast_in_dim3A_253 = vector.broadcast %broadcast_in_dim3A_252 : i32 to vector<16xi32>
        %gather3A_254 = tpu.vector_load_idx %arg11[%broadcast_in_dim3A_253, %add3A_155] : memref<32x2048xf32, #tpu.memory_space<vmem>>[vector<16xi32>, vector<16xi32>], vector<16xf32>,
        %scatter3A_255 = arith.constant 0 : i32
        %scatter3A_256 = arith.constant 0 : i32
        %scatter3A_257 = tpu.memref_slice %arg12[%and3A_135, %scatter3A_255, %scatter3A_256] : memref<4x16x128xf32, #tpu.memory_space<vmem>> -> memref<1x16x128xf32, #tpu.memory_space<vmem>>
        %scatter3A_258 = tpu.memref_squeeze %scatter3A_257 : memref<1x16x128xf32, #tpu.memory_space<vmem>> -> memref<16x128xf32, #tpu.memory_space<vmem>>
        tpu.vector_store_idx %scatter3A_258[%iota3A, %broadcast_in_dim3A_253], %gather3A_254 : memref<16x128xf32, #tpu.memory_space<vmem>>[vector<16xi32>, vector<16xi32>], vector<16xf32>,
        %broadcast_in_dim3A_259 = arith.constant 15 : i32
        %broadcast_in_dim3A_260 = vector.broadcast %broadcast_in_dim3A_259 : i32 to vector<16xi32>
        %gather3A_261 = tpu.vector_load_idx %arg11[%broadcast_in_dim3A_260, %add3A_155] : memref<32x2048xf32, #tpu.memory_space<vmem>>[vector<16xi32>, vector<16xi32>], vector<16xf32>,
        %scatter3A_262 = arith.constant 0 : i32
        %scatter3A_263 = arith.constant 0 : i32
        %scatter3A_264 = tpu.memref_slice %arg12[%and3A_135, %scatter3A_262, %scatter3A_263] : memref<4x16x128xf32, #tpu.memory_space<vmem>> -> memref<1x16x128xf32, #tpu.memory_space<vmem>>
        %scatter3A_265 = tpu.memref_squeeze %scatter3A_264 : memref<1x16x128xf32, #tpu.memory_space<vmem>> -> memref<16x128xf32, #tpu.memory_space<vmem>>
        tpu.vector_store_idx %scatter3A_265[%iota3A, %broadcast_in_dim3A_260], %gather3A_261 : memref<16x128xf32, #tpu.memory_space<vmem>>[vector<16xi32>, vector<16xi32>], vector<16xf32>,
        %broadcast_in_dim3A_266 = arith.constant 16 : i32
        %broadcast_in_dim3A_267 = vector.broadcast %broadcast_in_dim3A_266 : i32 to vector<16xi32>
        %gather3A_268 = tpu.vector_load_idx %arg11[%broadcast_in_dim3A_267, %add3A_155] : memref<32x2048xf32, #tpu.memory_space<vmem>>[vector<16xi32>, vector<16xi32>], vector<16xf32>,
        %scatter3A_269 = arith.constant 0 : i32
        %scatter3A_270 = arith.constant 0 : i32
        %scatter3A_271 = tpu.memref_slice %arg12[%and3A_135, %scatter3A_269, %scatter3A_270] : memref<4x16x128xf32, #tpu.memory_space<vmem>> -> memref<1x16x128xf32, #tpu.memory_space<vmem>>
        %scatter3A_272 = tpu.memref_squeeze %scatter3A_271 : memref<1x16x128xf32, #tpu.memory_space<vmem>> -> memref<16x128xf32, #tpu.memory_space<vmem>>
        tpu.vector_store_idx %scatter3A_272[%iota3A, %broadcast_in_dim3A_267], %gather3A_268 : memref<16x128xf32, #tpu.memory_space<vmem>>[vector<16xi32>, vector<16xi32>], vector<16xf32>,
        %broadcast_in_dim3A_273 = arith.constant 17 : i32
        %broadcast_in_dim3A_274 = vector.broadcast %broadcast_in_dim3A_273 : i32 to vector<16xi32>
        %gather3A_275 = tpu.vector_load_idx %arg11[%broadcast_in_dim3A_274, %add3A_155] : memref<32x2048xf32, #tpu.memory_space<vmem>>[vector<16xi32>, vector<16xi32>], vector<16xf32>,
        %scatter3A_276 = arith.constant 0 : i32
        %scatter3A_277 = arith.constant 0 : i32
        %scatter3A_278 = tpu.memref_slice %arg12[%and3A_135, %scatter3A_276, %scatter3A_277] : memref<4x16x128xf32, #tpu.memory_space<vmem>> -> memref<1x16x128xf32, #tpu.memory_space<vmem>>
        %scatter3A_279 = tpu.memref_squeeze %scatter3A_278 : memref<1x16x128xf32, #tpu.memory_space<vmem>> -> memref<16x128xf32, #tpu.memory_space<vmem>>
        tpu.vector_store_idx %scatter3A_279[%iota3A, %broadcast_in_dim3A_274], %gather3A_275 : memref<16x128xf32, #tpu.memory_space<vmem>>[vector<16xi32>, vector<16xi32>], vector<16xf32>,
        %broadcast_in_dim3A_280 = arith.constant 18 : i32
        %broadcast_in_dim3A_281 = vector.broadcast %broadcast_in_dim3A_280 : i32 to vector<16xi32>
        %gather3A_282 = tpu.vector_load_idx %arg11[%broadcast_in_dim3A_281, %add3A_155] : memref<32x2048xf32, #tpu.memory_space<vmem>>[vector<16xi32>, vector<16xi32>], vector<16xf32>,
        %scatter3A_283 = arith.constant 0 : i32
        %scatter3A_284 = arith.constant 0 : i32
        %scatter3A_285 = tpu.memref_slice %arg12[%and3A_135, %scatter3A_283, %scatter3A_284] : memref<4x16x128xf32, #tpu.memory_space<vmem>> -> memref<1x16x128xf32, #tpu.memory_space<vmem>>
        %scatter3A_286 = tpu.memref_squeeze %scatter3A_285 : memref<1x16x128xf32, #tpu.memory_space<vmem>> -> memref<16x128xf32, #tpu.memory_space<vmem>>
        tpu.vector_store_idx %scatter3A_286[%iota3A, %broadcast_in_dim3A_281], %gather3A_282 : memref<16x128xf32, #tpu.memory_space<vmem>>[vector<16xi32>, vector<16xi32>], vector<16xf32>,
        %broadcast_in_dim3A_287 = arith.constant 19 : i32
        %broadcast_in_dim3A_288 = vector.broadcast %broadcast_in_dim3A_287 : i32 to vector<16xi32>
        %gather3A_289 = tpu.vector_load_idx %arg11[%broadcast_in_dim3A_288, %add3A_155] : memref<32x2048xf32, #tpu.memory_space<vmem>>[vector<16xi32>, vector<16xi32>], vector<16xf32>,
        %scatter3A_290 = arith.constant 0 : i32
        %scatter3A_291 = arith.constant 0 : i32
        %scatter3A_292 = tpu.memref_slice %arg12[%and3A_135, %scatter3A_290, %scatter3A_291] : memref<4x16x128xf32, #tpu.memory_space<vmem>> -> memref<1x16x128xf32, #tpu.memory_space<vmem>>
        %scatter3A_293 = tpu.memref_squeeze %scatter3A_292 : memref<1x16x128xf32, #tpu.memory_space<vmem>> -> memref<16x128xf32, #tpu.memory_space<vmem>>
        tpu.vector_store_idx %scatter3A_293[%iota3A, %broadcast_in_dim3A_288], %gather3A_289 : memref<16x128xf32, #tpu.memory_space<vmem>>[vector<16xi32>, vector<16xi32>], vector<16xf32>,
        %broadcast_in_dim3A_294 = arith.constant 20 : i32
        %broadcast_in_dim3A_295 = vector.broadcast %broadcast_in_dim3A_294 : i32 to vector<16xi32>
        %gather3A_296 = tpu.vector_load_idx %arg11[%broadcast_in_dim3A_295, %add3A_155] : memref<32x2048xf32, #tpu.memory_space<vmem>>[vector<16xi32>, vector<16xi32>], vector<16xf32>,
        %scatter3A_297 = arith.constant 0 : i32
        %scatter3A_298 = arith.constant 0 : i32
        %scatter3A_299 = tpu.memref_slice %arg12[%and3A_135, %scatter3A_297, %scatter3A_298] : memref<4x16x128xf32, #tpu.memory_space<vmem>> -> memref<1x16x128xf32, #tpu.memory_space<vmem>>
        %scatter3A_300 = tpu.memref_squeeze %scatter3A_299 : memref<1x16x128xf32, #tpu.memory_space<vmem>> -> memref<16x128xf32, #tpu.memory_space<vmem>>
        tpu.vector_store_idx %scatter3A_300[%iota3A, %broadcast_in_dim3A_295], %gather3A_296 : memref<16x128xf32, #tpu.memory_space<vmem>>[vector<16xi32>, vector<16xi32>], vector<16xf32>,
        %broadcast_in_dim3A_301 = arith.constant 21 : i32
        %broadcast_in_dim3A_302 = vector.broadcast %broadcast_in_dim3A_301 : i32 to vector<16xi32>
        %gather3A_303 = tpu.vector_load_idx %arg11[%broadcast_in_dim3A_302, %add3A_155] : memref<32x2048xf32, #tpu.memory_space<vmem>>[vector<16xi32>, vector<16xi32>], vector<16xf32>,
        %scatter3A_304 = arith.constant 0 : i32
        %scatter3A_305 = arith.constant 0 : i32
        %scatter3A_306 = tpu.memref_slice %arg12[%and3A_135, %scatter3A_304, %scatter3A_305] : memref<4x16x128xf32, #tpu.memory_space<vmem>> -> memref<1x16x128xf32, #tpu.memory_space<vmem>>
        %scatter3A_307 = tpu.memref_squeeze %scatter3A_306 : memref<1x16x128xf32, #tpu.memory_space<vmem>> -> memref<16x128xf32, #tpu.memory_space<vmem>>
        tpu.vector_store_idx %scatter3A_307[%iota3A, %broadcast_in_dim3A_302], %gather3A_303 : memref<16x128xf32, #tpu.memory_space<vmem>>[vector<16xi32>, vector<16xi32>], vector<16xf32>,
        %broadcast_in_dim3A_308 = arith.constant 22 : i32
        %broadcast_in_dim3A_309 = vector.broadcast %broadcast_in_dim3A_308 : i32 to vector<16xi32>
        %gather3A_310 = tpu.vector_load_idx %arg11[%broadcast_in_dim3A_309, %add3A_155] : memref<32x2048xf32, #tpu.memory_space<vmem>>[vector<16xi32>, vector<16xi32>], vector<16xf32>,
        %scatter3A_311 = arith.constant 0 : i32
        %scatter3A_312 = arith.constant 0 : i32
        %scatter3A_313 = tpu.memref_slice %arg12[%and3A_135, %scatter3A_311, %scatter3A_312] : memref<4x16x128xf32, #tpu.memory_space<vmem>> -> memref<1x16x128xf32, #tpu.memory_space<vmem>>
        %scatter3A_314 = tpu.memref_squeeze %scatter3A_313 : memref<1x16x128xf32, #tpu.memory_space<vmem>> -> memref<16x128xf32, #tpu.memory_space<vmem>>
        tpu.vector_store_idx %scatter3A_314[%iota3A, %broadcast_in_dim3A_309], %gather3A_310 : memref<16x128xf32, #tpu.memory_space<vmem>>[vector<16xi32>, vector<16xi32>], vector<16xf32>,
        %broadcast_in_dim3A_315 = arith.constant 23 : i32
        %broadcast_in_dim3A_316 = vector.broadcast %broadcast_in_dim3A_315 : i32 to vector<16xi32>
        %gather3A_317 = tpu.vector_load_idx %arg11[%broadcast_in_dim3A_316, %add3A_155] : memref<32x2048xf32, #tpu.memory_space<vmem>>[vector<16xi32>, vector<16xi32>], vector<16xf32>,
        %scatter3A_318 = arith.constant 0 : i32
        %scatter3A_319 = arith.constant 0 : i32
        %scatter3A_320 = tpu.memref_slice %arg12[%and3A_135, %scatter3A_318, %scatter3A_319] : memref<4x16x128xf32, #tpu.memory_space<vmem>> -> memref<1x16x128xf32, #tpu.memory_space<vmem>>
        %scatter3A_321 = tpu.memref_squeeze %scatter3A_320 : memref<1x16x128xf32, #tpu.memory_space<vmem>> -> memref<16x128xf32, #tpu.memory_space<vmem>>
        tpu.vector_store_idx %scatter3A_321[%iota3A, %broadcast_in_dim3A_316], %gather3A_317 : memref<16x128xf32, #tpu.memory_space<vmem>>[vector<16xi32>, vector<16xi32>], vector<16xf32>,
        %broadcast_in_dim3A_322 = arith.constant 24 : i32
        %broadcast_in_dim3A_323 = vector.broadcast %broadcast_in_dim3A_322 : i32 to vector<16xi32>
        %gather3A_324 = tpu.vector_load_idx %arg11[%broadcast_in_dim3A_323, %add3A_155] : memref<32x2048xf32, #tpu.memory_space<vmem>>[vector<16xi32>, vector<16xi32>], vector<16xf32>,
        %scatter3A_325 = arith.constant 0 : i32
        %scatter3A_326 = arith.constant 0 : i32
        %scatter3A_327 = tpu.memref_slice %arg12[%and3A_135, %scatter3A_325, %scatter3A_326] : memref<4x16x128xf32, #tpu.memory_space<vmem>> -> memref<1x16x128xf32, #tpu.memory_space<vmem>>
        %scatter3A_328 = tpu.memref_squeeze %scatter3A_327 : memref<1x16x128xf32, #tpu.memory_space<vmem>> -> memref<16x128xf32, #tpu.memory_space<vmem>>
        tpu.vector_store_idx %scatter3A_328[%iota3A, %broadcast_in_dim3A_323], %gather3A_324 : memref<16x128xf32, #tpu.memory_space<vmem>>[vector<16xi32>, vector<16xi32>], vector<16xf32>,
        %broadcast_in_dim3A_329 = arith.constant 25 : i32
        %broadcast_in_dim3A_330 = vector.broadcast %broadcast_in_dim3A_329 : i32 to vector<16xi32>
        %gather3A_331 = tpu.vector_load_idx %arg11[%broadcast_in_dim3A_330, %add3A_155] : memref<32x2048xf32, #tpu.memory_space<vmem>>[vector<16xi32>, vector<16xi32>], vector<16xf32>,
        %scatter3A_332 = arith.constant 0 : i32
        %scatter3A_333 = arith.constant 0 : i32
        %scatter3A_334 = tpu.memref_slice %arg12[%and3A_135, %scatter3A_332, %scatter3A_333] : memref<4x16x128xf32, #tpu.memory_space<vmem>> -> memref<1x16x128xf32, #tpu.memory_space<vmem>>
        %scatter3A_335 = tpu.memref_squeeze %scatter3A_334 : memref<1x16x128xf32, #tpu.memory_space<vmem>> -> memref<16x128xf32, #tpu.memory_space<vmem>>
        tpu.vector_store_idx %scatter3A_335[%iota3A, %broadcast_in_dim3A_330], %gather3A_331 : memref<16x128xf32, #tpu.memory_space<vmem>>[vector<16xi32>, vector<16xi32>], vector<16xf32>,
        %broadcast_in_dim3A_336 = arith.constant 26 : i32
        %broadcast_in_dim3A_337 = vector.broadcast %broadcast_in_dim3A_336 : i32 to vector<16xi32>
        %gather3A_338 = tpu.vector_load_idx %arg11[%broadcast_in_dim3A_337, %add3A_155] : memref<32x2048xf32, #tpu.memory_space<vmem>>[vector<16xi32>, vector<16xi32>], vector<16xf32>,
        %scatter3A_339 = arith.constant 0 : i32
        %scatter3A_340 = arith.constant 0 : i32
        %scatter3A_341 = tpu.memref_slice %arg12[%and3A_135, %scatter3A_339, %scatter3A_340] : memref<4x16x128xf32, #tpu.memory_space<vmem>> -> memref<1x16x128xf32, #tpu.memory_space<vmem>>
        %scatter3A_342 = tpu.memref_squeeze %scatter3A_341 : memref<1x16x128xf32, #tpu.memory_space<vmem>> -> memref<16x128xf32, #tpu.memory_space<vmem>>
        tpu.vector_store_idx %scatter3A_342[%iota3A, %broadcast_in_dim3A_337], %gather3A_338 : memref<16x128xf32, #tpu.memory_space<vmem>>[vector<16xi32>, vector<16xi32>], vector<16xf32>,
        %broadcast_in_dim3A_343 = arith.constant 27 : i32
        %broadcast_in_dim3A_344 = vector.broadcast %broadcast_in_dim3A_343 : i32 to vector<16xi32>
        %gather3A_345 = tpu.vector_load_idx %arg11[%broadcast_in_dim3A_344, %add3A_155] : memref<32x2048xf32, #tpu.memory_space<vmem>>[vector<16xi32>, vector<16xi32>], vector<16xf32>,
        %scatter3A_346 = arith.constant 0 : i32
        %scatter3A_347 = arith.constant 0 : i32
        %scatter3A_348 = tpu.memref_slice %arg12[%and3A_135, %scatter3A_346, %scatter3A_347] : memref<4x16x128xf32, #tpu.memory_space<vmem>> -> memref<1x16x128xf32, #tpu.memory_space<vmem>>
        %scatter3A_349 = tpu.memref_squeeze %scatter3A_348 : memref<1x16x128xf32, #tpu.memory_space<vmem>> -> memref<16x128xf32, #tpu.memory_space<vmem>>
        tpu.vector_store_idx %scatter3A_349[%iota3A, %broadcast_in_dim3A_344], %gather3A_345 : memref<16x128xf32, #tpu.memory_space<vmem>>[vector<16xi32>, vector<16xi32>], vector<16xf32>,
        %broadcast_in_dim3A_350 = arith.constant 28 : i32
        %broadcast_in_dim3A_351 = vector.broadcast %broadcast_in_dim3A_350 : i32 to vector<16xi32>
        %gather3A_352 = tpu.vector_load_idx %arg11[%broadcast_in_dim3A_351, %add3A_155] : memref<32x2048xf32, #tpu.memory_space<vmem>>[vector<16xi32>, vector<16xi32>], vector<16xf32>,
        %scatter3A_353 = arith.constant 0 : i32
        %scatter3A_354 = arith.constant 0 : i32
        %scatter3A_355 = tpu.memref_slice %arg12[%and3A_135, %scatter3A_353, %scatter3A_354] : memref<4x16x128xf32, #tpu.memory_space<vmem>> -> memref<1x16x128xf32, #tpu.memory_space<vmem>>
        %scatter3A_356 = tpu.memref_squeeze %scatter3A_355 : memref<1x16x128xf32, #tpu.memory_space<vmem>> -> memref<16x128xf32, #tpu.memory_space<vmem>>
        tpu.vector_store_idx %scatter3A_356[%iota3A, %broadcast_in_dim3A_351], %gather3A_352 : memref<16x128xf32, #tpu.memory_space<vmem>>[vector<16xi32>, vector<16xi32>], vector<16xf32>,
        %broadcast_in_dim3A_357 = arith.constant 29 : i32
        %broadcast_in_dim3A_358 = vector.broadcast %broadcast_in_dim3A_357 : i32 to vector<16xi32>
        %gather3A_359 = tpu.vector_load_idx %arg11[%broadcast_in_dim3A_358, %add3A_155] : memref<32x2048xf32, #tpu.memory_space<vmem>>[vector<16xi32>, vector<16xi32>], vector<16xf32>,
        %scatter3A_360 = arith.constant 0 : i32
        %scatter3A_361 = arith.constant 0 : i32
        %scatter3A_362 = tpu.memref_slice %arg12[%and3A_135, %scatter3A_360, %scatter3A_361] : memref<4x16x128xf32, #tpu.memory_space<vmem>> -> memref<1x16x128xf32, #tpu.memory_space<vmem>>
        %scatter3A_363 = tpu.memref_squeeze %scatter3A_362 : memref<1x16x128xf32, #tpu.memory_space<vmem>> -> memref<16x128xf32, #tpu.memory_space<vmem>>
        tpu.vector_store_idx %scatter3A_363[%iota3A, %broadcast_in_dim3A_358], %gather3A_359 : memref<16x128xf32, #tpu.memory_space<vmem>>[vector<16xi32>, vector<16xi32>], vector<16xf32>,
        %broadcast_in_dim3A_364 = arith.constant 30 : i32
        %broadcast_in_dim3A_365 = vector.broadcast %broadcast_in_dim3A_364 : i32 to vector<16xi32>
        %gather3A_366 = tpu.vector_load_idx %arg11[%broadcast_in_dim3A_365, %add3A_155] : memref<32x2048xf32, #tpu.memory_space<vmem>>[vector<16xi32>, vector<16xi32>], vector<16xf32>,
        %scatter3A_367 = arith.constant 0 : i32
        %scatter3A_368 = arith.constant 0 : i32
        %scatter3A_369 = tpu.memref_slice %arg12[%and3A_135, %scatter3A_367, %scatter3A_368] : memref<4x16x128xf32, #tpu.memory_space<vmem>> -> memref<1x16x128xf32, #tpu.memory_space<vmem>>
        %scatter3A_370 = tpu.memref_squeeze %scatter3A_369 : memref<1x16x128xf32, #tpu.memory_space<vmem>> -> memref<16x128xf32, #tpu.memory_space<vmem>>
        tpu.vector_store_idx %scatter3A_370[%iota3A, %broadcast_in_dim3A_365], %gather3A_366 : memref<16x128xf32, #tpu.memory_space<vmem>>[vector<16xi32>, vector<16xi32>], vector<16xf32>,
        %broadcast_in_dim3A_371 = arith.constant 31 : i32
        %broadcast_in_dim3A_372 = vector.broadcast %broadcast_in_dim3A_371 : i32 to vector<16xi32>
        %gather3A_373 = tpu.vector_load_idx %arg11[%broadcast_in_dim3A_372, %add3A_155] : memref<32x2048xf32, #tpu.memory_space<vmem>>[vector<16xi32>, vector<16xi32>], vector<16xf32>,
        %scatter3A_374 = arith.constant 0 : i32
        %scatter3A_375 = arith.constant 0 : i32
        %scatter3A_376 = tpu.memref_slice %arg12[%and3A_135, %scatter3A_374, %scatter3A_375] : memref<4x16x128xf32, #tpu.memory_space<vmem>> -> memref<1x16x128xf32, #tpu.memory_space<vmem>>
        %scatter3A_377 = tpu.memref_squeeze %scatter3A_376 : memref<1x16x128xf32, #tpu.memory_space<vmem>> -> memref<16x128xf32, #tpu.memory_space<vmem>>
        tpu.vector_store_idx %scatter3A_377[%iota3A, %broadcast_in_dim3A_372], %gather3A_373 : memref<16x128xf32, #tpu.memory_space<vmem>>[vector<16xi32>, vector<16xi32>], vector<16xf32>,
        %mul3A_378 = arith.constant 16 : i32
        %mul3A_379 = arith.muli %while3A_128, %mul3A_378 : i32
        %add3A_380 = arith.addi %while3A_72, %mul3A_379 : i32
        %multiple_of3A_381 = tpu.assume_multiple %add3A_380, 8 : i32
        %dma_start3A = arith.constant 0 : i32
        %dma_start3A_382 = arith.constant 0 : i32
        %dma_start3A_383 = tpu.memref_slice %arg12[%and3A_135, %dma_start3A, %dma_start3A_382] : memref<4x16x128xf32, #tpu.memory_space<vmem>> -> memref<1x16x128xf32, #tpu.memory_space<vmem>>
        %dma_start3A_384 = tpu.memref_squeeze %dma_start3A_383 : memref<1x16x128xf32, #tpu.memory_space<vmem>> -> memref<16x128xf32, #tpu.memory_space<vmem>>
        %dma_start3A_385 = arith.constant 0 : i32
        %dma_start3A_386 = tpu.memref_slice %arg5[%add3A, %multiple_of3A_381, %dma_start3A_385] : memref<32x18432x128xf32, #tpu.memory_space<hbm>> -> memref<1x16x128xf32, #tpu.memory_space<hbm>>
        %dma_start3A_387 = tpu.memref_squeeze %dma_start3A_386 : memref<1x16x128xf32, #tpu.memory_space<hbm>> -> memref<16x128xf32, #tpu.memory_space<hbm>>
        %dma_start3A_388 = arith.constant 0 : i32
        %dma_start3A_389 = tpu.memref_slice %arg5[%add3A, %multiple_of3A_381, %dma_start3A_388] : memref<32x18432x128xf32, #tpu.memory_space<hbm>> -> memref<1x16x128xf32, #tpu.memory_space<hbm>>
        %dma_start3A_390 = tpu.memref_squeeze %dma_start3A_389 : memref<1x16x128xf32, #tpu.memory_space<hbm>> -> memref<16x128xf32, #tpu.memory_space<hbm>>
        %dma_start3A_391 = arith.constant 0 : i32
        %dma_start3A_392 = arith.constant 0 : i32
        %dma_start3A_393 = tpu.memref_slice %arg12[%and3A_135, %dma_start3A_391, %dma_start3A_392] : memref<4x16x128xf32, #tpu.memory_space<vmem>> -> memref<1x16x128xf32, #tpu.memory_space<vmem>>
        %dma_start3A_394 = tpu.memref_squeeze %dma_start3A_393 : memref<1x16x128xf32, #tpu.memory_space<vmem>> -> memref<16x128xf32, #tpu.memory_space<vmem>>
        tpu.enqueue_dma source(%dma_start3A_394 : memref<16x128xf32, #tpu.memory_space<vmem>>) target(%dma_start3A_390 : memref<16x128xf32, #tpu.memory_space<hbm>>) target_semaphore(%arg16 : memref<!tpu.dma_semaphore, #tpu.memory_space<semaphore_mem>>)
        %shift_right_logical3A_395 = arith.constant 7 : i32
        %shift_right_logical3A_396 = arith.shrui %while3A_129, %shift_right_logical3A_395 : i32
        %and3A_397 = arith.constant 127 : i32
        %and3A_398 = arith.andi %while3A_129, %and3A_397 : i32
        %swap3A_399 = arith.index_cast %shift_right_logical3A_396 : i32 to index
        %swap3A_400 = arith.index_cast %and3A_398 : i32 to index
        %swap3A_401 = tpu.vector_load %arg13[%swap3A_399, %swap3A_400] {strides = array<i32>} : memref<8x128xi32, #tpu.memory_space<vmem>>, vector<16xi32>,
        tpu.vector_store %arg13[%swap3A_399, %swap3A_400], %select_n3A_150 {strides = array<i32>} : memref<8x128xi32, #tpu.memory_space<vmem>>, vector<16xi32>,
        %add3A_402 = arith.constant 16 : i32
        %add3A_403 = arith.addi %while3A_129, %add3A_402 : i32
        %eq3A_404 = arith.constant 1024 : i32
        %eq3A_405 = arith.cmpi eq, %add3A_403, %eq3A_404 : i32
        %convert_element_type3A_406 = arith.extui %eq3A_405 : i1 to i32
        %cond3A_407 = arith.constant 0 : i32
        %cond3A_408 = arith.cmpi ne, %convert_element_type3A_406, %cond3A_407 : i32
        scf.if %cond3A_408 {
          %multiple_of3A_418 = tpu.assume_multiple %while3A_130, 8 : i32
          "tpu.region"() ({
            %run_scoped3A = tpu.sem_alloc : memref<!tpu.dma_semaphore, #tpu.memory_space<semaphore_mem>>
            %dma_start3A_419 = arith.constant 0 : i32
            %dma_start3A_420 = tpu.memref_slice %arg6[%add3A, %multiple_of3A_418, %dma_start3A_419] : memref<32x144x128xi32, #tpu.memory_space<hbm>> -> memref<1x8x128xi32, #tpu.memory_space<hbm>>
            %dma_start3A_421 = tpu.memref_squeeze %dma_start3A_420 : memref<1x8x128xi32, #tpu.memory_space<hbm>> -> memref<8x128xi32, #tpu.memory_space<hbm>>
            %dma_start3A_422 = arith.constant 0 : i32
            %dma_start3A_423 = tpu.memref_slice %arg6[%add3A, %multiple_of3A_418, %dma_start3A_422] : memref<32x144x128xi32, #tpu.memory_space<hbm>> -> memref<1x8x128xi32, #tpu.memory_space<hbm>>
            %dma_start3A_424 = tpu.memref_squeeze %dma_start3A_423 : memref<1x8x128xi32, #tpu.memory_space<hbm>> -> memref<8x128xi32, #tpu.memory_space<hbm>>
            tpu.enqueue_dma source(%arg13 : memref<8x128xi32, #tpu.memory_space<vmem>>) target(%dma_start3A_424 : memref<8x128xi32, #tpu.memory_space<hbm>>) target_semaphore(%run_scoped3A : memref<!tpu.dma_semaphore, #tpu.memory_space<semaphore_mem>>)
            %dma_wait3A = arith.constant 0 : i32
            %dma_wait3A_425 = tpu.memref_slice %arg6[%add3A, %multiple_of3A_418, %dma_wait3A] : memref<32x144x128xi32, #tpu.memory_space<hbm>> -> memref<1x8x128xi32, #tpu.memory_space<hbm>>
            %dma_wait3A_426 = tpu.memref_squeeze %dma_wait3A_425 : memref<1x8x128xi32, #tpu.memory_space<hbm>> -> memref<8x128xi32, #tpu.memory_space<hbm>>
            %dma_wait3A_427 = arith.constant 0 : i32
            %dma_wait3A_428 = tpu.memref_slice %arg6[%add3A, %multiple_of3A_418, %dma_wait3A_427] : memref<32x144x128xi32, #tpu.memory_space<hbm>> -> memref<1x8x128xi32, #tpu.memory_space<hbm>>
            %dma_wait3A_429 = tpu.memref_squeeze %dma_wait3A_428 : memref<1x8x128xi32, #tpu.memory_space<hbm>> -> memref<8x128xi32, #tpu.memory_space<hbm>>
            tpu.wait_dma2 semaphore(%run_scoped3A : memref<!tpu.dma_semaphore, #tpu.memory_space<semaphore_mem>>) src(%arg13 : memref<8x128xi32, #tpu.memory_space<vmem>>) dst(%dma_wait3A_429 : memref<8x128xi32, #tpu.memory_space<hbm>>)
            tpu.yield
          }) : () -> ()
        } else {
        }
        %eq3A_409 = arith.constant 1024 : i32
        %eq3A_410 = arith.cmpi eq, %add3A_403, %eq3A_409 : i32
        %add3A_411 = arith.constant 8 : i32
        %add3A_412 = arith.addi %while3A_130, %add3A_411 : i32
        %select_n3A_413 = arith.select %eq3A_410, %add3A_412, %while3A_130 : i32
        %eq3A_414 = arith.constant 1024 : i32
        %eq3A_415 = arith.cmpi eq, %add3A_403, %eq3A_414 : i32
        %jit3A_416 = arith.constant 0 : i32
        %select_n3A_417 = arith.select %eq3A_415, %jit3A_416, %add3A_403 : i32
        scf.yield %select_n3A_417, %select_n3A_413 : i32, i32
      }
      %mul3A_125 = arith.constant 16 : i32
      %mul3A_126 = arith.muli %shift_right_logical3A_113, %mul3A_125 : i32
      %add3A_127 = arith.addi %while3A_72, %mul3A_126 : i32
      scf.yield %add3A_127, %while3A_124#0, %while3A_124#1 : i32, i32, i32
    }
    %shift_right_logical3A_38 = arith.constant 4 : i32
    %shift_right_logical3A_39 = arith.shrui %while3A_37#0, %shift_right_logical3A_38 : i32
    %min3A = arith.constant 4 : i32
    %min3A_40 = arith.minsi %shift_right_logical3A_39, %min3A : i32
    %while3A_41 = arith.constant 0 : i32
    %while3A_42 = arith.constant 0 : i32
    %while3A_43 = arith.subi %min3A_40, %while3A_42 : i32
    %while3A_44 = arith.addi %while3A_42, %while3A_43 : i32
    %while3A_45 = arith.constant 1 : i32
    %while3A_46 = arith.divsi %while3A_43, %while3A_45 : i32
    %while3A_47 = arith.muli %while3A_46, %while3A_45 : i32
    %while3A_48 = arith.addi %while3A_42, %while3A_47 : i32
    %while3A_49 = arith.constant 1 : i32
    scf.for %while3A_71 = %while3A_42 to %while3A_48 step %while3A_49  : i32 {
      %dma_wait3A = arith.constant 0 : i32
      %dma_wait3A_72 = arith.constant 0 : i32
      %dma_wait3A_73 = arith.constant 0 : i32
      %dma_wait3A_74 = arith.constant 0 : i32
      %dma_wait3A_75 = tpu.memref_slice %arg12[%dma_wait3A_72, %dma_wait3A_73, %dma_wait3A_74] : memref<4x16x128xf32, #tpu.memory_space<vmem>> -> memref<1x16x128xf32, #tpu.memory_space<vmem>>
      %dma_wait3A_76 = tpu.memref_squeeze %dma_wait3A_75 : memref<1x16x128xf32, #tpu.memory_space<vmem>> -> memref<16x128xf32, #tpu.memory_space<vmem>>
      %dma_wait3A_77 = arith.constant 0 : i32
      %dma_wait3A_78 = arith.constant 0 : i32
      %dma_wait3A_79 = tpu.memref_slice %arg5[%dma_wait3A, %dma_wait3A_77, %dma_wait3A_78] : memref<32x18432x128xf32, #tpu.memory_space<hbm>> -> memref<1x16x128xf32, #tpu.memory_space<hbm>>
      %dma_wait3A_80 = tpu.memref_squeeze %dma_wait3A_79 : memref<1x16x128xf32, #tpu.memory_space<hbm>> -> memref<16x128xf32, #tpu.memory_space<hbm>>
      %dma_wait3A_81 = arith.constant 0 : i32
      %dma_wait3A_82 = arith.constant 0 : i32
      %dma_wait3A_83 = tpu.memref_slice %arg12[%dma_wait3A_72, %dma_wait3A_81, %dma_wait3A_82] : memref<4x16x128xf32, #tpu.memory_space<vmem>> -> memref<1x16x128xf32, #tpu.memory_space<vmem>>
      %dma_wait3A_84 = tpu.memref_squeeze %dma_wait3A_83 : memref<1x16x128xf32, #tpu.memory_space<vmem>> -> memref<16x128xf32, #tpu.memory_space<vmem>>
      %dma_wait3A_85 = arith.constant 0 : i32
      %dma_wait3A_86 = arith.constant 0 : i32
      %dma_wait3A_87 = tpu.memref_slice %arg5[%dma_wait3A, %dma_wait3A_85, %dma_wait3A_86] : memref<32x18432x128xf32, #tpu.memory_space<hbm>> -> memref<1x16x128xf32, #tpu.memory_space<hbm>>
      %dma_wait3A_88 = tpu.memref_squeeze %dma_wait3A_87 : memref<1x16x128xf32, #tpu.memory_space<hbm>> -> memref<16x128xf32, #tpu.memory_space<hbm>>
      tpu.wait_dma2 semaphore(%arg16 : memref<!tpu.dma_semaphore, #tpu.memory_space<semaphore_mem>>) src(%dma_wait3A_88 : memref<16x128xf32, #tpu.memory_space<hbm>>) dst(%dma_wait3A_84 : memref<16x128xf32, #tpu.memory_space<vmem>>)
    }
    %while3A_50 = arith.constant 1 : i32
    scf.for %while3A_71 = %while3A_48 to %while3A_44 step %while3A_50  : i32 {
      %dma_wait3A = arith.constant 0 : i32
      %dma_wait3A_72 = arith.constant 0 : i32
      %dma_wait3A_73 = arith.constant 0 : i32
      %dma_wait3A_74 = arith.constant 0 : i32
      %dma_wait3A_75 = tpu.memref_slice %arg12[%dma_wait3A_72, %dma_wait3A_73, %dma_wait3A_74] : memref<4x16x128xf32, #tpu.memory_space<vmem>> -> memref<1x16x128xf32, #tpu.memory_space<vmem>>
      %dma_wait3A_76 = tpu.memref_squeeze %dma_wait3A_75 : memref<1x16x128xf32, #tpu.memory_space<vmem>> -> memref<16x128xf32, #tpu.memory_space<vmem>>
      %dma_wait3A_77 = arith.constant 0 : i32
      %dma_wait3A_78 = arith.constant 0 : i32
      %dma_wait3A_79 = tpu.memref_slice %arg5[%dma_wait3A, %dma_wait3A_77, %dma_wait3A_78] : memref<32x18432x128xf32, #tpu.memory_space<hbm>> -> memref<1x16x128xf32, #tpu.memory_space<hbm>>
      %dma_wait3A_80 = tpu.memref_squeeze %dma_wait3A_79 : memref<1x16x128xf32, #tpu.memory_space<hbm>> -> memref<16x128xf32, #tpu.memory_space<hbm>>
      %dma_wait3A_81 = arith.constant 0 : i32
      %dma_wait3A_82 = arith.constant 0 : i32
      %dma_wait3A_83 = tpu.memref_slice %arg12[%dma_wait3A_72, %dma_wait3A_81, %dma_wait3A_82] : memref<4x16x128xf32, #tpu.memory_space<vmem>> -> memref<1x16x128xf32, #tpu.memory_space<vmem>>
      %dma_wait3A_84 = tpu.memref_squeeze %dma_wait3A_83 : memref<1x16x128xf32, #tpu.memory_space<vmem>> -> memref<16x128xf32, #tpu.memory_space<vmem>>
      %dma_wait3A_85 = arith.constant 0 : i32
      %dma_wait3A_86 = arith.constant 0 : i32
      %dma_wait3A_87 = tpu.memref_slice %arg5[%dma_wait3A, %dma_wait3A_85, %dma_wait3A_86] : memref<32x18432x128xf32, #tpu.memory_space<hbm>> -> memref<1x16x128xf32, #tpu.memory_space<hbm>>
      %dma_wait3A_88 = tpu.memref_squeeze %dma_wait3A_87 : memref<1x16x128xf32, #tpu.memory_space<hbm>> -> memref<16x128xf32, #tpu.memory_space<hbm>>
      tpu.wait_dma2 semaphore(%arg16 : memref<!tpu.dma_semaphore, #tpu.memory_space<semaphore_mem>>) src(%dma_wait3A_88 : memref<16x128xf32, #tpu.memory_space<hbm>>) dst(%dma_wait3A_84 : memref<16x128xf32, #tpu.memory_space<vmem>>)
    }
    %sub3A = arith.constant 1024 : i32
    %sub3A_51 = arith.subi %sub3A, %while3A_37#1 : i32
    %shift_right_logical3A_52 = arith.constant 4 : i32
    %shift_right_logical3A_53 = arith.shrui %sub3A_51, %shift_right_logical3A_52 : i32
    %while3A_54 = arith.constant 0 : i32
    %while3A_55 = arith.constant 0 : i32
    %while3A_56 = arith.subi %shift_right_logical3A_53, %while3A_55 : i32
    %while3A_57 = arith.addi %while3A_55, %while3A_56 : i32
    %while3A_58 = arith.constant 1 : i32
    %while3A_59 = arith.divsi %while3A_56, %while3A_58 : i32
    %while3A_60 = arith.muli %while3A_59, %while3A_58 : i32
    %while3A_61 = arith.addi %while3A_55, %while3A_60 : i32
    %while3A_62 = arith.constant 1 : i32
    scf.for %while3A_71 = %while3A_55 to %while3A_61 step %while3A_62  : i32 {
      %mul3A_72 = arith.constant 16 : i32
      %mul3A_73 = arith.muli %while3A_71, %mul3A_72 : i32
      %add3A_74 = arith.addi %while3A_37#1, %mul3A_73 : i32
      %shift_right_logical3A_75 = arith.constant 7 : i32
      %shift_right_logical3A_76 = arith.shrui %add3A_74, %shift_right_logical3A_75 : i32
      %and3A = arith.constant 127 : i32
      %and3A_77 = arith.andi %add3A_74, %and3A : i32
      %swap3A_78 = arith.index_cast %shift_right_logical3A_76 : i32 to index
      %swap3A_79 = arith.index_cast %and3A_77 : i32 to index
      %swap3A_80 = tpu.vector_load %arg13[%swap3A_78, %swap3A_79] {strides = array<i32>} : memref<8x128xi32, #tpu.memory_space<vmem>>, vector<16xi32>,
      tpu.vector_store %arg13[%swap3A_78, %swap3A_79], %broadcast_in_dim3A_8 {strides = array<i32>} : memref<8x128xi32, #tpu.memory_space<vmem>>, vector<16xi32>,
    }
    %while3A_63 = arith.constant 1 : i32
    scf.for %while3A_71 = %while3A_61 to %while3A_57 step %while3A_63  : i32 {
      %mul3A_72 = arith.constant 16 : i32
      %mul3A_73 = arith.muli %while3A_71, %mul3A_72 : i32
      %add3A_74 = arith.addi %while3A_37#1, %mul3A_73 : i32
      %shift_right_logical3A_75 = arith.constant 7 : i32
      %shift_right_logical3A_76 = arith.shrui %add3A_74, %shift_right_logical3A_75 : i32
      %and3A = arith.constant 127 : i32
      %and3A_77 = arith.andi %add3A_74, %and3A : i32
      %swap3A_78 = arith.index_cast %shift_right_logical3A_76 : i32 to index
      %swap3A_79 = arith.index_cast %and3A_77 : i32 to index
      %swap3A_80 = tpu.vector_load %arg13[%swap3A_78, %swap3A_79] {strides = array<i32>} : memref<8x128xi32, #tpu.memory_space<vmem>>, vector<16xi32>,
      tpu.vector_store %arg13[%swap3A_78, %swap3A_79], %broadcast_in_dim3A_8 {strides = array<i32>} : memref<8x128xi32, #tpu.memory_space<vmem>>, vector<16xi32>,
    }
    %multiple_of3A = tpu.assume_multiple %while3A_37#2, 8 : i32
    "tpu.region"() ({
      %run_scoped3A = tpu.sem_alloc : memref<!tpu.dma_semaphore, #tpu.memory_space<semaphore_mem>>
      %dma_start3A = arith.constant 0 : i32
      %dma_start3A_71 = tpu.memref_slice %arg6[%add3A, %multiple_of3A, %dma_start3A] : memref<32x144x128xi32, #tpu.memory_space<hbm>> -> memref<1x8x128xi32, #tpu.memory_space<hbm>>
      %dma_start3A_72 = tpu.memref_squeeze %dma_start3A_71 : memref<1x8x128xi32, #tpu.memory_space<hbm>> -> memref<8x128xi32, #tpu.memory_space<hbm>>
      %dma_start3A_73 = arith.constant 0 : i32
      %dma_start3A_74 = tpu.memref_slice %arg6[%add3A, %multiple_of3A, %dma_start3A_73] : memref<32x144x128xi32, #tpu.memory_space<hbm>> -> memref<1x8x128xi32, #tpu.memory_space<hbm>>
      %dma_start3A_75 = tpu.memref_squeeze %dma_start3A_74 : memref<1x8x128xi32, #tpu.memory_space<hbm>> -> memref<8x128xi32, #tpu.memory_space<hbm>>
      tpu.enqueue_dma source(%arg13 : memref<8x128xi32, #tpu.memory_space<vmem>>) target(%dma_start3A_75 : memref<8x128xi32, #tpu.memory_space<hbm>>) target_semaphore(%run_scoped3A : memref<!tpu.dma_semaphore, #tpu.memory_space<semaphore_mem>>)
      %dma_wait3A = arith.constant 0 : i32
      %dma_wait3A_76 = tpu.memref_slice %arg6[%add3A, %multiple_of3A, %dma_wait3A] : memref<32x144x128xi32, #tpu.memory_space<hbm>> -> memref<1x8x128xi32, #tpu.memory_space<hbm>>
      %dma_wait3A_77 = tpu.memref_squeeze %dma_wait3A_76 : memref<1x8x128xi32, #tpu.memory_space<hbm>> -> memref<8x128xi32, #tpu.memory_space<hbm>>
      %dma_wait3A_78 = arith.constant 0 : i32
      %dma_wait3A_79 = tpu.memref_slice %arg6[%add3A, %multiple_of3A, %dma_wait3A_78] : memref<32x144x128xi32, #tpu.memory_space<hbm>> -> memref<1x8x128xi32, #tpu.memory_space<hbm>>
      %dma_wait3A_80 = tpu.memref_squeeze %dma_wait3A_79 : memref<1x8x128xi32, #tpu.memory_space<hbm>> -> memref<8x128xi32, #tpu.memory_space<hbm>>
      tpu.wait_dma2 semaphore(%run_scoped3A : memref<!tpu.dma_semaphore, #tpu.memory_space<semaphore_mem>>) src(%arg13 : memref<8x128xi32, #tpu.memory_space<vmem>>) dst(%dma_wait3A_80 : memref<8x128xi32, #tpu.memory_space<hbm>>)
      tpu.yield
    }) : () -> ()
    %broadcast_in_dim3A_64 = arith.constant 1 : i32
    %broadcast_in_dim3A_65 = vector.broadcast %broadcast_in_dim3A_64 : i32 to vector<16xi32>
    %mul3A_66 = vector.broadcast %while3A_37#0 : i32 to vector<16xi32>
    %mul3A_67 = arith.muli %broadcast_in_dim3A_65, %mul3A_66 : vector<16xi32>
    %swap3A = arith.constant 0 : i32
    %swap3A_68 = arith.index_cast %swap3A : i32 to index
    %swap3A_69 = arith.constant 0 : index
    %swap3A_70 = tpu.vector_load %arg14[%swap3A_68, %swap3A_69] {strides = array<i32>} : memref<1x128xi32, #tpu.memory_space<vmem>>, vector<16xi32>,
    tpu.vector_store %arg14[%swap3A_68, %swap3A_69], %mul3A_67 {strides = array<i32>} : memref<1x128xi32, #tpu.memory_space<vmem>>, vector<16xi32>,
    "tpu.region"() ({
      %run_scoped3A = tpu.sem_alloc : memref<!tpu.dma_semaphore, #tpu.memory_space<semaphore_mem>>
      %dma_start3A = arith.constant 0 : i32
      %dma_start3A_71 = arith.constant 0 : i32
      %dma_start3A_72 = tpu.memref_slice %arg7[%add3A, %dma_start3A, %dma_start3A_71] : memref<32x1x128xi32, #tpu.memory_space<hbm>> -> memref<1x1x128xi32, #tpu.memory_space<hbm>>
      %dma_start3A_73 = tpu.memref_squeeze %dma_start3A_72 : memref<1x1x128xi32, #tpu.memory_space<hbm>> -> memref<1x128xi32, #tpu.memory_space<hbm>>
      %dma_start3A_74 = arith.constant 0 : i32
      %dma_start3A_75 = arith.constant 0 : i32
      %dma_start3A_76 = tpu.memref_slice %arg7[%add3A, %dma_start3A_74, %dma_start3A_75] : memref<32x1x128xi32, #tpu.memory_space<hbm>> -> memref<1x1x128xi32, #tpu.memory_space<hbm>>
      %dma_start3A_77 = tpu.memref_squeeze %dma_start3A_76 : memref<1x1x128xi32, #tpu.memory_space<hbm>> -> memref<1x128xi32, #tpu.memory_space<hbm>>
      tpu.enqueue_dma source(%arg14 : memref<1x128xi32, #tpu.memory_space<vmem>>) target(%dma_start3A_77 : memref<1x128xi32, #tpu.memory_space<hbm>>) target_semaphore(%run_scoped3A : memref<!tpu.dma_semaphore, #tpu.memory_space<semaphore_mem>>)
      %dma_wait3A = arith.constant 0 : i32
      %dma_wait3A_78 = arith.constant 0 : i32
      %dma_wait3A_79 = tpu.memref_slice %arg7[%add3A, %dma_wait3A, %dma_wait3A_78] : memref<32x1x128xi32, #tpu.memory_space<hbm>> -> memref<1x1x128xi32, #tpu.memory_space<hbm>>
      %dma_wait3A_80 = tpu.memref_squeeze %dma_wait3A_79 : memref<1x1x128xi32, #tpu.memory_space<hbm>> -> memref<1x128xi32, #tpu.memory_space<hbm>>
      %dma_wait3A_81 = arith.constant 0 : i32
      %dma_wait3A_82 = arith.constant 0 : i32
      %dma_wait3A_83 = tpu.memref_slice %arg7[%add3A, %dma_wait3A_81, %dma_wait3A_82] : memref<32x1x128xi32, #tpu.memory_space<hbm>> -> memref<1x1x128xi32, #tpu.memory_space<hbm>>
      %dma_wait3A_84 = tpu.memref_squeeze %dma_wait3A_83 : memref<1x1x128xi32, #tpu.memory_space<hbm>> -> memref<1x128xi32, #tpu.memory_space<hbm>>
      tpu.wait_dma2 semaphore(%run_scoped3A : memref<!tpu.dma_semaphore, #tpu.memory_space<semaphore_mem>>) src(%arg14 : memref<1x128xi32, #tpu.memory_space<vmem>>) dst(%dma_wait3A_84 : memref<1x128xi32, #tpu.memory_space<hbm>>)
      tpu.yield
    }) : () -> ()
    return
  }
}

</mosaic_0001>

<sc_bundles>
// kernel: kernel.4.cloned.1.call-start
scs
__scs_entry_jumppad:
0x0: {  	(pc) =	sbr.rel $0x88, $3  }
0x1: {  	(tag) =	ssettag $0x0;
	lr =	simm.s32 $0x1  }
0x2: {  	[smem:$0x3F9F] =	sst lr;
	_ =	strace $0xD0000000  }
0x3: {  	_ = 	snop  }
0x4: {  	_ = 	snop  }
0x5: {  	_ = 	snop  }
0x6: {  	_ = 	snop  }
0x7: {  	_ = 	snop  }
__scs_overlays_trampoline_lowered:
0x8: {  	[smem:$0x3FAE] =	sst s0  }
0x9: {  	[smem:$0x3FAF] =	sst s1  }
0xa: {  	[smem:$0x3FB0] =	sst s2  }
0xb: {  	[smem:$0x3FB1] =	sst s3  }
0xc: {  	[smem:$0x3FB2] =	sst s4  }
0xd: {  	[smem:$0x3FB3] =	sst s5  }
0xe: {  	[smem:$0x3FB4] =	sst s6  }
0xf: {  	[smem:$0x3FB5] =	sst s7  }
0x10: {  	[smem:$0x3FB6] =	sst s8  }
0x11: {  	[smem:$0x3FB7] =	sst s9;
	s0 =	simm.s32 @!p0 $0x0  }
0x12: {  	s1 =	sld [smem:$0x3F9D];
	s0 =	simm.s32 @p0 $0x1  }
0x13: {  	[smem:$0x3FB8] =	sst s0;
	s0 =	simm.s32 @!p1 $0x0  }
0x14: {  	s2 =	sld [smem:$0x3F9C];
	s0 =	simm.s32 @p1 $0x1  }
0x15: {  	[smem:$0x3FB9] =	sst s0;
	s0 =	simm.s32 @!p2 $0x0  }
0x16: {  	s3 =	sld [smem:$0x3FDB];
	s0 =	simm.s32 @p2 $0x1  }
0x17: {  	s4 =	simm.s32 $0x1BF5;
	[smem:$0x3FBB] =	sst s0  }
0x18: {  	s0 =	sld [smem:$0x3F9E];
	_ =	swait.ge [sflag:s4], $0x0  }
0x19: {  	s7 =	sld [smem:$0x3F9F]  }
0x1a: {  	s8 =	sadd.s32 $0xFFFFE003, lr  }
0x1b: {  	s9 =	sadd.s32 $0xFFFFFEF7, lr;
	s5 =	simm.s32 $0xFFFFFFFF;
	p2 =	slt.u32 s8, $0xFFFFF086  }
0x1c: {  	p1 =	slt.u32 s9, $0xF7A;
	s5 =	simm.s32 @!p2 $0x0  }
0x1d: {  	s5 =	simm.s32 @p1 $0x1;
	p0 =	seq.s32 s7, s2  }
0x1e: {  	s7 =	smul.u32 @!p0 $0xF7A, s2;
	p2 =	seq.s32 @!p0 s5, $0x0  }
0x1f: {  	s9 =	smul.u32 $0xF7A, s1;
	s8 =	simm.s32 @!p0 $0x1BF5;
	p2 =	por !p2, p0  }
0x20: {  	[sflag:s8] =	ssyncset.s32 @!p0 $0xFFFFF086;
	s6 =	sadd.s32 @!p0 s3, s7;
	s7 =	simm.s32 @!p0 $0x108  }
0x21: {  	s3 =	sadd.s32 s3, s9;
	s6 =	sadd.s32 @!p0 $0x88, s6;
	s7 =	simm.s32 @p2 $0x1082  }
0x22: {  	[simem:s7], [sflag:s8] =	dma.local @!p0 [hbm:s6], $0xF7A  }
0x23: {  	s9 =	sor.u32 $0xD0000000, s2;
	s6 =	simm.s32 $0x108;
	_ =	swait.ge @!p0 [sflag:s8], $0x0  }
0x24: {  	s3 =	sadd.s32 $0x88, s3;
	s6 =	simm.s32 @!p1 $0x1082;
	[sflag:s4] =	ssyncset.s32 $0xFFFFF086  }
0x25: {  	[simem:s6], [sflag:s4] =	dma.local [hbm:s3], $0xF7A  }
0x26: {  	[smem:$0x3F9F] =	sst s1;
	(tag) =	ssettag s2;
	_ =	strace s9  }
0x27: {  	s1 =	sld [smem:$0x3FAF]  }
0x28: {  	s2 =	sld [smem:$0x3FB0]  }
0x29: {  	s4 =	sld [smem:$0x3FB2]  }
0x2a: {  	p0 =	seq.s32 s5, $0x0;
	s5 =	sld [smem:$0x3FB3]  }
0x2b: {  	s6 =	sld [smem:$0x3FB4]  }
0x2c: {  	s7 =	sld [smem:$0x3FB5]  }
0x2d: {  	s3 =	simm.s32 $0x108;
	s8 =	sld [smem:$0x3FB6]  }
0x2e: {  	s3 =	simm.s32 @!p0 $0x1082;
	s9 =	sld [smem:$0x3FB7]  }
0x2f: {  	lr =	sadd.s32 s0, s3;
	s0 =	sld [smem:$0x3FAE]  }
0x30: {  	s3 =	sld [smem:$0x3FB1]  }
0x31: {  	[smem:$0x3FBA] =	sst s10  }
0x32: {  	s10 =	sld [smem:$0x3FB8];
	_ =	sdelay $0x3  }
0x33: {  	p0 =	seq.s32 s10, $0x1;
	s10 =	sld [smem:$0x3FBA];
	_ =	sdelay $0x3  }
0x34: {  	[smem:$0x3FBA] =	sst s10  }
0x35: {  	s10 =	sld [smem:$0x3FB9];
	_ =	sdelay $0x3  }
0x36: {  	p1 =	seq.s32 s10, $0x1;
	s10 =	sld [smem:$0x3FBA];
	_ =	sdelay $0x3  }
0x37: {  	[smem:$0x3FBA] =	sst s10  }
0x38: {  	s10 =	sld [smem:$0x3FBB]  }
0x39: {  	_ = 	snop;
	(pc) =	sbr.ind lr, $3  }
0x3a: {  	_ = 	snop  }
0x3b: {  	_ = 	snop  }
0x3c: {  	p2 =	seq.s32 s10, $0x1;
	s10 =	sld [smem:$0x3FBA]  }
0x3d: {  	_ =	shalt  }
0x3e: {  	_ =	shalt  }
0x3f: {  	_ =	shalt  }
0x40: {  	_ =	shalt  }
0x41: {  	_ =	shalt  }
0x42: {  	_ =	shalt  }
0x43: {  	_ =	shalt  }
0x44: {  	_ =	shalt  }
0x45: {  	_ =	shalt  }
0x46: {  	_ =	shalt  }
0x47: {  	_ =	shalt  }
0x48: {  	_ =	shalt  }
0x49: {  	_ =	shalt  }
0x4a: {  	_ =	shalt  }
0x4b: {  	_ =	shalt  }
0x4c: {  	_ =	shalt  }
0x4d: {  	_ =	shalt  }
0x4e: {  	_ =	shalt  }
0x4f: {  	_ =	shalt  }
0x50: {  	_ =	shalt  }
0x51: {  	_ =	shalt  }
0x52: {  	_ =	shalt  }
0x53: {  	_ =	shalt  }
0x54: {  	_ =	shalt  }
0x55: {  	_ =	shalt  }
0x56: {  	_ =	shalt  }
0x57: {  	_ =	shalt  }
0x58: {  	_ =	shalt  }
0x59: {  	_ =	shalt  }
0x5a: {  	_ =	shalt  }
0x5b: {  	_ =	shalt  }
0x5c: {  	_ =	shalt  }
0x5d: {  	_ =	shalt  }
0x5e: {  	_ =	shalt  }
0x5f: {  	_ =	shalt  }
0x60: {  	_ =	shalt  }
0x61: {  	_ =	shalt  }
0x62: {  	_ =	shalt  }
0x63: {  	_ =	shalt  }
0x64: {  	_ =	shalt  }
0x65: {  	_ =	shalt  }
0x66: {  	_ =	shalt  }
0x67: {  	_ =	shalt  }
0x68: {  	_ =	shalt  }
0x69: {  	_ =	shalt  }
0x6a: {  	_ =	shalt  }
0x6b: {  	_ =	shalt  }
0x6c: {  	_ =	shalt  }
0x6d: {  	_ =	shalt  }
0x6e: {  	_ =	shalt  }
0x6f: {  	_ =	shalt  }
0x70: {  	_ =	shalt  }
0x71: {  	_ =	shalt  }
0x72: {  	_ =	shalt  }
0x73: {  	_ =	shalt  }
0x74: {  	_ =	shalt  }
0x75: {  	_ =	shalt  }
0x76: {  	_ =	shalt  }
0x77: {  	_ =	shalt  }
0x78: {  	_ =	shalt  }
0x79: {  	_ =	shalt  }
0x7a: {  	_ =	shalt  }
0x7b: {  	_ =	shalt  }
0x7c: {  	_ =	shalt  }
0x7d: {  	_ =	shalt  }
0x7e: {  	_ =	shalt  }
0x7f: {  	_ =	shalt  }
0x80: {  	_ =	shalt  }
0x81: {  	_ =	shalt  }
0x82: {  	_ =	shalt  }
0x83: {  	_ =	shalt  }
0x84: {  	_ =	shalt  }
0x85: {  	_ =	shalt  }
0x86: {  	_ =	shalt  }
0x87: {  	_ =	shalt  }
.Lfunc_end0:
.L_simem_size_0:
called_computation_lowered:
.L_overlay_start_0:
0x88: {  	s2 =	sld [smem:$0x3FD9]  }
0x89: {  	s3 =	sld [smem:$0x3FFE];
	_ =	sdelay $0x1  }
0x8a: {  	s1 =	srdreg.scid  }
0x8b: {  	s0 =	sand.u32 $0x1, s1  }
0x8c: {  	s17 =	sshll.u32 s0, $0xA;
	s2 =	sadd.s32 s3, s2  }
0x8d: {  	s2 =	sadd.s32 s2, s17  }
0x8e: {  	[smem:$0x3FC6] =	sst s2  }
0x8f: {  	_ = 	snop  }
0x90: {  	s2 =	sld [smem:$0x3FC9]  }
0x91: {  	s18 =	sld [smem:$0x3FC8]  }
0x92: {  	s4 =	sld [smem:$0x3FD0];
	(tm) =	ssettm $0x1  }
0x93: {  	s5 =	sld [smem:$0x3FFB];
	_ =	sdelay $0x3  }
0x94: {  	_ =	strace s5  }
0x95: {  	s5 =	sld [smem:$0x3FFC];
	_ =	sdelay $0x3  }
0x96: {  	_ =	strace s5  }
0x97: {  	s5 =	sld [smem:$0x3FFD];
	_ =	sdelay $0x3  }
0x98: {  	_ =	strace s5  }
0x99: {  	_ =	strace $0x8FFFFFFF  }
0x9a: {  	s19 =	sld [smem:$0x3FDB];
	_ =	sdelay $0x1  }
0x9b: {  	s6 =	simm.s32 $_scs_section_size  }
0x9c: {  	s7 =	simm.s32 $_size__tile_overlayer_lowered;
	s8 =	simm.s32 $_tile_overlayer_lowered  }
0x9d: {  	s22 =	simm.s32 $0x1BFF;
	s21 =	sshll.u32 s8, $0x1;
	s5 =	sadd.s32 s6, s19  }
0x9e: {  	s9 =	simm.s32 $0x0;
	s20 =	sshll.u32 s7, $0x1;
	s7 =	sadd.s32 s21, s5  }
0x9f: {  	[timem:s9], [sflag:s22] =	dma.local [hbm:s7], s20  }
0xa0: {  	_ =	swait.ge [sflag:s22], s20  }
0xa1: {  	s6 =	ssub.s32 $0x0, s20;
	[sflag:s22] =	ssyncset.done $0x0  }
0xa2: {  	[sflag:s22] =	ssyncadd.s32 s6;
	_ =	sdelay $0x1  }
0xa3: {  	s23 =	simm.s32 $0x1B8B  }
0xa4: {  	_ =	swait.ge [sflag:s23], $0x1  }
0xa5: {  	[sflag:s23] =	ssyncset.done $0x0  }
0xa6: {  	s25 =	simm.s32 $0x1B8E;
	s24 =	sld [smem:$0x3FFE];
	[sflag:s23] =	ssyncadd.s32 $0xFFFFFFFF  }
0xa7: {  	s26 =	simm.s32 $execute0_lowered;
	[smem:$0x3FD2] =	sst s25  }
0xa8: {  	s7 =	sshll.u32 s26, $0x1;
	_ =	strace $0x80000046;
	[dreg:$0x1] =	wrdreg $0xFFFFFFFF  }
0xa9: {  	s28 =	simm.s32 $_size_execute0_lowered;
	s5 =	sadd.s32 s5, s7;
	[dreg:$0x0] =	wrdreg $0x0  }
0xaa: {  	s7 =	sshll.u32 s28, $0x1;
	[dreg:$0x2] =	wrdreg s5  }
0xab: {  	[dreg:$0x3] =	wrdreg s7  }
0xac: {  	[dreg:$0x4] =	wrdreg $0xC0  }
0xad: {  	_ =	task [dreg:s9], $0x5FFFF  }
0xae: {  	[dreg:$0x1] =	wrdreg $0xFFFFFFFF  }
0xaf: {  	[dreg:$0x0] =	wrdreg $0x60  }
0xb0: {  	[dreg:$0x2] =	wrdreg s2  }
0xb1: {  	[dreg:$0x3] =	wrdreg s18  }
0xb2: {  	[dreg:$0x4] =	wrdreg s4  }
0xb3: {  	[dreg:$0x5] =	wrdreg s24  }
0xb4: {  	[dreg:$0x6] =	wrdreg $0x9  }
0xb5: {  	_ =	task.clear_ibuf [dreg:s9], $0x7FFFF;
	_ =	strace $0x90000046  }
0xb6: {  	s29 =	simm.s32 $0x9;
	_ =	strace $0x80000048  }
0xb7: {  	_ =	swait.ge [sflag:s29], $0x1  }
0xb8: {  	[sflag:s29] =	ssyncadd.s32 $0xFFFFFFFF  }
0xb9: {  	_ =	strace $0x90000048  }
0xba: {  	_ =	sfence  }
0xbb: {  	s30 =	sld [smem:$0x0];
	_ =	sdelay $0x2  }
0xbc: {  	s31 =	sshll.u32 s1, $0xD;
	s1 =	sshrl.u32 s1, $0x2  }
0xbd: {  	s3 =	sand.u32 $0x4000, s31;
	s1 =	sadd.s32 s1, s30  }
0xbe: {  	s0 =	sor.u32 s3, s0;
	s1 =	sshll.u32 s1, $0x11  }
0xbf: {  	s0 =	sor.u32 s1, s0  }
0xc0: {  	s0 =	sadd.s32 $0x8F2B, s0  }
0xc1: {  	[sflag:s0] =	ssyncadd.remote.s32 $0x1  }
0xc2: {  	_ =	sfence.sel $0xFFFF  }
0xc3: {  	[dreg:$0x0] =	wrdreg $0xFFFFFFFF;
	(pc) =	sbr.abs _section_cstart, $3  }
0xc4: {  	[dreg:$0x1] =	wrdreg $0xFFFFFFFF  }
0xc5: {  	_ =	task.clear_ibuf [dreg:s9], $0x2FFFF;
	_ =	strace $0x9FFFFFFF  }
0xc6: {  	(tm) =	ssettm $0x7FFFFFFF  }
0xc7: {  	_ =	shalt  }
tec
execute0_lowered:
.L_overlay_start_1:
0x0: {  	(tag) =	ssettag $0x1  }
0x1: {  	s7 =	rddreg [dreg:$0x1]  }
0x2: {  	s9 =	rddreg [dreg:$0x2]  }
0x3: {  	s0 =	rddreg [dreg:$0x3]  }
0x4: {  	s5 =	simm.s32 $0x0;
	s1 =	srdreg.scid;
	s11 =	stileid.u32  }
0x5: {  	s8 =	simm.s32 $0x11;
	s30 =	simm.s32 $0xC100;
	s19 =	simm.s32 $0x2  }
0x6: {  	s20 =	simm.s32 $0x8080;
	[smem:$0x7FF] =	sst s5;
	s1 =	sand.u32 $0x1, s1  }
0x7: {  	s2 =	sshll.u32 s11, $0x1;
	s3 =	sadd.s32 $0xC00, s0;
	s6 =	sadd.s32 $0x900C00, s0  }
0x8: {  	p0 =	seq.s32 s11, $0xF;
	s28 =	smul.u32 $0x480000, s11;
	s12 =	sadd.s32 $0xF4000, s7  }
0x9: {  	s15 =	sadd.s32 $0x80, s9;
	s16 =	sadd.s32 $0x100, s9;
	s17 =	sadd.s32 $0x180, s9  }
0xa: {  	s9 =	simm.s32 $0x3;
	_ =	strace $0x80000047;
	s2 =	sor.u32 s1, s2  }
0xb: {  	[dreg:$0x5] =	wrdreg s3;
	s4 =	ssub.s32 $0x2, s1;
	s23 =	sshll.u32 s2, $0x4  }
0xc: {  	v0 =	vlaneseq.u32;
	s24 =	sshrl.u32 s4, $0x1;
	s25 =	sshll.u32 s2, $0x12;
	p1 =	seq.s32 s2, $0x1E  }
0xd: {  	v1 =	vmul.u32 $0x80, v0;
	s26 =	sshll.u32 s2, $0xF;
	s0 =	sadd.s32 s23, s0;
	s3 =	ssub.s32 s4, s24  }
0xe: {  	v4 =	vimm.s32 $0x0;
	v5 =	vimm.s32 $0x20000000;
	[dreg:$0x6] =	wrdreg s25;
	s8 =	simm.s32 @!p1 $0x0;
	s13 =	sadd.s32 s7, s26  }
0xf: {  	v3 =	vmul.u32 $0x8000, v0;
	v2 =	vmov s2;
	v6 =	vor.u32 $0x1, v1;
	s8 =	simm.s32 @!p0 $0x20;
	s0 =	sadd.s32 $0x912C00, s0;
	[dreg:$0x7] =	wrdreg s13  }
0x10: {  	v7 =	vor.u32 $0x2, v1;
	v8 =	vor.u32 $0x3, v1;
	v9 =	vor.u32 $0x4, v1;
	s31 =	smax.u32 s3, $0x1;
	[dreg:$0x9] =	wrdreg s0;
	p0 =	seq.s32 s8, $0x0  }
0x11: {  	s11 =	simm.s32 $0x0;
	v10 =	vor.u32 $0x5, v1;
	v11 =	vor.u32 $0x6, v1;
	v12 =	vor.u32 $0x7, v1;
	[dreg:$0xa] =	wrdreg s31;
	s0 =	sadd.s32 @!p0 $0xF4280, s13  }
0x12: {  	v13 =	vor.u32 $0x8, v1;
	v14 =	vor.u32 $0x9, v1;
	v15 =	vor.u32 $0xA, v1;
	p1 =	seq.s32 s2, $0x1F;
	[dreg:$0xb] =	wrdreg s0;
	s0 =	sadd.s32 @!p0 $0x2DC780, s13  }
0x13: {  	v16 =	vor.u32 $0xB, v1;
	v17 =	vor.u32 $0xC, v1;
	v18 =	vor.u32 $0xD, v1;
	s14 =	sadd.s32 $0x400, s13;
	[dreg:$0xc] =	wrdreg s0;
	s0 =	sadd.s32 @!p0 $0x1E8500, s13  }
0x14: {  	s29 =	smul.u32 $0x240000, s1;
	v19 =	vor.u32 $0xE, v1;
	v20 =	vor.u32 $0xF, v1;
	v21 =	vor.u32 $0x10, v1;
	[dreg:$0xd] =	wrdreg s0;
	s0 =	sadd.s32 @!p1 $0xF4280, s14  }
.Ltmp0:
0x15: {  	v22 =	vor.u32 $0x11, v1;
	v23 =	vor.u32 $0x12, v1;
	v24 =	vor.u32 $0x13, v1;
	[dreg:$0xe] =	wrdreg s0;
	s0 =	sadd.s32 @!p1 $0x1E8500, s14;
	(pc) =	sbr.rel .LBB2_1-.Ltmp0, $4  }
0x16: {  	s10 =	smul.u32 $0x4800, s2;
	v25 =	vor.u32 $0x14, v1;
	v26 =	vor.u32 $0x15, v1;
	v27 =	vor.u32 $0x16, v1;
	[dreg:$0xf] =	wrdreg s0;
	s0 =	simm.s32 @!p1 $0x0  }
0x17: {  	p2 =	sne.s32 s2, $0x1E;
	v28 =	vor.u32 $0x17, v1;
	v29 =	vor.u32 $0x18, v1;
	v30 =	vor.u32 $0x19, v1;
	[dreg:$0x8] =	wrdreg s14;
	s0 =	simm.s32 @p1 $0x1  }
0x18: {  	v31 =	vor.u32 $0x1A, v1;
	v32 =	vor.u32 $0x1B, v1;
	v33 =	vor.u32 $0x1C, v1;
	s18 =	sadd.s32 s29, s28;
	[smem:$0x7FD] =	sst s0;
	s0 =	sadd.s32 @!p1 $0x2DC780, s14  }
0x19: {  	v34 =	vor.u32 $0x1D, v1;
	v35 =	vor.u32 $0x1E, v1;
	v36 =	vor.u32 $0x1F, v1;
	s26 =	simm.s32 $0x4000;
	s14 =	simm.s32 $0x1;
	[dreg:$0x10] =	wrdreg s0  }
.LBB2_37:
0x1a: {  	s0 =	sadd.s32 s10, s0  }
0x1b: {  	s0 =	sshrl.u32 s0, $0x3  }
0x1c: {  	s1 =	simm.s32 $0x1E100;
	s0 =	sadd.s32 s6, s0  }
0x1d: {  	[hbm4b:s0+s5] =	stream.linear.scatter [tilespmem:s1], [sflag:$0x3], $0x400, $0x38;
	[tilespmem:$0x1E580] =	vst v63  }
0x1e: {  	_ =	swait.ge [sflag:s9], $0x400  }
0x1f: {  	[sflag:s9] =	ssyncset.done $0x0  }
0x20: {  	v37 =	vmov s22;
	[sflag:s9] =	ssyncadd.s32 $0xFFFFFC00  }
0x21: {  	s29 =	simm.s32 $0x1E500;
	s28 =	rddreg [dreg:$0x9];
	[tilespmem:$0x1E500] =	vst v37  }
0x22: {  	[hbm4b:s28+s5] =	stream.linear.scatter [tilespmem:s29], [sflag:$0x3], $0x80, $0x38;
	[tilespmem:$0x1E580] =	vst v63  }
0x23: {  	_ =	swait.ge [sflag:s9], $0x80  }
0x24: {  	s11 =	sadd.s32 $0x1, s11;
	s31 =	rddreg [dreg:$0xa]  }
0x25: {  	p1 =	sne.s32 s11, s31  }
.Ltmp1:
0x26: {  	_ = 	snop;
	(pc) =	sbr.rel @!p1 .LBB2_38-.Ltmp1, $3  }
0x27: {  	_ =	sdelay $0x1  }
0x28: {  	[sflag:s9] =	ssyncset.done $0x0  }
0x29: {  	[sflag:s9] =	ssyncadd.s32 $0xFFFFFF80  }
.LBB2_1:
0x2a: {  	s2 =	rddreg [dreg:$0x7]  }
0x2b: {  	s0 =	simm.s32 @!p0 $0x0;
	s1 =	simm.s32 @!p0 $0xC100;
	s24 =	sld [smem:$0x7FD]  }
0x2c: {  	[tilespmem:s1], [sflag:$0x1] =	stream.linear.gather @!p0 [hbm4b:s2+s0], $0x2000, $0x38;
	[tilespmem:$0x1E580] =	vst v63  }
0x2d: {  	s1 =	simm.s32 @!p0 $0x10100;
	s2 =	rddreg [dreg:$0xb]  }
0x2e: {  	[tilespmem:s1], [sflag:$0x1] =	stream.linear.gather @!p0 [hbm4b:s2+s0], $0x2000, $0x38;
	[tilespmem:$0x1E580] =	vst v63  }
0x2f: {  	s1 =	simm.s32 @!p0 $0x14100;
	s2 =	rddreg [dreg:$0xd]  }
0x30: {  	[tilespmem:s1], [sflag:$0x1] =	stream.linear.gather @!p0 [hbm4b:s2+s0], $0x2000, $0x38;
	[tilespmem:$0x1E580] =	vst v63  }
0x31: {  	p1 =	seq.s32 s24, $0x1;
	s1 =	simm.s32 @!p0 $0x18100;
	s2 =	rddreg [dreg:$0xc]  }
0x32: {  	[tilespmem:s1], [sflag:$0x1] =	stream.linear.gather @!p0 [hbm4b:s2+s0], $0x2000, $0x38;
	[tilespmem:$0x1E580] =	vst v63  }
0x33: {  	s0 =	simm.s32 @!p1 $0x0;
	s1 =	simm.s32 @!p1 $0xE100;
	s2 =	rddreg [dreg:$0x8]  }
0x34: {  	[tilespmem:s1], [sflag:$0x1] =	stream.linear.gather @!p1 [hbm4b:s2+s0], $0x2000, $0x38;
	[tilespmem:$0x1E580] =	vst v63  }
0x35: {  	s1 =	simm.s32 @!p1 $0x12100;
	s2 =	rddreg [dreg:$0xe]  }
0x36: {  	[tilespmem:s1], [sflag:$0x1] =	stream.linear.gather @!p1 [hbm4b:s2+s0], $0x2000, $0x38;
	[tilespmem:$0x1E580] =	vst v63  }
0x37: {  	s1 =	simm.s32 @!p1 $0x16100;
	s2 =	rddreg [dreg:$0xf]  }
0x38: {  	[tilespmem:s1], [sflag:$0x1] =	stream.linear.gather @!p1 [hbm4b:s2+s0], $0x2000, $0x38;
	[tilespmem:$0x1E580] =	vst v63  }
0x39: {  	s1 =	simm.s32 @!p1 $0x1A100;
	s2 =	rddreg [dreg:$0x10]  }
0x3a: {  	[tilespmem:s1], [sflag:$0x1] =	stream.linear.gather @!p1 [hbm4b:s2+s0], $0x2000, $0x38;
	[tilespmem:$0x1E580] =	vst v63  }
0x3b: {  	s25 =	rddreg [dreg:$0x0]  }
0x3c: {  	[tilespmem:s5], [sflag:$0x3] =	stream.linear.gather [hbm4b:s25+s5], $0x4000, $0x38;
	[tilespmem:$0x1E580] =	vst v63  }
0x3d: {  	_ =	swait.ge [sflag:s9], $0x4000  }
0x3e: {  	[sflag:s9] =	ssyncset.done $0x0  }
0x3f: {  	s28 =	simm.s32 $0x10;
	[sflag:s9] =	ssyncadd.s32 $0xFFFFC000  }
0x40: {  	v37 =	vld [tilespmem:s28+$0xFFFFFFF0];
	_ =	sdelay $0x4  }
0x41: {  	v38 =	vshrl.u32 v37, $0xF  }
0x42: {  	vm0 =	veq.s32 v38, v2  }
0x43: {  	v38 =	vsel vm0, $0x1, v4  }
0x44: {  	(xrf0) =	vadd.scan.msk.s32 $0xffff, v38;
	_ =	sdelay $0x4  }
0x45: {  	v58 =	vsel vm0, $0xFFFFFFFF, v4  }
0x46: {  	v38 =	vadd.s32 s5, v58;
	v39, _, _ =	vpop (xrf0)  }
0x47: {  	v38 =	vadd.s32 v39, v38  }
0x48: {  	v40 =	vmov s5  }
0x49: {  	v40 =	vshll.u32 v40, $0xF  }
0x4a: {  	v40 =	vor.u32 v3, v40;
	v37 =	vand.u32 $0x7FFF, v37  }
0x4b: {  	v37 =	vor.u32 v40, v37  }
0x4c: {  	(v2sf) =	vpush v39, $0xF;
	[tilespmem:v38+s26+$0x0] =	vst.idx.msk vm0, v37  }
0x4d: {  	v37 =	vld [tilespmem:s28+$0x0];
	_ =	sdelay $0x4  }
0x4e: {  	v59 =	vshrl.u32 v37, $0xF  }
0x4f: {  	vm0 =	veq.s32 v59, v2  }
0x50: {  	v38 =	vsel vm0, $0x1, v4  }
0x51: {  	(xrf0) =	vadd.scan.msk.s32 $0xffff, v38;
	_ =	sdelay $0x5  }
0x52: {  	v60 =	vsel vm0, $0xFFFFFFFF, v4;
	s29 =	spop (v2sf);
	v61, _, _ =	vpop (xrf0)  }
0x53: {  	s3 =	sadd.s32 $0x0, s29;
	v38 =	vadd.s32 v60, v61;
	(v2sf) =	vpush v61, $0xF  }
0x54: {  	s31 =	simm.s32 $0x10;
	v38 =	vadd.s32 s3, v38  }
0x55: {  	v62 =	vmov s31  }
0x56: {  	v39 =	vshll.u32 v62, $0xF  }
0x57: {  	v39 =	vor.u32 v3, v39;
	v37 =	vand.u32 $0x7FFF, v37  }
0x58: {  	v37 =	vor.u32 v39, v37  }
0x59: {  	s1 =	simm.s32 $0x30;
	[tilespmem:v38+s26+$0x0] =	vst.idx.msk vm0, v37  }
0x5a: {  	v37 =	vld [tilespmem:s1+$0xFFFFFFF0];
	_ =	sdelay $0x4  }
0x5b: {  	v63 =	vshrl.u32 v37, $0xF  }
0x5c: {  	vm0 =	veq.s32 v63, v2  }
0x5d: {  	v38 =	vsel vm0, $0x1, v4  }
0x5e: {  	s0 =	simm.s32 $0x20;
	s2 =	simm.s32 $0x40;
	v37 =	vand.u32 $0x7FFF, v37;
	(xrf0) =	vadd.scan.msk.s32 $0xffff, v38;
	s4 =	spop (v2sf)  }
.LBB2_2:
0x5f: {  	p3 =	sne.s32 s2, $0x3FE0  }
0x60: {  	s3 =	sadd.s32 s3, s4;
	s4 =	smov.u32 s2;
	s2 =	sadd.s32 $0x20, s2  }
0x61: {  	_ =	sdelay $0x2  }
0x62: {  	v38 =	vsel vm0, $0xFFFFFFFF, v4  }
0x63: {  	v38 =	vadd.s32 s3, v38;
	v39, _, _ =	vpop (xrf0)  }
0x64: {  	v38 =	vadd.s32 v39, v38;
	(v2sf) =	vpush v39, $0xF  }
0x65: {  	v39 =	vmov s0  }
0x66: {  	v39 =	vshll.u32 v39, $0xF  }
0x67: {  	v39 =	vor.u32 v3, v39  }
0x68: {  	v37 =	vor.u32 v39, v37  }
0x69: {  	[tilespmem:v38+s26+$0x0] =	vst.idx.msk vm0, v37  }
0x6a: {  	v37 =	vld [tilespmem:s1+$0x0];
	_ =	sdelay $0x4  }
0x6b: {  	v38 =	vshrl.u32 v37, $0xF;
	v37 =	vand.u32 $0x7FFF, v37  }
0x6c: {  	vm0 =	veq.s32 v38, v2  }
0x6d: {  	v38 =	vsel vm0, $0x1, v4  }
0x6e: {  	(xrf0) =	vadd.scan.msk.s32 $0xffff, v38  }
0x6f: {  	s7 =	spop (v2sf);
	_ =	sdelay $0x4  }
0x70: {  	v38 =	vsel vm0, $0xFFFFFFFF, v4;
	v39, _, _ =	vpop (xrf0)  }
0x71: {  	s3 =	sadd.s32 s3, s7;
	v38 =	vadd.s32 v38, v39;
	(v2sf) =	vpush v39, $0xF  }
0x72: {  	s7 =	sadd.s32 $0x10, s0;
	s0 =	smov.u32 s4;
	v38 =	vadd.s32 s3, v38  }
0x73: {  	v39 =	vmov s7  }
0x74: {  	v39 =	vshll.u32 v39, $0xF  }
0x75: {  	v39 =	vor.u32 v3, v39  }
0x76: {  	v37 =	vor.u32 v39, v37  }
0x77: {  	s1 =	sadd.s32 $0x20, s1;
	[tilespmem:v38+s26+$0x0] =	vst.idx.msk vm0, v37  }
0x78: {  	v37 =	vld [tilespmem:s1+$0xFFFFFFF0];
	_ =	sdelay $0x3  }
.Ltmp2:
0x79: {  	(pc) =	sbr.rel @p3 .LBB2_2-.Ltmp2, $4  }
0x7a: {  	v38 =	vshrl.u32 v37, $0xF;
	v37 =	vand.u32 $0x7FFF, v37  }
0x7b: {  	vm0 =	veq.s32 v38, v2  }
0x7c: {  	v38 =	vsel vm0, $0x1, v4  }
0x7d: {  	(xrf0) =	vadd.scan.msk.s32 $0xffff, v38;
	s4 =	spop (v2sf)  }
0x7e: {  	_ =	sdelay $0x3  }
0x7f: {  	s2 =	sadd.s32 s3, s4;
	v38 =	vsel vm0, $0xFFFFFFFF, v4  }
0x80: {  	v38 =	vadd.s32 s2, v38;
	v39, _, _ =	vpop (xrf0)  }
0x81: {  	v38 =	vadd.s32 v39, v38  }
0x82: {  	v40 =	vmov s0  }
0x83: {  	v40 =	vshll.u32 v40, $0xF  }
0x84: {  	v40 =	vor.u32 v3, v40  }
0x85: {  	v37 =	vor.u32 v40, v37  }
0x86: {  	[tilespmem:v38+s26+$0x0] =	vst.idx.msk vm0, v37  }
0x87: {  	v37 =	vld [tilespmem:s1+$0x0];
	_ =	sdelay $0x4  }
0x88: {  	v61 =	vshrl.u32 v37, $0xF  }
0x89: {  	vm15 =	veq.s32 v61, v2  }
0x8a: {  	v38 =	vsel vm15, $0x1, v4  }
0x8b: {  	(xrf0) =	vadd.scan.msk.s32 $0xffff, v38  }
0x8c: {  	(v2sf) =	vpush v39, $0xF;
	_ =	sdelay $0x4  }
0x8d: {  	v38, _, _ =	vpop (xrf0)  }
0x8e: {  	(v2sf) =	vpush v38, $0xF;
	_ =	sdelay $0x8  }
0x8f: {  	v62 =	vsel vm15, $0xFFFFFFFF, v4;
	s28 =	spop (v2sf)  }
0x90: {  	s1 =	sadd.s32 s2, s28;
	v38 =	vadd.s32 v62, v38  }
0x91: {  	s29 =	sadd.s32 $0x10, s0;
	v38 =	vadd.s32 s1, v38  }
.Ltmp3:
0x92: {  	v63 =	vmov s29;
	(pc) =	sbr.rel @p0 .LBB2_4-.Ltmp3, $4  }
0x93: {  	v39 =	vshll.u32 v63, $0xF  }
0x94: {  	v39 =	vor.u32 v3, v39;
	v37 =	vand.u32 $0x7FFF, v37  }
0x95: {  	v37 =	vor.u32 v39, v37;
	s31 =	spop (v2sf)  }
0x96: {  	[tilespmem:v38+s26+$0x0] =	vst.idx.msk vm15, v37;
	s0 =	sadd.s32 s1, s31  }
.Ltmp4:
0x97: {  	(pc) =	sbr.rel .LBB2_6-.Ltmp4, $4  }
0x98: {  	_ = 	snop  }
0x99: {  	[dreg:$0x11] =	wrdreg s11;
	s1 =	sadd.s32 $0xF, s0  }
0x9a: {  	s25 =	simm.s32 $0x0;
	s24 =	simm.s32 $0x0;
	s23 =	sshrl.u32 s1, $0x4  }
0x9b: {  	v37 =	vmov s0;
	s22 =	simm.s32 $0x0;
	s11 =	simm.s32 $0x0;
	p3 =	seq.s32 s23, $0x0  }
.LBB2_14:
0x9c: {  	s9 =	simm.s32 $0xF  }
.LBB2_28:
0x9d: {  	p1 =	sne.s32 s11, s8  }
.Ltmp5:
0x9e: {  	_ = 	snop;
	(pc) =	sbr.rel @!p1 .LBB2_29-.Ltmp5, $3  }
0x9f: {  	_ =	sdelay $0x1  }
0xa0: {  	s0 =	sand.u32 $0xFFFFFFF0, s9  }
0xa1: {  	s22 =	sadd.s32 s22, s0  }
.LBB2_6:
0xa2: {  	s1 =	smov.u32 s11;
	p4 =	seq.s32 s11, $0x0;
	s11 =	sadd.s32 $0x1, s11  }
0xa3: {  	p5 =	sge.u32 @!p4 s11, s8  }
0xa4: {  	p4 =	por p4, p5  }
.Ltmp6:
0xa5: {  	_ = 	snop;
	(pc) =	sbr.rel @p4 .LBB2_11-.Ltmp6, $1  }
0xa6: {  	_ =	sdelay $0x3  }
0xa7: {  	p4 =	sne.s32 @!p2 s11, $0x10  }
0xa8: {  	p4 =	por p2, p4  }
.Ltmp7:
0xa9: {  	_ = 	snop;
	(pc) =	sbr.rel @p4 .LBB2_10-.Ltmp7, $1  }
0xaa: {  	_ =	sdelay $0x3  }
0xab: {  	[tilespmem:s30], [sflag:$0x1] =	stream.linear.gather [hbm4b:s12+s5], $0x1000, $0x38;
	[tilespmem:$0x1E580] =	vst v63  }
0xac: {  	s0 =	sadd.s32 $0xF4280, s12;
	s2 =	simm.s32 $0x10100  }
0xad: {  	[tilespmem:s2], [sflag:$0x1] =	stream.linear.gather [hbm4b:s0+s5], $0x1000, $0x38;
	[tilespmem:$0x1E580] =	vst v63  }
0xae: {  	s3 =	sadd.s32 $0x1E8500, s12;
	s4 =	simm.s32 $0x14100  }
0xaf: {  	[tilespmem:s4], [sflag:$0x1] =	stream.linear.gather [hbm4b:s3+s5], $0x1000, $0x38;
	[tilespmem:$0x1E580] =	vst v63  }
0xb0: {  	s7 =	sadd.s32 $0x2DC780, s12;
	s9 =	simm.s32 $0x18100  }
0xb1: {  	[tilespmem:s9], [sflag:$0x1] =	stream.linear.gather [hbm4b:s7+s5], $0x1000, $0x38;
	[tilespmem:$0x1E580] =	vst v63  }
0xb2: {  	s13 =	rddreg [dreg:$0x2];
	s21 =	simm.s32 $0xD100  }
0xb3: {  	[tilespmem:s21], [sflag:$0x1] =	stream.linear.gather [hbm4b:s13+s5], $0x400, $0x38;
	[tilespmem:$0x1E580] =	vst v63  }
0xb4: {  	s28 =	simm.s32 $0x11100  }
0xb5: {  	[tilespmem:s28], [sflag:$0x1] =	stream.linear.gather [hbm4b:s15+s5], $0x400, $0x38;
	[tilespmem:$0x1E580] =	vst v63  }
.Ltmp8:
0xb6: {  	_ = 	snop;
	(pc) =	sbr.rel .LBB2_9-.Ltmp8, $4  }
0xb7: {  	s29 =	simm.s32 $0x15100  }
0xb8: {  	[tilespmem:s29], [sflag:$0x1] =	stream.linear.gather [hbm4b:s16+s5], $0x400, $0x38;
	[tilespmem:$0x1E580] =	vst v63  }
0xb9: {  	s31 =	simm.s32 $0x19100  }
0xba: {  	[tilespmem:s31], [sflag:$0x1] =	stream.linear.gather [hbm4b:s17+s5], $0x400, $0x38;
	[tilespmem:$0x1E580] =	vst v63  }
.LBB2_10:
0xbb: {  	s0 =	sshll.u32 s11, $0xD;
	s2 =	rddreg [dreg:$0x6]  }
0xbc: {  	s2 =	sadd.s32 s2, s0  }
0xbd: {  	s3 =	rddreg [dreg:$0x1];
	s0 =	sand.u32 $0x2000, s0;
	s2 =	sshrl.u32 s2, $0x3  }
0xbe: {  	s21 =	sor.u32 $0xC100, s0;
	s2 =	sadd.s32 s3, s2  }
0xbf: {  	[tilespmem:s21], [sflag:$0x1] =	stream.linear.gather [hbm4b:s2+s5], $0x2000, $0x38;
	[tilespmem:$0x1E580] =	vst v63  }
0xc0: {  	s4 =	sor.u32 $0x10100, s0;
	s28 =	sadd.s32 $0xF4280, s2  }
0xc1: {  	[tilespmem:s4], [sflag:$0x1] =	stream.linear.gather [hbm4b:s28+s5], $0x2000, $0x38;
	[tilespmem:$0x1E580] =	vst v63  }
0xc2: {  	s31 =	sor.u32 $0x14100, s0;
	s29 =	sadd.s32 $0x1E8500, s2  }
0xc3: {  	[tilespmem:s31], [sflag:$0x1] =	stream.linear.gather [hbm4b:s29+s5], $0x2000, $0x38;
	[tilespmem:$0x1E580] =	vst v63  }
0xc4: {  	s0 =	sor.u32 $0x18100, s0;
	s2 =	sadd.s32 $0x2DC780, s2  }
0xc5: {  	[tilespmem:s0], [sflag:$0x1] =	stream.linear.gather [hbm4b:s2+s5], $0x2000, $0x38;
	[tilespmem:$0x1E580] =	vst v63  }
.LBB2_11:
0xc6: {  	p4 =	sne.s32 @!p2 s1, $0x10  }
0xc7: {  	p4 =	por p2, p4  }
.Ltmp9:
0xc8: {  	_ = 	snop;
	(pc) =	sbr.rel @p4 .LBB2_9-.Ltmp9, $1  }
0xc9: {  	_ =	sdelay $0x3  }
0xca: {  	_ =	swait.ge [sflag:s14], $0x4000  }
.Ltmp10:
0xcb: {  	[sflag:s14] =	ssyncset.done $0x0;
	(pc) =	sbr.rel .LBB2_13-.Ltmp10, $4  }
0xcc: {  	[sflag:s14] =	ssyncadd.s32 $0xFFFFC000  }
0xcd: {  	_ =	swait.ge [sflag:s14], $0x1000  }
0xce: {  	[sflag:s14] =	ssyncset.done $0x0  }
0xcf: {  	[sflag:s14] =	ssyncadd.s32 $0xFFFFF000  }
.LBB2_9:
0xd0: {  	_ =	swait.ge [sflag:s14], $0x8000  }
0xd1: {  	[sflag:s14] =	ssyncset.done $0x0  }
0xd2: {  	[sflag:s14] =	ssyncadd.s32 $0xFFFF8000  }
.LBB2_13:
.Ltmp11:
0xd3: {  	(pc) =	sbr.rel @p3 .LBB2_14-.Ltmp11, $1  }
0xd4: {  	_ =	sdelay $0x3  }
0xd5: {  	p5 =	sne.s32 s23, $0x1  }
.Ltmp12:
0xd6: {  	_ = 	snop;
	(pc) =	sbr.rel @!p5 .LBB2_16-.Ltmp12, $3  }
0xd7: {  	_ =	sdelay $0x1  }
0xd8: {  	s0 =	sshll.u32 s1, $0xA;
	s2 =	simm.s32 $0x4000;
	v39 =	vmov s1;
	s1 =	simm.s32 $0x0  }
0xd9: {  	p4 =	por $0x0, $0x0;
	s0 =	sand.u32 $0x400, s0;
	v38 =	vld [tilespmem:s2+$0x0];
	s2 =	sadd.s32 $0xFFFFFFFF, s23  }
0xda: {  	_ =	sdelay $0x3  }
0xdb: {  	v40 =	vshrl.u32 v38, $0xA  }
0xdc: {  	v41 =	vor.u32 s1, v0;
	v40 =	vand.u32 $0x1F, v40  }
0xdd: {  	vm1 =	vlt.s32 v41, v37;
	vm0 =	veq.s32 v40, v39  }
0xde: {  	vm0 =	vmand vm1, vm0  }
0xdf: {  	v61 =	vsel vm0, $0x1, v4  }
0xe0: {  	(xrf0) =	vadd.scan.msk.s32 $0xffff, v61;
	_ =	sdelay $0x4  }
0xe1: {  	v62 =	vsel vm0, $0xFFFFFFFF, v4  }
0xe2: {  	v40 =	vadd.s32 s1, v62;
	v63, _, _ =	vpop (xrf0)  }
0xe3: {  	v40 =	vadd.s32 v63, v40;
	(v2sf) =	vpush v63, $0xF  }
0xe4: {  	p5 =	sne.s32 s2, $0x1  }
.Ltmp13:
0xe5: {  	_ = 	snop;
	(pc) =	sbr.rel @!p5 .LBB2_18-.Ltmp13, $3  }
0xe6: {  	_ =	sdelay $0x1  }
0xe7: {  	s4 =	simm.s32 $0x4010;
	s7 =	sadd.s32 $0xFFFFFFFF, s2;
	[tilespmem:v40+s20+$0x0] =	vst.idx.msk vm0, v38  }
0xe8: {  	p4 =	por $0x1, $0x1;
	s3 =	simm.s32 $0x0;
	s2 =	simm.s32 $0x0;
	v38 =	vld [tilespmem:s4+$0x0]  }
.LBB2_19:
0xe9: {  	p5 =	sne.s32 s7, $0x1;
	_ =	sdelay $0x3  }
0xea: {  	s3 =	sadd.s32 $0x10, s3;
	v40 =	vshrl.u32 v38, $0xA  }
0xeb: {  	v41 =	vor.u32 s3, v0;
	v40 =	vand.u32 $0x1F, v40  }
0xec: {  	vm1 =	vlt.s32 v41, v37;
	vm0 =	veq.s32 v40, v39  }
0xed: {  	vm0 =	vmand vm1, vm0  }
0xee: {  	v40 =	vsel vm0, $0xFFFFFFFF, v4;
	v41 =	vsel vm0, $0x1, v4;
	s9 =	spop (v2sf)  }
0xef: {  	(xrf0) =	vadd.scan.msk.s32 $0xffff, v41;
	s2 =	sadd.s32 s2, s9  }
0xf0: {  	v40 =	vadd.s32 s2, v40;
	_ =	sdelay $0x4  }
0xf1: {  	v41, _, _ =	vpop (xrf0)  }
0xf2: {  	v40 =	vadd.s32 v41, v40;
	(v2sf) =	vpush v41, $0xF;
	_ =	sdelay $0x1  }
.Ltmp14:
0xf3: {  	(pc) =	sbr.rel @p5 .LBB2_19-.Ltmp14, $3  }
0xf4: {  	_ =	sdelay $0x1  }
0xf5: {  	s4 =	sadd.s32 $0x10, s4;
	[tilespmem:v40+s20+$0x0] =	vst.idx.msk vm0, v38  }
0xf6: {  	s7 =	sadd.s32 $0xFFFFFFFF, s7;
	v38 =	vld [tilespmem:s4+$0x0]  }
.LBB2_20:
0xf7: {  	_ =	sdelay $0x2  }
0xf8: {  	s3 =	sadd.s32 @p4 $0x10, s3;
	s4 =	simm.s32 $0x0  }
0xf9: {  	s4 =	smov.u32 @p4 s3;
	v40 =	vshrl.u32 v38, $0xA  }
0xfa: {  	v41 =	vor.u32 s4, v0;
	v40 =	vand.u32 $0x1F, v40  }
0xfb: {  	vm1 =	vlt.s32 v41, v37;
	vm0 =	veq.s32 v40, v39  }
0xfc: {  	vm0 =	vmand vm1, vm0  }
0xfd: {  	v62 =	vsel vm0, $0x1, v4  }
0xfe: {  	(xrf0) =	vadd.scan.msk.s32 $0xffff, v62;
	_ =	sdelay $0x5  }
0xff: {  	v39, _, _ =	vpop (xrf0)  }
0x100: {  	(v2sf) =	vpush v39, $0xF;
	_ =	sdelay $0xc  }
0x101: {  	s3 =	spop @p4 (v2sf)  }
0x102: {  	s2 =	sadd.s32 @p4 s2, s3  }
0x103: {  	s1 =	smov.u32 @p4 s2;
	s31 =	spop (v2sf)  }
0x104: {  	s4 =	sadd.s32 s1, s31  }
0x105: {  	v63 =	vsel vm0, $0xFFFFFFFF, v4;
	s9 =	sadd.s32 $0xF, s4  }
0x106: {  	v40 =	vadd.s32 s1, v63;
	s1 =	sshrl.u32 s9, $0x4  }
0x107: {  	v39 =	vadd.s32 v39, v40;
	p4 =	seq.s32 s1, $0x0  }
.Ltmp15:
0x108: {  	_ = 	snop;
	(pc) =	sbr.rel @p4 .LBB2_28-.Ltmp15, $2  }
0x109: {  	_ =	sdelay $0x2  }
0x10a: {  	[tilespmem:v39+s20+$0x0] =	vst.idx.msk vm0, v38  }
0x10b: {  	s1 =	sadd.s32 $0xFFFFFFFF, s1  }
0x10c: {  	p5 =	sne.s32 s1, $0x0  }
.Ltmp16:
0x10d: {  	_ = 	snop;
	(pc) =	sbr.rel @!p5 .LBB2_22-.Ltmp16, $3  }
0x10e: {  	_ =	sdelay $0x1  }
0x10f: {  	s3 =	sshll.u32 s22, $0x7;
	s7 =	sshrl.u32 s22, $0x4;
	v39 =	vmov s4;
	s4 =	simm.s32 $0x8080  }
0x110: {  	v38 =	vmov s0;
	s0 =	simm.s32 $0x0;
	p4 =	por $0x0, $0x0;
	s2 =	sadd.s32 s3, s18  }
0x111: {  	p4 =	slt.u32 s7, $0x4  }
0x112: {  	s28 =	simm.s32 @!p4 $0x2  }
0x113: {  	_ =	swait.ge @!p4 [sflag:s28], $0x800  }
0x114: {  	[sflag:s28] =	ssyncset.done @!p4 $0x0  }
0x115: {  	[sflag:s28] =	ssyncadd.s32 @!p4 $0xFFFFF800  }
0x116: {  	v40 =	vld [tilespmem:s4+$0x0];
	_ =	sdelay $0x2  }
0x117: {  	v41 =	vor.u32 s0, v0  }
0x118: {  	vm0 =	vlt.s32 v41, v39  }
0x119: {  	v40 =	vnsel vm0, $0x20000000, v40  }
0x11a: {  	v53 =	vand.u32 $0x380, v40  }
0x11b: {  	v41 =	vor.u32 v38, v53  }
0x11c: {  	v42 =	vand.u32 $0x7F, v40;
	v41 =	vshll.u32 v41, $0x3  }
0x11d: {  	v41 =	vor.u32 v42, v41;
	_ =	sdelay $0x4  }
0x11e: {  	v42 =	vld.idx.msk [tilespmem:v41+s30+$0x0], $0xffff  }
0x11f: {  	v43 =	vor.u32 $0x80, v41;
	_ =	sdelay $0x1  }
0x120: {  	s13 =	sand.u32 $0x1800, s3  }
0x121: {  	s0 =	sor.u32 $0x1C100, s13  }
0x122: {  	[tilespmem:v1+s0+$0x0] =	vst.idx.msk $0xffff, v42  }
0x123: {  	v42 =	vld.idx.msk [tilespmem:v43+s30+$0x0], $0xffff  }
0x124: {  	v54 =	vor.u32 $0x100, v41;
	_ =	sdelay $0x3  }
0x125: {  	[tilespmem:v6+s0+$0x0] =	vst.idx.msk $0xffff, v42  }
0x126: {  	v42 =	vld.idx.msk [tilespmem:v54+s30+$0x0], $0xffff  }
0x127: {  	v55 =	vor.u32 $0x180, v41;
	_ =	sdelay $0x3  }
0x128: {  	[tilespmem:v7+s0+$0x0] =	vst.idx.msk $0xffff, v42  }
0x129: {  	v42 =	vld.idx.msk [tilespmem:v55+s30+$0x0], $0xffff  }
0x12a: {  	v56 =	vor.u32 $0x200, v41;
	_ =	sdelay $0x3  }
0x12b: {  	[tilespmem:v8+s0+$0x0] =	vst.idx.msk $0xffff, v42  }
0x12c: {  	v42 =	vld.idx.msk [tilespmem:v56+s30+$0x0], $0xffff  }
0x12d: {  	v57 =	vor.u32 $0x280, v41;
	_ =	sdelay $0x3  }
0x12e: {  	[tilespmem:v9+s0+$0x0] =	vst.idx.msk $0xffff, v42  }
0x12f: {  	v42 =	vld.idx.msk [tilespmem:v57+s30+$0x0], $0xffff  }
0x130: {  	v58 =	vor.u32 $0x300, v41;
	_ =	sdelay $0x3  }
0x131: {  	[tilespmem:v10+s0+$0x0] =	vst.idx.msk $0xffff, v42  }
0x132: {  	v42 =	vld.idx.msk [tilespmem:v58+s30+$0x0], $0xffff  }
0x133: {  	v59 =	vor.u32 $0x380, v41;
	_ =	sdelay $0x3  }
0x134: {  	[tilespmem:v11+s0+$0x0] =	vst.idx.msk $0xffff, v42  }
0x135: {  	v42 =	vld.idx.msk [tilespmem:v59+s30+$0x0], $0xffff  }
0x136: {  	v60 =	vor.u32 $0x4000, v41;
	_ =	sdelay $0x3  }
0x137: {  	[tilespmem:v12+s0+$0x0] =	vst.idx.msk $0xffff, v42  }
0x138: {  	v42 =	vld.idx.msk [tilespmem:v60+s30+$0x0], $0xffff  }
0x139: {  	v61 =	vor.u32 $0x4080, v41;
	_ =	sdelay $0x3  }
0x13a: {  	[tilespmem:v13+s0+$0x0] =	vst.idx.msk $0xffff, v42  }
0x13b: {  	v42 =	vld.idx.msk [tilespmem:v61+s30+$0x0], $0xffff  }
0x13c: {  	v62 =	vor.u32 $0x4100, v41;
	_ =	sdelay $0x3  }
0x13d: {  	[tilespmem:v14+s0+$0x0] =	vst.idx.msk $0xffff, v42  }
0x13e: {  	v42 =	vld.idx.msk [tilespmem:v62+s30+$0x0], $0xffff  }
0x13f: {  	v63 =	vor.u32 $0x4180, v41;
	_ =	sdelay $0x3  }
0x140: {  	[tilespmem:v15+s0+$0x0] =	vst.idx.msk $0xffff, v42  }
0x141: {  	v42 =	vld.idx.msk [tilespmem:v63+s30+$0x0], $0xffff  }
0x142: {  	v45 =	vor.u32 $0x4200, v41;
	_ =	sdelay $0x3  }
0x143: {  	[tilespmem:v16+s0+$0x0] =	vst.idx.msk $0xffff, v42  }
0x144: {  	v42 =	vld.idx.msk [tilespmem:v45+s30+$0x0], $0xffff  }
0x145: {  	v46 =	vor.u32 $0x4280, v41;
	_ =	sdelay $0x3  }
0x146: {  	[tilespmem:v17+s0+$0x0] =	vst.idx.msk $0xffff, v42  }
0x147: {  	v42 =	vld.idx.msk [tilespmem:v46+s30+$0x0], $0xffff  }
0x148: {  	v47 =	vor.u32 $0x4300, v41;
	_ =	sdelay $0x3  }
0x149: {  	[tilespmem:v18+s0+$0x0] =	vst.idx.msk $0xffff, v42  }
0x14a: {  	v42 =	vld.idx.msk [tilespmem:v47+s30+$0x0], $0xffff  }
0x14b: {  	v48 =	vor.u32 $0x4380, v41;
	_ =	sdelay $0x3  }
0x14c: {  	[tilespmem:v19+s0+$0x0] =	vst.idx.msk $0xffff, v42  }
0x14d: {  	v42 =	vld.idx.msk [tilespmem:v48+s30+$0x0], $0xffff  }
0x14e: {  	v49 =	vor.u32 $0x8000, v41;
	_ =	sdelay $0x3  }
0x14f: {  	[tilespmem:v20+s0+$0x0] =	vst.idx.msk $0xffff, v42  }
0x150: {  	v42 =	vld.idx.msk [tilespmem:v49+s30+$0x0], $0xffff  }
0x151: {  	v50 =	vor.u32 $0x8080, v41;
	_ =	sdelay $0x3  }
0x152: {  	[tilespmem:v21+s0+$0x0] =	vst.idx.msk $0xffff, v42  }
0x153: {  	v42 =	vld.idx.msk [tilespmem:v50+s30+$0x0], $0xffff  }
0x154: {  	v51 =	vor.u32 $0x8100, v41;
	_ =	sdelay $0x3  }
0x155: {  	[tilespmem:v22+s0+$0x0] =	vst.idx.msk $0xffff, v42  }
0x156: {  	v42 =	vld.idx.msk [tilespmem:v51+s30+$0x0], $0xffff  }
0x157: {  	v52 =	vor.u32 $0x8180, v41;
	_ =	sdelay $0x3  }
0x158: {  	[tilespmem:v23+s0+$0x0] =	vst.idx.msk $0xffff, v42  }
0x159: {  	v42 =	vld.idx.msk [tilespmem:v52+s30+$0x0], $0xffff  }
0x15a: {  	v53 =	vor.u32 $0x8200, v41;
	_ =	sdelay $0x3  }
0x15b: {  	[tilespmem:v24+s0+$0x0] =	vst.idx.msk $0xffff, v42  }
0x15c: {  	v42 =	vld.idx.msk [tilespmem:v53+s30+$0x0], $0xffff  }
0x15d: {  	v54 =	vor.u32 $0x8280, v41;
	_ =	sdelay $0x3  }
0x15e: {  	[tilespmem:v25+s0+$0x0] =	vst.idx.msk $0xffff, v42  }
0x15f: {  	v42 =	vld.idx.msk [tilespmem:v54+s30+$0x0], $0xffff  }
0x160: {  	v55 =	vor.u32 $0x8300, v41;
	_ =	sdelay $0x3  }
0x161: {  	[tilespmem:v26+s0+$0x0] =	vst.idx.msk $0xffff, v42  }
0x162: {  	v42 =	vld.idx.msk [tilespmem:v55+s30+$0x0], $0xffff  }
0x163: {  	v56 =	vor.u32 $0x8380, v41;
	_ =	sdelay $0x3  }
0x164: {  	[tilespmem:v27+s0+$0x0] =	vst.idx.msk $0xffff, v42  }
0x165: {  	v42 =	vld.idx.msk [tilespmem:v56+s30+$0x0], $0xffff  }
0x166: {  	v57 =	vor.u32 $0xC000, v41;
	_ =	sdelay $0x3  }
0x167: {  	[tilespmem:v28+s0+$0x0] =	vst.idx.msk $0xffff, v42  }
0x168: {  	v42 =	vld.idx.msk [tilespmem:v57+s30+$0x0], $0xffff  }
0x169: {  	v58 =	vor.u32 $0xC080, v41;
	_ =	sdelay $0x3  }
0x16a: {  	[tilespmem:v29+s0+$0x0] =	vst.idx.msk $0xffff, v42  }
0x16b: {  	v42 =	vld.idx.msk [tilespmem:v58+s30+$0x0], $0xffff  }
0x16c: {  	v59 =	vor.u32 $0xC100, v41;
	_ =	sdelay $0x3  }
0x16d: {  	[tilespmem:v30+s0+$0x0] =	vst.idx.msk $0xffff, v42  }
0x16e: {  	v42 =	vld.idx.msk [tilespmem:v59+s30+$0x0], $0xffff  }
0x16f: {  	v60 =	vor.u32 $0xC180, v41;
	_ =	sdelay $0x3  }
0x170: {  	[tilespmem:v31+s0+$0x0] =	vst.idx.msk $0xffff, v42  }
0x171: {  	v42 =	vld.idx.msk [tilespmem:v60+s30+$0x0], $0xffff  }
0x172: {  	v61 =	vor.u32 $0xC200, v41;
	_ =	sdelay $0x3  }
0x173: {  	[tilespmem:v32+s0+$0x0] =	vst.idx.msk $0xffff, v42  }
0x174: {  	v42 =	vld.idx.msk [tilespmem:v61+s30+$0x0], $0xffff  }
0x175: {  	v62 =	vor.u32 $0xC280, v41;
	_ =	sdelay $0x3  }
0x176: {  	[tilespmem:v33+s0+$0x0] =	vst.idx.msk $0xffff, v42  }
0x177: {  	v42 =	vld.idx.msk [tilespmem:v62+s30+$0x0], $0xffff  }
0x178: {  	v63 =	vor.u32 $0xC300, v41;
	_ =	sdelay $0x3  }
0x179: {  	[tilespmem:v34+s0+$0x0] =	vst.idx.msk $0xffff, v42  }
0x17a: {  	v42 =	vld.idx.msk [tilespmem:v63+s30+$0x0], $0xffff  }
0x17b: {  	v41 =	vor.u32 $0xC380, v41;
	_ =	sdelay $0x3  }
0x17c: {  	[tilespmem:v35+s0+$0x0] =	vst.idx.msk $0xffff, v42  }
0x17d: {  	v41 =	vld.idx.msk [tilespmem:v41+s30+$0x0], $0xffff  }
0x17e: {  	s1 =	sadd.s32 $0xFFFFFFFF, s1;
	s31 =	sadd.s32 $0x10, s25;
	s3 =	sadd.s32 $0x800, s3  }
0x17f: {  	s7 =	sadd.s32 $0x1, s7;
	p5 =	sne.s32 s1, $0x0;
	p6 =	sne.s32 s31, $0x400  }
0x180: {  	s29 =	sshll.u32 @!p6 s24, $0x7;
	s28 =	sadd.s32 $0x8, s24;
	p4 =	seq.s32 s31, $0x400  }
0x181: {  	s21 =	rddreg [dreg:$0x5];
	s24 =	smov.u32 @p4 s28;
	s28 =	sshrl.u32 s2, $0x3  }
0x182: {  	s29 =	sand.u32 @!p6 $0x7FFFFC00, s29;
	s31 =	simm.s32 @!p6 $0x0;
	s4 =	sadd.s32 s21, s28;
	[tilespmem:v36+s0+$0x0] =	vst.idx.msk $0xffff, v41  }
0x183: {  	[hbm4b:s4+s5] =	stream.linear.scatter [tilespmem:s0], [sflag:$0x2], $0x800, $0x38;
	[tilespmem:$0x1E580] =	vst v63  }
.Ltmp17:
0x184: {  	s2 =	sadd.s32 $0x800, s2;
	s28 =	sadd.s32 @!p6 s10, s29;
	(pc) =	sbr.rel @!p5 .LBB2_24-.Ltmp17, $4  }
0x185: {  	p4 =	por $0x1, $0x1;
	s0 =	sshrl.u32 @!p6 s28, $0x3;
	s4 =	simm.s32 @!p6 $0x0  }
0x186: {  	s28 =	simm.s32 @!p6 $0x3;
	[tilespmem:s25+$0x1E100] =	vst v40;
	s25 =	simm.s32 @!p6 $0x1E100;
	s0 =	sadd.s32 @!p6 s6, s0  }
0x187: {  	[hbm4b:s0+s4] =	stream.linear.scatter @!p6 [tilespmem:s25], [sflag:$0x3], $0x400, $0x38;
	[tilespmem:$0x1E580] =	vst v63  }
0x188: {  	s0 =	simm.s32 $0x10;
	s4 =	simm.s32 $0x8090;
	_ =	swait.ge @!p6 [sflag:s28], $0x400  }
.LBB2_25:
0x189: {  	p1 =	slt.u32 s7, $0x4;
	[sflag:s28] =	ssyncset.done @!p6 $0x0  }
0x18a: {  	s29 =	simm.s32 @!p1 $0x2;
	[sflag:s28] =	ssyncadd.s32 @!p6 $0xFFFFFC00  }
0x18b: {  	_ =	swait.ge @!p1 [sflag:s29], $0x800  }
0x18c: {  	[sflag:s29] =	ssyncset.done @!p1 $0x0  }
0x18d: {  	[sflag:s29] =	ssyncadd.s32 @!p1 $0xFFFFF800  }
0x18e: {  	v40 =	vld [tilespmem:s4+$0x0];
	_ =	sdelay $0x2  }
0x18f: {  	v41 =	vor.u32 s0, v0  }
0x190: {  	vm0 =	vlt.s32 v41, v39  }
0x191: {  	v40 =	vnsel vm0, $0x20000000, v40  }
0x192: {  	v53 =	vand.u32 $0x380, v40  }
0x193: {  	v41 =	vor.u32 v38, v53  }
0x194: {  	v42 =	vand.u32 $0x7F, v40;
	v41 =	vshll.u32 v41, $0x3  }
0x195: {  	v41 =	vor.u32 v42, v41;
	_ =	sdelay $0x4  }
0x196: {  	v42 =	vld.idx.msk [tilespmem:v41+s30+$0x0], $0xffff  }
0x197: {  	v43 =	vor.u32 $0x80, v41;
	_ =	sdelay $0x1  }
0x198: {  	s28 =	sand.u32 $0x1800, s3  }
0x199: {  	s28 =	sor.u32 $0x1C100, s28  }
0x19a: {  	[tilespmem:v1+s28+$0x0] =	vst.idx.msk $0xffff, v42  }
0x19b: {  	v42 =	vld.idx.msk [tilespmem:v43+s30+$0x0], $0xffff  }
0x19c: {  	v54 =	vor.u32 $0x100, v41;
	_ =	sdelay $0x3  }
0x19d: {  	[tilespmem:v6+s28+$0x0] =	vst.idx.msk $0xffff, v42  }
0x19e: {  	v42 =	vld.idx.msk [tilespmem:v54+s30+$0x0], $0xffff  }
0x19f: {  	v55 =	vor.u32 $0x180, v41;
	_ =	sdelay $0x3  }
0x1a0: {  	[tilespmem:v7+s28+$0x0] =	vst.idx.msk $0xffff, v42  }
0x1a1: {  	v42 =	vld.idx.msk [tilespmem:v55+s30+$0x0], $0xffff  }
0x1a2: {  	v56 =	vor.u32 $0x200, v41;
	_ =	sdelay $0x3  }
0x1a3: {  	[tilespmem:v8+s28+$0x0] =	vst.idx.msk $0xffff, v42  }
0x1a4: {  	v42 =	vld.idx.msk [tilespmem:v56+s30+$0x0], $0xffff  }
0x1a5: {  	v57 =	vor.u32 $0x280, v41;
	_ =	sdelay $0x3  }
0x1a6: {  	[tilespmem:v9+s28+$0x0] =	vst.idx.msk $0xffff, v42  }
0x1a7: {  	v42 =	vld.idx.msk [tilespmem:v57+s30+$0x0], $0xffff  }
0x1a8: {  	v58 =	vor.u32 $0x300, v41;
	_ =	sdelay $0x3  }
0x1a9: {  	[tilespmem:v10+s28+$0x0] =	vst.idx.msk $0xffff, v42  }
0x1aa: {  	v42 =	vld.idx.msk [tilespmem:v58+s30+$0x0], $0xffff  }
0x1ab: {  	v59 =	vor.u32 $0x380, v41;
	_ =	sdelay $0x3  }
0x1ac: {  	[tilespmem:v11+s28+$0x0] =	vst.idx.msk $0xffff, v42  }
0x1ad: {  	v42 =	vld.idx.msk [tilespmem:v59+s30+$0x0], $0xffff  }
0x1ae: {  	v60 =	vor.u32 $0x4000, v41;
	_ =	sdelay $0x3  }
0x1af: {  	[tilespmem:v12+s28+$0x0] =	vst.idx.msk $0xffff, v42  }
0x1b0: {  	v42 =	vld.idx.msk [tilespmem:v60+s30+$0x0], $0xffff  }
0x1b1: {  	v61 =	vor.u32 $0x4080, v41;
	_ =	sdelay $0x3  }
0x1b2: {  	[tilespmem:v13+s28+$0x0] =	vst.idx.msk $0xffff, v42  }
0x1b3: {  	v42 =	vld.idx.msk [tilespmem:v61+s30+$0x0], $0xffff  }
0x1b4: {  	v62 =	vor.u32 $0x4100, v41;
	_ =	sdelay $0x3  }
0x1b5: {  	[tilespmem:v14+s28+$0x0] =	vst.idx.msk $0xffff, v42  }
0x1b6: {  	v42 =	vld.idx.msk [tilespmem:v62+s30+$0x0], $0xffff  }
0x1b7: {  	v63 =	vor.u32 $0x4180, v41;
	_ =	sdelay $0x3  }
0x1b8: {  	[tilespmem:v15+s28+$0x0] =	vst.idx.msk $0xffff, v42  }
0x1b9: {  	v42 =	vld.idx.msk [tilespmem:v63+s30+$0x0], $0xffff  }
0x1ba: {  	v45 =	vor.u32 $0x4200, v41;
	_ =	sdelay $0x3  }
0x1bb: {  	[tilespmem:v16+s28+$0x0] =	vst.idx.msk $0xffff, v42  }
0x1bc: {  	v42 =	vld.idx.msk [tilespmem:v45+s30+$0x0], $0xffff  }
0x1bd: {  	v46 =	vor.u32 $0x4280, v41;
	_ =	sdelay $0x3  }
0x1be: {  	[tilespmem:v17+s28+$0x0] =	vst.idx.msk $0xffff, v42  }
0x1bf: {  	v42 =	vld.idx.msk [tilespmem:v46+s30+$0x0], $0xffff  }
0x1c0: {  	v47 =	vor.u32 $0x4300, v41;
	_ =	sdelay $0x3  }
0x1c1: {  	[tilespmem:v18+s28+$0x0] =	vst.idx.msk $0xffff, v42  }
0x1c2: {  	v42 =	vld.idx.msk [tilespmem:v47+s30+$0x0], $0xffff  }
0x1c3: {  	v48 =	vor.u32 $0x4380, v41;
	_ =	sdelay $0x3  }
0x1c4: {  	[tilespmem:v19+s28+$0x0] =	vst.idx.msk $0xffff, v42  }
0x1c5: {  	v42 =	vld.idx.msk [tilespmem:v48+s30+$0x0], $0xffff  }
0x1c6: {  	v49 =	vor.u32 $0x8000, v41;
	_ =	sdelay $0x3  }
0x1c7: {  	[tilespmem:v20+s28+$0x0] =	vst.idx.msk $0xffff, v42  }
0x1c8: {  	v42 =	vld.idx.msk [tilespmem:v49+s30+$0x0], $0xffff  }
0x1c9: {  	v50 =	vor.u32 $0x8080, v41;
	_ =	sdelay $0x3  }
0x1ca: {  	[tilespmem:v21+s28+$0x0] =	vst.idx.msk $0xffff, v42  }
0x1cb: {  	v42 =	vld.idx.msk [tilespmem:v50+s30+$0x0], $0xffff  }
0x1cc: {  	v51 =	vor.u32 $0x8100, v41;
	_ =	sdelay $0x3  }
0x1cd: {  	[tilespmem:v22+s28+$0x0] =	vst.idx.msk $0xffff, v42  }
0x1ce: {  	v42 =	vld.idx.msk [tilespmem:v51+s30+$0x0], $0xffff  }
0x1cf: {  	v52 =	vor.u32 $0x8180, v41;
	_ =	sdelay $0x3  }
0x1d0: {  	[tilespmem:v23+s28+$0x0] =	vst.idx.msk $0xffff, v42  }
0x1d1: {  	v42 =	vld.idx.msk [tilespmem:v52+s30+$0x0], $0xffff  }
0x1d2: {  	v53 =	vor.u32 $0x8200, v41;
	_ =	sdelay $0x3  }
0x1d3: {  	[tilespmem:v24+s28+$0x0] =	vst.idx.msk $0xffff, v42  }
0x1d4: {  	v42 =	vld.idx.msk [tilespmem:v53+s30+$0x0], $0xffff  }
0x1d5: {  	v54 =	vor.u32 $0x8280, v41;
	_ =	sdelay $0x3  }
0x1d6: {  	[tilespmem:v25+s28+$0x0] =	vst.idx.msk $0xffff, v42  }
0x1d7: {  	v42 =	vld.idx.msk [tilespmem:v54+s30+$0x0], $0xffff  }
0x1d8: {  	v55 =	vor.u32 $0x8300, v41;
	_ =	sdelay $0x3  }
0x1d9: {  	[tilespmem:v26+s28+$0x0] =	vst.idx.msk $0xffff, v42  }
0x1da: {  	v42 =	vld.idx.msk [tilespmem:v55+s30+$0x0], $0xffff  }
0x1db: {  	v56 =	vor.u32 $0x8380, v41;
	_ =	sdelay $0x3  }
0x1dc: {  	[tilespmem:v27+s28+$0x0] =	vst.idx.msk $0xffff, v42  }
0x1dd: {  	v42 =	vld.idx.msk [tilespmem:v56+s30+$0x0], $0xffff  }
0x1de: {  	v57 =	vor.u32 $0xC000, v41;
	_ =	sdelay $0x3  }
0x1df: {  	[tilespmem:v28+s28+$0x0] =	vst.idx.msk $0xffff, v42  }
0x1e0: {  	v42 =	vld.idx.msk [tilespmem:v57+s30+$0x0], $0xffff  }
0x1e1: {  	v58 =	vor.u32 $0xC080, v41;
	_ =	sdelay $0x3  }
0x1e2: {  	[tilespmem:v29+s28+$0x0] =	vst.idx.msk $0xffff, v42  }
0x1e3: {  	v42 =	vld.idx.msk [tilespmem:v58+s30+$0x0], $0xffff  }
0x1e4: {  	v59 =	vor.u32 $0xC100, v41;
	_ =	sdelay $0x3  }
0x1e5: {  	[tilespmem:v30+s28+$0x0] =	vst.idx.msk $0xffff, v42  }
0x1e6: {  	v42 =	vld.idx.msk [tilespmem:v59+s30+$0x0], $0xffff  }
0x1e7: {  	v60 =	vor.u32 $0xC180, v41;
	_ =	sdelay $0x3  }
0x1e8: {  	[tilespmem:v31+s28+$0x0] =	vst.idx.msk $0xffff, v42  }
0x1e9: {  	v42 =	vld.idx.msk [tilespmem:v60+s30+$0x0], $0xffff  }
0x1ea: {  	v61 =	vor.u32 $0xC200, v41;
	_ =	sdelay $0x3  }
0x1eb: {  	[tilespmem:v32+s28+$0x0] =	vst.idx.msk $0xffff, v42  }
0x1ec: {  	v42 =	vld.idx.msk [tilespmem:v61+s30+$0x0], $0xffff  }
0x1ed: {  	v62 =	vor.u32 $0xC280, v41;
	_ =	sdelay $0x3  }
0x1ee: {  	[tilespmem:v33+s28+$0x0] =	vst.idx.msk $0xffff, v42  }
0x1ef: {  	v42 =	vld.idx.msk [tilespmem:v62+s30+$0x0], $0xffff  }
0x1f0: {  	v63 =	vor.u32 $0xC300, v41;
	_ =	sdelay $0x3  }
0x1f1: {  	[tilespmem:v34+s28+$0x0] =	vst.idx.msk $0xffff, v42  }
0x1f2: {  	v42 =	vld.idx.msk [tilespmem:v63+s30+$0x0], $0xffff  }
0x1f3: {  	v41 =	vor.u32 $0xC380, v41;
	_ =	sdelay $0x3  }
0x1f4: {  	[tilespmem:v35+s28+$0x0] =	vst.idx.msk $0xffff, v42  }
0x1f5: {  	v41 =	vld.idx.msk [tilespmem:v41+s30+$0x0], $0xffff  }
0x1f6: {  	s1 =	sadd.s32 $0xFFFFFFFF, s1;
	s25 =	smov.u32 s31;
	s31 =	sadd.s32 $0x10, s31  }
0x1f7: {  	s0 =	sadd.s32 $0x10, s0;
	s7 =	sadd.s32 $0x1, s7;
	p6 =	sne.s32 s31, $0x400  }
0x1f8: {  	s21 =	sshll.u32 @!p6 s24, $0x7;
	s29 =	sadd.s32 $0x8, s24;
	p1 =	seq.s32 s31, $0x400  }
0x1f9: {  	s13 =	rddreg [dreg:$0x5];
	s24 =	smov.u32 @p1 s29;
	s29 =	sshrl.u32 s2, $0x3  }
0x1fa: {  	p5 =	sne.s32 s1, $0x0;
	s21 =	sand.u32 @!p6 $0x7FFFFC00, s21;
	s13 =	sadd.s32 s13, s29;
	[tilespmem:v36+s28+$0x0] =	vst.idx.msk $0xffff, v41  }
0x1fb: {  	[hbm4b:s13+s5] =	stream.linear.scatter [tilespmem:s28], [sflag:$0x2], $0x800, $0x38;
	[tilespmem:$0x1E580] =	vst v63  }
.Ltmp18:
0x1fc: {  	s3 =	sadd.s32 $0x800, s3;
	s21 =	sadd.s32 @!p6 s10, s21;
	(pc) =	sbr.rel @p5 .LBB2_25-.Ltmp18, $4  }
0x1fd: {  	s31 =	simm.s32 @!p6 $0x0;
	s13 =	sshrl.u32 @!p6 s21, $0x3;
	s21 =	simm.s32 @!p6 $0x0  }
0x1fe: {  	s28 =	simm.s32 @!p6 $0x3;
	[tilespmem:s25+$0x1E100] =	vst v40;
	s25 =	simm.s32 @!p6 $0x1E100;
	s13 =	sadd.s32 @!p6 s6, s13  }
0x1ff: {  	[hbm4b:s13+s21] =	stream.linear.scatter @!p6 [tilespmem:s25], [sflag:$0x3], $0x400, $0x38;
	[tilespmem:$0x1E580] =	vst v63  }
0x200: {  	s2 =	sadd.s32 $0x800, s2;
	s4 =	sadd.s32 $0x10, s4;
	_ =	swait.ge @!p6 [sflag:s28], $0x400  }
0x201: {  	s25 =	smov.u32 s31  }
.LBB2_27:
0x202: {  	p1 =	por p6, !p4  }
0x203: {  	p4 =	slt.u32 s7, $0x4;
	[sflag:s28] =	ssyncset.done @!p1 $0x0  }
0x204: {  	s1 =	simm.s32 @!p4 $0x2;
	[sflag:s28] =	ssyncadd.s32 @!p1 $0xFFFFFC00  }
0x205: {  	_ =	swait.ge @!p4 [sflag:s1], $0x800  }
0x206: {  	[sflag:s1] =	ssyncset.done @!p4 $0x0  }
0x207: {  	[sflag:s1] =	ssyncadd.s32 @!p4 $0xFFFFF800  }
0x208: {  	v40 =	vld [tilespmem:s4+$0x0];
	_ =	sdelay $0x2  }
0x209: {  	v41 =	vor.u32 s0, v0  }
0x20a: {  	vm0 =	vlt.s32 v41, v39  }
0x20b: {  	v39 =	vnsel vm0, $0x20000000, v40  }
0x20c: {  	v40 =	vand.u32 $0x380, v39  }
0x20d: {  	v38 =	vor.u32 v38, v40  }
0x20e: {  	v53 =	vand.u32 $0x7F, v39;
	v38 =	vshll.u32 v38, $0x3  }
0x20f: {  	v38 =	vor.u32 v53, v38;
	_ =	sdelay $0x4  }
0x210: {  	v40 =	vld.idx.msk [tilespmem:v38+s30+$0x0], $0xffff  }
0x211: {  	v54 =	vor.u32 $0x80, v38;
	_ =	sdelay $0x1  }
0x212: {  	s29 =	sand.u32 $0x1800, s3  }
0x213: {  	s0 =	sor.u32 $0x1C100, s29  }
0x214: {  	[tilespmem:v1+s0+$0x0] =	vst.idx.msk $0xffff, v40  }
0x215: {  	v40 =	vld.idx.msk [tilespmem:v54+s30+$0x0], $0xffff  }
0x216: {  	v55 =	vor.u32 $0x100, v38;
	_ =	sdelay $0x3  }
0x217: {  	[tilespmem:v6+s0+$0x0] =	vst.idx.msk $0xffff, v40  }
0x218: {  	v40 =	vld.idx.msk [tilespmem:v55+s30+$0x0], $0xffff  }
0x219: {  	v56 =	vor.u32 $0x180, v38;
	_ =	sdelay $0x3  }
0x21a: {  	[tilespmem:v7+s0+$0x0] =	vst.idx.msk $0xffff, v40  }
0x21b: {  	v40 =	vld.idx.msk [tilespmem:v56+s30+$0x0], $0xffff  }
0x21c: {  	v57 =	vor.u32 $0x200, v38;
	_ =	sdelay $0x3  }
0x21d: {  	[tilespmem:v8+s0+$0x0] =	vst.idx.msk $0xffff, v40  }
0x21e: {  	v40 =	vld.idx.msk [tilespmem:v57+s30+$0x0], $0xffff  }
0x21f: {  	v58 =	vor.u32 $0x280, v38;
	_ =	sdelay $0x3  }
0x220: {  	[tilespmem:v9+s0+$0x0] =	vst.idx.msk $0xffff, v40  }
0x221: {  	v40 =	vld.idx.msk [tilespmem:v58+s30+$0x0], $0xffff  }
0x222: {  	v59 =	vor.u32 $0x300, v38;
	_ =	sdelay $0x3  }
0x223: {  	[tilespmem:v10+s0+$0x0] =	vst.idx.msk $0xffff, v40  }
0x224: {  	v40 =	vld.idx.msk [tilespmem:v59+s30+$0x0], $0xffff  }
0x225: {  	v60 =	vor.u32 $0x380, v38;
	_ =	sdelay $0x3  }
0x226: {  	[tilespmem:v11+s0+$0x0] =	vst.idx.msk $0xffff, v40  }
0x227: {  	v40 =	vld.idx.msk [tilespmem:v60+s30+$0x0], $0xffff  }
0x228: {  	v61 =	vor.u32 $0x4000, v38;
	_ =	sdelay $0x3  }
0x229: {  	[tilespmem:v12+s0+$0x0] =	vst.idx.msk $0xffff, v40  }
0x22a: {  	v40 =	vld.idx.msk [tilespmem:v61+s30+$0x0], $0xffff  }
0x22b: {  	v62 =	vor.u32 $0x4080, v38;
	_ =	sdelay $0x3  }
0x22c: {  	[tilespmem:v13+s0+$0x0] =	vst.idx.msk $0xffff, v40  }
0x22d: {  	v40 =	vld.idx.msk [tilespmem:v62+s30+$0x0], $0xffff  }
0x22e: {  	v63 =	vor.u32 $0x4100, v38;
	_ =	sdelay $0x3  }
0x22f: {  	[tilespmem:v14+s0+$0x0] =	vst.idx.msk $0xffff, v40  }
0x230: {  	v40 =	vld.idx.msk [tilespmem:v63+s30+$0x0], $0xffff  }
0x231: {  	v44 =	vor.u32 $0x4180, v38;
	_ =	sdelay $0x3  }
0x232: {  	[tilespmem:v15+s0+$0x0] =	vst.idx.msk $0xffff, v40  }
0x233: {  	v40 =	vld.idx.msk [tilespmem:v44+s30+$0x0], $0xffff  }
0x234: {  	v45 =	vor.u32 $0x4200, v38;
	_ =	sdelay $0x3  }
0x235: {  	[tilespmem:v16+s0+$0x0] =	vst.idx.msk $0xffff, v40  }
0x236: {  	v40 =	vld.idx.msk [tilespmem:v45+s30+$0x0], $0xffff  }
0x237: {  	v46 =	vor.u32 $0x4280, v38;
	_ =	sdelay $0x3  }
0x238: {  	[tilespmem:v17+s0+$0x0] =	vst.idx.msk $0xffff, v40  }
0x239: {  	v40 =	vld.idx.msk [tilespmem:v46+s30+$0x0], $0xffff  }
0x23a: {  	v47 =	vor.u32 $0x4300, v38;
	_ =	sdelay $0x3  }
0x23b: {  	[tilespmem:v18+s0+$0x0] =	vst.idx.msk $0xffff, v40  }
0x23c: {  	v40 =	vld.idx.msk [tilespmem:v47+s30+$0x0], $0xffff  }
0x23d: {  	v48 =	vor.u32 $0x4380, v38;
	_ =	sdelay $0x3  }
0x23e: {  	[tilespmem:v19+s0+$0x0] =	vst.idx.msk $0xffff, v40  }
0x23f: {  	v40 =	vld.idx.msk [tilespmem:v48+s30+$0x0], $0xffff  }
0x240: {  	v49 =	vor.u32 $0x8000, v38;
	_ =	sdelay $0x3  }
0x241: {  	[tilespmem:v20+s0+$0x0] =	vst.idx.msk $0xffff, v40  }
0x242: {  	v40 =	vld.idx.msk [tilespmem:v49+s30+$0x0], $0xffff  }
0x243: {  	v50 =	vor.u32 $0x8080, v38;
	_ =	sdelay $0x3  }
0x244: {  	[tilespmem:v21+s0+$0x0] =	vst.idx.msk $0xffff, v40  }
0x245: {  	v40 =	vld.idx.msk [tilespmem:v50+s30+$0x0], $0xffff  }
0x246: {  	v51 =	vor.u32 $0x8100, v38;
	_ =	sdelay $0x3  }
0x247: {  	[tilespmem:v22+s0+$0x0] =	vst.idx.msk $0xffff, v40  }
0x248: {  	v40 =	vld.idx.msk [tilespmem:v51+s30+$0x0], $0xffff  }
0x249: {  	v52 =	vor.u32 $0x8180, v38;
	_ =	sdelay $0x3  }
0x24a: {  	[tilespmem:v23+s0+$0x0] =	vst.idx.msk $0xffff, v40  }
0x24b: {  	v40 =	vld.idx.msk [tilespmem:v52+s30+$0x0], $0xffff  }
0x24c: {  	v53 =	vor.u32 $0x8200, v38;
	_ =	sdelay $0x3  }
0x24d: {  	[tilespmem:v24+s0+$0x0] =	vst.idx.msk $0xffff, v40  }
0x24e: {  	v40 =	vld.idx.msk [tilespmem:v53+s30+$0x0], $0xffff  }
0x24f: {  	v54 =	vor.u32 $0x8280, v38;
	_ =	sdelay $0x3  }
0x250: {  	[tilespmem:v25+s0+$0x0] =	vst.idx.msk $0xffff, v40  }
0x251: {  	v40 =	vld.idx.msk [tilespmem:v54+s30+$0x0], $0xffff  }
0x252: {  	v55 =	vor.u32 $0x8300, v38;
	_ =	sdelay $0x3  }
0x253: {  	[tilespmem:v26+s0+$0x0] =	vst.idx.msk $0xffff, v40  }
0x254: {  	v40 =	vld.idx.msk [tilespmem:v55+s30+$0x0], $0xffff  }
0x255: {  	v56 =	vor.u32 $0x8380, v38;
	_ =	sdelay $0x3  }
0x256: {  	[tilespmem:v27+s0+$0x0] =	vst.idx.msk $0xffff, v40  }
0x257: {  	v40 =	vld.idx.msk [tilespmem:v56+s30+$0x0], $0xffff  }
0x258: {  	v57 =	vor.u32 $0xC000, v38;
	_ =	sdelay $0x3  }
0x259: {  	[tilespmem:v28+s0+$0x0] =	vst.idx.msk $0xffff, v40  }
0x25a: {  	v40 =	vld.idx.msk [tilespmem:v57+s30+$0x0], $0xffff  }
0x25b: {  	v58 =	vor.u32 $0xC080, v38;
	_ =	sdelay $0x3  }
0x25c: {  	[tilespmem:v29+s0+$0x0] =	vst.idx.msk $0xffff, v40  }
0x25d: {  	v40 =	vld.idx.msk [tilespmem:v58+s30+$0x0], $0xffff  }
0x25e: {  	v59 =	vor.u32 $0xC100, v38;
	_ =	sdelay $0x3  }
0x25f: {  	[tilespmem:v30+s0+$0x0] =	vst.idx.msk $0xffff, v40  }
0x260: {  	v40 =	vld.idx.msk [tilespmem:v59+s30+$0x0], $0xffff  }
0x261: {  	v60 =	vor.u32 $0xC180, v38;
	_ =	sdelay $0x3  }
0x262: {  	[tilespmem:v31+s0+$0x0] =	vst.idx.msk $0xffff, v40  }
0x263: {  	v40 =	vld.idx.msk [tilespmem:v60+s30+$0x0], $0xffff  }
0x264: {  	v61 =	vor.u32 $0xC200, v38;
	_ =	sdelay $0x3  }
0x265: {  	[tilespmem:v32+s0+$0x0] =	vst.idx.msk $0xffff, v40  }
0x266: {  	v40 =	vld.idx.msk [tilespmem:v61+s30+$0x0], $0xffff  }
0x267: {  	v62 =	vor.u32 $0xC280, v38;
	_ =	sdelay $0x3  }
0x268: {  	[tilespmem:v33+s0+$0x0] =	vst.idx.msk $0xffff, v40  }
0x269: {  	v40 =	vld.idx.msk [tilespmem:v62+s30+$0x0], $0xffff  }
0x26a: {  	v63 =	vor.u32 $0xC300, v38;
	_ =	sdelay $0x3  }
0x26b: {  	[tilespmem:v34+s0+$0x0] =	vst.idx.msk $0xffff, v40  }
0x26c: {  	v40 =	vld.idx.msk [tilespmem:v63+s30+$0x0], $0xffff  }
0x26d: {  	v38 =	vor.u32 $0xC380, v38;
	_ =	sdelay $0x3  }
0x26e: {  	[tilespmem:v35+s0+$0x0] =	vst.idx.msk $0xffff, v40  }
0x26f: {  	v38 =	vld.idx.msk [tilespmem:v38+s30+$0x0], $0xffff  }
0x270: {  	s1 =	sadd.s32 $0x10, s25  }
0x271: {  	p4 =	sne.s32 s1, $0x400  }
0x272: {  	s4 =	sshll.u32 @!p4 s24, $0x7  }
0x273: {  	s2 =	sshrl.u32 s2, $0x3;
	s31 =	rddreg [dreg:$0x5];
	s4 =	sand.u32 @!p4 $0x7FFFFC00, s4  }
0x274: {  	s2 =	sadd.s32 s31, s2;
	s3 =	sadd.s32 @!p4 s10, s4;
	[tilespmem:v36+s0+$0x0] =	vst.idx.msk $0xffff, v38  }
0x275: {  	[hbm4b:s2+s5] =	stream.linear.scatter [tilespmem:s0], [sflag:$0x2], $0x800, $0x38;
	[tilespmem:$0x1E580] =	vst v63  }
0x276: {  	s4 =	simm.s32 @!p4 $0x3;
	s0 =	sshrl.u32 @!p4 s3, $0x3;
	s2 =	simm.s32 @!p4 $0x0  }
.Ltmp19:
0x277: {  	s3 =	simm.s32 @!p4 $0x1E100;
	[tilespmem:s25+$0x1E100] =	vst v39;
	s0 =	sadd.s32 @!p4 s6, s0;
	(pc) =	sbr.rel .LBB2_28-.Ltmp19, $4  }
0x278: {  	[hbm4b:s0+s2] =	stream.linear.scatter @!p4 [tilespmem:s3], [sflag:$0x3], $0x400, $0x38;
	[tilespmem:$0x1E580] =	vst v63  }
0x279: {  	p1 =	seq.s32 s1, $0x400;
	_ =	swait.ge @!p4 [sflag:s4], $0x400  }
0x27a: {  	s1 =	simm.s32 @!p4 $0x0;
	s0 =	sadd.s32 $0x8, s24;
	[sflag:s4] =	ssyncset.done @!p4 $0x0  }
0x27b: {  	s25 =	smov.u32 s1;
	s24 =	smov.u32 @p1 s0;
	[sflag:s4] =	ssyncadd.s32 @!p4 $0xFFFFFC00  }
.LBB2_16:
.Ltmp20:
0x27c: {  	(pc) =	sbr.rel .LBB2_20-.Ltmp20, $2  }
0x27d: {  	_ =	sdelay $0x2  }
0x27e: {  	s3 =	simm.s32 $0x0;
	s2 =	simm.s32 $0x0  }
.LBB2_18:
.Ltmp21:
0x27f: {  	(pc) =	sbr.rel .LBB2_20-.Ltmp21, $2  }
0x280: {  	_ =	sdelay $0x2  }
0x281: {  	s3 =	simm.s32 $0x0;
	s2 =	simm.s32 $0x0  }
.LBB2_22:
.Ltmp22:
0x282: {  	(pc) =	sbr.rel .LBB2_27-.Ltmp22, $2  }
0x283: {  	_ =	sdelay $0x2  }
0x284: {  	_ = 	snop  }
.LBB2_24:
.Ltmp23:
0x285: {  	(pc) =	sbr.rel .LBB2_27-.Ltmp23, $2  }
0x286: {  	_ =	sdelay $0x2  }
0x287: {  	s25 =	smov.u32 s31  }
.LBB2_29:
0x288: {  	p1 =	seq.s32 s22, $0x0  }
.Ltmp24:
0x289: {  	_ = 	snop;
	(pc) =	sbr.rel @p1 .LBB2_30-.Ltmp24, $3  }
0x28a: {  	_ =	sdelay $0x1  }
0x28b: {  	s0 =	sshll.u32 s24, $0x7  }
0x28c: {  	s11 =	rddreg [dreg:$0x11];
	s0 =	sand.u32 $0x7FFFFC00, s0  }
0x28d: {  	s1 =	sshrl.u32 s22, $0x4  }
0x28e: {  	s1 =	smin.u32 s1, $0x4  }
0x28f: {  	p1 =	sne.s32 s1, $0x1  }
.Ltmp25:
0x290: {  	_ = 	snop;
	(pc) =	sbr.rel @!p1 .LBB2_33-.Ltmp25, $3  }
0x291: {  	_ =	sdelay $0x1  }
0x292: {  	_ =	swait.ge [sflag:s19], $0x800  }
0x293: {  	s9 =	simm.s32 $0x3;
	[sflag:s19] =	ssyncset.done $0x0;
	s1 =	sadd.s32 $0xFFFFFFFF, s1  }
.LBB2_32:
0x294: {  	p1 =	sne.s32 s1, $0x1;
	s1 =	sadd.s32 $0xFFFFFFFF, s1;
	[sflag:s19] =	ssyncadd.s32 $0xFFFFF800  }
.Ltmp26:
0x295: {  	(pc) =	sbr.rel @p1 .LBB2_32-.Ltmp26, $3  }
0x296: {  	_ =	sdelay $0x1  }
0x297: {  	_ =	swait.ge [sflag:s19], $0x800  }
0x298: {  	[sflag:s19] =	ssyncset.done $0x0  }
.LBB2_33:
.Ltmp27:
0x299: {  	(pc) =	sbr.rel .LBB2_34-.Ltmp27, $2  }
0x29a: {  	_ =	sdelay $0x2  }
0x29b: {  	[sflag:s19] =	ssyncadd.s32 $0xFFFFF800  }
.LBB2_4:
.Ltmp28:
0x29c: {  	(pc) =	sbr.rel .LBB2_34-.Ltmp28, $2  }
0x29d: {  	_ =	sdelay $0x2  }
0x29e: {  	s25 =	simm.s32 $0x0;
	s0 =	simm.s32 $0x0;
	s22 =	simm.s32 $0x0  }
.LBB2_30:
0x29f: {  	s22 =	simm.s32 $0x0;
	s9 =	simm.s32 $0x3  }
.LBB2_34:
0x2a0: {  	s1 =	ssub.s32 $0x400, s25  }
0x2a1: {  	s2 =	sshrl.u32 s1, $0x4  }
0x2a2: {  	p1 =	seq.s32 s2, $0x0  }
.Ltmp29:
0x2a3: {  	_ = 	snop;
	(pc) =	sbr.rel @p1 .LBB2_37-.Ltmp29, $1  }
0x2a4: {  	_ =	sdelay $0x3  }
0x2a5: {  	p1 =	sne.s32 s2, $0x1  }
.Ltmp30:
0x2a6: {  	_ = 	snop;
	(pc) =	sbr.rel @!p1 .LBB2_37-.Ltmp30, $3  }
0x2a7: {  	_ =	sdelay $0x1  }
0x2a8: {  	s1 =	sadd.s32 $0x1E100, s25  }
0x2a9: {  	s2 =	sadd.s32 $0xFFFFFFFF, s2;
	[tilespmem:s1+$0x0] =	vst v5  }
.LBB2_36:
0x2aa: {  	p1 =	sne.s32 s2, $0x1  }
.Ltmp31:
0x2ab: {  	_ = 	snop;
	(pc) =	sbr.rel @p1 .LBB2_36-.Ltmp31, $3  }
0x2ac: {  	_ =	sdelay $0x1  }
0x2ad: {  	s2 =	sadd.s32 $0xFFFFFFFF, s2;
	s1 =	sadd.s32 $0x10, s1  }
0x2ae: {  	[tilespmem:s1+$0x0] =	vst v5  }
.Ltmp32:
0x2af: {  	_ = 	snop;
	(pc) =	sbr.rel .LBB2_37-.Ltmp32, $1  }
0x2b0: {  	_ =	sdelay $0x3  }
.LBB2_38:
0x2b1: {  	_ =	sfence.sel $0x180000  }
0x2b2: {  	[bflag:$0x0] =	sbarrier.arrive $0xFFFF  }
0x2b3: {  	_ =	strace $0x90000047  }
0x2b4: {  	s0 =	stileid.u32;
	[bflag:$0x2] =	sbarrier.arrive $0xFFFF  }
0x2b5: {  	p0 =	sne.s32 s0, $0x0;
	s0 =	rddreg [dreg:$0x4]  }
0x2b6: {  	s0 =	sadd.s32 @!p0 $0x100000, s0  }
0x2b7: {  	[sflag:s0] =	ssyncadd.tile.s32 @!p0 $0x1;
	_ =	shalt  }
.Lfunc_end2:
_tile_overlayer_lowered:
.L_overlay_start_2:
0x2b8: {  	(tag) =	ssettag $0x2  }
0x2b9: {  	s0 =	rddreg [dreg:$0x0];
	s2 =	stileid.u32  }
0x2ba: {  	s1 =	rddreg [dreg:$0x1];
	p0 =	sne.s32 s2, $0x0  }
0x2bb: {  	s3 =	rddreg [dreg:$0x2];
	[bflag:$0x3] =	sbarrier.arrive $0xFFFF;
	s2 =	simm.s32 @!p0 $0x1C03  }
0x2bc: {  	[timem:s3], [sflag:s2] =	dma.local @!p0 [hbm:s0], s1  }
0x2bd: {  	s0 =	simm.s32 @!p0 $0x3  }
0x2be: {  	_ =	swait.ge @!p0 [sflag:s0], s1  }
0x2bf: {  	s1 =	ssub.s32 @!p0 $0x0, s1;
	[sflag:s0] =	ssyncset.done @!p0 $0x0  }
0x2c0: {  	[sflag:s0] =	ssyncadd.s32 @!p0 s1  }
0x2c1: {  	[bflag:$0x3] =	sbarrier.arrive $0xFFFF  }
0x2c2: {  	_ =	shalt  }

// kernel: kernel.7.cloned.1.call-start
scs
__scs_entry_jumppad:
0x0: {  	(pc) =	sbr.rel $0x88, $3  }
0x1: {  	(tag) =	ssettag $0x0;
	lr =	simm.s32 $0x1  }
0x2: {  	[smem:$0x3F9F] =	sst lr;
	_ =	strace $0xD0000000  }
0x3: {  	_ = 	snop  }
0x4: {  	_ = 	snop  }
0x5: {  	_ = 	snop  }
0x6: {  	_ = 	snop  }
0x7: {  	_ = 	snop  }
__scs_overlays_trampoline_lowered:
0x8: {  	[smem:$0x3FAE] =	sst s0  }
0x9: {  	[smem:$0x3FAF] =	sst s1  }
0xa: {  	[smem:$0x3FB0] =	sst s2  }
0xb: {  	[smem:$0x3FB1] =	sst s3  }
0xc: {  	[smem:$0x3FB2] =	sst s4  }
0xd: {  	[smem:$0x3FB3] =	sst s5  }
0xe: {  	[smem:$0x3FB4] =	sst s6  }
0xf: {  	[smem:$0x3FB5] =	sst s7  }
0x10: {  	[smem:$0x3FB6] =	sst s8  }
0x11: {  	[smem:$0x3FB7] =	sst s9;
	s0 =	simm.s32 @!p0 $0x0  }
0x12: {  	s1 =	sld [smem:$0x3F9D];
	s0 =	simm.s32 @p0 $0x1  }
0x13: {  	[smem:$0x3FB8] =	sst s0;
	s0 =	simm.s32 @!p1 $0x0  }
0x14: {  	s2 =	sld [smem:$0x3F9C];
	s0 =	simm.s32 @p1 $0x1  }
0x15: {  	[smem:$0x3FB9] =	sst s0;
	s0 =	simm.s32 @!p2 $0x0  }
0x16: {  	s3 =	sld [smem:$0x3FDB];
	s0 =	simm.s32 @p2 $0x1  }
0x17: {  	s4 =	simm.s32 $0x1BF5;
	[smem:$0x3FBB] =	sst s0  }
0x18: {  	s0 =	sld [smem:$0x3F9E];
	_ =	swait.ge [sflag:s4], $0x0  }
0x19: {  	s7 =	sld [smem:$0x3F9F]  }
0x1a: {  	s8 =	sadd.s32 $0xFFFFE003, lr  }
0x1b: {  	s9 =	sadd.s32 $0xFFFFFEF7, lr;
	s5 =	simm.s32 $0xFFFFFFFF;
	p2 =	slt.u32 s8, $0xFFFFF086  }
0x1c: {  	p1 =	slt.u32 s9, $0xF7A;
	s5 =	simm.s32 @!p2 $0x0  }
0x1d: {  	s5 =	simm.s32 @p1 $0x1;
	p0 =	seq.s32 s7, s2  }
0x1e: {  	s7 =	smul.u32 @!p0 $0xF7A, s2;
	p2 =	seq.s32 @!p0 s5, $0x0  }
0x1f: {  	s9 =	smul.u32 $0xF7A, s1;
	s8 =	simm.s32 @!p0 $0x1BF5;
	p2 =	por !p2, p0  }
0x20: {  	[sflag:s8] =	ssyncset.s32 @!p0 $0xFFFFF086;
	s6 =	sadd.s32 @!p0 s3, s7;
	s7 =	simm.s32 @!p0 $0x108  }
0x21: {  	s3 =	sadd.s32 s3, s9;
	s6 =	sadd.s32 @!p0 $0x88, s6;
	s7 =	simm.s32 @p2 $0x1082  }
0x22: {  	[simem:s7], [sflag:s8] =	dma.local @!p0 [hbm:s6], $0xF7A  }
0x23: {  	s9 =	sor.u32 $0xD0000000, s2;
	s6 =	simm.s32 $0x108;
	_ =	swait.ge @!p0 [sflag:s8], $0x0  }
0x24: {  	s3 =	sadd.s32 $0x88, s3;
	s6 =	simm.s32 @!p1 $0x1082;
	[sflag:s4] =	ssyncset.s32 $0xFFFFF086  }
0x25: {  	[simem:s6], [sflag:s4] =	dma.local [hbm:s3], $0xF7A  }
0x26: {  	[smem:$0x3F9F] =	sst s1;
	(tag) =	ssettag s2;
	_ =	strace s9  }
0x27: {  	s1 =	sld [smem:$0x3FAF]  }
0x28: {  	s2 =	sld [smem:$0x3FB0]  }
0x29: {  	s4 =	sld [smem:$0x3FB2]  }
0x2a: {  	p0 =	seq.s32 s5, $0x0;
	s5 =	sld [smem:$0x3FB3]  }
0x2b: {  	s6 =	sld [smem:$0x3FB4]  }
0x2c: {  	s7 =	sld [smem:$0x3FB5]  }
0x2d: {  	s3 =	simm.s32 $0x108;
	s8 =	sld [smem:$0x3FB6]  }
0x2e: {  	s3 =	simm.s32 @!p0 $0x1082;
	s9 =	sld [smem:$0x3FB7]  }
0x2f: {  	lr =	sadd.s32 s0, s3;
	s0 =	sld [smem:$0x3FAE]  }
0x30: {  	s3 =	sld [smem:$0x3FB1]  }
0x31: {  	[smem:$0x3FBA] =	sst s10  }
0x32: {  	s10 =	sld [smem:$0x3FB8];
	_ =	sdelay $0x3  }
0x33: {  	p0 =	seq.s32 s10, $0x1;
	s10 =	sld [smem:$0x3FBA];
	_ =	sdelay $0x3  }
0x34: {  	[smem:$0x3FBA] =	sst s10  }
0x35: {  	s10 =	sld [smem:$0x3FB9];
	_ =	sdelay $0x3  }
0x36: {  	p1 =	seq.s32 s10, $0x1;
	s10 =	sld [smem:$0x3FBA];
	_ =	sdelay $0x3  }
0x37: {  	[smem:$0x3FBA] =	sst s10  }
0x38: {  	s10 =	sld [smem:$0x3FBB]  }
0x39: {  	_ = 	snop;
	(pc) =	sbr.ind lr, $3  }
0x3a: {  	_ = 	snop  }
0x3b: {  	_ = 	snop  }
0x3c: {  	p2 =	seq.s32 s10, $0x1;
	s10 =	sld [smem:$0x3FBA]  }
0x3d: {  	_ =	shalt  }
0x3e: {  	_ =	shalt  }
0x3f: {  	_ =	shalt  }
0x40: {  	_ =	shalt  }
0x41: {  	_ =	shalt  }
0x42: {  	_ =	shalt  }
0x43: {  	_ =	shalt  }
0x44: {  	_ =	shalt  }
0x45: {  	_ =	shalt  }
0x46: {  	_ =	shalt  }
0x47: {  	_ =	shalt  }
0x48: {  	_ =	shalt  }
0x49: {  	_ =	shalt  }
0x4a: {  	_ =	shalt  }
0x4b: {  	_ =	shalt  }
0x4c: {  	_ =	shalt  }
0x4d: {  	_ =	shalt  }
0x4e: {  	_ =	shalt  }
0x4f: {  	_ =	shalt  }
0x50: {  	_ =	shalt  }
0x51: {  	_ =	shalt  }
0x52: {  	_ =	shalt  }
0x53: {  	_ =	shalt  }
0x54: {  	_ =	shalt  }
0x55: {  	_ =	shalt  }
0x56: {  	_ =	shalt  }
0x57: {  	_ =	shalt  }
0x58: {  	_ =	shalt  }
0x59: {  	_ =	shalt  }
0x5a: {  	_ =	shalt  }
0x5b: {  	_ =	shalt  }
0x5c: {  	_ =	shalt  }
0x5d: {  	_ =	shalt  }
0x5e: {  	_ =	shalt  }
0x5f: {  	_ =	shalt  }
0x60: {  	_ =	shalt  }
0x61: {  	_ =	shalt  }
0x62: {  	_ =	shalt  }
0x63: {  	_ =	shalt  }
0x64: {  	_ =	shalt  }
0x65: {  	_ =	shalt  }
0x66: {  	_ =	shalt  }
0x67: {  	_ =	shalt  }
0x68: {  	_ =	shalt  }
0x69: {  	_ =	shalt  }
0x6a: {  	_ =	shalt  }
0x6b: {  	_ =	shalt  }
0x6c: {  	_ =	shalt  }
0x6d: {  	_ =	shalt  }
0x6e: {  	_ =	shalt  }
0x6f: {  	_ =	shalt  }
0x70: {  	_ =	shalt  }
0x71: {  	_ =	shalt  }
0x72: {  	_ =	shalt  }
0x73: {  	_ =	shalt  }
0x74: {  	_ =	shalt  }
0x75: {  	_ =	shalt  }
0x76: {  	_ =	shalt  }
0x77: {  	_ =	shalt  }
0x78: {  	_ =	shalt  }
0x79: {  	_ =	shalt  }
0x7a: {  	_ =	shalt  }
0x7b: {  	_ =	shalt  }
0x7c: {  	_ =	shalt  }
0x7d: {  	_ =	shalt  }
0x7e: {  	_ =	shalt  }
0x7f: {  	_ =	shalt  }
0x80: {  	_ =	shalt  }
0x81: {  	_ =	shalt  }
0x82: {  	_ =	shalt  }
0x83: {  	_ =	shalt  }
0x84: {  	_ =	shalt  }
0x85: {  	_ =	shalt  }
0x86: {  	_ =	shalt  }
0x87: {  	_ =	shalt  }
.Lfunc_end0:
.L_simem_size_0:
called_computation.1_lowered:
.L_overlay_start_0:
0x88: {  	s2 =	sld [smem:$0x3FD9]  }
0x89: {  	s3 =	sld [smem:$0x3FFE];
	_ =	sdelay $0x1  }
0x8a: {  	s1 =	srdreg.scid  }
0x8b: {  	s0 =	sand.u32 $0x1, s1  }
0x8c: {  	s16 =	sshll.u32 s0, $0xA;
	s2 =	sadd.s32 s3, s2  }
0x8d: {  	s2 =	sadd.s32 s2, s16  }
0x8e: {  	[smem:$0x3FC6] =	sst s2  }
0x8f: {  	_ = 	snop  }
0x90: {  	(tm) =	ssettm $0x1  }
0x91: {  	s17 =	sld [smem:$0x3FFB];
	_ =	sdelay $0x3  }
0x92: {  	_ =	strace s17  }
0x93: {  	s2 =	sld [smem:$0x3FFC];
	_ =	sdelay $0x3  }
0x94: {  	_ =	strace s2  }
0x95: {  	s2 =	sld [smem:$0x3FFD];
	_ =	sdelay $0x3  }
0x96: {  	_ =	strace s2  }
0x97: {  	_ =	strace $0x8FFFFFFF  }
0x98: {  	s18 =	sld [smem:$0x3FDB];
	_ =	sdelay $0x1  }
0x99: {  	s19 =	simm.s32 $_scs_section_size  }
0x9a: {  	s4 =	simm.s32 $_size__tile_overlayer_lowered;
	s5 =	simm.s32 $_tile_overlayer_lowered  }
0x9b: {  	s22 =	simm.s32 $0x1BFF;
	s21 =	sshll.u32 s5, $0x1;
	s2 =	sadd.s32 s19, s18  }
0x9c: {  	s6 =	simm.s32 $0x0;
	s20 =	sshll.u32 s4, $0x1;
	s4 =	sadd.s32 s21, s2  }
0x9d: {  	[timem:s6], [sflag:s22] =	dma.local [hbm:s4], s20  }
0x9e: {  	_ =	swait.ge [sflag:s22], s20  }
0x9f: {  	s3 =	ssub.s32 $0x0, s20;
	[sflag:s22] =	ssyncset.done $0x0  }
0xa0: {  	[sflag:s22] =	ssyncadd.s32 s3;
	_ =	sdelay $0x1  }
0xa1: {  	s23 =	simm.s32 $0x1B8B  }
0xa2: {  	_ =	swait.ge [sflag:s23], $0x1  }
0xa3: {  	[sflag:s23] =	ssyncset.done $0x0  }
0xa4: {  	s25 =	simm.s32 $0x1B8E;
	s24 =	sld [smem:$0x3FFE];
	[sflag:s23] =	ssyncadd.s32 $0xFFFFFFFF  }
0xa5: {  	s26 =	simm.s32 $execute0_lowered;
	[smem:$0x3FD2] =	sst s25  }
0xa6: {  	s4 =	sshll.u32 s26, $0x1;
	_ =	strace $0x80000049;
	[dreg:$0x1] =	wrdreg $0xFFFFFFFF  }
0xa7: {  	s28 =	simm.s32 $_size_execute0_lowered;
	s2 =	sadd.s32 s2, s4;
	[dreg:$0x0] =	wrdreg $0x0  }
0xa8: {  	s4 =	sshll.u32 s28, $0x1;
	[dreg:$0x2] =	wrdreg s2  }
0xa9: {  	[dreg:$0x3] =	wrdreg s4  }
0xaa: {  	[dreg:$0x4] =	wrdreg $0xC0  }
0xab: {  	_ =	task [dreg:s6], $0x5FFFF  }
0xac: {  	[dreg:$0x1] =	wrdreg $0xFFFFFFFF  }
0xad: {  	[dreg:$0x0] =	wrdreg $0x60  }
0xae: {  	[dreg:$0x2] =	wrdreg s24  }
0xaf: {  	[dreg:$0x3] =	wrdreg $0x9  }
0xb0: {  	_ =	task.clear_ibuf [dreg:s6], $0x4FFFF;
	_ =	strace $0x90000049  }
0xb1: {  	s29 =	simm.s32 $0x9;
	_ =	strace $0x8000004B  }
0xb2: {  	_ =	swait.ge [sflag:s29], $0x1  }
0xb3: {  	[sflag:s29] =	ssyncadd.s32 $0xFFFFFFFF  }
0xb4: {  	_ =	strace $0x9000004B  }
0xb5: {  	_ =	sfence  }
0xb6: {  	s30 =	sld [smem:$0x0];
	_ =	sdelay $0x2  }
0xb7: {  	s31 =	sshll.u32 s1, $0xD;
	s1 =	sshrl.u32 s1, $0x2  }
0xb8: {  	s3 =	sand.u32 $0x4000, s31;
	s1 =	sadd.s32 s1, s30  }
0xb9: {  	s0 =	sor.u32 s3, s0;
	s1 =	sshll.u32 s1, $0x11  }
0xba: {  	s0 =	sor.u32 s1, s0  }
0xbb: {  	s0 =	sadd.s32 $0x8F2B, s0  }
0xbc: {  	[sflag:s0] =	ssyncadd.remote.s32 $0x1  }
0xbd: {  	_ =	sfence.sel $0xFFFF  }
0xbe: {  	[dreg:$0x0] =	wrdreg $0xFFFFFFFF;
	(pc) =	sbr.abs _section_cstart, $3  }
0xbf: {  	[dreg:$0x1] =	wrdreg $0xFFFFFFFF  }
0xc0: {  	_ =	task.clear_ibuf [dreg:s6], $0x2FFFF;
	_ =	strace $0x9FFFFFFF  }
0xc1: {  	(tm) =	ssettm $0x7FFFFFFF  }
tec
execute0_lowered:
.L_overlay_start_1:
0x0: {  	(tag) =	ssettag $0x1  }
0x1: {  	s0 =	rddreg [dreg:$0x0];
	s1 =	srdreg.scid;
	s2 =	simm.s32 $0x0  }
0x2: {  	s3 =	stileid.u32;
	s9 =	simm.s32 $0x2;
	s10 =	simm.s32 $0x1  }
0x3: {  	s11 =	simm.s32 $0x800;
	s12 =	simm.s32 $0x1C00;
	s13 =	simm.s32 $0x80  }
0x4: {  	s14 =	simm.s32 $0x1E00;
	s16 =	simm.s32 $0x5E00;
	s17 =	simm.s32 $0x1D00  }
0x5: {  	s18 =	simm.s32 $0x9E00;
	s19 =	simm.s32 $0x1D80;
	s20 =	simm.s32 $0xDE00  }
0x6: {  	s21 =	simm.s32 $0x0;
	s1 =	sand.u32 $0x1, s1;
	[smem:$0x7FF] =	sst s2  }
.Ltmp0:
0x7: {  	s3 =	sshll.u32 s3, $0xA;
	s4 =	sshll.u32 s1, $0x9;
	(pc) =	sbr.rel .LBB2_1-.Ltmp0, $4  }
0x8: {  	_ =	strace $0x8000004A;
	s1 =	ssub.s32 $0x2, s1;
	s8 =	sor.u32 s4, s3  }
0x9: {  	s3 =	sadd.s32 $0x900C00, s0;
	s7 =	sshrl.u32 s1, $0x1;
	s5 =	sshll.u32 s8, $0x4  }
0xa: {  	s4 =	sadd.s32 $0x912C00, s0;
	s31 =	ssub.s32 s1, s7;
	s6 =	sadd.s32 s5, s0  }
0xb: {  	v1 =	vlaneseq.u32;
	v0 =	vmov s8;
	s5 =	sadd.s32 $0xC00, s0;
	s7 =	smax.u32 s31, $0x1;
	s6 =	sadd.s32 $0x912E00, s6  }
.LBB2_16:
0xc: {  	[tilespmem:s14], [sflag:$0x1] =	stream.indirect.gather [hbm4b:s5+s13], $0x80, s12, s13, $0xb8;
	[tilespmem:$0x11E00] =	vst v63  }
0xd: {  	s0 =	simm.s32 $0x1C80  }
0xe: {  	[tilespmem:s16], [sflag:$0x1] =	stream.indirect.gather [hbm4b:s5+s13], $0x80, s0, s13, $0xb8;
	[tilespmem:$0x11E00] =	vst v63  }
0xf: {  	_ = 	snop  }
0x10: {  	[tilespmem:s18], [sflag:$0x1] =	stream.indirect.gather [hbm4b:s5+s13], $0x80, s17, s13, $0xb8;
	[tilespmem:$0x11E00] =	vst v63  }
0x11: {  	_ = 	snop  }
0x12: {  	[tilespmem:s20], [sflag:$0x1] =	stream.indirect.gather [hbm4b:s5+s13], $0x80, s19, s13, $0xb8;
	[tilespmem:$0x11E00] =	vst v63  }
0x13: {  	_ =	swait.ge [sflag:s10], $0x4000  }
0x14: {  	[sflag:s10] =	ssyncset.done $0x0  }
0x15: {  	[sflag:s10] =	ssyncadd.s32 $0xFFFFC000  }
0x16: {  	_ =	swait.ge [sflag:s10], $0x4000  }
0x17: {  	[sflag:s10] =	ssyncset.done $0x0  }
0x18: {  	[sflag:s10] =	ssyncadd.s32 $0xFFFFC000  }
0x19: {  	_ =	swait.ge [sflag:s10], $0x4000  }
0x1a: {  	[sflag:s10] =	ssyncset.done $0x0  }
0x1b: {  	[sflag:s10] =	ssyncadd.s32 $0xFFFFC000  }
0x1c: {  	s21 =	sadd.s32 $0x1, s21;
	_ =	swait.ge [sflag:s10], $0x4000  }
0x1d: {  	p0 =	sne.s32 s21, s7;
	[sflag:s10] =	ssyncset.done $0x0  }
.Ltmp1:
0x1e: {  	[sflag:s10] =	ssyncadd.s32 $0xFFFFC000;
	(pc) =	sbr.rel @!p0 .LBB2_17-.Ltmp1, $4  }
0x1f: {  	[hbm4b:s6+s2] =	stream.linear.scatter [tilespmem:s14], [sflag:$0x2], $0x10000, $0x38;
	[tilespmem:$0x11E00] =	vst v63  }
0x20: {  	_ =	swait.ge [sflag:s9], $0x10000  }
0x21: {  	[sflag:s9] =	ssyncset.done $0x0  }
0x22: {  	[sflag:s9] =	ssyncadd.s32 $0xFFFF0000  }
.LBB2_1:
0x23: {  	s0 =	simm.s32 $0xC00  }
0x24: {  	[tilespmem:s0], [sflag:$0x2] =	stream.linear.gather [hbm4b:s4+s2], $0x1000, $0x38;
	[tilespmem:$0x11E00] =	vst v63  }
.Ltmp2:
0x25: {  	_ = 	snop;
	(pc) =	sbr.rel .LBB2_3-.Ltmp2, $4  }
0x26: {  	_ =	swait.ge [sflag:s9], $0x1000  }
0x27: {  	s22 =	simm.s32 $0x400;
	[sflag:s9] =	ssyncset.done $0x0  }
0x28: {  	s23 =	simm.s32 $0x0;
	s24 =	simm.s32 $0x0;
	[sflag:s9] =	ssyncadd.s32 $0xFFFFF000  }
0x29: {  	[tilespmem:s2], [sflag:$0x1] =	stream.linear.gather [hbm4b:s3+s2], $0x400, $0x38;
	[tilespmem:$0x11E00] =	vst v63  }
.LBB2_2:
0x2a: {  	p0 =	seq.s32 s24, $0x20  }
.Ltmp3:
0x2b: {  	_ = 	snop;
	(pc) =	sbr.rel @p0 .LBB2_16-.Ltmp3, $2  }
0x2c: {  	_ =	sdelay $0x2  }
0x2d: {  	s23 =	sadd.s32 $0x4800, s23;
	s22 =	sadd.s32 $0x4800, s22  }
.LBB2_3:
0x2e: {  	s0 =	sshll.u32 s24, $0x7  }
0x2f: {  	s0 =	sand.u32 $0x3FFFFF80, s0  }
0x30: {  	v2 =	vld [tilespmem:s0+$0xC00];
	_ =	sdelay $0x4  }
0x31: {  	(v2sf) =	vpush v2, $0x0;
	_ =	sdelay $0xc  }
0x32: {  	s26 =	smov.u32 s24  }
0x33: {  	s24 =	sadd.s32 $0x1, s24;
	p0 =	seq.s32 s26, $0x1F  }
0x34: {  	s0 =	smul.u32 @!p0 $0x900, s24;
	s28 =	spop (v2sf)  }
0x35: {  	s1 =	sshll.u32 @!p0 s24, $0xA;
	s8 =	simm.s32 @!p0 $0x0;
	_ =	swait.ge [sflag:s10], $0x400  }
0x36: {  	s1 =	sand.u32 @!p0 $0x400, s1;
	s29 =	sadd.s32 $0x3FF, s28;
	[sflag:s10] =	ssyncset.done $0x0  }
0x37: {  	s0 =	sadd.s32 @!p0 s3, s0;
	s25 =	sshrl.u32 s29, $0xA;
	[sflag:s10] =	ssyncadd.s32 $0xFFFFFC00  }
0x38: {  	[tilespmem:s1], [sflag:$0x1] =	stream.linear.gather @!p0 [hbm4b:s0+s8], $0x400, $0x38;
	[tilespmem:$0x11E00] =	vst v63  }
0x39: {  	p0 =	seq.s32 s25, $0x0  }
0x3a: {  	s0 =	sadd.s32 @!p0 $0xF, s28  }
0x3b: {  	s0 =	sshrl.u32 @!p0 s0, $0x4  }
0x3c: {  	p1 =	seq.s32 @!p0 s0, $0x0  }
0x3d: {  	p1 =	por p0, p1  }
.Ltmp4:
0x3e: {  	_ = 	snop;
	(pc) =	sbr.rel @p1 .LBB2_9-.Ltmp4, $1  }
0x3f: {  	_ =	sdelay $0x3  }
0x40: {  	s0 =	smin.u32 @!p0 s0, $0x40  }
0x41: {  	p1 =	sne.s32 s0, $0x1  }
.Ltmp5:
0x42: {  	_ = 	snop;
	(pc) =	sbr.rel @!p1 .LBB2_5-.Ltmp5, $3  }
0x43: {  	_ =	sdelay $0x1  }
0x44: {  	s1 =	sshll.u32 s26, $0xA;
	s30 =	simm.s32 $0x0;
	p0 =	por $0x0, $0x0  }
0x45: {  	s31 =	sand.u32 $0x400, s1;
	s1 =	sand.u32 $0xFFFFFF80, s30;
	s0 =	sadd.s32 $0xFFFFFFFF, s0  }
0x46: {  	s8 =	sand.u32 $0x70, s30;
	s1 =	sadd.s32 s1, s31  }
0x47: {  	s1 =	sadd.s32 s8, s1  }
0x48: {  	v2 =	vld [tilespmem:s1+$0x0];
	_ =	sdelay $0x4  }
0x49: {  	v2 =	vshrl.u32 v2, $0xF  }
0x4a: {  	p1 =	sne.s32 s0, $0x1;
	v2 =	vsub.s32 v2, v0  }
.Ltmp6:
0x4b: {  	vm0 =	vlt.u32 v2, $0x200;
	(pc) =	sbr.rel @!p1 .LBB2_8-.Ltmp6, $3  }
0x4c: {  	v2 =	vnsel vm0, $0x0, v2;
	_ =	sdelay $0x1  }
0x4d: {  	s30 =	simm.s32 $0x10;
	s0 =	sadd.s32 $0xFFFFFFFF, s0  }
0x4e: {  	p0 =	por $0x1, $0x1;
	s8 =	sadd.s32 $0x0, s23;
	s1 =	sand.u32 $0xFFFFFF80, s30  }
.LBB2_7:
0x4f: {  	p1 =	sne.s32 s0, $0x1;
	s15 =	sand.u32 $0x70, s30;
	s1 =	sadd.s32 s1, s31;
	v3 =	vor.u32 s8, v1  }
0x50: {  	s8 =	smov.u32 s30;
	s1 =	sadd.s32 s15, s1;
	[tilespmem:v2+s12+$0x0] =	vst.idx.msk vm0, v3  }
0x51: {  	v2 =	vld [tilespmem:s1+$0x0];
	_ =	sdelay $0x4  }
0x52: {  	v2 =	vshrl.u32 v2, $0xF  }
0x53: {  	v2 =	vsub.s32 v2, v0  }
.Ltmp7:
0x54: {  	vm0 =	vlt.u32 v2, $0x200;
	(pc) =	sbr.rel @p1 .LBB2_7-.Ltmp7, $3  }
0x55: {  	v2 =	vnsel vm0, $0x0, v2;
	_ =	sdelay $0x1  }
0x56: {  	s30 =	sadd.s32 $0x10, s30  }
0x57: {  	s0 =	sadd.s32 $0xFFFFFFFF, s0;
	s8 =	sadd.s32 s8, s23;
	s1 =	sand.u32 $0xFFFFFF80, s30  }
.LBB2_8:
0x58: {  	_ =	sdelay $0x3  }
0x59: {  	s0 =	sand.u32 $0x70, s30;
	s1 =	sadd.s32 s1, s31;
	v3 =	vor.u32 @p0 s8, v1  }
0x5a: {  	s0 =	sadd.s32 s0, s1;
	[tilespmem:v2+s12+$0x0] =	vst.idx.msk @p0 vm0, v3  }
0x5b: {  	v2 =	vld [tilespmem:s0+$0x0];
	_ =	sdelay $0x4  }
0x5c: {  	v2 =	vshrl.u32 v2, $0xF  }
0x5d: {  	v2 =	vsub.s32 v2, v0  }
0x5e: {  	vm15 =	vlt.u32 v2, $0x200  }
0x5f: {  	v2 =	vnsel vm15, $0x0, v2;
	_ =	sdelay $0x2  }
0x60: {  	s31 =	sadd.s32 s30, s23  }
0x61: {  	v3 =	vor.u32 s31, v1  }
0x62: {  	[tilespmem:v2+s12+$0x0] =	vst.idx.msk vm15, v3  }
.LBB2_9:
0x63: {  	p0 =	slt.u32 s29, $0x800  }
.Ltmp8:
0x64: {  	_ = 	snop;
	(pc) =	sbr.rel @p0 .LBB2_2-.Ltmp8, $1  }
0x65: {  	_ =	sdelay $0x3  }
.Ltmp9:
0x66: {  	(pc) =	sbr.rel .LBB2_11-.Ltmp9, $3  }
0x67: {  	_ =	sdelay $0x1  }
0x68: {  	s26 =	smul.u32 $0x4800, s26;
	s29 =	sadd.s32 $0xF, s28  }
0x69: {  	s28 =	sadd.s32 $0xFFFFFC0F, s28;
	s30 =	simm.s32 $0x1;
	s31 =	smov.u32 s22  }
.LBB2_14:
0x6a: {  	_ =	sdelay $0x4  }
0x6b: {  	[tilespmem:v2+s12+$0x0] =	vst.idx.msk vm0, v3  }
.LBB2_15:
0x6c: {  	s30 =	sadd.s32 $0x1, s30  }
0x6d: {  	p0 =	seq.s32 s30, s25  }
.Ltmp10:
0x6e: {  	_ = 	snop;
	(pc) =	sbr.rel @p0 .LBB2_2-.Ltmp10, $2  }
0x6f: {  	_ =	sdelay $0x2  }
0x70: {  	s28 =	sadd.s32 $0xFFFFFC00, s28;
	s31 =	sadd.s32 $0x400, s31  }
.LBB2_11:
0x71: {  	s1 =	sshll.u32 s30, $0xA  }
0x72: {  	s0 =	sadd.s32 s26, s1;
	s1 =	ssub.s32 s29, s1  }
0x73: {  	s0 =	sshrl.u32 s0, $0x3;
	p0 =	slt.u32 s1, $0x10  }
.Ltmp11:
0x74: {  	s8 =	sadd.s32 s3, s0;
	s0 =	simm.s32 $0x0;
	(pc) =	sbr.rel @p0 .LBB2_15-.Ltmp11, $4  }
0x75: {  	[tilespmem:s11], [sflag:$0x2] =	stream.linear.gather [hbm4b:s8+s0], $0x400, $0x38;
	[tilespmem:$0x11E00] =	vst v63  }
0x76: {  	_ =	swait.ge [sflag:s9], $0x400  }
0x77: {  	[sflag:s9] =	ssyncset.done $0x0  }
0x78: {  	[sflag:s9] =	ssyncadd.s32 $0xFFFFFC00  }
0x79: {  	s0 =	sand.u32 $0xFFFFFFF0, s0  }
0x7a: {  	v2 =	vld [tilespmem:s0+$0x800];
	_ =	sdelay $0x2  }
0x7b: {  	s15 =	sshrl.u32 s28, $0x4  }
0x7c: {  	s0 =	smax.u32 s15, $0x1  }
0x7d: {  	s0 =	smin.u32 s0, $0x40;
	v2 =	vshrl.u32 v2, $0xF  }
0x7e: {  	s0 =	sshll.u32 s0, $0x4;
	v2 =	vsub.s32 v2, v0  }
0x7f: {  	p0 =	sne.s32 s0, $0x10;
	vm0 =	vlt.u32 v2, $0x200  }
.Ltmp12:
0x80: {  	v2 =	vnsel vm0, $0x0, v2;
	(pc) =	sbr.rel @!p0 .LBB2_14-.Ltmp12, $3  }
0x81: {  	_ =	sdelay $0x1  }
0x82: {  	s8 =	sadd.s32 $0x0, s31  }
0x83: {  	s1 =	simm.s32 $0x10;
	v3 =	vor.u32 s8, v1  }
.LBB2_13:
0x84: {  	s8 =	sand.u32 $0xFFFFFFF0, s1;
	[tilespmem:v2+s12+$0x0] =	vst.idx.msk vm0, v3;
	s15 =	smov.u32 s1;
	s1 =	sadd.s32 $0x10, s1  }
0x85: {  	v2 =	vld [tilespmem:s8+$0x800];
	p0 =	sne.s32 s0, s1;
	_ =	sdelay $0x4  }
0x86: {  	v2 =	vshrl.u32 v2, $0xF  }
0x87: {  	v2 =	vsub.s32 v2, v0  }
0x88: {  	vm0 =	vlt.u32 v2, $0x200  }
.Ltmp13:
0x89: {  	v2 =	vnsel vm0, $0x0, v2;
	(pc) =	sbr.rel @p0 .LBB2_13-.Ltmp13, $3  }
0x8a: {  	_ =	sdelay $0x1  }
0x8b: {  	s8 =	sadd.s32 s15, s31  }
0x8c: {  	v3 =	vor.u32 s8, v1  }
.Ltmp14:
0x8d: {  	_ = 	snop;
	(pc) =	sbr.rel .LBB2_14-.Ltmp14, $1  }
0x8e: {  	_ =	sdelay $0x3  }
.LBB2_5:
.Ltmp15:
0x8f: {  	(pc) =	sbr.rel .LBB2_8-.Ltmp15, $2  }
0x90: {  	_ =	sdelay $0x2  }
0x91: {  	_ = 	snop  }
.LBB2_17:
0x92: {  	_ =	sfence.sel $0x180000  }
0x93: {  	[bflag:$0x0] =	sbarrier.arrive $0xFFFF  }
0x94: {  	_ =	strace $0x9000004A  }
0x95: {  	s0 =	stileid.u32;
	[bflag:$0x2] =	sbarrier.arrive $0xFFFF  }
0x96: {  	p0 =	sne.s32 s0, $0x0;
	s0 =	rddreg [dreg:$0x1]  }
0x97: {  	s0 =	sadd.s32 @!p0 $0x100000, s0  }
0x98: {  	[sflag:s0] =	ssyncadd.tile.s32 @!p0 $0x1;
	_ =	shalt  }
.Lfunc_end2:
_tile_overlayer_lowered:
.L_overlay_start_2:
0x99: {  	(tag) =	ssettag $0x2  }
0x9a: {  	s0 =	rddreg [dreg:$0x0];
	s2 =	stileid.u32  }
0x9b: {  	s1 =	rddreg [dreg:$0x1];
	p0 =	sne.s32 s2, $0x0  }
0x9c: {  	s3 =	rddreg [dreg:$0x2];
	[bflag:$0x3] =	sbarrier.arrive $0xFFFF;
	s2 =	simm.s32 @!p0 $0x1C02  }
0x9d: {  	[timem:s3], [sflag:s2] =	dma.local @!p0 [hbm:s0], s1  }
0x9e: {  	s0 =	simm.s32 @!p0 $0x2  }
0x9f: {  	_ =	swait.ge @!p0 [sflag:s0], s1  }
0xa0: {  	s1 =	ssub.s32 @!p0 $0x0, s1;
	[sflag:s0] =	ssyncset.done @!p0 $0x0  }
0xa1: {  	[sflag:s0] =	ssyncadd.s32 @!p0 s1  }
0xa2: {  	[bflag:$0x3] =	sbarrier.arrive $0xFFFF  }
0xa3: {  	_ =	shalt  }

</sc_bundles>
